<compile_context>
chip_gen: v7x
topology: tpu7x:2x2x1
jax: 0.10.2.dev20260603
libtpu: 0.0.44.dev20260713+nightly
codegen_flags: <defaults>
</compile_context>

<pallas_src>
import functools

import jax
import jax.numpy as jnp
from jax import lax
from jax.experimental import pallas as pl
from jax.experimental.pallas import tpu as pltpu
from jax.experimental.pallas import tpu_sc as plsc

N = 10000
D = 128
E = 320000
NC, NS, L = 2, 16, 16
NW = NC * NS
NPAD = 10240
CH = 128
EPW_CH = 80
EPW = CH * EPW_CH
SUP = 16
NSUP = EPW_CH // SUP
NBUF = 2
EPAD = EPW * NW
RPT = NPAD // NS
RB = 1024


def _make_sc_agg(compute_deg: bool):
    mesh = plsc.VectorSubcoreMesh(core_axis_name="c", subcore_axis_name="s")
    part = jax.ShapeDtypeStruct((NC, NPAD, D), jnp.float32)
    out_type = [part]
    scratch = (
        [pltpu.VMEM((SUP, CH), jnp.int32)] * 4
        + [pltpu.VMEM((CH, D), jnp.float32)] * NBUF
        + [pltpu.VMEM_SHARED((NPAD, D), jnp.float32)]
        + [pltpu.SemaphoreType.DMA] * (NBUF + 2)
    )
    if compute_deg:
        out_type.append(jax.ShapeDtypeStruct((NC, NPAD), jnp.float32))
        scratch.append(pltpu.VMEM((CH,), jnp.float32))
        scratch.append(pltpu.VMEM_SHARED((NPAD,), jnp.float32))

    def body(h_hbm, src_hbm, dst_hbm, zrow_hbm, zdeg_hbm, *refs):
        if compute_deg:
            out_hbm, deg_hbm, srcv0, dstv0, srcv1, dstv1, *rest = refs
            *rest, ones, dacc = rest
        else:
            out_hbm, srcv0, dstv0, srcv1, dstv1, *rest = refs
        rows = tuple(rest[:NBUF])
        acc = rest[NBUF]
        semg = tuple(rest[NBUF + 1:NBUF + 1 + NBUF])
        semi0, semi1 = rest[NBUF + 1 + NBUF:NBUF + 3 + NBUF]
        cid = lax.axis_index("c")
        sid = lax.axis_index("s")
        wid = sid * NC + cid
        row0 = pl.multiple_of(sid * RPT, 8)
        pltpu.sync_copy(zrow_hbm, acc.at[pl.ds(row0, RPT)])
        if compute_deg:
            pltpu.sync_copy(zdeg_hbm, dacc.at[pl.ds(row0, RPT)])
            for j in range(CH // L):
                ones[pl.ds(j * L, L)] = jnp.ones((L,), jnp.float32)
        plsc.subcore_barrier()

        rows0, rows1 = rows
        semg0, semg1 = semg

        def make_pair(sv, dv):
            def scat(buf, j):
                pltpu.sync_copy(buf, acc.at[dv.at[j]], add=True)
                if compute_deg:
                    pltpu.sync_copy(ones, dacc.at[dv.at[j]], add=True)

            def pair(t, carry, last):
                j0 = 2 * t
                pltpu.async_copy(h_hbm.at[sv.at[j0 + 1]], rows1, semg1)
                pltpu.make_async_copy(h_hbm.at[sv.at[j0]], rows0, semg0).wait()
                scat(rows0, j0)
                if not last:
                    pltpu.async_copy(h_hbm.at[sv.at[j0 + 2]], rows0, semg0)
                pltpu.make_async_copy(
                    h_hbm.at[sv.at[j0 + 1]], rows1, semg1).wait()
                scat(rows1, j0 + 1)
                return carry

            return pair

        idxbufs = ((srcv0, dstv0), (srcv1, dstv1))
        pltpu.sync_copy(src_hbm.at[wid, pl.ds(0, SUP)], srcv0)
        pltpu.sync_copy(dst_hbm.at[wid, pl.ds(0, SUP)], dstv0)
        for s in range(NSUP):
            sv, dv = idxbufs[s % 2]
            if s + 1 < NSUP:
                nsv, ndv = idxbufs[(s + 1) % 2]
                pltpu.async_copy(
                    src_hbm.at[wid, pl.ds((s + 1) * SUP, SUP)], nsv, semi0)
                pltpu.async_copy(
                    dst_hbm.at[wid, pl.ds((s + 1) * SUP, SUP)], ndv, semi1)
            pair = make_pair(sv, dv)
            pltpu.async_copy(h_hbm.at[sv.at[0]], rows0, semg0)
            lax.fori_loop(0, SUP // 2 - 1,
                          functools.partial(pair, last=False), 0)
            pair(SUP // 2 - 1, 0, last=True)
            if s + 1 < NSUP:
                pltpu.make_async_copy(
                    src_hbm.at[wid, pl.ds((s + 1) * SUP, SUP)], nsv,
                    semi0).wait()
                pltpu.make_async_copy(
                    dst_hbm.at[wid, pl.ds((s + 1) * SUP, SUP)], ndv,
                    semi1).wait()
        plsc.subcore_barrier()
        pltpu.sync_copy(acc.at[pl.ds(row0, RPT)],
                        out_hbm.at[cid, pl.ds(row0, RPT)])
        if compute_deg:
            pltpu.sync_copy(dacc.at[pl.ds(row0, RPT)],
                            deg_hbm.at[cid, pl.ds(row0, RPT)])

    if not compute_deg:
        out_type = part
    return functools.partial(
        pl.kernel, mesh=mesh, out_type=out_type, scratch_types=scratch,
    )(body)


_sc_agg_deg = _make_sc_agg(True)
_sc_agg = _make_sc_agg(False)


def _make_dense(relu: bool):

    def body(h_ref, p_ref, dp_ref, ws_ref, wn_ref, b_ref, o_ref):
        h = h_ref[...]
        p = p_ref[...]
        z = p[0] + p[1]
        dp = dp_ref[...]
        deg = jnp.maximum(dp[0] + dp[1], 1.0)
        mean = z / deg
        out = (jnp.dot(h, ws_ref[...], preferred_element_type=jnp.float32,
                       precision=lax.Precision.HIGHEST)
               + jnp.dot(mean, wn_ref[...], preferred_element_type=jnp.float32,
                         precision=lax.Precision.HIGHEST)
               + b_ref[...])
        if relu:
            out = jnp.maximum(out, 0.0)
        o_ref[...] = out

    return pl.pallas_call(
        body,
        grid=(NPAD // RB,),
        in_specs=[
            pl.BlockSpec((RB, D), lambda i: (i, 0)),
            pl.BlockSpec((NC, RB, D), lambda i: (0, i, 0)),
            pl.BlockSpec((NC, RB, 1), lambda i: (0, i, 0)),
            pl.BlockSpec((D, D), lambda i: (0, 0)),
            pl.BlockSpec((D, D), lambda i: (0, 0)),
            pl.BlockSpec((1, D), lambda i: (0, 0)),
        ],
        out_specs=pl.BlockSpec((RB, D), lambda i: (i, 0)),
        out_shape=jax.ShapeDtypeStruct((NPAD, D), jnp.float32),
    )


_dense_relu = _make_dense(True)
_dense_lin = _make_dense(False)


def kernel(x, edge_index, W1_self, W1_neigh, b1, W2_self, W2_neigh, b2):
    src = edge_index[0].astype(jnp.int32)
    dst = edge_index[1].astype(jnp.int32)
    pad_e = EPAD - E
    src_r = jnp.concatenate(
        [src, jnp.full((pad_e,), N, jnp.int32)]).reshape(NW, EPW_CH, CH)
    dst_r = jnp.concatenate(
        [dst, jnp.full((pad_e,), NPAD - 1, jnp.int32)]).reshape(NW, EPW_CH, CH)
    x_pad = jnp.pad(x, ((0, NPAD - N), (0, 0)))
    zrow = jnp.zeros((RPT, D), jnp.float32)
    zdeg = jnp.zeros((RPT,), jnp.float32)

    P1, degP = _sc_agg_deg(x_pad, src_r, dst_r, zrow, zdeg)
    dp3 = degP[..., None]
    h1 = _dense_relu(x_pad, P1, dp3, W1_self, W1_neigh, b1.reshape(1, D))
    P2 = _sc_agg(h1, src_r, dst_r, zrow, zdeg)
    out = _dense_lin(h1, P2, dp3, W2_self, W2_neigh, b2.reshape(1, D))
    return out[:N]

# --- scband reference (transcript-rebuilt; emitter-appended) ---
"""Pipeline reference for scband-gnnencoder-54185307406871 (READ-ONLY COPY).

The authoritative reference and input builder live on the scoring server;
editing this copy changes nothing except your own understanding.
"""

import jax, jax.numpy as jnp
import numpy as np

N_NODES = 10000
N_EDGES = 320000
D = 128


def setup_inputs(seed: int = 0) -> dict:
    key = jax.random.key(seed)
    k_x, k_ei, k_w1s, k_w1n, k_w2s, k_w2n = jax.random.split(key, 6)
    x = jax.random.normal(k_x, (N_NODES, D), dtype=jnp.float32)
    edge_index = jax.random.randint(k_ei, (2, N_EDGES), 0, N_NODES, dtype=jnp.int64)
    scale = 1.0 / np.sqrt(D)
    W1_self = jax.random.normal(k_w1s, (D, D), dtype=jnp.float32) * scale
    W1_neigh = jax.random.normal(k_w1n, (D, D), dtype=jnp.float32) * scale
    b1 = jnp.zeros((D,), dtype=jnp.float32)
    W2_self = jax.random.normal(k_w2s, (D, D), dtype=jnp.float32) * scale
    W2_neigh = jax.random.normal(k_w2n, (D, D), dtype=jnp.float32) * scale
    b2 = jnp.zeros((D,), dtype=jnp.float32)
    return {
        "x": x,
        "edge_index": edge_index,
        "W1_self": W1_self,
        "W1_neigh": W1_neigh,
        "b1": b1,
        "W2_self": W2_self,
        "W2_neigh": W2_neigh,
        "b2": b2,
    }


def _sage_mean_layer(h, src, dst, n_nodes, W_self, W_neigh, b):
    # gather source-node features along edges
    msgs = jnp.take(h, src, axis=0)
    # scatter-add into destination nodes (mean aggregation)
    agg = jax.ops.segment_sum(msgs, dst, num_segments=n_nodes)
    deg = jax.ops.segment_sum(jnp.ones((src.shape[0],), dtype=h.dtype), dst, num_segments=n_nodes)
    mean = agg / jnp.clip(deg, 1.0)[:, None]
    return h @ W_self + mean @ W_neigh + b


def reference(x, edge_index, W1_self, W1_neigh, b1, W2_self, W2_neigh, b2):
    src = edge_index[0]
    dst = edge_index[1]
    n = x.shape[0]
    # layer 0 (non-last): relu applied
    h = _sage_mean_layer(x, src, dst, n, W1_self, W1_neigh, b1)
    h = jax.nn.relu(h)
    # layer 1 (last): no activation
    out = _sage_mean_layer(h, src, dst, n, W2_self, W2_neigh, b2)
    return out

if __name__ == "__main__":
    import jax
    _d = setup_inputs()
    print(jax.jit(kernel)(*tuple(_d.values())))

</pallas_src>

<mosaic_0001>
#map = affine_map<(d0, d1) -> (0, 0)>
#map1 = affine_map<(d0, d1) -> (0, 0, 0)>
#map2 = affine_map<(d0, d1) -> (0)>
module attributes {stable_mosaic.version = 14 : i64} {
  func.func @body(%arg0: i32, %arg1: i32, %arg2: memref<10240x128xf32, #tpu.memory_space<hbm>>, %arg3: memref<32x80x128xi32, #tpu.memory_space<hbm>>, %arg4: memref<32x80x128xi32, #tpu.memory_space<hbm>>, %arg5: memref<640x128xf32, #tpu.memory_space<hbm>>, %arg6: memref<640xf32, #tpu.memory_space<hbm>>, %arg7: memref<2x10240x128xf32, #tpu.memory_space<hbm>>, %arg8: memref<2x10240xf32, #tpu.memory_space<hbm>>, %arg9: memref<16x128xi32, #tpu.memory_space<vmem>>, %arg10: memref<16x128xi32, #tpu.memory_space<vmem>>, %arg11: memref<16x128xi32, #tpu.memory_space<vmem>>, %arg12: memref<16x128xi32, #tpu.memory_space<vmem>>, %arg13: memref<128x128xf32, #tpu.memory_space<vmem>>, %arg14: memref<128x128xf32, #tpu.memory_space<vmem>>, %arg15: memref<10240x128xf32, #tpu.memory_space<vmem_shared>>, %arg16: memref<!tpu.dma_semaphore, #tpu.memory_space<semaphore_mem>>, %arg17: memref<!tpu.dma_semaphore, #tpu.memory_space<semaphore_mem>>, %arg18: memref<!tpu.dma_semaphore, #tpu.memory_space<semaphore_mem>>, %arg19: memref<!tpu.dma_semaphore, #tpu.memory_space<semaphore_mem>>, %arg20: memref<128xf32, #tpu.memory_space<vmem>>, %arg21: memref<10240xf32, #tpu.memory_space<vmem_shared>>) attributes {dimension_semantics = [#tpu.dimension_semantics<core_parallel>, #tpu.dimension_semantics<subcore_parallel>], iteration_bounds = array<i64: 2, 16>, scalar_prefetch = 0 : i64, scratch_operands = 13 : i64, tpu.core_type = #tpu.core_type<sc_vector_subcore>, window_params = [{transform_indices = #map}, {transform_indices = #map1}, {transform_indices = #map1}, {transform_indices = #map}, {transform_indices = #map2}, {transform_indices = #map1}, {transform_indices = #map}]} {
    %mul3A = arith.constant 2 : i32
    %mul3A_0 = arith.muli %arg1, %mul3A : i32
    %add3A = arith.addi %mul3A_0, %arg0 : i32
    %mul3A_1 = arith.constant 640 : i32
    %mul3A_2 = arith.muli %arg1, %mul3A_1 : i32
    %multiple_of3A = tpu.assume_multiple %mul3A_2, 8 : i32
    "tpu.region"() ({
      %run_scoped3A_364 = tpu.sem_alloc : memref<!tpu.dma_semaphore, #tpu.memory_space<semaphore_mem>>
      %dma_start3A_365 = arith.constant 0 : i32
      %dma_start3A_366 = tpu.memref_slice %arg15[%multiple_of3A, %dma_start3A_365] : memref<10240x128xf32, #tpu.memory_space<vmem_shared>> -> memref<640x128xf32, #tpu.memory_space<vmem_shared>>
      tpu.enqueue_dma source(%arg5 : memref<640x128xf32, #tpu.memory_space<hbm>>) target(%dma_start3A_366 : memref<640x128xf32, #tpu.memory_space<vmem_shared>>) target_semaphore(%run_scoped3A_364 : memref<!tpu.dma_semaphore, #tpu.memory_space<semaphore_mem>>)
      %dma_wait3A_367 = arith.constant 0 : i32
      %dma_wait3A_368 = tpu.memref_slice %arg15[%multiple_of3A, %dma_wait3A_367] : memref<10240x128xf32, #tpu.memory_space<vmem_shared>> -> memref<640x128xf32, #tpu.memory_space<vmem_shared>>
      tpu.wait_dma2 semaphore(%run_scoped3A_364 : memref<!tpu.dma_semaphore, #tpu.memory_space<semaphore_mem>>) src(%arg5 : memref<640x128xf32, #tpu.memory_space<hbm>>) dst(%dma_wait3A_368 : memref<640x128xf32, #tpu.memory_space<vmem_shared>>)
      tpu.yield
    }) : () -> ()
    "tpu.region"() ({
      %run_scoped3A_364 = tpu.sem_alloc : memref<!tpu.dma_semaphore, #tpu.memory_space<semaphore_mem>>
      %dma_start3A_365 = tpu.memref_slice %arg21[%multiple_of3A] : memref<10240xf32, #tpu.memory_space<vmem_shared>> -> memref<640xf32, #tpu.memory_space<vmem_shared>>
      tpu.enqueue_dma source(%arg6 : memref<640xf32, #tpu.memory_space<hbm>>) target(%dma_start3A_365 : memref<640xf32, #tpu.memory_space<vmem_shared>>) target_semaphore(%run_scoped3A_364 : memref<!tpu.dma_semaphore, #tpu.memory_space<semaphore_mem>>)
      %dma_wait3A_366 = tpu.memref_slice %arg21[%multiple_of3A] : memref<10240xf32, #tpu.memory_space<vmem_shared>> -> memref<640xf32, #tpu.memory_space<vmem_shared>>
      tpu.wait_dma2 semaphore(%run_scoped3A_364 : memref<!tpu.dma_semaphore, #tpu.memory_space<semaphore_mem>>) src(%arg6 : memref<640xf32, #tpu.memory_space<hbm>>) dst(%dma_wait3A_366 : memref<640xf32, #tpu.memory_space<vmem_shared>>)
      tpu.yield
    }) : () -> ()
    %broadcast_in_dim3A = arith.constant 1.000000e+00 : f32
    %broadcast_in_dim3A_3 = vector.broadcast %broadcast_in_dim3A : f32 to vector<16xf32>
    %swap3A = arith.constant 0 : index
    %swap3A_4 = tpu.vector_load %arg20[%swap3A] {strides = array<i32>} : memref<128xf32, #tpu.memory_space<vmem>>, vector<16xf32>,
    %swap3A_5 = vector.shape_cast %swap3A_4 : vector<16xf32> to vector<16xf32>
    %swap3A_6 = vector.shape_cast %broadcast_in_dim3A_3 : vector<16xf32> to vector<16xf32>
    tpu.vector_store %arg20[%swap3A], %swap3A_6 {strides = array<i32>} : memref<128xf32, #tpu.memory_space<vmem>>, vector<16xf32>,
    %broadcast_in_dim3A_7 = arith.constant 1.000000e+00 : f32
    %broadcast_in_dim3A_8 = vector.broadcast %broadcast_in_dim3A_7 : f32 to vector<16xf32>
    %swap3A_9 = arith.constant 16 : index
    %swap3A_10 = tpu.vector_load %arg20[%swap3A_9] {strides = array<i32>} : memref<128xf32, #tpu.memory_space<vmem>>, vector<16xf32>,
    %swap3A_11 = vector.shape_cast %swap3A_10 : vector<16xf32> to vector<16xf32>
    %swap3A_12 = vector.shape_cast %broadcast_in_dim3A_8 : vector<16xf32> to vector<16xf32>
    tpu.vector_store %arg20[%swap3A_9], %swap3A_12 {strides = array<i32>} : memref<128xf32, #tpu.memory_space<vmem>>, vector<16xf32>,
    %broadcast_in_dim3A_13 = arith.constant 1.000000e+00 : f32
    %broadcast_in_dim3A_14 = vector.broadcast %broadcast_in_dim3A_13 : f32 to vector<16xf32>
    %swap3A_15 = arith.constant 32 : index
    %swap3A_16 = tpu.vector_load %arg20[%swap3A_15] {strides = array<i32>} : memref<128xf32, #tpu.memory_space<vmem>>, vector<16xf32>,
    %swap3A_17 = vector.shape_cast %swap3A_16 : vector<16xf32> to vector<16xf32>
    %swap3A_18 = vector.shape_cast %broadcast_in_dim3A_14 : vector<16xf32> to vector<16xf32>
    tpu.vector_store %arg20[%swap3A_15], %swap3A_18 {strides = array<i32>} : memref<128xf32, #tpu.memory_space<vmem>>, vector<16xf32>,
    %broadcast_in_dim3A_19 = arith.constant 1.000000e+00 : f32
    %broadcast_in_dim3A_20 = vector.broadcast %broadcast_in_dim3A_19 : f32 to vector<16xf32>
    %swap3A_21 = arith.constant 48 : index
    %swap3A_22 = tpu.vector_load %arg20[%swap3A_21] {strides = array<i32>} : memref<128xf32, #tpu.memory_space<vmem>>, vector<16xf32>,
    %swap3A_23 = vector.shape_cast %swap3A_22 : vector<16xf32> to vector<16xf32>
    %swap3A_24 = vector.shape_cast %broadcast_in_dim3A_20 : vector<16xf32> to vector<16xf32>
    tpu.vector_store %arg20[%swap3A_21], %swap3A_24 {strides = array<i32>} : memref<128xf32, #tpu.memory_space<vmem>>, vector<16xf32>,
    %broadcast_in_dim3A_25 = arith.constant 1.000000e+00 : f32
    %broadcast_in_dim3A_26 = vector.broadcast %broadcast_in_dim3A_25 : f32 to vector<16xf32>
    %swap3A_27 = arith.constant 64 : index
    %swap3A_28 = tpu.vector_load %arg20[%swap3A_27] {strides = array<i32>} : memref<128xf32, #tpu.memory_space<vmem>>, vector<16xf32>,
    %swap3A_29 = vector.shape_cast %swap3A_28 : vector<16xf32> to vector<16xf32>
    %swap3A_30 = vector.shape_cast %broadcast_in_dim3A_26 : vector<16xf32> to vector<16xf32>
    tpu.vector_store %arg20[%swap3A_27], %swap3A_30 {strides = array<i32>} : memref<128xf32, #tpu.memory_space<vmem>>, vector<16xf32>,
    %broadcast_in_dim3A_31 = arith.constant 1.000000e+00 : f32
    %broadcast_in_dim3A_32 = vector.broadcast %broadcast_in_dim3A_31 : f32 to vector<16xf32>
    %swap3A_33 = arith.constant 80 : index
    %swap3A_34 = tpu.vector_load %arg20[%swap3A_33] {strides = array<i32>} : memref<128xf32, #tpu.memory_space<vmem>>, vector<16xf32>,
    %swap3A_35 = vector.shape_cast %swap3A_34 : vector<16xf32> to vector<16xf32>
    %swap3A_36 = vector.shape_cast %broadcast_in_dim3A_32 : vector<16xf32> to vector<16xf32>
    tpu.vector_store %arg20[%swap3A_33], %swap3A_36 {strides = array<i32>} : memref<128xf32, #tpu.memory_space<vmem>>, vector<16xf32>,
    %broadcast_in_dim3A_37 = arith.constant 1.000000e+00 : f32
    %broadcast_in_dim3A_38 = vector.broadcast %broadcast_in_dim3A_37 : f32 to vector<16xf32>
    %swap3A_39 = arith.constant 96 : index
    %swap3A_40 = tpu.vector_load %arg20[%swap3A_39] {strides = array<i32>} : memref<128xf32, #tpu.memory_space<vmem>>, vector<16xf32>,
    %swap3A_41 = vector.shape_cast %swap3A_40 : vector<16xf32> to vector<16xf32>
    %swap3A_42 = vector.shape_cast %broadcast_in_dim3A_38 : vector<16xf32> to vector<16xf32>
    tpu.vector_store %arg20[%swap3A_39], %swap3A_42 {strides = array<i32>} : memref<128xf32, #tpu.memory_space<vmem>>, vector<16xf32>,
    %broadcast_in_dim3A_43 = arith.constant 1.000000e+00 : f32
    %broadcast_in_dim3A_44 = vector.broadcast %broadcast_in_dim3A_43 : f32 to vector<16xf32>
    %swap3A_45 = arith.constant 112 : index
    %swap3A_46 = tpu.vector_load %arg20[%swap3A_45] {strides = array<i32>} : memref<128xf32, #tpu.memory_space<vmem>>, vector<16xf32>,
    %swap3A_47 = vector.shape_cast %swap3A_46 : vector<16xf32> to vector<16xf32>
    %swap3A_48 = vector.shape_cast %broadcast_in_dim3A_44 : vector<16xf32> to vector<16xf32>
    tpu.vector_store %arg20[%swap3A_45], %swap3A_48 {strides = array<i32>} : memref<128xf32, #tpu.memory_space<vmem>>, vector<16xf32>,
    %barrier3A = arith.constant 0 : index
    tpu.barrier barrier_id(%barrier3A)
    "tpu.region"() ({
      %run_scoped3A_364 = tpu.sem_alloc : memref<!tpu.dma_semaphore, #tpu.memory_space<semaphore_mem>>
      %dma_start3A_365 = arith.constant 0 : i32
      %dma_start3A_366 = arith.constant 0 : i32
      %dma_start3A_367 = tpu.memref_slice %arg3[%add3A, %dma_start3A_365, %dma_start3A_366] : memref<32x80x128xi32, #tpu.memory_space<hbm>> -> memref<1x16x128xi32, #tpu.memory_space<hbm>>
      %dma_start3A_368 = tpu.memref_squeeze %dma_start3A_367 : memref<1x16x128xi32, #tpu.memory_space<hbm>> -> memref<16x128xi32, #tpu.memory_space<hbm>>
      %dma_start3A_369 = arith.constant 0 : i32
      %dma_start3A_370 = arith.constant 0 : i32
      %dma_start3A_371 = tpu.memref_slice %arg3[%add3A, %dma_start3A_369, %dma_start3A_370] : memref<32x80x128xi32, #tpu.memory_space<hbm>> -> memref<1x16x128xi32, #tpu.memory_space<hbm>>
      %dma_start3A_372 = tpu.memref_squeeze %dma_start3A_371 : memref<1x16x128xi32, #tpu.memory_space<hbm>> -> memref<16x128xi32, #tpu.memory_space<hbm>>
      tpu.enqueue_dma source(%dma_start3A_372 : memref<16x128xi32, #tpu.memory_space<hbm>>) target(%arg9 : memref<16x128xi32, #tpu.memory_space<vmem>>) target_semaphore(%run_scoped3A_364 : memref<!tpu.dma_semaphore, #tpu.memory_space<semaphore_mem>>)
      %dma_wait3A_373 = arith.constant 0 : i32
      %dma_wait3A_374 = arith.constant 0 : i32
      %dma_wait3A_375 = tpu.memref_slice %arg3[%add3A, %dma_wait3A_373, %dma_wait3A_374] : memref<32x80x128xi32, #tpu.memory_space<hbm>> -> memref<1x16x128xi32, #tpu.memory_space<hbm>>
      %dma_wait3A_376 = tpu.memref_squeeze %dma_wait3A_375 : memref<1x16x128xi32, #tpu.memory_space<hbm>> -> memref<16x128xi32, #tpu.memory_space<hbm>>
      %dma_wait3A_377 = arith.constant 0 : i32
      %dma_wait3A_378 = arith.constant 0 : i32
      %dma_wait3A_379 = tpu.memref_slice %arg3[%add3A, %dma_wait3A_377, %dma_wait3A_378] : memref<32x80x128xi32, #tpu.memory_space<hbm>> -> memref<1x16x128xi32, #tpu.memory_space<hbm>>
      %dma_wait3A_380 = tpu.memref_squeeze %dma_wait3A_379 : memref<1x16x128xi32, #tpu.memory_space<hbm>> -> memref<16x128xi32, #tpu.memory_space<hbm>>
      tpu.wait_dma2 semaphore(%run_scoped3A_364 : memref<!tpu.dma_semaphore, #tpu.memory_space<semaphore_mem>>) src(%dma_wait3A_380 : memref<16x128xi32, #tpu.memory_space<hbm>>) dst(%arg9 : memref<16x128xi32, #tpu.memory_space<vmem>>)
      tpu.yield
    }) : () -> ()
    "tpu.region"() ({
      %run_scoped3A_364 = tpu.sem_alloc : memref<!tpu.dma_semaphore, #tpu.memory_space<semaphore_mem>>
      %dma_start3A_365 = arith.constant 0 : i32
      %dma_start3A_366 = arith.constant 0 : i32
      %dma_start3A_367 = tpu.memref_slice %arg4[%add3A, %dma_start3A_365, %dma_start3A_366] : memref<32x80x128xi32, #tpu.memory_space<hbm>> -> memref<1x16x128xi32, #tpu.memory_space<hbm>>
      %dma_start3A_368 = tpu.memref_squeeze %dma_start3A_367 : memref<1x16x128xi32, #tpu.memory_space<hbm>> -> memref<16x128xi32, #tpu.memory_space<hbm>>
      %dma_start3A_369 = arith.constant 0 : i32
      %dma_start3A_370 = arith.constant 0 : i32
      %dma_start3A_371 = tpu.memref_slice %arg4[%add3A, %dma_start3A_369, %dma_start3A_370] : memref<32x80x128xi32, #tpu.memory_space<hbm>> -> memref<1x16x128xi32, #tpu.memory_space<hbm>>
      %dma_start3A_372 = tpu.memref_squeeze %dma_start3A_371 : memref<1x16x128xi32, #tpu.memory_space<hbm>> -> memref<16x128xi32, #tpu.memory_space<hbm>>
      tpu.enqueue_dma source(%dma_start3A_372 : memref<16x128xi32, #tpu.memory_space<hbm>>) target(%arg10 : memref<16x128xi32, #tpu.memory_space<vmem>>) target_semaphore(%run_scoped3A_364 : memref<!tpu.dma_semaphore, #tpu.memory_space<semaphore_mem>>)
      %dma_wait3A_373 = arith.constant 0 : i32
      %dma_wait3A_374 = arith.constant 0 : i32
      %dma_wait3A_375 = tpu.memref_slice %arg4[%add3A, %dma_wait3A_373, %dma_wait3A_374] : memref<32x80x128xi32, #tpu.memory_space<hbm>> -> memref<1x16x128xi32, #tpu.memory_space<hbm>>
      %dma_wait3A_376 = tpu.memref_squeeze %dma_wait3A_375 : memref<1x16x128xi32, #tpu.memory_space<hbm>> -> memref<16x128xi32, #tpu.memory_space<hbm>>
      %dma_wait3A_377 = arith.constant 0 : i32
      %dma_wait3A_378 = arith.constant 0 : i32
      %dma_wait3A_379 = tpu.memref_slice %arg4[%add3A, %dma_wait3A_377, %dma_wait3A_378] : memref<32x80x128xi32, #tpu.memory_space<hbm>> -> memref<1x16x128xi32, #tpu.memory_space<hbm>>
      %dma_wait3A_380 = tpu.memref_squeeze %dma_wait3A_379 : memref<1x16x128xi32, #tpu.memory_space<hbm>> -> memref<16x128xi32, #tpu.memory_space<hbm>>
      tpu.wait_dma2 semaphore(%run_scoped3A_364 : memref<!tpu.dma_semaphore, #tpu.memory_space<semaphore_mem>>) src(%dma_wait3A_380 : memref<16x128xi32, #tpu.memory_space<hbm>>) dst(%arg10 : memref<16x128xi32, #tpu.memory_space<vmem>>)
      tpu.yield
    }) : () -> ()
    %dma_start3A = arith.constant 16 : i32
    %dma_start3A_49 = arith.constant 0 : i32
    %dma_start3A_50 = tpu.memref_slice %arg3[%add3A, %dma_start3A, %dma_start3A_49] : memref<32x80x128xi32, #tpu.memory_space<hbm>> -> memref<1x16x128xi32, #tpu.memory_space<hbm>>
    %dma_start3A_51 = tpu.memref_squeeze %dma_start3A_50 : memref<1x16x128xi32, #tpu.memory_space<hbm>> -> memref<16x128xi32, #tpu.memory_space<hbm>>
    %dma_start3A_52 = arith.constant 16 : i32
    %dma_start3A_53 = arith.constant 0 : i32
    %dma_start3A_54 = tpu.memref_slice %arg3[%add3A, %dma_start3A_52, %dma_start3A_53] : memref<32x80x128xi32, #tpu.memory_space<hbm>> -> memref<1x16x128xi32, #tpu.memory_space<hbm>>
    %dma_start3A_55 = tpu.memref_squeeze %dma_start3A_54 : memref<1x16x128xi32, #tpu.memory_space<hbm>> -> memref<16x128xi32, #tpu.memory_space<hbm>>
    tpu.enqueue_dma source(%dma_start3A_55 : memref<16x128xi32, #tpu.memory_space<hbm>>) target(%arg11 : memref<16x128xi32, #tpu.memory_space<vmem>>) target_semaphore(%arg18 : memref<!tpu.dma_semaphore, #tpu.memory_space<semaphore_mem>>)
    %dma_start3A_56 = arith.constant 16 : i32
    %dma_start3A_57 = arith.constant 0 : i32
    %dma_start3A_58 = tpu.memref_slice %arg4[%add3A, %dma_start3A_56, %dma_start3A_57] : memref<32x80x128xi32, #tpu.memory_space<hbm>> -> memref<1x16x128xi32, #tpu.memory_space<hbm>>
    %dma_start3A_59 = tpu.memref_squeeze %dma_start3A_58 : memref<1x16x128xi32, #tpu.memory_space<hbm>> -> memref<16x128xi32, #tpu.memory_space<hbm>>
    %dma_start3A_60 = arith.constant 16 : i32
    %dma_start3A_61 = arith.constant 0 : i32
    %dma_start3A_62 = tpu.memref_slice %arg4[%add3A, %dma_start3A_60, %dma_start3A_61] : memref<32x80x128xi32, #tpu.memory_space<hbm>> -> memref<1x16x128xi32, #tpu.memory_space<hbm>>
    %dma_start3A_63 = tpu.memref_squeeze %dma_start3A_62 : memref<1x16x128xi32, #tpu.memory_space<hbm>> -> memref<16x128xi32, #tpu.memory_space<hbm>>
    tpu.enqueue_dma source(%dma_start3A_63 : memref<16x128xi32, #tpu.memory_space<hbm>>) target(%arg12 : memref<16x128xi32, #tpu.memory_space<vmem>>) target_semaphore(%arg19 : memref<!tpu.dma_semaphore, #tpu.memory_space<semaphore_mem>>)
    %dma_start3A_64 = arith.constant 0 : i32
    %dma_start3A_65 = arith.constant 0 : i32
    %dma_start3A_66 = tpu.memref_slice %arg9[%dma_start3A_64, %dma_start3A_65] : memref<16x128xi32, #tpu.memory_space<vmem>> -> memref<1x128xi32, #tpu.memory_space<vmem>>
    %dma_start3A_67 = tpu.memref_squeeze %dma_start3A_66 : memref<1x128xi32, #tpu.memory_space<vmem>> -> memref<128xi32, #tpu.memory_space<vmem>>
    %dma_start3A_68 = arith.constant 0 : i32
    %dma_start3A_69 = arith.constant 0 : i32
    %dma_start3A_70 = tpu.memref_slice %arg2[%dma_start3A_68, %dma_start3A_69] : memref<10240x128xf32, #tpu.memory_space<hbm>> -> memref<10240x128xf32, #tpu.memory_space<hbm>>
    tpu.enqueue_indirect_dma source(%dma_start3A_70 : memref<10240x128xf32, #tpu.memory_space<hbm>>) target(%arg13 : memref<128x128xf32, #tpu.memory_space<vmem>>) offsets(%dma_start3A_67 : memref<128xi32, #tpu.memory_space<vmem>>) semaphore(%arg16 : memref<!tpu.dma_semaphore, #tpu.memory_space<semaphore_mem>>)
    %scan3A = arith.constant 0 : i32
    %scan3A_71 = arith.constant 0 : i32
    %scan3A_72 = arith.constant 7 : i32
    %scan3A_73 = arith.addi %scan3A_71, %scan3A_72 : i32
    %scan3A_74 = arith.constant 1 : i32
    scf.for %scan3A_364 = %scan3A_71 to %scan3A_73 step %scan3A_74  : i32 {
      %mul3A_365 = arith.constant 2 : i32
      %mul3A_366 = arith.muli %mul3A_365, %scan3A_364 : i32
      %add3A_367 = arith.constant 1 : i32
      %add3A_368 = arith.addi %mul3A_366, %add3A_367 : i32
      %dma_start3A_369 = arith.constant 0 : i32
      %dma_start3A_370 = tpu.memref_slice %arg9[%add3A_368, %dma_start3A_369] : memref<16x128xi32, #tpu.memory_space<vmem>> -> memref<1x128xi32, #tpu.memory_space<vmem>>
      %dma_start3A_371 = tpu.memref_squeeze %dma_start3A_370 : memref<1x128xi32, #tpu.memory_space<vmem>> -> memref<128xi32, #tpu.memory_space<vmem>>
      %dma_start3A_372 = arith.constant 0 : i32
      %dma_start3A_373 = arith.constant 0 : i32
      %dma_start3A_374 = tpu.memref_slice %arg2[%dma_start3A_372, %dma_start3A_373] : memref<10240x128xf32, #tpu.memory_space<hbm>> -> memref<10240x128xf32, #tpu.memory_space<hbm>>
      tpu.enqueue_indirect_dma source(%dma_start3A_374 : memref<10240x128xf32, #tpu.memory_space<hbm>>) target(%arg14 : memref<128x128xf32, #tpu.memory_space<vmem>>) offsets(%dma_start3A_371 : memref<128xi32, #tpu.memory_space<vmem>>) semaphore(%arg17 : memref<!tpu.dma_semaphore, #tpu.memory_space<semaphore_mem>>)
      %dma_wait3A_375 = arith.constant 0 : i32
      %dma_wait3A_376 = tpu.memref_slice %arg9[%mul3A_366, %dma_wait3A_375] : memref<16x128xi32, #tpu.memory_space<vmem>> -> memref<1x128xi32, #tpu.memory_space<vmem>>
      %dma_wait3A_377 = tpu.memref_squeeze %dma_wait3A_376 : memref<1x128xi32, #tpu.memory_space<vmem>> -> memref<128xi32, #tpu.memory_space<vmem>>
      %dma_wait3A_378 = arith.constant 0 : i32
      %dma_wait3A_379 = arith.constant 0 : i32
      %dma_wait3A_380 = tpu.memref_slice %arg2[%dma_wait3A_378, %dma_wait3A_379] : memref<10240x128xf32, #tpu.memory_space<hbm>> -> memref<10240x128xf32, #tpu.memory_space<hbm>>
      tpu.wait_indirect_dma semaphore(%arg16 : memref<!tpu.dma_semaphore, #tpu.memory_space<semaphore_mem>>) src(%dma_wait3A_380 : memref<10240x128xf32, #tpu.memory_space<hbm>>) dst(%arg13 : memref<128x128xf32, #tpu.memory_space<vmem>>)
      "tpu.region"() ({
        %run_scoped3A_399 = tpu.sem_alloc : memref<!tpu.dma_semaphore, #tpu.memory_space<semaphore_mem>>
        %dma_start3A_400 = arith.constant 0 : i32
        %dma_start3A_401 = tpu.memref_slice %arg10[%mul3A_366, %dma_start3A_400] : memref<16x128xi32, #tpu.memory_space<vmem>> -> memref<1x128xi32, #tpu.memory_space<vmem>>
        %dma_start3A_402 = tpu.memref_squeeze %dma_start3A_401 : memref<1x128xi32, #tpu.memory_space<vmem>> -> memref<128xi32, #tpu.memory_space<vmem>>
        %dma_start3A_403 = arith.constant 0 : i32
        %dma_start3A_404 = arith.constant 0 : i32
        %dma_start3A_405 = tpu.memref_slice %arg15[%dma_start3A_403, %dma_start3A_404] : memref<10240x128xf32, #tpu.memory_space<vmem_shared>> -> memref<10240x128xf32, #tpu.memory_space<vmem_shared>>
        tpu.enqueue_indirect_dma source(%arg13 : memref<128x128xf32, #tpu.memory_space<vmem>>) target(%dma_start3A_405 : memref<10240x128xf32, #tpu.memory_space<vmem_shared>>) offsets(%dma_start3A_402 : memref<128xi32, #tpu.memory_space<vmem>>) semaphore(%run_scoped3A_399 : memref<!tpu.dma_semaphore, #tpu.memory_space<semaphore_mem>>) {add = true}
        %dma_wait3A_406 = arith.constant 0 : i32
        %dma_wait3A_407 = tpu.memref_slice %arg10[%mul3A_366, %dma_wait3A_406] : memref<16x128xi32, #tpu.memory_space<vmem>> -> memref<1x128xi32, #tpu.memory_space<vmem>>
        %dma_wait3A_408 = tpu.memref_squeeze %dma_wait3A_407 : memref<1x128xi32, #tpu.memory_space<vmem>> -> memref<128xi32, #tpu.memory_space<vmem>>
        %dma_wait3A_409 = arith.constant 0 : i32
        %dma_wait3A_410 = arith.constant 0 : i32
        %dma_wait3A_411 = tpu.memref_slice %arg15[%dma_wait3A_409, %dma_wait3A_410] : memref<10240x128xf32, #tpu.memory_space<vmem_shared>> -> memref<10240x128xf32, #tpu.memory_space<vmem_shared>>
        tpu.wait_indirect_dma semaphore(%run_scoped3A_399 : memref<!tpu.dma_semaphore, #tpu.memory_space<semaphore_mem>>) src(%arg13 : memref<128x128xf32, #tpu.memory_space<vmem>>) dst(%dma_wait3A_411 : memref<10240x128xf32, #tpu.memory_space<vmem_shared>>)
        tpu.yield
      }) : () -> ()
      "tpu.region"() ({
        %run_scoped3A_399 = tpu.sem_alloc : memref<!tpu.dma_semaphore, #tpu.memory_space<semaphore_mem>>
        %dma_start3A_400 = arith.constant 0 : i32
        %dma_start3A_401 = tpu.memref_slice %arg10[%mul3A_366, %dma_start3A_400] : memref<16x128xi32, #tpu.memory_space<vmem>> -> memref<1x128xi32, #tpu.memory_space<vmem>>
        %dma_start3A_402 = tpu.memref_squeeze %dma_start3A_401 : memref<1x128xi32, #tpu.memory_space<vmem>> -> memref<128xi32, #tpu.memory_space<vmem>>
        %dma_start3A_403 = arith.constant 0 : i32
        %dma_start3A_404 = tpu.memref_slice %arg21[%dma_start3A_403] : memref<10240xf32, #tpu.memory_space<vmem_shared>> -> memref<10240xf32, #tpu.memory_space<vmem_shared>>
        tpu.enqueue_indirect_dma source(%arg20 : memref<128xf32, #tpu.memory_space<vmem>>) target(%dma_start3A_404 : memref<10240xf32, #tpu.memory_space<vmem_shared>>) offsets(%dma_start3A_402 : memref<128xi32, #tpu.memory_space<vmem>>) semaphore(%run_scoped3A_399 : memref<!tpu.dma_semaphore, #tpu.memory_space<semaphore_mem>>) {add = true}
        %dma_wait3A_405 = arith.constant 0 : i32
        %dma_wait3A_406 = tpu.memref_slice %arg10[%mul3A_366, %dma_wait3A_405] : memref<16x128xi32, #tpu.memory_space<vmem>> -> memref<1x128xi32, #tpu.memory_space<vmem>>
        %dma_wait3A_407 = tpu.memref_squeeze %dma_wait3A_406 : memref<1x128xi32, #tpu.memory_space<vmem>> -> memref<128xi32, #tpu.memory_space<vmem>>
        %dma_wait3A_408 = arith.constant 0 : i32
        %dma_wait3A_409 = tpu.memref_slice %arg21[%dma_wait3A_408] : memref<10240xf32, #tpu.memory_space<vmem_shared>> -> memref<10240xf32, #tpu.memory_space<vmem_shared>>
        tpu.wait_indirect_dma semaphore(%run_scoped3A_399 : memref<!tpu.dma_semaphore, #tpu.memory_space<semaphore_mem>>) src(%arg20 : memref<128xf32, #tpu.memory_space<vmem>>) dst(%dma_wait3A_409 : memref<10240xf32, #tpu.memory_space<vmem_shared>>)
        tpu.yield
      }) : () -> ()
      %add3A_381 = arith.constant 2 : i32
      %add3A_382 = arith.addi %mul3A_366, %add3A_381 : i32
      %dma_start3A_383 = arith.constant 0 : i32
      %dma_start3A_384 = tpu.memref_slice %arg9[%add3A_382, %dma_start3A_383] : memref<16x128xi32, #tpu.memory_space<vmem>> -> memref<1x128xi32, #tpu.memory_space<vmem>>
      %dma_start3A_385 = tpu.memref_squeeze %dma_start3A_384 : memref<1x128xi32, #tpu.memory_space<vmem>> -> memref<128xi32, #tpu.memory_space<vmem>>
      %dma_start3A_386 = arith.constant 0 : i32
      %dma_start3A_387 = arith.constant 0 : i32
      %dma_start3A_388 = tpu.memref_slice %arg2[%dma_start3A_386, %dma_start3A_387] : memref<10240x128xf32, #tpu.memory_space<hbm>> -> memref<10240x128xf32, #tpu.memory_space<hbm>>
      tpu.enqueue_indirect_dma source(%dma_start3A_388 : memref<10240x128xf32, #tpu.memory_space<hbm>>) target(%arg13 : memref<128x128xf32, #tpu.memory_space<vmem>>) offsets(%dma_start3A_385 : memref<128xi32, #tpu.memory_space<vmem>>) semaphore(%arg16 : memref<!tpu.dma_semaphore, #tpu.memory_space<semaphore_mem>>)
      %add3A_389 = arith.constant 1 : i32
      %add3A_390 = arith.addi %mul3A_366, %add3A_389 : i32
      %dma_wait3A_391 = arith.constant 0 : i32
      %dma_wait3A_392 = tpu.memref_slice %arg9[%add3A_390, %dma_wait3A_391] : memref<16x128xi32, #tpu.memory_space<vmem>> -> memref<1x128xi32, #tpu.memory_space<vmem>>
      %dma_wait3A_393 = tpu.memref_squeeze %dma_wait3A_392 : memref<1x128xi32, #tpu.memory_space<vmem>> -> memref<128xi32, #tpu.memory_space<vmem>>
      %dma_wait3A_394 = arith.constant 0 : i32
      %dma_wait3A_395 = arith.constant 0 : i32
      %dma_wait3A_396 = tpu.memref_slice %arg2[%dma_wait3A_394, %dma_wait3A_395] : memref<10240x128xf32, #tpu.memory_space<hbm>> -> memref<10240x128xf32, #tpu.memory_space<hbm>>
      tpu.wait_indirect_dma semaphore(%arg17 : memref<!tpu.dma_semaphore, #tpu.memory_space<semaphore_mem>>) src(%dma_wait3A_396 : memref<10240x128xf32, #tpu.memory_space<hbm>>) dst(%arg14 : memref<128x128xf32, #tpu.memory_space<vmem>>)
      %add3A_397 = arith.constant 1 : i32
      %add3A_398 = arith.addi %mul3A_366, %add3A_397 : i32
      "tpu.region"() ({
        %run_scoped3A_399 = tpu.sem_alloc : memref<!tpu.dma_semaphore, #tpu.memory_space<semaphore_mem>>
        %dma_start3A_400 = arith.constant 0 : i32
        %dma_start3A_401 = tpu.memref_slice %arg10[%add3A_398, %dma_start3A_400] : memref<16x128xi32, #tpu.memory_space<vmem>> -> memref<1x128xi32, #tpu.memory_space<vmem>>
        %dma_start3A_402 = tpu.memref_squeeze %dma_start3A_401 : memref<1x128xi32, #tpu.memory_space<vmem>> -> memref<128xi32, #tpu.memory_space<vmem>>
        %dma_start3A_403 = arith.constant 0 : i32
        %dma_start3A_404 = arith.constant 0 : i32
        %dma_start3A_405 = tpu.memref_slice %arg15[%dma_start3A_403, %dma_start3A_404] : memref<10240x128xf32, #tpu.memory_space<vmem_shared>> -> memref<10240x128xf32, #tpu.memory_space<vmem_shared>>
        tpu.enqueue_indirect_dma source(%arg14 : memref<128x128xf32, #tpu.memory_space<vmem>>) target(%dma_start3A_405 : memref<10240x128xf32, #tpu.memory_space<vmem_shared>>) offsets(%dma_start3A_402 : memref<128xi32, #tpu.memory_space<vmem>>) semaphore(%run_scoped3A_399 : memref<!tpu.dma_semaphore, #tpu.memory_space<semaphore_mem>>) {add = true}
        %dma_wait3A_406 = arith.constant 0 : i32
        %dma_wait3A_407 = tpu.memref_slice %arg10[%add3A_398, %dma_wait3A_406] : memref<16x128xi32, #tpu.memory_space<vmem>> -> memref<1x128xi32, #tpu.memory_space<vmem>>
        %dma_wait3A_408 = tpu.memref_squeeze %dma_wait3A_407 : memref<1x128xi32, #tpu.memory_space<vmem>> -> memref<128xi32, #tpu.memory_space<vmem>>
        %dma_wait3A_409 = arith.constant 0 : i32
        %dma_wait3A_410 = arith.constant 0 : i32
        %dma_wait3A_411 = tpu.memref_slice %arg15[%dma_wait3A_409, %dma_wait3A_410] : memref<10240x128xf32, #tpu.memory_space<vmem_shared>> -> memref<10240x128xf32, #tpu.memory_space<vmem_shared>>
        tpu.wait_indirect_dma semaphore(%run_scoped3A_399 : memref<!tpu.dma_semaphore, #tpu.memory_space<semaphore_mem>>) src(%arg14 : memref<128x128xf32, #tpu.memory_space<vmem>>) dst(%dma_wait3A_411 : memref<10240x128xf32, #tpu.memory_space<vmem_shared>>)
        tpu.yield
      }) : () -> ()
      "tpu.region"() ({
        %run_scoped3A_399 = tpu.sem_alloc : memref<!tpu.dma_semaphore, #tpu.memory_space<semaphore_mem>>
        %dma_start3A_400 = arith.constant 0 : i32
        %dma_start3A_401 = tpu.memref_slice %arg10[%add3A_398, %dma_start3A_400] : memref<16x128xi32, #tpu.memory_space<vmem>> -> memref<1x128xi32, #tpu.memory_space<vmem>>
        %dma_start3A_402 = tpu.memref_squeeze %dma_start3A_401 : memref<1x128xi32, #tpu.memory_space<vmem>> -> memref<128xi32, #tpu.memory_space<vmem>>
        %dma_start3A_403 = arith.constant 0 : i32
        %dma_start3A_404 = tpu.memref_slice %arg21[%dma_start3A_403] : memref<10240xf32, #tpu.memory_space<vmem_shared>> -> memref<10240xf32, #tpu.memory_space<vmem_shared>>
        tpu.enqueue_indirect_dma source(%arg20 : memref<128xf32, #tpu.memory_space<vmem>>) target(%dma_start3A_404 : memref<10240xf32, #tpu.memory_space<vmem_shared>>) offsets(%dma_start3A_402 : memref<128xi32, #tpu.memory_space<vmem>>) semaphore(%run_scoped3A_399 : memref<!tpu.dma_semaphore, #tpu.memory_space<semaphore_mem>>) {add = true}
        %dma_wait3A_405 = arith.constant 0 : i32
        %dma_wait3A_406 = tpu.memref_slice %arg10[%add3A_398, %dma_wait3A_405] : memref<16x128xi32, #tpu.memory_space<vmem>> -> memref<1x128xi32, #tpu.memory_space<vmem>>
        %dma_wait3A_407 = tpu.memref_squeeze %dma_wait3A_406 : memref<1x128xi32, #tpu.memory_space<vmem>> -> memref<128xi32, #tpu.memory_space<vmem>>
        %dma_wait3A_408 = arith.constant 0 : i32
        %dma_wait3A_409 = tpu.memref_slice %arg21[%dma_wait3A_408] : memref<10240xf32, #tpu.memory_space<vmem_shared>> -> memref<10240xf32, #tpu.memory_space<vmem_shared>>
        tpu.wait_indirect_dma semaphore(%run_scoped3A_399 : memref<!tpu.dma_semaphore, #tpu.memory_space<semaphore_mem>>) src(%arg20 : memref<128xf32, #tpu.memory_space<vmem>>) dst(%dma_wait3A_409 : memref<10240xf32, #tpu.memory_space<vmem_shared>>)
        tpu.yield
      }) : () -> ()
    }
    %scan3A_75 = arith.constant 7 : i32
    %dma_start3A_76 = arith.constant 15 : i32
    %dma_start3A_77 = arith.constant 0 : i32
    %dma_start3A_78 = tpu.memref_slice %arg9[%dma_start3A_76, %dma_start3A_77] : memref<16x128xi32, #tpu.memory_space<vmem>> -> memref<1x128xi32, #tpu.memory_space<vmem>>
    %dma_start3A_79 = tpu.memref_squeeze %dma_start3A_78 : memref<1x128xi32, #tpu.memory_space<vmem>> -> memref<128xi32, #tpu.memory_space<vmem>>
    %dma_start3A_80 = arith.constant 0 : i32
    %dma_start3A_81 = arith.constant 0 : i32
    %dma_start3A_82 = tpu.memref_slice %arg2[%dma_start3A_80, %dma_start3A_81] : memref<10240x128xf32, #tpu.memory_space<hbm>> -> memref<10240x128xf32, #tpu.memory_space<hbm>>
    tpu.enqueue_indirect_dma source(%dma_start3A_82 : memref<10240x128xf32, #tpu.memory_space<hbm>>) target(%arg14 : memref<128x128xf32, #tpu.memory_space<vmem>>) offsets(%dma_start3A_79 : memref<128xi32, #tpu.memory_space<vmem>>) semaphore(%arg17 : memref<!tpu.dma_semaphore, #tpu.memory_space<semaphore_mem>>)
    %dma_wait3A = arith.constant 14 : i32
    %dma_wait3A_83 = arith.constant 0 : i32
    %dma_wait3A_84 = tpu.memref_slice %arg9[%dma_wait3A, %dma_wait3A_83] : memref<16x128xi32, #tpu.memory_space<vmem>> -> memref<1x128xi32, #tpu.memory_space<vmem>>
    %dma_wait3A_85 = tpu.memref_squeeze %dma_wait3A_84 : memref<1x128xi32, #tpu.memory_space<vmem>> -> memref<128xi32, #tpu.memory_space<vmem>>
    %dma_wait3A_86 = arith.constant 0 : i32
    %dma_wait3A_87 = arith.constant 0 : i32
    %dma_wait3A_88 = tpu.memref_slice %arg2[%dma_wait3A_86, %dma_wait3A_87] : memref<10240x128xf32, #tpu.memory_space<hbm>> -> memref<10240x128xf32, #tpu.memory_space<hbm>>
    tpu.wait_indirect_dma semaphore(%arg16 : memref<!tpu.dma_semaphore, #tpu.memory_space<semaphore_mem>>) src(%dma_wait3A_88 : memref<10240x128xf32, #tpu.memory_space<hbm>>) dst(%arg13 : memref<128x128xf32, #tpu.memory_space<vmem>>)
    %run_scoped3A = arith.constant 14 : i32
    "tpu.region"() ({
      %run_scoped3A_364 = tpu.sem_alloc : memref<!tpu.dma_semaphore, #tpu.memory_space<semaphore_mem>>
      %dma_start3A_365 = arith.constant 0 : i32
      %dma_start3A_366 = tpu.memref_slice %arg10[%run_scoped3A, %dma_start3A_365] : memref<16x128xi32, #tpu.memory_space<vmem>> -> memref<1x128xi32, #tpu.memory_space<vmem>>
      %dma_start3A_367 = tpu.memref_squeeze %dma_start3A_366 : memref<1x128xi32, #tpu.memory_space<vmem>> -> memref<128xi32, #tpu.memory_space<vmem>>
      %dma_start3A_368 = arith.constant 0 : i32
      %dma_start3A_369 = arith.constant 0 : i32
      %dma_start3A_370 = tpu.memref_slice %arg15[%dma_start3A_368, %dma_start3A_369] : memref<10240x128xf32, #tpu.memory_space<vmem_shared>> -> memref<10240x128xf32, #tpu.memory_space<vmem_shared>>
      tpu.enqueue_indirect_dma source(%arg13 : memref<128x128xf32, #tpu.memory_space<vmem>>) target(%dma_start3A_370 : memref<10240x128xf32, #tpu.memory_space<vmem_shared>>) offsets(%dma_start3A_367 : memref<128xi32, #tpu.memory_space<vmem>>) semaphore(%run_scoped3A_364 : memref<!tpu.dma_semaphore, #tpu.memory_space<semaphore_mem>>) {add = true}
      %dma_wait3A_371 = arith.constant 0 : i32
      %dma_wait3A_372 = tpu.memref_slice %arg10[%run_scoped3A, %dma_wait3A_371] : memref<16x128xi32, #tpu.memory_space<vmem>> -> memref<1x128xi32, #tpu.memory_space<vmem>>
      %dma_wait3A_373 = tpu.memref_squeeze %dma_wait3A_372 : memref<1x128xi32, #tpu.memory_space<vmem>> -> memref<128xi32, #tpu.memory_space<vmem>>
      %dma_wait3A_374 = arith.constant 0 : i32
      %dma_wait3A_375 = arith.constant 0 : i32
      %dma_wait3A_376 = tpu.memref_slice %arg15[%dma_wait3A_374, %dma_wait3A_375] : memref<10240x128xf32, #tpu.memory_space<vmem_shared>> -> memref<10240x128xf32, #tpu.memory_space<vmem_shared>>
      tpu.wait_indirect_dma semaphore(%run_scoped3A_364 : memref<!tpu.dma_semaphore, #tpu.memory_space<semaphore_mem>>) src(%arg13 : memref<128x128xf32, #tpu.memory_space<vmem>>) dst(%dma_wait3A_376 : memref<10240x128xf32, #tpu.memory_space<vmem_shared>>)
      tpu.yield
    }) : () -> ()
    %run_scoped3A_89 = arith.constant 14 : i32
    "tpu.region"() ({
      %run_scoped3A_364 = tpu.sem_alloc : memref<!tpu.dma_semaphore, #tpu.memory_space<semaphore_mem>>
      %dma_start3A_365 = arith.constant 0 : i32
      %dma_start3A_366 = tpu.memref_slice %arg10[%run_scoped3A_89, %dma_start3A_365] : memref<16x128xi32, #tpu.memory_space<vmem>> -> memref<1x128xi32, #tpu.memory_space<vmem>>
      %dma_start3A_367 = tpu.memref_squeeze %dma_start3A_366 : memref<1x128xi32, #tpu.memory_space<vmem>> -> memref<128xi32, #tpu.memory_space<vmem>>
      %dma_start3A_368 = arith.constant 0 : i32
      %dma_start3A_369 = tpu.memref_slice %arg21[%dma_start3A_368] : memref<10240xf32, #tpu.memory_space<vmem_shared>> -> memref<10240xf32, #tpu.memory_space<vmem_shared>>
      tpu.enqueue_indirect_dma source(%arg20 : memref<128xf32, #tpu.memory_space<vmem>>) target(%dma_start3A_369 : memref<10240xf32, #tpu.memory_space<vmem_shared>>) offsets(%dma_start3A_367 : memref<128xi32, #tpu.memory_space<vmem>>) semaphore(%run_scoped3A_364 : memref<!tpu.dma_semaphore, #tpu.memory_space<semaphore_mem>>) {add = true}
      %dma_wait3A_370 = arith.constant 0 : i32
      %dma_wait3A_371 = tpu.memref_slice %arg10[%run_scoped3A_89, %dma_wait3A_370] : memref<16x128xi32, #tpu.memory_space<vmem>> -> memref<1x128xi32, #tpu.memory_space<vmem>>
      %dma_wait3A_372 = tpu.memref_squeeze %dma_wait3A_371 : memref<1x128xi32, #tpu.memory_space<vmem>> -> memref<128xi32, #tpu.memory_space<vmem>>
      %dma_wait3A_373 = arith.constant 0 : i32
      %dma_wait3A_374 = tpu.memref_slice %arg21[%dma_wait3A_373] : memref<10240xf32, #tpu.memory_space<vmem_shared>> -> memref<10240xf32, #tpu.memory_space<vmem_shared>>
      tpu.wait_indirect_dma semaphore(%run_scoped3A_364 : memref<!tpu.dma_semaphore, #tpu.memory_space<semaphore_mem>>) src(%arg20 : memref<128xf32, #tpu.memory_space<vmem>>) dst(%dma_wait3A_374 : memref<10240xf32, #tpu.memory_space<vmem_shared>>)
      tpu.yield
    }) : () -> ()
    %dma_wait3A_90 = arith.constant 15 : i32
    %dma_wait3A_91 = arith.constant 0 : i32
    %dma_wait3A_92 = tpu.memref_slice %arg9[%dma_wait3A_90, %dma_wait3A_91] : memref<16x128xi32, #tpu.memory_space<vmem>> -> memref<1x128xi32, #tpu.memory_space<vmem>>
    %dma_wait3A_93 = tpu.memref_squeeze %dma_wait3A_92 : memref<1x128xi32, #tpu.memory_space<vmem>> -> memref<128xi32, #tpu.memory_space<vmem>>
    %dma_wait3A_94 = arith.constant 0 : i32
    %dma_wait3A_95 = arith.constant 0 : i32
    %dma_wait3A_96 = tpu.memref_slice %arg2[%dma_wait3A_94, %dma_wait3A_95] : memref<10240x128xf32, #tpu.memory_space<hbm>> -> memref<10240x128xf32, #tpu.memory_space<hbm>>
    tpu.wait_indirect_dma semaphore(%arg17 : memref<!tpu.dma_semaphore, #tpu.memory_space<semaphore_mem>>) src(%dma_wait3A_96 : memref<10240x128xf32, #tpu.memory_space<hbm>>) dst(%arg14 : memref<128x128xf32, #tpu.memory_space<vmem>>)
    %run_scoped3A_97 = arith.constant 15 : i32
    "tpu.region"() ({
      %run_scoped3A_364 = tpu.sem_alloc : memref<!tpu.dma_semaphore, #tpu.memory_space<semaphore_mem>>
      %dma_start3A_365 = arith.constant 0 : i32
      %dma_start3A_366 = tpu.memref_slice %arg10[%run_scoped3A_97, %dma_start3A_365] : memref<16x128xi32, #tpu.memory_space<vmem>> -> memref<1x128xi32, #tpu.memory_space<vmem>>
      %dma_start3A_367 = tpu.memref_squeeze %dma_start3A_366 : memref<1x128xi32, #tpu.memory_space<vmem>> -> memref<128xi32, #tpu.memory_space<vmem>>
      %dma_start3A_368 = arith.constant 0 : i32
      %dma_start3A_369 = arith.constant 0 : i32
      %dma_start3A_370 = tpu.memref_slice %arg15[%dma_start3A_368, %dma_start3A_369] : memref<10240x128xf32, #tpu.memory_space<vmem_shared>> -> memref<10240x128xf32, #tpu.memory_space<vmem_shared>>
      tpu.enqueue_indirect_dma source(%arg14 : memref<128x128xf32, #tpu.memory_space<vmem>>) target(%dma_start3A_370 : memref<10240x128xf32, #tpu.memory_space<vmem_shared>>) offsets(%dma_start3A_367 : memref<128xi32, #tpu.memory_space<vmem>>) semaphore(%run_scoped3A_364 : memref<!tpu.dma_semaphore, #tpu.memory_space<semaphore_mem>>) {add = true}
      %dma_wait3A_371 = arith.constant 0 : i32
      %dma_wait3A_372 = tpu.memref_slice %arg10[%run_scoped3A_97, %dma_wait3A_371] : memref<16x128xi32, #tpu.memory_space<vmem>> -> memref<1x128xi32, #tpu.memory_space<vmem>>
      %dma_wait3A_373 = tpu.memref_squeeze %dma_wait3A_372 : memref<1x128xi32, #tpu.memory_space<vmem>> -> memref<128xi32, #tpu.memory_space<vmem>>
      %dma_wait3A_374 = arith.constant 0 : i32
      %dma_wait3A_375 = arith.constant 0 : i32
      %dma_wait3A_376 = tpu.memref_slice %arg15[%dma_wait3A_374, %dma_wait3A_375] : memref<10240x128xf32, #tpu.memory_space<vmem_shared>> -> memref<10240x128xf32, #tpu.memory_space<vmem_shared>>
      tpu.wait_indirect_dma semaphore(%run_scoped3A_364 : memref<!tpu.dma_semaphore, #tpu.memory_space<semaphore_mem>>) src(%arg14 : memref<128x128xf32, #tpu.memory_space<vmem>>) dst(%dma_wait3A_376 : memref<10240x128xf32, #tpu.memory_space<vmem_shared>>)
      tpu.yield
    }) : () -> ()
    %run_scoped3A_98 = arith.constant 15 : i32
    "tpu.region"() ({
      %run_scoped3A_364 = tpu.sem_alloc : memref<!tpu.dma_semaphore, #tpu.memory_space<semaphore_mem>>
      %dma_start3A_365 = arith.constant 0 : i32
      %dma_start3A_366 = tpu.memref_slice %arg10[%run_scoped3A_98, %dma_start3A_365] : memref<16x128xi32, #tpu.memory_space<vmem>> -> memref<1x128xi32, #tpu.memory_space<vmem>>
      %dma_start3A_367 = tpu.memref_squeeze %dma_start3A_366 : memref<1x128xi32, #tpu.memory_space<vmem>> -> memref<128xi32, #tpu.memory_space<vmem>>
      %dma_start3A_368 = arith.constant 0 : i32
      %dma_start3A_369 = tpu.memref_slice %arg21[%dma_start3A_368] : memref<10240xf32, #tpu.memory_space<vmem_shared>> -> memref<10240xf32, #tpu.memory_space<vmem_shared>>
      tpu.enqueue_indirect_dma source(%arg20 : memref<128xf32, #tpu.memory_space<vmem>>) target(%dma_start3A_369 : memref<10240xf32, #tpu.memory_space<vmem_shared>>) offsets(%dma_start3A_367 : memref<128xi32, #tpu.memory_space<vmem>>) semaphore(%run_scoped3A_364 : memref<!tpu.dma_semaphore, #tpu.memory_space<semaphore_mem>>) {add = true}
      %dma_wait3A_370 = arith.constant 0 : i32
      %dma_wait3A_371 = tpu.memref_slice %arg10[%run_scoped3A_98, %dma_wait3A_370] : memref<16x128xi32, #tpu.memory_space<vmem>> -> memref<1x128xi32, #tpu.memory_space<vmem>>
      %dma_wait3A_372 = tpu.memref_squeeze %dma_wait3A_371 : memref<1x128xi32, #tpu.memory_space<vmem>> -> memref<128xi32, #tpu.memory_space<vmem>>
      %dma_wait3A_373 = arith.constant 0 : i32
      %dma_wait3A_374 = tpu.memref_slice %arg21[%dma_wait3A_373] : memref<10240xf32, #tpu.memory_space<vmem_shared>> -> memref<10240xf32, #tpu.memory_space<vmem_shared>>
      tpu.wait_indirect_dma semaphore(%run_scoped3A_364 : memref<!tpu.dma_semaphore, #tpu.memory_space<semaphore_mem>>) src(%arg20 : memref<128xf32, #tpu.memory_space<vmem>>) dst(%dma_wait3A_374 : memref<10240xf32, #tpu.memory_space<vmem_shared>>)
      tpu.yield
    }) : () -> ()
    %dma_wait3A_99 = arith.constant 16 : i32
    %dma_wait3A_100 = arith.constant 0 : i32
    %dma_wait3A_101 = tpu.memref_slice %arg3[%add3A, %dma_wait3A_99, %dma_wait3A_100] : memref<32x80x128xi32, #tpu.memory_space<hbm>> -> memref<1x16x128xi32, #tpu.memory_space<hbm>>
    %dma_wait3A_102 = tpu.memref_squeeze %dma_wait3A_101 : memref<1x16x128xi32, #tpu.memory_space<hbm>> -> memref<16x128xi32, #tpu.memory_space<hbm>>
    %dma_wait3A_103 = arith.constant 16 : i32
    %dma_wait3A_104 = arith.constant 0 : i32
    %dma_wait3A_105 = tpu.memref_slice %arg3[%add3A, %dma_wait3A_103, %dma_wait3A_104] : memref<32x80x128xi32, #tpu.memory_space<hbm>> -> memref<1x16x128xi32, #tpu.memory_space<hbm>>
    %dma_wait3A_106 = tpu.memref_squeeze %dma_wait3A_105 : memref<1x16x128xi32, #tpu.memory_space<hbm>> -> memref<16x128xi32, #tpu.memory_space<hbm>>
    tpu.wait_dma2 semaphore(%arg18 : memref<!tpu.dma_semaphore, #tpu.memory_space<semaphore_mem>>) src(%dma_wait3A_106 : memref<16x128xi32, #tpu.memory_space<hbm>>) dst(%arg11 : memref<16x128xi32, #tpu.memory_space<vmem>>)
    %dma_wait3A_107 = arith.constant 16 : i32
    %dma_wait3A_108 = arith.constant 0 : i32
    %dma_wait3A_109 = tpu.memref_slice %arg4[%add3A, %dma_wait3A_107, %dma_wait3A_108] : memref<32x80x128xi32, #tpu.memory_space<hbm>> -> memref<1x16x128xi32, #tpu.memory_space<hbm>>
    %dma_wait3A_110 = tpu.memref_squeeze %dma_wait3A_109 : memref<1x16x128xi32, #tpu.memory_space<hbm>> -> memref<16x128xi32, #tpu.memory_space<hbm>>
    %dma_wait3A_111 = arith.constant 16 : i32
    %dma_wait3A_112 = arith.constant 0 : i32
    %dma_wait3A_113 = tpu.memref_slice %arg4[%add3A, %dma_wait3A_111, %dma_wait3A_112] : memref<32x80x128xi32, #tpu.memory_space<hbm>> -> memref<1x16x128xi32, #tpu.memory_space<hbm>>
    %dma_wait3A_114 = tpu.memref_squeeze %dma_wait3A_113 : memref<1x16x128xi32, #tpu.memory_space<hbm>> -> memref<16x128xi32, #tpu.memory_space<hbm>>
    tpu.wait_dma2 semaphore(%arg19 : memref<!tpu.dma_semaphore, #tpu.memory_space<semaphore_mem>>) src(%dma_wait3A_114 : memref<16x128xi32, #tpu.memory_space<hbm>>) dst(%arg12 : memref<16x128xi32, #tpu.memory_space<vmem>>)
    %dma_start3A_115 = arith.constant 32 : i32
    %dma_start3A_116 = arith.constant 0 : i32
    %dma_start3A_117 = tpu.memref_slice %arg3[%add3A, %dma_start3A_115, %dma_start3A_116] : memref<32x80x128xi32, #tpu.memory_space<hbm>> -> memref<1x16x128xi32, #tpu.memory_space<hbm>>
    %dma_start3A_118 = tpu.memref_squeeze %dma_start3A_117 : memref<1x16x128xi32, #tpu.memory_space<hbm>> -> memref<16x128xi32, #tpu.memory_space<hbm>>
    %dma_start3A_119 = arith.constant 32 : i32
    %dma_start3A_120 = arith.constant 0 : i32
    %dma_start3A_121 = tpu.memref_slice %arg3[%add3A, %dma_start3A_119, %dma_start3A_120] : memref<32x80x128xi32, #tpu.memory_space<hbm>> -> memref<1x16x128xi32, #tpu.memory_space<hbm>>
    %dma_start3A_122 = tpu.memref_squeeze %dma_start3A_121 : memref<1x16x128xi32, #tpu.memory_space<hbm>> -> memref<16x128xi32, #tpu.memory_space<hbm>>
    tpu.enqueue_dma source(%dma_start3A_122 : memref<16x128xi32, #tpu.memory_space<hbm>>) target(%arg9 : memref<16x128xi32, #tpu.memory_space<vmem>>) target_semaphore(%arg18 : memref<!tpu.dma_semaphore, #tpu.memory_space<semaphore_mem>>)
    %dma_start3A_123 = arith.constant 32 : i32
    %dma_start3A_124 = arith.constant 0 : i32
    %dma_start3A_125 = tpu.memref_slice %arg4[%add3A, %dma_start3A_123, %dma_start3A_124] : memref<32x80x128xi32, #tpu.memory_space<hbm>> -> memref<1x16x128xi32, #tpu.memory_space<hbm>>
    %dma_start3A_126 = tpu.memref_squeeze %dma_start3A_125 : memref<1x16x128xi32, #tpu.memory_space<hbm>> -> memref<16x128xi32, #tpu.memory_space<hbm>>
    %dma_start3A_127 = arith.constant 32 : i32
    %dma_start3A_128 = arith.constant 0 : i32
    %dma_start3A_129 = tpu.memref_slice %arg4[%add3A, %dma_start3A_127, %dma_start3A_128] : memref<32x80x128xi32, #tpu.memory_space<hbm>> -> memref<1x16x128xi32, #tpu.memory_space<hbm>>
    %dma_start3A_130 = tpu.memref_squeeze %dma_start3A_129 : memref<1x16x128xi32, #tpu.memory_space<hbm>> -> memref<16x128xi32, #tpu.memory_space<hbm>>
    tpu.enqueue_dma source(%dma_start3A_130 : memref<16x128xi32, #tpu.memory_space<hbm>>) target(%arg10 : memref<16x128xi32, #tpu.memory_space<vmem>>) target_semaphore(%arg19 : memref<!tpu.dma_semaphore, #tpu.memory_space<semaphore_mem>>)
    %dma_start3A_131 = arith.constant 0 : i32
    %dma_start3A_132 = arith.constant 0 : i32
    %dma_start3A_133 = tpu.memref_slice %arg11[%dma_start3A_131, %dma_start3A_132] : memref<16x128xi32, #tpu.memory_space<vmem>> -> memref<1x128xi32, #tpu.memory_space<vmem>>
    %dma_start3A_134 = tpu.memref_squeeze %dma_start3A_133 : memref<1x128xi32, #tpu.memory_space<vmem>> -> memref<128xi32, #tpu.memory_space<vmem>>
    %dma_start3A_135 = arith.constant 0 : i32
    %dma_start3A_136 = arith.constant 0 : i32
    %dma_start3A_137 = tpu.memref_slice %arg2[%dma_start3A_135, %dma_start3A_136] : memref<10240x128xf32, #tpu.memory_space<hbm>> -> memref<10240x128xf32, #tpu.memory_space<hbm>>
    tpu.enqueue_indirect_dma source(%dma_start3A_137 : memref<10240x128xf32, #tpu.memory_space<hbm>>) target(%arg13 : memref<128x128xf32, #tpu.memory_space<vmem>>) offsets(%dma_start3A_134 : memref<128xi32, #tpu.memory_space<vmem>>) semaphore(%arg16 : memref<!tpu.dma_semaphore, #tpu.memory_space<semaphore_mem>>)
    %scan3A_138 = arith.constant 0 : i32
    %scan3A_139 = arith.constant 0 : i32
    %scan3A_140 = arith.constant 7 : i32
    %scan3A_141 = arith.addi %scan3A_139, %scan3A_140 : i32
    %scan3A_142 = arith.constant 1 : i32
    scf.for %scan3A_364 = %scan3A_139 to %scan3A_141 step %scan3A_142  : i32 {
      %mul3A_365 = arith.constant 2 : i32
      %mul3A_366 = arith.muli %mul3A_365, %scan3A_364 : i32
      %add3A_367 = arith.constant 1 : i32
      %add3A_368 = arith.addi %mul3A_366, %add3A_367 : i32
      %dma_start3A_369 = arith.constant 0 : i32
      %dma_start3A_370 = tpu.memref_slice %arg11[%add3A_368, %dma_start3A_369] : memref<16x128xi32, #tpu.memory_space<vmem>> -> memref<1x128xi32, #tpu.memory_space<vmem>>
      %dma_start3A_371 = tpu.memref_squeeze %dma_start3A_370 : memref<1x128xi32, #tpu.memory_space<vmem>> -> memref<128xi32, #tpu.memory_space<vmem>>
      %dma_start3A_372 = arith.constant 0 : i32
      %dma_start3A_373 = arith.constant 0 : i32
      %dma_start3A_374 = tpu.memref_slice %arg2[%dma_start3A_372, %dma_start3A_373] : memref<10240x128xf32, #tpu.memory_space<hbm>> -> memref<10240x128xf32, #tpu.memory_space<hbm>>
      tpu.enqueue_indirect_dma source(%dma_start3A_374 : memref<10240x128xf32, #tpu.memory_space<hbm>>) target(%arg14 : memref<128x128xf32, #tpu.memory_space<vmem>>) offsets(%dma_start3A_371 : memref<128xi32, #tpu.memory_space<vmem>>) semaphore(%arg17 : memref<!tpu.dma_semaphore, #tpu.memory_space<semaphore_mem>>)
      %dma_wait3A_375 = arith.constant 0 : i32
      %dma_wait3A_376 = tpu.memref_slice %arg11[%mul3A_366, %dma_wait3A_375] : memref<16x128xi32, #tpu.memory_space<vmem>> -> memref<1x128xi32, #tpu.memory_space<vmem>>
      %dma_wait3A_377 = tpu.memref_squeeze %dma_wait3A_376 : memref<1x128xi32, #tpu.memory_space<vmem>> -> memref<128xi32, #tpu.memory_space<vmem>>
      %dma_wait3A_378 = arith.constant 0 : i32
      %dma_wait3A_379 = arith.constant 0 : i32
      %dma_wait3A_380 = tpu.memref_slice %arg2[%dma_wait3A_378, %dma_wait3A_379] : memref<10240x128xf32, #tpu.memory_space<hbm>> -> memref<10240x128xf32, #tpu.memory_space<hbm>>
      tpu.wait_indirect_dma semaphore(%arg16 : memref<!tpu.dma_semaphore, #tpu.memory_space<semaphore_mem>>) src(%dma_wait3A_380 : memref<10240x128xf32, #tpu.memory_space<hbm>>) dst(%arg13 : memref<128x128xf32, #tpu.memory_space<vmem>>)
      "tpu.region"() ({
        %run_scoped3A_399 = tpu.sem_alloc : memref<!tpu.dma_semaphore, #tpu.memory_space<semaphore_mem>>
        %dma_start3A_400 = arith.constant 0 : i32
        %dma_start3A_401 = tpu.memref_slice %arg12[%mul3A_366, %dma_start3A_400] : memref<16x128xi32, #tpu.memory_space<vmem>> -> memref<1x128xi32, #tpu.memory_space<vmem>>
        %dma_start3A_402 = tpu.memref_squeeze %dma_start3A_401 : memref<1x128xi32, #tpu.memory_space<vmem>> -> memref<128xi32, #tpu.memory_space<vmem>>
        %dma_start3A_403 = arith.constant 0 : i32
        %dma_start3A_404 = arith.constant 0 : i32
        %dma_start3A_405 = tpu.memref_slice %arg15[%dma_start3A_403, %dma_start3A_404] : memref<10240x128xf32, #tpu.memory_space<vmem_shared>> -> memref<10240x128xf32, #tpu.memory_space<vmem_shared>>
        tpu.enqueue_indirect_dma source(%arg13 : memref<128x128xf32, #tpu.memory_space<vmem>>) target(%dma_start3A_405 : memref<10240x128xf32, #tpu.memory_space<vmem_shared>>) offsets(%dma_start3A_402 : memref<128xi32, #tpu.memory_space<vmem>>) semaphore(%run_scoped3A_399 : memref<!tpu.dma_semaphore, #tpu.memory_space<semaphore_mem>>) {add = true}
        %dma_wait3A_406 = arith.constant 0 : i32
        %dma_wait3A_407 = tpu.memref_slice %arg12[%mul3A_366, %dma_wait3A_406] : memref<16x128xi32, #tpu.memory_space<vmem>> -> memref<1x128xi32, #tpu.memory_space<vmem>>
        %dma_wait3A_408 = tpu.memref_squeeze %dma_wait3A_407 : memref<1x128xi32, #tpu.memory_space<vmem>> -> memref<128xi32, #tpu.memory_space<vmem>>
        %dma_wait3A_409 = arith.constant 0 : i32
        %dma_wait3A_410 = arith.constant 0 : i32
        %dma_wait3A_411 = tpu.memref_slice %arg15[%dma_wait3A_409, %dma_wait3A_410] : memref<10240x128xf32, #tpu.memory_space<vmem_shared>> -> memref<10240x128xf32, #tpu.memory_space<vmem_shared>>
        tpu.wait_indirect_dma semaphore(%run_scoped3A_399 : memref<!tpu.dma_semaphore, #tpu.memory_space<semaphore_mem>>) src(%arg13 : memref<128x128xf32, #tpu.memory_space<vmem>>) dst(%dma_wait3A_411 : memref<10240x128xf32, #tpu.memory_space<vmem_shared>>)
        tpu.yield
      }) : () -> ()
      "tpu.region"() ({
        %run_scoped3A_399 = tpu.sem_alloc : memref<!tpu.dma_semaphore, #tpu.memory_space<semaphore_mem>>
        %dma_start3A_400 = arith.constant 0 : i32
        %dma_start3A_401 = tpu.memref_slice %arg12[%mul3A_366, %dma_start3A_400] : memref<16x128xi32, #tpu.memory_space<vmem>> -> memref<1x128xi32, #tpu.memory_space<vmem>>
        %dma_start3A_402 = tpu.memref_squeeze %dma_start3A_401 : memref<1x128xi32, #tpu.memory_space<vmem>> -> memref<128xi32, #tpu.memory_space<vmem>>
        %dma_start3A_403 = arith.constant 0 : i32
        %dma_start3A_404 = tpu.memref_slice %arg21[%dma_start3A_403] : memref<10240xf32, #tpu.memory_space<vmem_shared>> -> memref<10240xf32, #tpu.memory_space<vmem_shared>>
        tpu.enqueue_indirect_dma source(%arg20 : memref<128xf32, #tpu.memory_space<vmem>>) target(%dma_start3A_404 : memref<10240xf32, #tpu.memory_space<vmem_shared>>) offsets(%dma_start3A_402 : memref<128xi32, #tpu.memory_space<vmem>>) semaphore(%run_scoped3A_399 : memref<!tpu.dma_semaphore, #tpu.memory_space<semaphore_mem>>) {add = true}
        %dma_wait3A_405 = arith.constant 0 : i32
        %dma_wait3A_406 = tpu.memref_slice %arg12[%mul3A_366, %dma_wait3A_405] : memref<16x128xi32, #tpu.memory_space<vmem>> -> memref<1x128xi32, #tpu.memory_space<vmem>>
        %dma_wait3A_407 = tpu.memref_squeeze %dma_wait3A_406 : memref<1x128xi32, #tpu.memory_space<vmem>> -> memref<128xi32, #tpu.memory_space<vmem>>
        %dma_wait3A_408 = arith.constant 0 : i32
        %dma_wait3A_409 = tpu.memref_slice %arg21[%dma_wait3A_408] : memref<10240xf32, #tpu.memory_space<vmem_shared>> -> memref<10240xf32, #tpu.memory_space<vmem_shared>>
        tpu.wait_indirect_dma semaphore(%run_scoped3A_399 : memref<!tpu.dma_semaphore, #tpu.memory_space<semaphore_mem>>) src(%arg20 : memref<128xf32, #tpu.memory_space<vmem>>) dst(%dma_wait3A_409 : memref<10240xf32, #tpu.memory_space<vmem_shared>>)
        tpu.yield
      }) : () -> ()
      %add3A_381 = arith.constant 2 : i32
      %add3A_382 = arith.addi %mul3A_366, %add3A_381 : i32
      %dma_start3A_383 = arith.constant 0 : i32
      %dma_start3A_384 = tpu.memref_slice %arg11[%add3A_382, %dma_start3A_383] : memref<16x128xi32, #tpu.memory_space<vmem>> -> memref<1x128xi32, #tpu.memory_space<vmem>>
      %dma_start3A_385 = tpu.memref_squeeze %dma_start3A_384 : memref<1x128xi32, #tpu.memory_space<vmem>> -> memref<128xi32, #tpu.memory_space<vmem>>
      %dma_start3A_386 = arith.constant 0 : i32
      %dma_start3A_387 = arith.constant 0 : i32
      %dma_start3A_388 = tpu.memref_slice %arg2[%dma_start3A_386, %dma_start3A_387] : memref<10240x128xf32, #tpu.memory_space<hbm>> -> memref<10240x128xf32, #tpu.memory_space<hbm>>
      tpu.enqueue_indirect_dma source(%dma_start3A_388 : memref<10240x128xf32, #tpu.memory_space<hbm>>) target(%arg13 : memref<128x128xf32, #tpu.memory_space<vmem>>) offsets(%dma_start3A_385 : memref<128xi32, #tpu.memory_space<vmem>>) semaphore(%arg16 : memref<!tpu.dma_semaphore, #tpu.memory_space<semaphore_mem>>)
      %add3A_389 = arith.constant 1 : i32
      %add3A_390 = arith.addi %mul3A_366, %add3A_389 : i32
      %dma_wait3A_391 = arith.constant 0 : i32
      %dma_wait3A_392 = tpu.memref_slice %arg11[%add3A_390, %dma_wait3A_391] : memref<16x128xi32, #tpu.memory_space<vmem>> -> memref<1x128xi32, #tpu.memory_space<vmem>>
      %dma_wait3A_393 = tpu.memref_squeeze %dma_wait3A_392 : memref<1x128xi32, #tpu.memory_space<vmem>> -> memref<128xi32, #tpu.memory_space<vmem>>
      %dma_wait3A_394 = arith.constant 0 : i32
      %dma_wait3A_395 = arith.constant 0 : i32
      %dma_wait3A_396 = tpu.memref_slice %arg2[%dma_wait3A_394, %dma_wait3A_395] : memref<10240x128xf32, #tpu.memory_space<hbm>> -> memref<10240x128xf32, #tpu.memory_space<hbm>>
      tpu.wait_indirect_dma semaphore(%arg17 : memref<!tpu.dma_semaphore, #tpu.memory_space<semaphore_mem>>) src(%dma_wait3A_396 : memref<10240x128xf32, #tpu.memory_space<hbm>>) dst(%arg14 : memref<128x128xf32, #tpu.memory_space<vmem>>)
      %add3A_397 = arith.constant 1 : i32
      %add3A_398 = arith.addi %mul3A_366, %add3A_397 : i32
      "tpu.region"() ({
        %run_scoped3A_399 = tpu.sem_alloc : memref<!tpu.dma_semaphore, #tpu.memory_space<semaphore_mem>>
        %dma_start3A_400 = arith.constant 0 : i32
        %dma_start3A_401 = tpu.memref_slice %arg12[%add3A_398, %dma_start3A_400] : memref<16x128xi32, #tpu.memory_space<vmem>> -> memref<1x128xi32, #tpu.memory_space<vmem>>
        %dma_start3A_402 = tpu.memref_squeeze %dma_start3A_401 : memref<1x128xi32, #tpu.memory_space<vmem>> -> memref<128xi32, #tpu.memory_space<vmem>>
        %dma_start3A_403 = arith.constant 0 : i32
        %dma_start3A_404 = arith.constant 0 : i32
        %dma_start3A_405 = tpu.memref_slice %arg15[%dma_start3A_403, %dma_start3A_404] : memref<10240x128xf32, #tpu.memory_space<vmem_shared>> -> memref<10240x128xf32, #tpu.memory_space<vmem_shared>>
        tpu.enqueue_indirect_dma source(%arg14 : memref<128x128xf32, #tpu.memory_space<vmem>>) target(%dma_start3A_405 : memref<10240x128xf32, #tpu.memory_space<vmem_shared>>) offsets(%dma_start3A_402 : memref<128xi32, #tpu.memory_space<vmem>>) semaphore(%run_scoped3A_399 : memref<!tpu.dma_semaphore, #tpu.memory_space<semaphore_mem>>) {add = true}
        %dma_wait3A_406 = arith.constant 0 : i32
        %dma_wait3A_407 = tpu.memref_slice %arg12[%add3A_398, %dma_wait3A_406] : memref<16x128xi32, #tpu.memory_space<vmem>> -> memref<1x128xi32, #tpu.memory_space<vmem>>
        %dma_wait3A_408 = tpu.memref_squeeze %dma_wait3A_407 : memref<1x128xi32, #tpu.memory_space<vmem>> -> memref<128xi32, #tpu.memory_space<vmem>>
        %dma_wait3A_409 = arith.constant 0 : i32
        %dma_wait3A_410 = arith.constant 0 : i32
        %dma_wait3A_411 = tpu.memref_slice %arg15[%dma_wait3A_409, %dma_wait3A_410] : memref<10240x128xf32, #tpu.memory_space<vmem_shared>> -> memref<10240x128xf32, #tpu.memory_space<vmem_shared>>
        tpu.wait_indirect_dma semaphore(%run_scoped3A_399 : memref<!tpu.dma_semaphore, #tpu.memory_space<semaphore_mem>>) src(%arg14 : memref<128x128xf32, #tpu.memory_space<vmem>>) dst(%dma_wait3A_411 : memref<10240x128xf32, #tpu.memory_space<vmem_shared>>)
        tpu.yield
      }) : () -> ()
      "tpu.region"() ({
        %run_scoped3A_399 = tpu.sem_alloc : memref<!tpu.dma_semaphore, #tpu.memory_space<semaphore_mem>>
        %dma_start3A_400 = arith.constant 0 : i32
        %dma_start3A_401 = tpu.memref_slice %arg12[%add3A_398, %dma_start3A_400] : memref<16x128xi32, #tpu.memory_space<vmem>> -> memref<1x128xi32, #tpu.memory_space<vmem>>
        %dma_start3A_402 = tpu.memref_squeeze %dma_start3A_401 : memref<1x128xi32, #tpu.memory_space<vmem>> -> memref<128xi32, #tpu.memory_space<vmem>>
        %dma_start3A_403 = arith.constant 0 : i32
        %dma_start3A_404 = tpu.memref_slice %arg21[%dma_start3A_403] : memref<10240xf32, #tpu.memory_space<vmem_shared>> -> memref<10240xf32, #tpu.memory_space<vmem_shared>>
        tpu.enqueue_indirect_dma source(%arg20 : memref<128xf32, #tpu.memory_space<vmem>>) target(%dma_start3A_404 : memref<10240xf32, #tpu.memory_space<vmem_shared>>) offsets(%dma_start3A_402 : memref<128xi32, #tpu.memory_space<vmem>>) semaphore(%run_scoped3A_399 : memref<!tpu.dma_semaphore, #tpu.memory_space<semaphore_mem>>) {add = true}
        %dma_wait3A_405 = arith.constant 0 : i32
        %dma_wait3A_406 = tpu.memref_slice %arg12[%add3A_398, %dma_wait3A_405] : memref<16x128xi32, #tpu.memory_space<vmem>> -> memref<1x128xi32, #tpu.memory_space<vmem>>
        %dma_wait3A_407 = tpu.memref_squeeze %dma_wait3A_406 : memref<1x128xi32, #tpu.memory_space<vmem>> -> memref<128xi32, #tpu.memory_space<vmem>>
        %dma_wait3A_408 = arith.constant 0 : i32
        %dma_wait3A_409 = tpu.memref_slice %arg21[%dma_wait3A_408] : memref<10240xf32, #tpu.memory_space<vmem_shared>> -> memref<10240xf32, #tpu.memory_space<vmem_shared>>
        tpu.wait_indirect_dma semaphore(%run_scoped3A_399 : memref<!tpu.dma_semaphore, #tpu.memory_space<semaphore_mem>>) src(%arg20 : memref<128xf32, #tpu.memory_space<vmem>>) dst(%dma_wait3A_409 : memref<10240xf32, #tpu.memory_space<vmem_shared>>)
        tpu.yield
      }) : () -> ()
    }
    %scan3A_143 = arith.constant 7 : i32
    %dma_start3A_144 = arith.constant 15 : i32
    %dma_start3A_145 = arith.constant 0 : i32
    %dma_start3A_146 = tpu.memref_slice %arg11[%dma_start3A_144, %dma_start3A_145] : memref<16x128xi32, #tpu.memory_space<vmem>> -> memref<1x128xi32, #tpu.memory_space<vmem>>
    %dma_start3A_147 = tpu.memref_squeeze %dma_start3A_146 : memref<1x128xi32, #tpu.memory_space<vmem>> -> memref<128xi32, #tpu.memory_space<vmem>>
    %dma_start3A_148 = arith.constant 0 : i32
    %dma_start3A_149 = arith.constant 0 : i32
    %dma_start3A_150 = tpu.memref_slice %arg2[%dma_start3A_148, %dma_start3A_149] : memref<10240x128xf32, #tpu.memory_space<hbm>> -> memref<10240x128xf32, #tpu.memory_space<hbm>>
    tpu.enqueue_indirect_dma source(%dma_start3A_150 : memref<10240x128xf32, #tpu.memory_space<hbm>>) target(%arg14 : memref<128x128xf32, #tpu.memory_space<vmem>>) offsets(%dma_start3A_147 : memref<128xi32, #tpu.memory_space<vmem>>) semaphore(%arg17 : memref<!tpu.dma_semaphore, #tpu.memory_space<semaphore_mem>>)
    %dma_wait3A_151 = arith.constant 14 : i32
    %dma_wait3A_152 = arith.constant 0 : i32
    %dma_wait3A_153 = tpu.memref_slice %arg11[%dma_wait3A_151, %dma_wait3A_152] : memref<16x128xi32, #tpu.memory_space<vmem>> -> memref<1x128xi32, #tpu.memory_space<vmem>>
    %dma_wait3A_154 = tpu.memref_squeeze %dma_wait3A_153 : memref<1x128xi32, #tpu.memory_space<vmem>> -> memref<128xi32, #tpu.memory_space<vmem>>
    %dma_wait3A_155 = arith.constant 0 : i32
    %dma_wait3A_156 = arith.constant 0 : i32
    %dma_wait3A_157 = tpu.memref_slice %arg2[%dma_wait3A_155, %dma_wait3A_156] : memref<10240x128xf32, #tpu.memory_space<hbm>> -> memref<10240x128xf32, #tpu.memory_space<hbm>>
    tpu.wait_indirect_dma semaphore(%arg16 : memref<!tpu.dma_semaphore, #tpu.memory_space<semaphore_mem>>) src(%dma_wait3A_157 : memref<10240x128xf32, #tpu.memory_space<hbm>>) dst(%arg13 : memref<128x128xf32, #tpu.memory_space<vmem>>)
    %run_scoped3A_158 = arith.constant 14 : i32
    "tpu.region"() ({
      %run_scoped3A_364 = tpu.sem_alloc : memref<!tpu.dma_semaphore, #tpu.memory_space<semaphore_mem>>
      %dma_start3A_365 = arith.constant 0 : i32
      %dma_start3A_366 = tpu.memref_slice %arg12[%run_scoped3A_158, %dma_start3A_365] : memref<16x128xi32, #tpu.memory_space<vmem>> -> memref<1x128xi32, #tpu.memory_space<vmem>>
      %dma_start3A_367 = tpu.memref_squeeze %dma_start3A_366 : memref<1x128xi32, #tpu.memory_space<vmem>> -> memref<128xi32, #tpu.memory_space<vmem>>
      %dma_start3A_368 = arith.constant 0 : i32
      %dma_start3A_369 = arith.constant 0 : i32
      %dma_start3A_370 = tpu.memref_slice %arg15[%dma_start3A_368, %dma_start3A_369] : memref<10240x128xf32, #tpu.memory_space<vmem_shared>> -> memref<10240x128xf32, #tpu.memory_space<vmem_shared>>
      tpu.enqueue_indirect_dma source(%arg13 : memref<128x128xf32, #tpu.memory_space<vmem>>) target(%dma_start3A_370 : memref<10240x128xf32, #tpu.memory_space<vmem_shared>>) offsets(%dma_start3A_367 : memref<128xi32, #tpu.memory_space<vmem>>) semaphore(%run_scoped3A_364 : memref<!tpu.dma_semaphore, #tpu.memory_space<semaphore_mem>>) {add = true}
      %dma_wait3A_371 = arith.constant 0 : i32
      %dma_wait3A_372 = tpu.memref_slice %arg12[%run_scoped3A_158, %dma_wait3A_371] : memref<16x128xi32, #tpu.memory_space<vmem>> -> memref<1x128xi32, #tpu.memory_space<vmem>>
      %dma_wait3A_373 = tpu.memref_squeeze %dma_wait3A_372 : memref<1x128xi32, #tpu.memory_space<vmem>> -> memref<128xi32, #tpu.memory_space<vmem>>
      %dma_wait3A_374 = arith.constant 0 : i32
      %dma_wait3A_375 = arith.constant 0 : i32
      %dma_wait3A_376 = tpu.memref_slice %arg15[%dma_wait3A_374, %dma_wait3A_375] : memref<10240x128xf32, #tpu.memory_space<vmem_shared>> -> memref<10240x128xf32, #tpu.memory_space<vmem_shared>>
      tpu.wait_indirect_dma semaphore(%run_scoped3A_364 : memref<!tpu.dma_semaphore, #tpu.memory_space<semaphore_mem>>) src(%arg13 : memref<128x128xf32, #tpu.memory_space<vmem>>) dst(%dma_wait3A_376 : memref<10240x128xf32, #tpu.memory_space<vmem_shared>>)
      tpu.yield
    }) : () -> ()
    %run_scoped3A_159 = arith.constant 14 : i32
    "tpu.region"() ({
      %run_scoped3A_364 = tpu.sem_alloc : memref<!tpu.dma_semaphore, #tpu.memory_space<semaphore_mem>>
      %dma_start3A_365 = arith.constant 0 : i32
      %dma_start3A_366 = tpu.memref_slice %arg12[%run_scoped3A_159, %dma_start3A_365] : memref<16x128xi32, #tpu.memory_space<vmem>> -> memref<1x128xi32, #tpu.memory_space<vmem>>
      %dma_start3A_367 = tpu.memref_squeeze %dma_start3A_366 : memref<1x128xi32, #tpu.memory_space<vmem>> -> memref<128xi32, #tpu.memory_space<vmem>>
      %dma_start3A_368 = arith.constant 0 : i32
      %dma_start3A_369 = tpu.memref_slice %arg21[%dma_start3A_368] : memref<10240xf32, #tpu.memory_space<vmem_shared>> -> memref<10240xf32, #tpu.memory_space<vmem_shared>>
      tpu.enqueue_indirect_dma source(%arg20 : memref<128xf32, #tpu.memory_space<vmem>>) target(%dma_start3A_369 : memref<10240xf32, #tpu.memory_space<vmem_shared>>) offsets(%dma_start3A_367 : memref<128xi32, #tpu.memory_space<vmem>>) semaphore(%run_scoped3A_364 : memref<!tpu.dma_semaphore, #tpu.memory_space<semaphore_mem>>) {add = true}
      %dma_wait3A_370 = arith.constant 0 : i32
      %dma_wait3A_371 = tpu.memref_slice %arg12[%run_scoped3A_159, %dma_wait3A_370] : memref<16x128xi32, #tpu.memory_space<vmem>> -> memref<1x128xi32, #tpu.memory_space<vmem>>
      %dma_wait3A_372 = tpu.memref_squeeze %dma_wait3A_371 : memref<1x128xi32, #tpu.memory_space<vmem>> -> memref<128xi32, #tpu.memory_space<vmem>>
      %dma_wait3A_373 = arith.constant 0 : i32
      %dma_wait3A_374 = tpu.memref_slice %arg21[%dma_wait3A_373] : memref<10240xf32, #tpu.memory_space<vmem_shared>> -> memref<10240xf32, #tpu.memory_space<vmem_shared>>
      tpu.wait_indirect_dma semaphore(%run_scoped3A_364 : memref<!tpu.dma_semaphore, #tpu.memory_space<semaphore_mem>>) src(%arg20 : memref<128xf32, #tpu.memory_space<vmem>>) dst(%dma_wait3A_374 : memref<10240xf32, #tpu.memory_space<vmem_shared>>)
      tpu.yield
    }) : () -> ()
    %dma_wait3A_160 = arith.constant 15 : i32
    %dma_wait3A_161 = arith.constant 0 : i32
    %dma_wait3A_162 = tpu.memref_slice %arg11[%dma_wait3A_160, %dma_wait3A_161] : memref<16x128xi32, #tpu.memory_space<vmem>> -> memref<1x128xi32, #tpu.memory_space<vmem>>
    %dma_wait3A_163 = tpu.memref_squeeze %dma_wait3A_162 : memref<1x128xi32, #tpu.memory_space<vmem>> -> memref<128xi32, #tpu.memory_space<vmem>>
    %dma_wait3A_164 = arith.constant 0 : i32
    %dma_wait3A_165 = arith.constant 0 : i32
    %dma_wait3A_166 = tpu.memref_slice %arg2[%dma_wait3A_164, %dma_wait3A_165] : memref<10240x128xf32, #tpu.memory_space<hbm>> -> memref<10240x128xf32, #tpu.memory_space<hbm>>
    tpu.wait_indirect_dma semaphore(%arg17 : memref<!tpu.dma_semaphore, #tpu.memory_space<semaphore_mem>>) src(%dma_wait3A_166 : memref<10240x128xf32, #tpu.memory_space<hbm>>) dst(%arg14 : memref<128x128xf32, #tpu.memory_space<vmem>>)
    %run_scoped3A_167 = arith.constant 15 : i32
    "tpu.region"() ({
      %run_scoped3A_364 = tpu.sem_alloc : memref<!tpu.dma_semaphore, #tpu.memory_space<semaphore_mem>>
      %dma_start3A_365 = arith.constant 0 : i32
      %dma_start3A_366 = tpu.memref_slice %arg12[%run_scoped3A_167, %dma_start3A_365] : memref<16x128xi32, #tpu.memory_space<vmem>> -> memref<1x128xi32, #tpu.memory_space<vmem>>
      %dma_start3A_367 = tpu.memref_squeeze %dma_start3A_366 : memref<1x128xi32, #tpu.memory_space<vmem>> -> memref<128xi32, #tpu.memory_space<vmem>>
      %dma_start3A_368 = arith.constant 0 : i32
      %dma_start3A_369 = arith.constant 0 : i32
      %dma_start3A_370 = tpu.memref_slice %arg15[%dma_start3A_368, %dma_start3A_369] : memref<10240x128xf32, #tpu.memory_space<vmem_shared>> -> memref<10240x128xf32, #tpu.memory_space<vmem_shared>>
      tpu.enqueue_indirect_dma source(%arg14 : memref<128x128xf32, #tpu.memory_space<vmem>>) target(%dma_start3A_370 : memref<10240x128xf32, #tpu.memory_space<vmem_shared>>) offsets(%dma_start3A_367 : memref<128xi32, #tpu.memory_space<vmem>>) semaphore(%run_scoped3A_364 : memref<!tpu.dma_semaphore, #tpu.memory_space<semaphore_mem>>) {add = true}
      %dma_wait3A_371 = arith.constant 0 : i32
      %dma_wait3A_372 = tpu.memref_slice %arg12[%run_scoped3A_167, %dma_wait3A_371] : memref<16x128xi32, #tpu.memory_space<vmem>> -> memref<1x128xi32, #tpu.memory_space<vmem>>
      %dma_wait3A_373 = tpu.memref_squeeze %dma_wait3A_372 : memref<1x128xi32, #tpu.memory_space<vmem>> -> memref<128xi32, #tpu.memory_space<vmem>>
      %dma_wait3A_374 = arith.constant 0 : i32
      %dma_wait3A_375 = arith.constant 0 : i32
      %dma_wait3A_376 = tpu.memref_slice %arg15[%dma_wait3A_374, %dma_wait3A_375] : memref<10240x128xf32, #tpu.memory_space<vmem_shared>> -> memref<10240x128xf32, #tpu.memory_space<vmem_shared>>
      tpu.wait_indirect_dma semaphore(%run_scoped3A_364 : memref<!tpu.dma_semaphore, #tpu.memory_space<semaphore_mem>>) src(%arg14 : memref<128x128xf32, #tpu.memory_space<vmem>>) dst(%dma_wait3A_376 : memref<10240x128xf32, #tpu.memory_space<vmem_shared>>)
      tpu.yield
    }) : () -> ()
    %run_scoped3A_168 = arith.constant 15 : i32
    "tpu.region"() ({
      %run_scoped3A_364 = tpu.sem_alloc : memref<!tpu.dma_semaphore, #tpu.memory_space<semaphore_mem>>
      %dma_start3A_365 = arith.constant 0 : i32
      %dma_start3A_366 = tpu.memref_slice %arg12[%run_scoped3A_168, %dma_start3A_365] : memref<16x128xi32, #tpu.memory_space<vmem>> -> memref<1x128xi32, #tpu.memory_space<vmem>>
      %dma_start3A_367 = tpu.memref_squeeze %dma_start3A_366 : memref<1x128xi32, #tpu.memory_space<vmem>> -> memref<128xi32, #tpu.memory_space<vmem>>
      %dma_start3A_368 = arith.constant 0 : i32
      %dma_start3A_369 = tpu.memref_slice %arg21[%dma_start3A_368] : memref<10240xf32, #tpu.memory_space<vmem_shared>> -> memref<10240xf32, #tpu.memory_space<vmem_shared>>
      tpu.enqueue_indirect_dma source(%arg20 : memref<128xf32, #tpu.memory_space<vmem>>) target(%dma_start3A_369 : memref<10240xf32, #tpu.memory_space<vmem_shared>>) offsets(%dma_start3A_367 : memref<128xi32, #tpu.memory_space<vmem>>) semaphore(%run_scoped3A_364 : memref<!tpu.dma_semaphore, #tpu.memory_space<semaphore_mem>>) {add = true}
      %dma_wait3A_370 = arith.constant 0 : i32
      %dma_wait3A_371 = tpu.memref_slice %arg12[%run_scoped3A_168, %dma_wait3A_370] : memref<16x128xi32, #tpu.memory_space<vmem>> -> memref<1x128xi32, #tpu.memory_space<vmem>>
      %dma_wait3A_372 = tpu.memref_squeeze %dma_wait3A_371 : memref<1x128xi32, #tpu.memory_space<vmem>> -> memref<128xi32, #tpu.memory_space<vmem>>
      %dma_wait3A_373 = arith.constant 0 : i32
      %dma_wait3A_374 = tpu.memref_slice %arg21[%dma_wait3A_373] : memref<10240xf32, #tpu.memory_space<vmem_shared>> -> memref<10240xf32, #tpu.memory_space<vmem_shared>>
      tpu.wait_indirect_dma semaphore(%run_scoped3A_364 : memref<!tpu.dma_semaphore, #tpu.memory_space<semaphore_mem>>) src(%arg20 : memref<128xf32, #tpu.memory_space<vmem>>) dst(%dma_wait3A_374 : memref<10240xf32, #tpu.memory_space<vmem_shared>>)
      tpu.yield
    }) : () -> ()
    %dma_wait3A_169 = arith.constant 32 : i32
    %dma_wait3A_170 = arith.constant 0 : i32
    %dma_wait3A_171 = tpu.memref_slice %arg3[%add3A, %dma_wait3A_169, %dma_wait3A_170] : memref<32x80x128xi32, #tpu.memory_space<hbm>> -> memref<1x16x128xi32, #tpu.memory_space<hbm>>
    %dma_wait3A_172 = tpu.memref_squeeze %dma_wait3A_171 : memref<1x16x128xi32, #tpu.memory_space<hbm>> -> memref<16x128xi32, #tpu.memory_space<hbm>>
    %dma_wait3A_173 = arith.constant 32 : i32
    %dma_wait3A_174 = arith.constant 0 : i32
    %dma_wait3A_175 = tpu.memref_slice %arg3[%add3A, %dma_wait3A_173, %dma_wait3A_174] : memref<32x80x128xi32, #tpu.memory_space<hbm>> -> memref<1x16x128xi32, #tpu.memory_space<hbm>>
    %dma_wait3A_176 = tpu.memref_squeeze %dma_wait3A_175 : memref<1x16x128xi32, #tpu.memory_space<hbm>> -> memref<16x128xi32, #tpu.memory_space<hbm>>
    tpu.wait_dma2 semaphore(%arg18 : memref<!tpu.dma_semaphore, #tpu.memory_space<semaphore_mem>>) src(%dma_wait3A_176 : memref<16x128xi32, #tpu.memory_space<hbm>>) dst(%arg9 : memref<16x128xi32, #tpu.memory_space<vmem>>)
    %dma_wait3A_177 = arith.constant 32 : i32
    %dma_wait3A_178 = arith.constant 0 : i32
    %dma_wait3A_179 = tpu.memref_slice %arg4[%add3A, %dma_wait3A_177, %dma_wait3A_178] : memref<32x80x128xi32, #tpu.memory_space<hbm>> -> memref<1x16x128xi32, #tpu.memory_space<hbm>>
    %dma_wait3A_180 = tpu.memref_squeeze %dma_wait3A_179 : memref<1x16x128xi32, #tpu.memory_space<hbm>> -> memref<16x128xi32, #tpu.memory_space<hbm>>
    %dma_wait3A_181 = arith.constant 32 : i32
    %dma_wait3A_182 = arith.constant 0 : i32
    %dma_wait3A_183 = tpu.memref_slice %arg4[%add3A, %dma_wait3A_181, %dma_wait3A_182] : memref<32x80x128xi32, #tpu.memory_space<hbm>> -> memref<1x16x128xi32, #tpu.memory_space<hbm>>
    %dma_wait3A_184 = tpu.memref_squeeze %dma_wait3A_183 : memref<1x16x128xi32, #tpu.memory_space<hbm>> -> memref<16x128xi32, #tpu.memory_space<hbm>>
    tpu.wait_dma2 semaphore(%arg19 : memref<!tpu.dma_semaphore, #tpu.memory_space<semaphore_mem>>) src(%dma_wait3A_184 : memref<16x128xi32, #tpu.memory_space<hbm>>) dst(%arg10 : memref<16x128xi32, #tpu.memory_space<vmem>>)
    %dma_start3A_185 = arith.constant 48 : i32
    %dma_start3A_186 = arith.constant 0 : i32
    %dma_start3A_187 = tpu.memref_slice %arg3[%add3A, %dma_start3A_185, %dma_start3A_186] : memref<32x80x128xi32, #tpu.memory_space<hbm>> -> memref<1x16x128xi32, #tpu.memory_space<hbm>>
    %dma_start3A_188 = tpu.memref_squeeze %dma_start3A_187 : memref<1x16x128xi32, #tpu.memory_space<hbm>> -> memref<16x128xi32, #tpu.memory_space<hbm>>
    %dma_start3A_189 = arith.constant 48 : i32
    %dma_start3A_190 = arith.constant 0 : i32
    %dma_start3A_191 = tpu.memref_slice %arg3[%add3A, %dma_start3A_189, %dma_start3A_190] : memref<32x80x128xi32, #tpu.memory_space<hbm>> -> memref<1x16x128xi32, #tpu.memory_space<hbm>>
    %dma_start3A_192 = tpu.memref_squeeze %dma_start3A_191 : memref<1x16x128xi32, #tpu.memory_space<hbm>> -> memref<16x128xi32, #tpu.memory_space<hbm>>
    tpu.enqueue_dma source(%dma_start3A_192 : memref<16x128xi32, #tpu.memory_space<hbm>>) target(%arg11 : memref<16x128xi32, #tpu.memory_space<vmem>>) target_semaphore(%arg18 : memref<!tpu.dma_semaphore, #tpu.memory_space<semaphore_mem>>)
    %dma_start3A_193 = arith.constant 48 : i32
    %dma_start3A_194 = arith.constant 0 : i32
    %dma_start3A_195 = tpu.memref_slice %arg4[%add3A, %dma_start3A_193, %dma_start3A_194] : memref<32x80x128xi32, #tpu.memory_space<hbm>> -> memref<1x16x128xi32, #tpu.memory_space<hbm>>
    %dma_start3A_196 = tpu.memref_squeeze %dma_start3A_195 : memref<1x16x128xi32, #tpu.memory_space<hbm>> -> memref<16x128xi32, #tpu.memory_space<hbm>>
    %dma_start3A_197 = arith.constant 48 : i32
    %dma_start3A_198 = arith.constant 0 : i32
    %dma_start3A_199 = tpu.memref_slice %arg4[%add3A, %dma_start3A_197, %dma_start3A_198] : memref<32x80x128xi32, #tpu.memory_space<hbm>> -> memref<1x16x128xi32, #tpu.memory_space<hbm>>
    %dma_start3A_200 = tpu.memref_squeeze %dma_start3A_199 : memref<1x16x128xi32, #tpu.memory_space<hbm>> -> memref<16x128xi32, #tpu.memory_space<hbm>>
    tpu.enqueue_dma source(%dma_start3A_200 : memref<16x128xi32, #tpu.memory_space<hbm>>) target(%arg12 : memref<16x128xi32, #tpu.memory_space<vmem>>) target_semaphore(%arg19 : memref<!tpu.dma_semaphore, #tpu.memory_space<semaphore_mem>>)
    %dma_start3A_201 = arith.constant 0 : i32
    %dma_start3A_202 = arith.constant 0 : i32
    %dma_start3A_203 = tpu.memref_slice %arg9[%dma_start3A_201, %dma_start3A_202] : memref<16x128xi32, #tpu.memory_space<vmem>> -> memref<1x128xi32, #tpu.memory_space<vmem>>
    %dma_start3A_204 = tpu.memref_squeeze %dma_start3A_203 : memref<1x128xi32, #tpu.memory_space<vmem>> -> memref<128xi32, #tpu.memory_space<vmem>>
    %dma_start3A_205 = arith.constant 0 : i32
    %dma_start3A_206 = arith.constant 0 : i32
    %dma_start3A_207 = tpu.memref_slice %arg2[%dma_start3A_205, %dma_start3A_206] : memref<10240x128xf32, #tpu.memory_space<hbm>> -> memref<10240x128xf32, #tpu.memory_space<hbm>>
    tpu.enqueue_indirect_dma source(%dma_start3A_207 : memref<10240x128xf32, #tpu.memory_space<hbm>>) target(%arg13 : memref<128x128xf32, #tpu.memory_space<vmem>>) offsets(%dma_start3A_204 : memref<128xi32, #tpu.memory_space<vmem>>) semaphore(%arg16 : memref<!tpu.dma_semaphore, #tpu.memory_space<semaphore_mem>>)
    %scan3A_208 = arith.constant 0 : i32
    %scan3A_209 = arith.constant 0 : i32
    %scan3A_210 = arith.constant 7 : i32
    %scan3A_211 = arith.addi %scan3A_209, %scan3A_210 : i32
    %scan3A_212 = arith.constant 1 : i32
    scf.for %scan3A_364 = %scan3A_209 to %scan3A_211 step %scan3A_212  : i32 {
      %mul3A_365 = arith.constant 2 : i32
      %mul3A_366 = arith.muli %mul3A_365, %scan3A_364 : i32
      %add3A_367 = arith.constant 1 : i32
      %add3A_368 = arith.addi %mul3A_366, %add3A_367 : i32
      %dma_start3A_369 = arith.constant 0 : i32
      %dma_start3A_370 = tpu.memref_slice %arg9[%add3A_368, %dma_start3A_369] : memref<16x128xi32, #tpu.memory_space<vmem>> -> memref<1x128xi32, #tpu.memory_space<vmem>>
      %dma_start3A_371 = tpu.memref_squeeze %dma_start3A_370 : memref<1x128xi32, #tpu.memory_space<vmem>> -> memref<128xi32, #tpu.memory_space<vmem>>
      %dma_start3A_372 = arith.constant 0 : i32
      %dma_start3A_373 = arith.constant 0 : i32
      %dma_start3A_374 = tpu.memref_slice %arg2[%dma_start3A_372, %dma_start3A_373] : memref<10240x128xf32, #tpu.memory_space<hbm>> -> memref<10240x128xf32, #tpu.memory_space<hbm>>
      tpu.enqueue_indirect_dma source(%dma_start3A_374 : memref<10240x128xf32, #tpu.memory_space<hbm>>) target(%arg14 : memref<128x128xf32, #tpu.memory_space<vmem>>) offsets(%dma_start3A_371 : memref<128xi32, #tpu.memory_space<vmem>>) semaphore(%arg17 : memref<!tpu.dma_semaphore, #tpu.memory_space<semaphore_mem>>)
      %dma_wait3A_375 = arith.constant 0 : i32
      %dma_wait3A_376 = tpu.memref_slice %arg9[%mul3A_366, %dma_wait3A_375] : memref<16x128xi32, #tpu.memory_space<vmem>> -> memref<1x128xi32, #tpu.memory_space<vmem>>
      %dma_wait3A_377 = tpu.memref_squeeze %dma_wait3A_376 : memref<1x128xi32, #tpu.memory_space<vmem>> -> memref<128xi32, #tpu.memory_space<vmem>>
      %dma_wait3A_378 = arith.constant 0 : i32
      %dma_wait3A_379 = arith.constant 0 : i32
      %dma_wait3A_380 = tpu.memref_slice %arg2[%dma_wait3A_378, %dma_wait3A_379] : memref<10240x128xf32, #tpu.memory_space<hbm>> -> memref<10240x128xf32, #tpu.memory_space<hbm>>
      tpu.wait_indirect_dma semaphore(%arg16 : memref<!tpu.dma_semaphore, #tpu.memory_space<semaphore_mem>>) src(%dma_wait3A_380 : memref<10240x128xf32, #tpu.memory_space<hbm>>) dst(%arg13 : memref<128x128xf32, #tpu.memory_space<vmem>>)
      "tpu.region"() ({
        %run_scoped3A_399 = tpu.sem_alloc : memref<!tpu.dma_semaphore, #tpu.memory_space<semaphore_mem>>
        %dma_start3A_400 = arith.constant 0 : i32
        %dma_start3A_401 = tpu.memref_slice %arg10[%mul3A_366, %dma_start3A_400] : memref<16x128xi32, #tpu.memory_space<vmem>> -> memref<1x128xi32, #tpu.memory_space<vmem>>
        %dma_start3A_402 = tpu.memref_squeeze %dma_start3A_401 : memref<1x128xi32, #tpu.memory_space<vmem>> -> memref<128xi32, #tpu.memory_space<vmem>>
        %dma_start3A_403 = arith.constant 0 : i32
        %dma_start3A_404 = arith.constant 0 : i32
        %dma_start3A_405 = tpu.memref_slice %arg15[%dma_start3A_403, %dma_start3A_404] : memref<10240x128xf32, #tpu.memory_space<vmem_shared>> -> memref<10240x128xf32, #tpu.memory_space<vmem_shared>>
        tpu.enqueue_indirect_dma source(%arg13 : memref<128x128xf32, #tpu.memory_space<vmem>>) target(%dma_start3A_405 : memref<10240x128xf32, #tpu.memory_space<vmem_shared>>) offsets(%dma_start3A_402 : memref<128xi32, #tpu.memory_space<vmem>>) semaphore(%run_scoped3A_399 : memref<!tpu.dma_semaphore, #tpu.memory_space<semaphore_mem>>) {add = true}
        %dma_wait3A_406 = arith.constant 0 : i32
        %dma_wait3A_407 = tpu.memref_slice %arg10[%mul3A_366, %dma_wait3A_406] : memref<16x128xi32, #tpu.memory_space<vmem>> -> memref<1x128xi32, #tpu.memory_space<vmem>>
        %dma_wait3A_408 = tpu.memref_squeeze %dma_wait3A_407 : memref<1x128xi32, #tpu.memory_space<vmem>> -> memref<128xi32, #tpu.memory_space<vmem>>
        %dma_wait3A_409 = arith.constant 0 : i32
        %dma_wait3A_410 = arith.constant 0 : i32
        %dma_wait3A_411 = tpu.memref_slice %arg15[%dma_wait3A_409, %dma_wait3A_410] : memref<10240x128xf32, #tpu.memory_space<vmem_shared>> -> memref<10240x128xf32, #tpu.memory_space<vmem_shared>>
        tpu.wait_indirect_dma semaphore(%run_scoped3A_399 : memref<!tpu.dma_semaphore, #tpu.memory_space<semaphore_mem>>) src(%arg13 : memref<128x128xf32, #tpu.memory_space<vmem>>) dst(%dma_wait3A_411 : memref<10240x128xf32, #tpu.memory_space<vmem_shared>>)
        tpu.yield
      }) : () -> ()
      "tpu.region"() ({
        %run_scoped3A_399 = tpu.sem_alloc : memref<!tpu.dma_semaphore, #tpu.memory_space<semaphore_mem>>
        %dma_start3A_400 = arith.constant 0 : i32
        %dma_start3A_401 = tpu.memref_slice %arg10[%mul3A_366, %dma_start3A_400] : memref<16x128xi32, #tpu.memory_space<vmem>> -> memref<1x128xi32, #tpu.memory_space<vmem>>
        %dma_start3A_402 = tpu.memref_squeeze %dma_start3A_401 : memref<1x128xi32, #tpu.memory_space<vmem>> -> memref<128xi32, #tpu.memory_space<vmem>>
        %dma_start3A_403 = arith.constant 0 : i32
        %dma_start3A_404 = tpu.memref_slice %arg21[%dma_start3A_403] : memref<10240xf32, #tpu.memory_space<vmem_shared>> -> memref<10240xf32, #tpu.memory_space<vmem_shared>>
        tpu.enqueue_indirect_dma source(%arg20 : memref<128xf32, #tpu.memory_space<vmem>>) target(%dma_start3A_404 : memref<10240xf32, #tpu.memory_space<vmem_shared>>) offsets(%dma_start3A_402 : memref<128xi32, #tpu.memory_space<vmem>>) semaphore(%run_scoped3A_399 : memref<!tpu.dma_semaphore, #tpu.memory_space<semaphore_mem>>) {add = true}
        %dma_wait3A_405 = arith.constant 0 : i32
        %dma_wait3A_406 = tpu.memref_slice %arg10[%mul3A_366, %dma_wait3A_405] : memref<16x128xi32, #tpu.memory_space<vmem>> -> memref<1x128xi32, #tpu.memory_space<vmem>>
        %dma_wait3A_407 = tpu.memref_squeeze %dma_wait3A_406 : memref<1x128xi32, #tpu.memory_space<vmem>> -> memref<128xi32, #tpu.memory_space<vmem>>
        %dma_wait3A_408 = arith.constant 0 : i32
        %dma_wait3A_409 = tpu.memref_slice %arg21[%dma_wait3A_408] : memref<10240xf32, #tpu.memory_space<vmem_shared>> -> memref<10240xf32, #tpu.memory_space<vmem_shared>>
        tpu.wait_indirect_dma semaphore(%run_scoped3A_399 : memref<!tpu.dma_semaphore, #tpu.memory_space<semaphore_mem>>) src(%arg20 : memref<128xf32, #tpu.memory_space<vmem>>) dst(%dma_wait3A_409 : memref<10240xf32, #tpu.memory_space<vmem_shared>>)
        tpu.yield
      }) : () -> ()
      %add3A_381 = arith.constant 2 : i32
      %add3A_382 = arith.addi %mul3A_366, %add3A_381 : i32
      %dma_start3A_383 = arith.constant 0 : i32
      %dma_start3A_384 = tpu.memref_slice %arg9[%add3A_382, %dma_start3A_383] : memref<16x128xi32, #tpu.memory_space<vmem>> -> memref<1x128xi32, #tpu.memory_space<vmem>>
      %dma_start3A_385 = tpu.memref_squeeze %dma_start3A_384 : memref<1x128xi32, #tpu.memory_space<vmem>> -> memref<128xi32, #tpu.memory_space<vmem>>
      %dma_start3A_386 = arith.constant 0 : i32
      %dma_start3A_387 = arith.constant 0 : i32
      %dma_start3A_388 = tpu.memref_slice %arg2[%dma_start3A_386, %dma_start3A_387] : memref<10240x128xf32, #tpu.memory_space<hbm>> -> memref<10240x128xf32, #tpu.memory_space<hbm>>
      tpu.enqueue_indirect_dma source(%dma_start3A_388 : memref<10240x128xf32, #tpu.memory_space<hbm>>) target(%arg13 : memref<128x128xf32, #tpu.memory_space<vmem>>) offsets(%dma_start3A_385 : memref<128xi32, #tpu.memory_space<vmem>>) semaphore(%arg16 : memref<!tpu.dma_semaphore, #tpu.memory_space<semaphore_mem>>)
      %add3A_389 = arith.constant 1 : i32
      %add3A_390 = arith.addi %mul3A_366, %add3A_389 : i32
      %dma_wait3A_391 = arith.constant 0 : i32
      %dma_wait3A_392 = tpu.memref_slice %arg9[%add3A_390, %dma_wait3A_391] : memref<16x128xi32, #tpu.memory_space<vmem>> -> memref<1x128xi32, #tpu.memory_space<vmem>>
      %dma_wait3A_393 = tpu.memref_squeeze %dma_wait3A_392 : memref<1x128xi32, #tpu.memory_space<vmem>> -> memref<128xi32, #tpu.memory_space<vmem>>
      %dma_wait3A_394 = arith.constant 0 : i32
      %dma_wait3A_395 = arith.constant 0 : i32
      %dma_wait3A_396 = tpu.memref_slice %arg2[%dma_wait3A_394, %dma_wait3A_395] : memref<10240x128xf32, #tpu.memory_space<hbm>> -> memref<10240x128xf32, #tpu.memory_space<hbm>>
      tpu.wait_indirect_dma semaphore(%arg17 : memref<!tpu.dma_semaphore, #tpu.memory_space<semaphore_mem>>) src(%dma_wait3A_396 : memref<10240x128xf32, #tpu.memory_space<hbm>>) dst(%arg14 : memref<128x128xf32, #tpu.memory_space<vmem>>)
      %add3A_397 = arith.constant 1 : i32
      %add3A_398 = arith.addi %mul3A_366, %add3A_397 : i32
      "tpu.region"() ({
        %run_scoped3A_399 = tpu.sem_alloc : memref<!tpu.dma_semaphore, #tpu.memory_space<semaphore_mem>>
        %dma_start3A_400 = arith.constant 0 : i32
        %dma_start3A_401 = tpu.memref_slice %arg10[%add3A_398, %dma_start3A_400] : memref<16x128xi32, #tpu.memory_space<vmem>> -> memref<1x128xi32, #tpu.memory_space<vmem>>
        %dma_start3A_402 = tpu.memref_squeeze %dma_start3A_401 : memref<1x128xi32, #tpu.memory_space<vmem>> -> memref<128xi32, #tpu.memory_space<vmem>>
        %dma_start3A_403 = arith.constant 0 : i32
        %dma_start3A_404 = arith.constant 0 : i32
        %dma_start3A_405 = tpu.memref_slice %arg15[%dma_start3A_403, %dma_start3A_404] : memref<10240x128xf32, #tpu.memory_space<vmem_shared>> -> memref<10240x128xf32, #tpu.memory_space<vmem_shared>>
        tpu.enqueue_indirect_dma source(%arg14 : memref<128x128xf32, #tpu.memory_space<vmem>>) target(%dma_start3A_405 : memref<10240x128xf32, #tpu.memory_space<vmem_shared>>) offsets(%dma_start3A_402 : memref<128xi32, #tpu.memory_space<vmem>>) semaphore(%run_scoped3A_399 : memref<!tpu.dma_semaphore, #tpu.memory_space<semaphore_mem>>) {add = true}
        %dma_wait3A_406 = arith.constant 0 : i32
        %dma_wait3A_407 = tpu.memref_slice %arg10[%add3A_398, %dma_wait3A_406] : memref<16x128xi32, #tpu.memory_space<vmem>> -> memref<1x128xi32, #tpu.memory_space<vmem>>
        %dma_wait3A_408 = tpu.memref_squeeze %dma_wait3A_407 : memref<1x128xi32, #tpu.memory_space<vmem>> -> memref<128xi32, #tpu.memory_space<vmem>>
        %dma_wait3A_409 = arith.constant 0 : i32
        %dma_wait3A_410 = arith.constant 0 : i32
        %dma_wait3A_411 = tpu.memref_slice %arg15[%dma_wait3A_409, %dma_wait3A_410] : memref<10240x128xf32, #tpu.memory_space<vmem_shared>> -> memref<10240x128xf32, #tpu.memory_space<vmem_shared>>
        tpu.wait_indirect_dma semaphore(%run_scoped3A_399 : memref<!tpu.dma_semaphore, #tpu.memory_space<semaphore_mem>>) src(%arg14 : memref<128x128xf32, #tpu.memory_space<vmem>>) dst(%dma_wait3A_411 : memref<10240x128xf32, #tpu.memory_space<vmem_shared>>)
        tpu.yield
      }) : () -> ()
      "tpu.region"() ({
        %run_scoped3A_399 = tpu.sem_alloc : memref<!tpu.dma_semaphore, #tpu.memory_space<semaphore_mem>>
        %dma_start3A_400 = arith.constant 0 : i32
        %dma_start3A_401 = tpu.memref_slice %arg10[%add3A_398, %dma_start3A_400] : memref<16x128xi32, #tpu.memory_space<vmem>> -> memref<1x128xi32, #tpu.memory_space<vmem>>
        %dma_start3A_402 = tpu.memref_squeeze %dma_start3A_401 : memref<1x128xi32, #tpu.memory_space<vmem>> -> memref<128xi32, #tpu.memory_space<vmem>>
        %dma_start3A_403 = arith.constant 0 : i32
        %dma_start3A_404 = tpu.memref_slice %arg21[%dma_start3A_403] : memref<10240xf32, #tpu.memory_space<vmem_shared>> -> memref<10240xf32, #tpu.memory_space<vmem_shared>>
        tpu.enqueue_indirect_dma source(%arg20 : memref<128xf32, #tpu.memory_space<vmem>>) target(%dma_start3A_404 : memref<10240xf32, #tpu.memory_space<vmem_shared>>) offsets(%dma_start3A_402 : memref<128xi32, #tpu.memory_space<vmem>>) semaphore(%run_scoped3A_399 : memref<!tpu.dma_semaphore, #tpu.memory_space<semaphore_mem>>) {add = true}
        %dma_wait3A_405 = arith.constant 0 : i32
        %dma_wait3A_406 = tpu.memref_slice %arg10[%add3A_398, %dma_wait3A_405] : memref<16x128xi32, #tpu.memory_space<vmem>> -> memref<1x128xi32, #tpu.memory_space<vmem>>
        %dma_wait3A_407 = tpu.memref_squeeze %dma_wait3A_406 : memref<1x128xi32, #tpu.memory_space<vmem>> -> memref<128xi32, #tpu.memory_space<vmem>>
        %dma_wait3A_408 = arith.constant 0 : i32
        %dma_wait3A_409 = tpu.memref_slice %arg21[%dma_wait3A_408] : memref<10240xf32, #tpu.memory_space<vmem_shared>> -> memref<10240xf32, #tpu.memory_space<vmem_shared>>
        tpu.wait_indirect_dma semaphore(%run_scoped3A_399 : memref<!tpu.dma_semaphore, #tpu.memory_space<semaphore_mem>>) src(%arg20 : memref<128xf32, #tpu.memory_space<vmem>>) dst(%dma_wait3A_409 : memref<10240xf32, #tpu.memory_space<vmem_shared>>)
        tpu.yield
      }) : () -> ()
    }
    %scan3A_213 = arith.constant 7 : i32
    %dma_start3A_214 = arith.constant 15 : i32
    %dma_start3A_215 = arith.constant 0 : i32
    %dma_start3A_216 = tpu.memref_slice %arg9[%dma_start3A_214, %dma_start3A_215] : memref<16x128xi32, #tpu.memory_space<vmem>> -> memref<1x128xi32, #tpu.memory_space<vmem>>
    %dma_start3A_217 = tpu.memref_squeeze %dma_start3A_216 : memref<1x128xi32, #tpu.memory_space<vmem>> -> memref<128xi32, #tpu.memory_space<vmem>>
    %dma_start3A_218 = arith.constant 0 : i32
    %dma_start3A_219 = arith.constant 0 : i32
    %dma_start3A_220 = tpu.memref_slice %arg2[%dma_start3A_218, %dma_start3A_219] : memref<10240x128xf32, #tpu.memory_space<hbm>> -> memref<10240x128xf32, #tpu.memory_space<hbm>>
    tpu.enqueue_indirect_dma source(%dma_start3A_220 : memref<10240x128xf32, #tpu.memory_space<hbm>>) target(%arg14 : memref<128x128xf32, #tpu.memory_space<vmem>>) offsets(%dma_start3A_217 : memref<128xi32, #tpu.memory_space<vmem>>) semaphore(%arg17 : memref<!tpu.dma_semaphore, #tpu.memory_space<semaphore_mem>>)
    %dma_wait3A_221 = arith.constant 14 : i32
    %dma_wait3A_222 = arith.constant 0 : i32
    %dma_wait3A_223 = tpu.memref_slice %arg9[%dma_wait3A_221, %dma_wait3A_222] : memref<16x128xi32, #tpu.memory_space<vmem>> -> memref<1x128xi32, #tpu.memory_space<vmem>>
    %dma_wait3A_224 = tpu.memref_squeeze %dma_wait3A_223 : memref<1x128xi32, #tpu.memory_space<vmem>> -> memref<128xi32, #tpu.memory_space<vmem>>
    %dma_wait3A_225 = arith.constant 0 : i32
    %dma_wait3A_226 = arith.constant 0 : i32
    %dma_wait3A_227 = tpu.memref_slice %arg2[%dma_wait3A_225, %dma_wait3A_226] : memref<10240x128xf32, #tpu.memory_space<hbm>> -> memref<10240x128xf32, #tpu.memory_space<hbm>>
    tpu.wait_indirect_dma semaphore(%arg16 : memref<!tpu.dma_semaphore, #tpu.memory_space<semaphore_mem>>) src(%dma_wait3A_227 : memref<10240x128xf32, #tpu.memory_space<hbm>>) dst(%arg13 : memref<128x128xf32, #tpu.memory_space<vmem>>)
    %run_scoped3A_228 = arith.constant 14 : i32
    "tpu.region"() ({
      %run_scoped3A_364 = tpu.sem_alloc : memref<!tpu.dma_semaphore, #tpu.memory_space<semaphore_mem>>
      %dma_start3A_365 = arith.constant 0 : i32
      %dma_start3A_366 = tpu.memref_slice %arg10[%run_scoped3A_228, %dma_start3A_365] : memref<16x128xi32, #tpu.memory_space<vmem>> -> memref<1x128xi32, #tpu.memory_space<vmem>>
      %dma_start3A_367 = tpu.memref_squeeze %dma_start3A_366 : memref<1x128xi32, #tpu.memory_space<vmem>> -> memref<128xi32, #tpu.memory_space<vmem>>
      %dma_start3A_368 = arith.constant 0 : i32
      %dma_start3A_369 = arith.constant 0 : i32
      %dma_start3A_370 = tpu.memref_slice %arg15[%dma_start3A_368, %dma_start3A_369] : memref<10240x128xf32, #tpu.memory_space<vmem_shared>> -> memref<10240x128xf32, #tpu.memory_space<vmem_shared>>
      tpu.enqueue_indirect_dma source(%arg13 : memref<128x128xf32, #tpu.memory_space<vmem>>) target(%dma_start3A_370 : memref<10240x128xf32, #tpu.memory_space<vmem_shared>>) offsets(%dma_start3A_367 : memref<128xi32, #tpu.memory_space<vmem>>) semaphore(%run_scoped3A_364 : memref<!tpu.dma_semaphore, #tpu.memory_space<semaphore_mem>>) {add = true}
      %dma_wait3A_371 = arith.constant 0 : i32
      %dma_wait3A_372 = tpu.memref_slice %arg10[%run_scoped3A_228, %dma_wait3A_371] : memref<16x128xi32, #tpu.memory_space<vmem>> -> memref<1x128xi32, #tpu.memory_space<vmem>>
      %dma_wait3A_373 = tpu.memref_squeeze %dma_wait3A_372 : memref<1x128xi32, #tpu.memory_space<vmem>> -> memref<128xi32, #tpu.memory_space<vmem>>
      %dma_wait3A_374 = arith.constant 0 : i32
      %dma_wait3A_375 = arith.constant 0 : i32
      %dma_wait3A_376 = tpu.memref_slice %arg15[%dma_wait3A_374, %dma_wait3A_375] : memref<10240x128xf32, #tpu.memory_space<vmem_shared>> -> memref<10240x128xf32, #tpu.memory_space<vmem_shared>>
      tpu.wait_indirect_dma semaphore(%run_scoped3A_364 : memref<!tpu.dma_semaphore, #tpu.memory_space<semaphore_mem>>) src(%arg13 : memref<128x128xf32, #tpu.memory_space<vmem>>) dst(%dma_wait3A_376 : memref<10240x128xf32, #tpu.memory_space<vmem_shared>>)
      tpu.yield
    }) : () -> ()
    %run_scoped3A_229 = arith.constant 14 : i32
    "tpu.region"() ({
      %run_scoped3A_364 = tpu.sem_alloc : memref<!tpu.dma_semaphore, #tpu.memory_space<semaphore_mem>>
      %dma_start3A_365 = arith.constant 0 : i32
      %dma_start3A_366 = tpu.memref_slice %arg10[%run_scoped3A_229, %dma_start3A_365] : memref<16x128xi32, #tpu.memory_space<vmem>> -> memref<1x128xi32, #tpu.memory_space<vmem>>
      %dma_start3A_367 = tpu.memref_squeeze %dma_start3A_366 : memref<1x128xi32, #tpu.memory_space<vmem>> -> memref<128xi32, #tpu.memory_space<vmem>>
      %dma_start3A_368 = arith.constant 0 : i32
      %dma_start3A_369 = tpu.memref_slice %arg21[%dma_start3A_368] : memref<10240xf32, #tpu.memory_space<vmem_shared>> -> memref<10240xf32, #tpu.memory_space<vmem_shared>>
      tpu.enqueue_indirect_dma source(%arg20 : memref<128xf32, #tpu.memory_space<vmem>>) target(%dma_start3A_369 : memref<10240xf32, #tpu.memory_space<vmem_shared>>) offsets(%dma_start3A_367 : memref<128xi32, #tpu.memory_space<vmem>>) semaphore(%run_scoped3A_364 : memref<!tpu.dma_semaphore, #tpu.memory_space<semaphore_mem>>) {add = true}
      %dma_wait3A_370 = arith.constant 0 : i32
      %dma_wait3A_371 = tpu.memref_slice %arg10[%run_scoped3A_229, %dma_wait3A_370] : memref<16x128xi32, #tpu.memory_space<vmem>> -> memref<1x128xi32, #tpu.memory_space<vmem>>
      %dma_wait3A_372 = tpu.memref_squeeze %dma_wait3A_371 : memref<1x128xi32, #tpu.memory_space<vmem>> -> memref<128xi32, #tpu.memory_space<vmem>>
      %dma_wait3A_373 = arith.constant 0 : i32
      %dma_wait3A_374 = tpu.memref_slice %arg21[%dma_wait3A_373] : memref<10240xf32, #tpu.memory_space<vmem_shared>> -> memref<10240xf32, #tpu.memory_space<vmem_shared>>
      tpu.wait_indirect_dma semaphore(%run_scoped3A_364 : memref<!tpu.dma_semaphore, #tpu.memory_space<semaphore_mem>>) src(%arg20 : memref<128xf32, #tpu.memory_space<vmem>>) dst(%dma_wait3A_374 : memref<10240xf32, #tpu.memory_space<vmem_shared>>)
      tpu.yield
    }) : () -> ()
    %dma_wait3A_230 = arith.constant 15 : i32
    %dma_wait3A_231 = arith.constant 0 : i32
    %dma_wait3A_232 = tpu.memref_slice %arg9[%dma_wait3A_230, %dma_wait3A_231] : memref<16x128xi32, #tpu.memory_space<vmem>> -> memref<1x128xi32, #tpu.memory_space<vmem>>
    %dma_wait3A_233 = tpu.memref_squeeze %dma_wait3A_232 : memref<1x128xi32, #tpu.memory_space<vmem>> -> memref<128xi32, #tpu.memory_space<vmem>>
    %dma_wait3A_234 = arith.constant 0 : i32
    %dma_wait3A_235 = arith.constant 0 : i32
    %dma_wait3A_236 = tpu.memref_slice %arg2[%dma_wait3A_234, %dma_wait3A_235] : memref<10240x128xf32, #tpu.memory_space<hbm>> -> memref<10240x128xf32, #tpu.memory_space<hbm>>
    tpu.wait_indirect_dma semaphore(%arg17 : memref<!tpu.dma_semaphore, #tpu.memory_space<semaphore_mem>>) src(%dma_wait3A_236 : memref<10240x128xf32, #tpu.memory_space<hbm>>) dst(%arg14 : memref<128x128xf32, #tpu.memory_space<vmem>>)
    %run_scoped3A_237 = arith.constant 15 : i32
    "tpu.region"() ({
      %run_scoped3A_364 = tpu.sem_alloc : memref<!tpu.dma_semaphore, #tpu.memory_space<semaphore_mem>>
      %dma_start3A_365 = arith.constant 0 : i32
      %dma_start3A_366 = tpu.memref_slice %arg10[%run_scoped3A_237, %dma_start3A_365] : memref<16x128xi32, #tpu.memory_space<vmem>> -> memref<1x128xi32, #tpu.memory_space<vmem>>
      %dma_start3A_367 = tpu.memref_squeeze %dma_start3A_366 : memref<1x128xi32, #tpu.memory_space<vmem>> -> memref<128xi32, #tpu.memory_space<vmem>>
      %dma_start3A_368 = arith.constant 0 : i32
      %dma_start3A_369 = arith.constant 0 : i32
      %dma_start3A_370 = tpu.memref_slice %arg15[%dma_start3A_368, %dma_start3A_369] : memref<10240x128xf32, #tpu.memory_space<vmem_shared>> -> memref<10240x128xf32, #tpu.memory_space<vmem_shared>>
      tpu.enqueue_indirect_dma source(%arg14 : memref<128x128xf32, #tpu.memory_space<vmem>>) target(%dma_start3A_370 : memref<10240x128xf32, #tpu.memory_space<vmem_shared>>) offsets(%dma_start3A_367 : memref<128xi32, #tpu.memory_space<vmem>>) semaphore(%run_scoped3A_364 : memref<!tpu.dma_semaphore, #tpu.memory_space<semaphore_mem>>) {add = true}
      %dma_wait3A_371 = arith.constant 0 : i32
      %dma_wait3A_372 = tpu.memref_slice %arg10[%run_scoped3A_237, %dma_wait3A_371] : memref<16x128xi32, #tpu.memory_space<vmem>> -> memref<1x128xi32, #tpu.memory_space<vmem>>
      %dma_wait3A_373 = tpu.memref_squeeze %dma_wait3A_372 : memref<1x128xi32, #tpu.memory_space<vmem>> -> memref<128xi32, #tpu.memory_space<vmem>>
      %dma_wait3A_374 = arith.constant 0 : i32
      %dma_wait3A_375 = arith.constant 0 : i32
      %dma_wait3A_376 = tpu.memref_slice %arg15[%dma_wait3A_374, %dma_wait3A_375] : memref<10240x128xf32, #tpu.memory_space<vmem_shared>> -> memref<10240x128xf32, #tpu.memory_space<vmem_shared>>
      tpu.wait_indirect_dma semaphore(%run_scoped3A_364 : memref<!tpu.dma_semaphore, #tpu.memory_space<semaphore_mem>>) src(%arg14 : memref<128x128xf32, #tpu.memory_space<vmem>>) dst(%dma_wait3A_376 : memref<10240x128xf32, #tpu.memory_space<vmem_shared>>)
      tpu.yield
    }) : () -> ()
    %run_scoped3A_238 = arith.constant 15 : i32
    "tpu.region"() ({
      %run_scoped3A_364 = tpu.sem_alloc : memref<!tpu.dma_semaphore, #tpu.memory_space<semaphore_mem>>
      %dma_start3A_365 = arith.constant 0 : i32
      %dma_start3A_366 = tpu.memref_slice %arg10[%run_scoped3A_238, %dma_start3A_365] : memref<16x128xi32, #tpu.memory_space<vmem>> -> memref<1x128xi32, #tpu.memory_space<vmem>>
      %dma_start3A_367 = tpu.memref_squeeze %dma_start3A_366 : memref<1x128xi32, #tpu.memory_space<vmem>> -> memref<128xi32, #tpu.memory_space<vmem>>
      %dma_start3A_368 = arith.constant 0 : i32
      %dma_start3A_369 = tpu.memref_slice %arg21[%dma_start3A_368] : memref<10240xf32, #tpu.memory_space<vmem_shared>> -> memref<10240xf32, #tpu.memory_space<vmem_shared>>
      tpu.enqueue_indirect_dma source(%arg20 : memref<128xf32, #tpu.memory_space<vmem>>) target(%dma_start3A_369 : memref<10240xf32, #tpu.memory_space<vmem_shared>>) offsets(%dma_start3A_367 : memref<128xi32, #tpu.memory_space<vmem>>) semaphore(%run_scoped3A_364 : memref<!tpu.dma_semaphore, #tpu.memory_space<semaphore_mem>>) {add = true}
      %dma_wait3A_370 = arith.constant 0 : i32
      %dma_wait3A_371 = tpu.memref_slice %arg10[%run_scoped3A_238, %dma_wait3A_370] : memref<16x128xi32, #tpu.memory_space<vmem>> -> memref<1x128xi32, #tpu.memory_space<vmem>>
      %dma_wait3A_372 = tpu.memref_squeeze %dma_wait3A_371 : memref<1x128xi32, #tpu.memory_space<vmem>> -> memref<128xi32, #tpu.memory_space<vmem>>
      %dma_wait3A_373 = arith.constant 0 : i32
      %dma_wait3A_374 = tpu.memref_slice %arg21[%dma_wait3A_373] : memref<10240xf32, #tpu.memory_space<vmem_shared>> -> memref<10240xf32, #tpu.memory_space<vmem_shared>>
      tpu.wait_indirect_dma semaphore(%run_scoped3A_364 : memref<!tpu.dma_semaphore, #tpu.memory_space<semaphore_mem>>) src(%arg20 : memref<128xf32, #tpu.memory_space<vmem>>) dst(%dma_wait3A_374 : memref<10240xf32, #tpu.memory_space<vmem_shared>>)
      tpu.yield
    }) : () -> ()
    %dma_wait3A_239 = arith.constant 48 : i32
    %dma_wait3A_240 = arith.constant 0 : i32
    %dma_wait3A_241 = tpu.memref_slice %arg3[%add3A, %dma_wait3A_239, %dma_wait3A_240] : memref<32x80x128xi32, #tpu.memory_space<hbm>> -> memref<1x16x128xi32, #tpu.memory_space<hbm>>
    %dma_wait3A_242 = tpu.memref_squeeze %dma_wait3A_241 : memref<1x16x128xi32, #tpu.memory_space<hbm>> -> memref<16x128xi32, #tpu.memory_space<hbm>>
    %dma_wait3A_243 = arith.constant 48 : i32
    %dma_wait3A_244 = arith.constant 0 : i32
    %dma_wait3A_245 = tpu.memref_slice %arg3[%add3A, %dma_wait3A_243, %dma_wait3A_244] : memref<32x80x128xi32, #tpu.memory_space<hbm>> -> memref<1x16x128xi32, #tpu.memory_space<hbm>>
    %dma_wait3A_246 = tpu.memref_squeeze %dma_wait3A_245 : memref<1x16x128xi32, #tpu.memory_space<hbm>> -> memref<16x128xi32, #tpu.memory_space<hbm>>
    tpu.wait_dma2 semaphore(%arg18 : memref<!tpu.dma_semaphore, #tpu.memory_space<semaphore_mem>>) src(%dma_wait3A_246 : memref<16x128xi32, #tpu.memory_space<hbm>>) dst(%arg11 : memref<16x128xi32, #tpu.memory_space<vmem>>)
    %dma_wait3A_247 = arith.constant 48 : i32
    %dma_wait3A_248 = arith.constant 0 : i32
    %dma_wait3A_249 = tpu.memref_slice %arg4[%add3A, %dma_wait3A_247, %dma_wait3A_248] : memref<32x80x128xi32, #tpu.memory_space<hbm>> -> memref<1x16x128xi32, #tpu.memory_space<hbm>>
    %dma_wait3A_250 = tpu.memref_squeeze %dma_wait3A_249 : memref<1x16x128xi32, #tpu.memory_space<hbm>> -> memref<16x128xi32, #tpu.memory_space<hbm>>
    %dma_wait3A_251 = arith.constant 48 : i32
    %dma_wait3A_252 = arith.constant 0 : i32
    %dma_wait3A_253 = tpu.memref_slice %arg4[%add3A, %dma_wait3A_251, %dma_wait3A_252] : memref<32x80x128xi32, #tpu.memory_space<hbm>> -> memref<1x16x128xi32, #tpu.memory_space<hbm>>
    %dma_wait3A_254 = tpu.memref_squeeze %dma_wait3A_253 : memref<1x16x128xi32, #tpu.memory_space<hbm>> -> memref<16x128xi32, #tpu.memory_space<hbm>>
    tpu.wait_dma2 semaphore(%arg19 : memref<!tpu.dma_semaphore, #tpu.memory_space<semaphore_mem>>) src(%dma_wait3A_254 : memref<16x128xi32, #tpu.memory_space<hbm>>) dst(%arg12 : memref<16x128xi32, #tpu.memory_space<vmem>>)
    %dma_start3A_255 = arith.constant 64 : i32
    %dma_start3A_256 = arith.constant 0 : i32
    %dma_start3A_257 = tpu.memref_slice %arg3[%add3A, %dma_start3A_255, %dma_start3A_256] : memref<32x80x128xi32, #tpu.memory_space<hbm>> -> memref<1x16x128xi32, #tpu.memory_space<hbm>>
    %dma_start3A_258 = tpu.memref_squeeze %dma_start3A_257 : memref<1x16x128xi32, #tpu.memory_space<hbm>> -> memref<16x128xi32, #tpu.memory_space<hbm>>
    %dma_start3A_259 = arith.constant 64 : i32
    %dma_start3A_260 = arith.constant 0 : i32
    %dma_start3A_261 = tpu.memref_slice %arg3[%add3A, %dma_start3A_259, %dma_start3A_260] : memref<32x80x128xi32, #tpu.memory_space<hbm>> -> memref<1x16x128xi32, #tpu.memory_space<hbm>>
    %dma_start3A_262 = tpu.memref_squeeze %dma_start3A_261 : memref<1x16x128xi32, #tpu.memory_space<hbm>> -> memref<16x128xi32, #tpu.memory_space<hbm>>
    tpu.enqueue_dma source(%dma_start3A_262 : memref<16x128xi32, #tpu.memory_space<hbm>>) target(%arg9 : memref<16x128xi32, #tpu.memory_space<vmem>>) target_semaphore(%arg18 : memref<!tpu.dma_semaphore, #tpu.memory_space<semaphore_mem>>)
    %dma_start3A_263 = arith.constant 64 : i32
    %dma_start3A_264 = arith.constant 0 : i32
    %dma_start3A_265 = tpu.memref_slice %arg4[%add3A, %dma_start3A_263, %dma_start3A_264] : memref<32x80x128xi32, #tpu.memory_space<hbm>> -> memref<1x16x128xi32, #tpu.memory_space<hbm>>
    %dma_start3A_266 = tpu.memref_squeeze %dma_start3A_265 : memref<1x16x128xi32, #tpu.memory_space<hbm>> -> memref<16x128xi32, #tpu.memory_space<hbm>>
    %dma_start3A_267 = arith.constant 64 : i32
    %dma_start3A_268 = arith.constant 0 : i32
    %dma_start3A_269 = tpu.memref_slice %arg4[%add3A, %dma_start3A_267, %dma_start3A_268] : memref<32x80x128xi32, #tpu.memory_space<hbm>> -> memref<1x16x128xi32, #tpu.memory_space<hbm>>
    %dma_start3A_270 = tpu.memref_squeeze %dma_start3A_269 : memref<1x16x128xi32, #tpu.memory_space<hbm>> -> memref<16x128xi32, #tpu.memory_space<hbm>>
    tpu.enqueue_dma source(%dma_start3A_270 : memref<16x128xi32, #tpu.memory_space<hbm>>) target(%arg10 : memref<16x128xi32, #tpu.memory_space<vmem>>) target_semaphore(%arg19 : memref<!tpu.dma_semaphore, #tpu.memory_space<semaphore_mem>>)
    %dma_start3A_271 = arith.constant 0 : i32
    %dma_start3A_272 = arith.constant 0 : i32
    %dma_start3A_273 = tpu.memref_slice %arg11[%dma_start3A_271, %dma_start3A_272] : memref<16x128xi32, #tpu.memory_space<vmem>> -> memref<1x128xi32, #tpu.memory_space<vmem>>
    %dma_start3A_274 = tpu.memref_squeeze %dma_start3A_273 : memref<1x128xi32, #tpu.memory_space<vmem>> -> memref<128xi32, #tpu.memory_space<vmem>>
    %dma_start3A_275 = arith.constant 0 : i32
    %dma_start3A_276 = arith.constant 0 : i32
    %dma_start3A_277 = tpu.memref_slice %arg2[%dma_start3A_275, %dma_start3A_276] : memref<10240x128xf32, #tpu.memory_space<hbm>> -> memref<10240x128xf32, #tpu.memory_space<hbm>>
    tpu.enqueue_indirect_dma source(%dma_start3A_277 : memref<10240x128xf32, #tpu.memory_space<hbm>>) target(%arg13 : memref<128x128xf32, #tpu.memory_space<vmem>>) offsets(%dma_start3A_274 : memref<128xi32, #tpu.memory_space<vmem>>) semaphore(%arg16 : memref<!tpu.dma_semaphore, #tpu.memory_space<semaphore_mem>>)
    %scan3A_278 = arith.constant 0 : i32
    %scan3A_279 = arith.constant 0 : i32
    %scan3A_280 = arith.constant 7 : i32
    %scan3A_281 = arith.addi %scan3A_279, %scan3A_280 : i32
    %scan3A_282 = arith.constant 1 : i32
    scf.for %scan3A_364 = %scan3A_279 to %scan3A_281 step %scan3A_282  : i32 {
      %mul3A_365 = arith.constant 2 : i32
      %mul3A_366 = arith.muli %mul3A_365, %scan3A_364 : i32
      %add3A_367 = arith.constant 1 : i32
      %add3A_368 = arith.addi %mul3A_366, %add3A_367 : i32
      %dma_start3A_369 = arith.constant 0 : i32
      %dma_start3A_370 = tpu.memref_slice %arg11[%add3A_368, %dma_start3A_369] : memref<16x128xi32, #tpu.memory_space<vmem>> -> memref<1x128xi32, #tpu.memory_space<vmem>>
      %dma_start3A_371 = tpu.memref_squeeze %dma_start3A_370 : memref<1x128xi32, #tpu.memory_space<vmem>> -> memref<128xi32, #tpu.memory_space<vmem>>
      %dma_start3A_372 = arith.constant 0 : i32
      %dma_start3A_373 = arith.constant 0 : i32
      %dma_start3A_374 = tpu.memref_slice %arg2[%dma_start3A_372, %dma_start3A_373] : memref<10240x128xf32, #tpu.memory_space<hbm>> -> memref<10240x128xf32, #tpu.memory_space<hbm>>
      tpu.enqueue_indirect_dma source(%dma_start3A_374 : memref<10240x128xf32, #tpu.memory_space<hbm>>) target(%arg14 : memref<128x128xf32, #tpu.memory_space<vmem>>) offsets(%dma_start3A_371 : memref<128xi32, #tpu.memory_space<vmem>>) semaphore(%arg17 : memref<!tpu.dma_semaphore, #tpu.memory_space<semaphore_mem>>)
      %dma_wait3A_375 = arith.constant 0 : i32
      %dma_wait3A_376 = tpu.memref_slice %arg11[%mul3A_366, %dma_wait3A_375] : memref<16x128xi32, #tpu.memory_space<vmem>> -> memref<1x128xi32, #tpu.memory_space<vmem>>
      %dma_wait3A_377 = tpu.memref_squeeze %dma_wait3A_376 : memref<1x128xi32, #tpu.memory_space<vmem>> -> memref<128xi32, #tpu.memory_space<vmem>>
      %dma_wait3A_378 = arith.constant 0 : i32
      %dma_wait3A_379 = arith.constant 0 : i32
      %dma_wait3A_380 = tpu.memref_slice %arg2[%dma_wait3A_378, %dma_wait3A_379] : memref<10240x128xf32, #tpu.memory_space<hbm>> -> memref<10240x128xf32, #tpu.memory_space<hbm>>
      tpu.wait_indirect_dma semaphore(%arg16 : memref<!tpu.dma_semaphore, #tpu.memory_space<semaphore_mem>>) src(%dma_wait3A_380 : memref<10240x128xf32, #tpu.memory_space<hbm>>) dst(%arg13 : memref<128x128xf32, #tpu.memory_space<vmem>>)
      "tpu.region"() ({
        %run_scoped3A_399 = tpu.sem_alloc : memref<!tpu.dma_semaphore, #tpu.memory_space<semaphore_mem>>
        %dma_start3A_400 = arith.constant 0 : i32
        %dma_start3A_401 = tpu.memref_slice %arg12[%mul3A_366, %dma_start3A_400] : memref<16x128xi32, #tpu.memory_space<vmem>> -> memref<1x128xi32, #tpu.memory_space<vmem>>
        %dma_start3A_402 = tpu.memref_squeeze %dma_start3A_401 : memref<1x128xi32, #tpu.memory_space<vmem>> -> memref<128xi32, #tpu.memory_space<vmem>>
        %dma_start3A_403 = arith.constant 0 : i32
        %dma_start3A_404 = arith.constant 0 : i32
        %dma_start3A_405 = tpu.memref_slice %arg15[%dma_start3A_403, %dma_start3A_404] : memref<10240x128xf32, #tpu.memory_space<vmem_shared>> -> memref<10240x128xf32, #tpu.memory_space<vmem_shared>>
        tpu.enqueue_indirect_dma source(%arg13 : memref<128x128xf32, #tpu.memory_space<vmem>>) target(%dma_start3A_405 : memref<10240x128xf32, #tpu.memory_space<vmem_shared>>) offsets(%dma_start3A_402 : memref<128xi32, #tpu.memory_space<vmem>>) semaphore(%run_scoped3A_399 : memref<!tpu.dma_semaphore, #tpu.memory_space<semaphore_mem>>) {add = true}
        %dma_wait3A_406 = arith.constant 0 : i32
        %dma_wait3A_407 = tpu.memref_slice %arg12[%mul3A_366, %dma_wait3A_406] : memref<16x128xi32, #tpu.memory_space<vmem>> -> memref<1x128xi32, #tpu.memory_space<vmem>>
        %dma_wait3A_408 = tpu.memref_squeeze %dma_wait3A_407 : memref<1x128xi32, #tpu.memory_space<vmem>> -> memref<128xi32, #tpu.memory_space<vmem>>
        %dma_wait3A_409 = arith.constant 0 : i32
        %dma_wait3A_410 = arith.constant 0 : i32
        %dma_wait3A_411 = tpu.memref_slice %arg15[%dma_wait3A_409, %dma_wait3A_410] : memref<10240x128xf32, #tpu.memory_space<vmem_shared>> -> memref<10240x128xf32, #tpu.memory_space<vmem_shared>>
        tpu.wait_indirect_dma semaphore(%run_scoped3A_399 : memref<!tpu.dma_semaphore, #tpu.memory_space<semaphore_mem>>) src(%arg13 : memref<128x128xf32, #tpu.memory_space<vmem>>) dst(%dma_wait3A_411 : memref<10240x128xf32, #tpu.memory_space<vmem_shared>>)
        tpu.yield
      }) : () -> ()
      "tpu.region"() ({
        %run_scoped3A_399 = tpu.sem_alloc : memref<!tpu.dma_semaphore, #tpu.memory_space<semaphore_mem>>
        %dma_start3A_400 = arith.constant 0 : i32
        %dma_start3A_401 = tpu.memref_slice %arg12[%mul3A_366, %dma_start3A_400] : memref<16x128xi32, #tpu.memory_space<vmem>> -> memref<1x128xi32, #tpu.memory_space<vmem>>
        %dma_start3A_402 = tpu.memref_squeeze %dma_start3A_401 : memref<1x128xi32, #tpu.memory_space<vmem>> -> memref<128xi32, #tpu.memory_space<vmem>>
        %dma_start3A_403 = arith.constant 0 : i32
        %dma_start3A_404 = tpu.memref_slice %arg21[%dma_start3A_403] : memref<10240xf32, #tpu.memory_space<vmem_shared>> -> memref<10240xf32, #tpu.memory_space<vmem_shared>>
        tpu.enqueue_indirect_dma source(%arg20 : memref<128xf32, #tpu.memory_space<vmem>>) target(%dma_start3A_404 : memref<10240xf32, #tpu.memory_space<vmem_shared>>) offsets(%dma_start3A_402 : memref<128xi32, #tpu.memory_space<vmem>>) semaphore(%run_scoped3A_399 : memref<!tpu.dma_semaphore, #tpu.memory_space<semaphore_mem>>) {add = true}
        %dma_wait3A_405 = arith.constant 0 : i32
        %dma_wait3A_406 = tpu.memref_slice %arg12[%mul3A_366, %dma_wait3A_405] : memref<16x128xi32, #tpu.memory_space<vmem>> -> memref<1x128xi32, #tpu.memory_space<vmem>>
        %dma_wait3A_407 = tpu.memref_squeeze %dma_wait3A_406 : memref<1x128xi32, #tpu.memory_space<vmem>> -> memref<128xi32, #tpu.memory_space<vmem>>
        %dma_wait3A_408 = arith.constant 0 : i32
        %dma_wait3A_409 = tpu.memref_slice %arg21[%dma_wait3A_408] : memref<10240xf32, #tpu.memory_space<vmem_shared>> -> memref<10240xf32, #tpu.memory_space<vmem_shared>>
        tpu.wait_indirect_dma semaphore(%run_scoped3A_399 : memref<!tpu.dma_semaphore, #tpu.memory_space<semaphore_mem>>) src(%arg20 : memref<128xf32, #tpu.memory_space<vmem>>) dst(%dma_wait3A_409 : memref<10240xf32, #tpu.memory_space<vmem_shared>>)
        tpu.yield
      }) : () -> ()
      %add3A_381 = arith.constant 2 : i32
      %add3A_382 = arith.addi %mul3A_366, %add3A_381 : i32
      %dma_start3A_383 = arith.constant 0 : i32
      %dma_start3A_384 = tpu.memref_slice %arg11[%add3A_382, %dma_start3A_383] : memref<16x128xi32, #tpu.memory_space<vmem>> -> memref<1x128xi32, #tpu.memory_space<vmem>>
      %dma_start3A_385 = tpu.memref_squeeze %dma_start3A_384 : memref<1x128xi32, #tpu.memory_space<vmem>> -> memref<128xi32, #tpu.memory_space<vmem>>
      %dma_start3A_386 = arith.constant 0 : i32
      %dma_start3A_387 = arith.constant 0 : i32
      %dma_start3A_388 = tpu.memref_slice %arg2[%dma_start3A_386, %dma_start3A_387] : memref<10240x128xf32, #tpu.memory_space<hbm>> -> memref<10240x128xf32, #tpu.memory_space<hbm>>
      tpu.enqueue_indirect_dma source(%dma_start3A_388 : memref<10240x128xf32, #tpu.memory_space<hbm>>) target(%arg13 : memref<128x128xf32, #tpu.memory_space<vmem>>) offsets(%dma_start3A_385 : memref<128xi32, #tpu.memory_space<vmem>>) semaphore(%arg16 : memref<!tpu.dma_semaphore, #tpu.memory_space<semaphore_mem>>)
      %add3A_389 = arith.constant 1 : i32
      %add3A_390 = arith.addi %mul3A_366, %add3A_389 : i32
      %dma_wait3A_391 = arith.constant 0 : i32
      %dma_wait3A_392 = tpu.memref_slice %arg11[%add3A_390, %dma_wait3A_391] : memref<16x128xi32, #tpu.memory_space<vmem>> -> memref<1x128xi32, #tpu.memory_space<vmem>>
      %dma_wait3A_393 = tpu.memref_squeeze %dma_wait3A_392 : memref<1x128xi32, #tpu.memory_space<vmem>> -> memref<128xi32, #tpu.memory_space<vmem>>
      %dma_wait3A_394 = arith.constant 0 : i32
      %dma_wait3A_395 = arith.constant 0 : i32
      %dma_wait3A_396 = tpu.memref_slice %arg2[%dma_wait3A_394, %dma_wait3A_395] : memref<10240x128xf32, #tpu.memory_space<hbm>> -> memref<10240x128xf32, #tpu.memory_space<hbm>>
      tpu.wait_indirect_dma semaphore(%arg17 : memref<!tpu.dma_semaphore, #tpu.memory_space<semaphore_mem>>) src(%dma_wait3A_396 : memref<10240x128xf32, #tpu.memory_space<hbm>>) dst(%arg14 : memref<128x128xf32, #tpu.memory_space<vmem>>)
      %add3A_397 = arith.constant 1 : i32
      %add3A_398 = arith.addi %mul3A_366, %add3A_397 : i32
      "tpu.region"() ({
        %run_scoped3A_399 = tpu.sem_alloc : memref<!tpu.dma_semaphore, #tpu.memory_space<semaphore_mem>>
        %dma_start3A_400 = arith.constant 0 : i32
        %dma_start3A_401 = tpu.memref_slice %arg12[%add3A_398, %dma_start3A_400] : memref<16x128xi32, #tpu.memory_space<vmem>> -> memref<1x128xi32, #tpu.memory_space<vmem>>
        %dma_start3A_402 = tpu.memref_squeeze %dma_start3A_401 : memref<1x128xi32, #tpu.memory_space<vmem>> -> memref<128xi32, #tpu.memory_space<vmem>>
        %dma_start3A_403 = arith.constant 0 : i32
        %dma_start3A_404 = arith.constant 0 : i32
        %dma_start3A_405 = tpu.memref_slice %arg15[%dma_start3A_403, %dma_start3A_404] : memref<10240x128xf32, #tpu.memory_space<vmem_shared>> -> memref<10240x128xf32, #tpu.memory_space<vmem_shared>>
        tpu.enqueue_indirect_dma source(%arg14 : memref<128x128xf32, #tpu.memory_space<vmem>>) target(%dma_start3A_405 : memref<10240x128xf32, #tpu.memory_space<vmem_shared>>) offsets(%dma_start3A_402 : memref<128xi32, #tpu.memory_space<vmem>>) semaphore(%run_scoped3A_399 : memref<!tpu.dma_semaphore, #tpu.memory_space<semaphore_mem>>) {add = true}
        %dma_wait3A_406 = arith.constant 0 : i32
        %dma_wait3A_407 = tpu.memref_slice %arg12[%add3A_398, %dma_wait3A_406] : memref<16x128xi32, #tpu.memory_space<vmem>> -> memref<1x128xi32, #tpu.memory_space<vmem>>
        %dma_wait3A_408 = tpu.memref_squeeze %dma_wait3A_407 : memref<1x128xi32, #tpu.memory_space<vmem>> -> memref<128xi32, #tpu.memory_space<vmem>>
        %dma_wait3A_409 = arith.constant 0 : i32
        %dma_wait3A_410 = arith.constant 0 : i32
        %dma_wait3A_411 = tpu.memref_slice %arg15[%dma_wait3A_409, %dma_wait3A_410] : memref<10240x128xf32, #tpu.memory_space<vmem_shared>> -> memref<10240x128xf32, #tpu.memory_space<vmem_shared>>
        tpu.wait_indirect_dma semaphore(%run_scoped3A_399 : memref<!tpu.dma_semaphore, #tpu.memory_space<semaphore_mem>>) src(%arg14 : memref<128x128xf32, #tpu.memory_space<vmem>>) dst(%dma_wait3A_411 : memref<10240x128xf32, #tpu.memory_space<vmem_shared>>)
        tpu.yield
      }) : () -> ()
      "tpu.region"() ({
        %run_scoped3A_399 = tpu.sem_alloc : memref<!tpu.dma_semaphore, #tpu.memory_space<semaphore_mem>>
        %dma_start3A_400 = arith.constant 0 : i32
        %dma_start3A_401 = tpu.memref_slice %arg12[%add3A_398, %dma_start3A_400] : memref<16x128xi32, #tpu.memory_space<vmem>> -> memref<1x128xi32, #tpu.memory_space<vmem>>
        %dma_start3A_402 = tpu.memref_squeeze %dma_start3A_401 : memref<1x128xi32, #tpu.memory_space<vmem>> -> memref<128xi32, #tpu.memory_space<vmem>>
        %dma_start3A_403 = arith.constant 0 : i32
        %dma_start3A_404 = tpu.memref_slice %arg21[%dma_start3A_403] : memref<10240xf32, #tpu.memory_space<vmem_shared>> -> memref<10240xf32, #tpu.memory_space<vmem_shared>>
        tpu.enqueue_indirect_dma source(%arg20 : memref<128xf32, #tpu.memory_space<vmem>>) target(%dma_start3A_404 : memref<10240xf32, #tpu.memory_space<vmem_shared>>) offsets(%dma_start3A_402 : memref<128xi32, #tpu.memory_space<vmem>>) semaphore(%run_scoped3A_399 : memref<!tpu.dma_semaphore, #tpu.memory_space<semaphore_mem>>) {add = true}
        %dma_wait3A_405 = arith.constant 0 : i32
        %dma_wait3A_406 = tpu.memref_slice %arg12[%add3A_398, %dma_wait3A_405] : memref<16x128xi32, #tpu.memory_space<vmem>> -> memref<1x128xi32, #tpu.memory_space<vmem>>
        %dma_wait3A_407 = tpu.memref_squeeze %dma_wait3A_406 : memref<1x128xi32, #tpu.memory_space<vmem>> -> memref<128xi32, #tpu.memory_space<vmem>>
        %dma_wait3A_408 = arith.constant 0 : i32
        %dma_wait3A_409 = tpu.memref_slice %arg21[%dma_wait3A_408] : memref<10240xf32, #tpu.memory_space<vmem_shared>> -> memref<10240xf32, #tpu.memory_space<vmem_shared>>
        tpu.wait_indirect_dma semaphore(%run_scoped3A_399 : memref<!tpu.dma_semaphore, #tpu.memory_space<semaphore_mem>>) src(%arg20 : memref<128xf32, #tpu.memory_space<vmem>>) dst(%dma_wait3A_409 : memref<10240xf32, #tpu.memory_space<vmem_shared>>)
        tpu.yield
      }) : () -> ()
    }
    %scan3A_283 = arith.constant 7 : i32
    %dma_start3A_284 = arith.constant 15 : i32
    %dma_start3A_285 = arith.constant 0 : i32
    %dma_start3A_286 = tpu.memref_slice %arg11[%dma_start3A_284, %dma_start3A_285] : memref<16x128xi32, #tpu.memory_space<vmem>> -> memref<1x128xi32, #tpu.memory_space<vmem>>
    %dma_start3A_287 = tpu.memref_squeeze %dma_start3A_286 : memref<1x128xi32, #tpu.memory_space<vmem>> -> memref<128xi32, #tpu.memory_space<vmem>>
    %dma_start3A_288 = arith.constant 0 : i32
    %dma_start3A_289 = arith.constant 0 : i32
    %dma_start3A_290 = tpu.memref_slice %arg2[%dma_start3A_288, %dma_start3A_289] : memref<10240x128xf32, #tpu.memory_space<hbm>> -> memref<10240x128xf32, #tpu.memory_space<hbm>>
    tpu.enqueue_indirect_dma source(%dma_start3A_290 : memref<10240x128xf32, #tpu.memory_space<hbm>>) target(%arg14 : memref<128x128xf32, #tpu.memory_space<vmem>>) offsets(%dma_start3A_287 : memref<128xi32, #tpu.memory_space<vmem>>) semaphore(%arg17 : memref<!tpu.dma_semaphore, #tpu.memory_space<semaphore_mem>>)
    %dma_wait3A_291 = arith.constant 14 : i32
    %dma_wait3A_292 = arith.constant 0 : i32
    %dma_wait3A_293 = tpu.memref_slice %arg11[%dma_wait3A_291, %dma_wait3A_292] : memref<16x128xi32, #tpu.memory_space<vmem>> -> memref<1x128xi32, #tpu.memory_space<vmem>>
    %dma_wait3A_294 = tpu.memref_squeeze %dma_wait3A_293 : memref<1x128xi32, #tpu.memory_space<vmem>> -> memref<128xi32, #tpu.memory_space<vmem>>
    %dma_wait3A_295 = arith.constant 0 : i32
    %dma_wait3A_296 = arith.constant 0 : i32
    %dma_wait3A_297 = tpu.memref_slice %arg2[%dma_wait3A_295, %dma_wait3A_296] : memref<10240x128xf32, #tpu.memory_space<hbm>> -> memref<10240x128xf32, #tpu.memory_space<hbm>>
    tpu.wait_indirect_dma semaphore(%arg16 : memref<!tpu.dma_semaphore, #tpu.memory_space<semaphore_mem>>) src(%dma_wait3A_297 : memref<10240x128xf32, #tpu.memory_space<hbm>>) dst(%arg13 : memref<128x128xf32, #tpu.memory_space<vmem>>)
    %run_scoped3A_298 = arith.constant 14 : i32
    "tpu.region"() ({
      %run_scoped3A_364 = tpu.sem_alloc : memref<!tpu.dma_semaphore, #tpu.memory_space<semaphore_mem>>
      %dma_start3A_365 = arith.constant 0 : i32
      %dma_start3A_366 = tpu.memref_slice %arg12[%run_scoped3A_298, %dma_start3A_365] : memref<16x128xi32, #tpu.memory_space<vmem>> -> memref<1x128xi32, #tpu.memory_space<vmem>>
      %dma_start3A_367 = tpu.memref_squeeze %dma_start3A_366 : memref<1x128xi32, #tpu.memory_space<vmem>> -> memref<128xi32, #tpu.memory_space<vmem>>
      %dma_start3A_368 = arith.constant 0 : i32
      %dma_start3A_369 = arith.constant 0 : i32
      %dma_start3A_370 = tpu.memref_slice %arg15[%dma_start3A_368, %dma_start3A_369] : memref<10240x128xf32, #tpu.memory_space<vmem_shared>> -> memref<10240x128xf32, #tpu.memory_space<vmem_shared>>
      tpu.enqueue_indirect_dma source(%arg13 : memref<128x128xf32, #tpu.memory_space<vmem>>) target(%dma_start3A_370 : memref<10240x128xf32, #tpu.memory_space<vmem_shared>>) offsets(%dma_start3A_367 : memref<128xi32, #tpu.memory_space<vmem>>) semaphore(%run_scoped3A_364 : memref<!tpu.dma_semaphore, #tpu.memory_space<semaphore_mem>>) {add = true}
      %dma_wait3A_371 = arith.constant 0 : i32
      %dma_wait3A_372 = tpu.memref_slice %arg12[%run_scoped3A_298, %dma_wait3A_371] : memref<16x128xi32, #tpu.memory_space<vmem>> -> memref<1x128xi32, #tpu.memory_space<vmem>>
      %dma_wait3A_373 = tpu.memref_squeeze %dma_wait3A_372 : memref<1x128xi32, #tpu.memory_space<vmem>> -> memref<128xi32, #tpu.memory_space<vmem>>
      %dma_wait3A_374 = arith.constant 0 : i32
      %dma_wait3A_375 = arith.constant 0 : i32
      %dma_wait3A_376 = tpu.memref_slice %arg15[%dma_wait3A_374, %dma_wait3A_375] : memref<10240x128xf32, #tpu.memory_space<vmem_shared>> -> memref<10240x128xf32, #tpu.memory_space<vmem_shared>>
      tpu.wait_indirect_dma semaphore(%run_scoped3A_364 : memref<!tpu.dma_semaphore, #tpu.memory_space<semaphore_mem>>) src(%arg13 : memref<128x128xf32, #tpu.memory_space<vmem>>) dst(%dma_wait3A_376 : memref<10240x128xf32, #tpu.memory_space<vmem_shared>>)
      tpu.yield
    }) : () -> ()
    %run_scoped3A_299 = arith.constant 14 : i32
    "tpu.region"() ({
      %run_scoped3A_364 = tpu.sem_alloc : memref<!tpu.dma_semaphore, #tpu.memory_space<semaphore_mem>>
      %dma_start3A_365 = arith.constant 0 : i32
      %dma_start3A_366 = tpu.memref_slice %arg12[%run_scoped3A_299, %dma_start3A_365] : memref<16x128xi32, #tpu.memory_space<vmem>> -> memref<1x128xi32, #tpu.memory_space<vmem>>
      %dma_start3A_367 = tpu.memref_squeeze %dma_start3A_366 : memref<1x128xi32, #tpu.memory_space<vmem>> -> memref<128xi32, #tpu.memory_space<vmem>>
      %dma_start3A_368 = arith.constant 0 : i32
      %dma_start3A_369 = tpu.memref_slice %arg21[%dma_start3A_368] : memref<10240xf32, #tpu.memory_space<vmem_shared>> -> memref<10240xf32, #tpu.memory_space<vmem_shared>>
      tpu.enqueue_indirect_dma source(%arg20 : memref<128xf32, #tpu.memory_space<vmem>>) target(%dma_start3A_369 : memref<10240xf32, #tpu.memory_space<vmem_shared>>) offsets(%dma_start3A_367 : memref<128xi32, #tpu.memory_space<vmem>>) semaphore(%run_scoped3A_364 : memref<!tpu.dma_semaphore, #tpu.memory_space<semaphore_mem>>) {add = true}
      %dma_wait3A_370 = arith.constant 0 : i32
      %dma_wait3A_371 = tpu.memref_slice %arg12[%run_scoped3A_299, %dma_wait3A_370] : memref<16x128xi32, #tpu.memory_space<vmem>> -> memref<1x128xi32, #tpu.memory_space<vmem>>
      %dma_wait3A_372 = tpu.memref_squeeze %dma_wait3A_371 : memref<1x128xi32, #tpu.memory_space<vmem>> -> memref<128xi32, #tpu.memory_space<vmem>>
      %dma_wait3A_373 = arith.constant 0 : i32
      %dma_wait3A_374 = tpu.memref_slice %arg21[%dma_wait3A_373] : memref<10240xf32, #tpu.memory_space<vmem_shared>> -> memref<10240xf32, #tpu.memory_space<vmem_shared>>
      tpu.wait_indirect_dma semaphore(%run_scoped3A_364 : memref<!tpu.dma_semaphore, #tpu.memory_space<semaphore_mem>>) src(%arg20 : memref<128xf32, #tpu.memory_space<vmem>>) dst(%dma_wait3A_374 : memref<10240xf32, #tpu.memory_space<vmem_shared>>)
      tpu.yield
    }) : () -> ()
    %dma_wait3A_300 = arith.constant 15 : i32
    %dma_wait3A_301 = arith.constant 0 : i32
    %dma_wait3A_302 = tpu.memref_slice %arg11[%dma_wait3A_300, %dma_wait3A_301] : memref<16x128xi32, #tpu.memory_space<vmem>> -> memref<1x128xi32, #tpu.memory_space<vmem>>
    %dma_wait3A_303 = tpu.memref_squeeze %dma_wait3A_302 : memref<1x128xi32, #tpu.memory_space<vmem>> -> memref<128xi32, #tpu.memory_space<vmem>>
    %dma_wait3A_304 = arith.constant 0 : i32
    %dma_wait3A_305 = arith.constant 0 : i32
    %dma_wait3A_306 = tpu.memref_slice %arg2[%dma_wait3A_304, %dma_wait3A_305] : memref<10240x128xf32, #tpu.memory_space<hbm>> -> memref<10240x128xf32, #tpu.memory_space<hbm>>
    tpu.wait_indirect_dma semaphore(%arg17 : memref<!tpu.dma_semaphore, #tpu.memory_space<semaphore_mem>>) src(%dma_wait3A_306 : memref<10240x128xf32, #tpu.memory_space<hbm>>) dst(%arg14 : memref<128x128xf32, #tpu.memory_space<vmem>>)
    %run_scoped3A_307 = arith.constant 15 : i32
    "tpu.region"() ({
      %run_scoped3A_364 = tpu.sem_alloc : memref<!tpu.dma_semaphore, #tpu.memory_space<semaphore_mem>>
      %dma_start3A_365 = arith.constant 0 : i32
      %dma_start3A_366 = tpu.memref_slice %arg12[%run_scoped3A_307, %dma_start3A_365] : memref<16x128xi32, #tpu.memory_space<vmem>> -> memref<1x128xi32, #tpu.memory_space<vmem>>
      %dma_start3A_367 = tpu.memref_squeeze %dma_start3A_366 : memref<1x128xi32, #tpu.memory_space<vmem>> -> memref<128xi32, #tpu.memory_space<vmem>>
      %dma_start3A_368 = arith.constant 0 : i32
      %dma_start3A_369 = arith.constant 0 : i32
      %dma_start3A_370 = tpu.memref_slice %arg15[%dma_start3A_368, %dma_start3A_369] : memref<10240x128xf32, #tpu.memory_space<vmem_shared>> -> memref<10240x128xf32, #tpu.memory_space<vmem_shared>>
      tpu.enqueue_indirect_dma source(%arg14 : memref<128x128xf32, #tpu.memory_space<vmem>>) target(%dma_start3A_370 : memref<10240x128xf32, #tpu.memory_space<vmem_shared>>) offsets(%dma_start3A_367 : memref<128xi32, #tpu.memory_space<vmem>>) semaphore(%run_scoped3A_364 : memref<!tpu.dma_semaphore, #tpu.memory_space<semaphore_mem>>) {add = true}
      %dma_wait3A_371 = arith.constant 0 : i32
      %dma_wait3A_372 = tpu.memref_slice %arg12[%run_scoped3A_307, %dma_wait3A_371] : memref<16x128xi32, #tpu.memory_space<vmem>> -> memref<1x128xi32, #tpu.memory_space<vmem>>
      %dma_wait3A_373 = tpu.memref_squeeze %dma_wait3A_372 : memref<1x128xi32, #tpu.memory_space<vmem>> -> memref<128xi32, #tpu.memory_space<vmem>>
      %dma_wait3A_374 = arith.constant 0 : i32
      %dma_wait3A_375 = arith.constant 0 : i32
      %dma_wait3A_376 = tpu.memref_slice %arg15[%dma_wait3A_374, %dma_wait3A_375] : memref<10240x128xf32, #tpu.memory_space<vmem_shared>> -> memref<10240x128xf32, #tpu.memory_space<vmem_shared>>
      tpu.wait_indirect_dma semaphore(%run_scoped3A_364 : memref<!tpu.dma_semaphore, #tpu.memory_space<semaphore_mem>>) src(%arg14 : memref<128x128xf32, #tpu.memory_space<vmem>>) dst(%dma_wait3A_376 : memref<10240x128xf32, #tpu.memory_space<vmem_shared>>)
      tpu.yield
    }) : () -> ()
    %run_scoped3A_308 = arith.constant 15 : i32
    "tpu.region"() ({
      %run_scoped3A_364 = tpu.sem_alloc : memref<!tpu.dma_semaphore, #tpu.memory_space<semaphore_mem>>
      %dma_start3A_365 = arith.constant 0 : i32
      %dma_start3A_366 = tpu.memref_slice %arg12[%run_scoped3A_308, %dma_start3A_365] : memref<16x128xi32, #tpu.memory_space<vmem>> -> memref<1x128xi32, #tpu.memory_space<vmem>>
      %dma_start3A_367 = tpu.memref_squeeze %dma_start3A_366 : memref<1x128xi32, #tpu.memory_space<vmem>> -> memref<128xi32, #tpu.memory_space<vmem>>
      %dma_start3A_368 = arith.constant 0 : i32
      %dma_start3A_369 = tpu.memref_slice %arg21[%dma_start3A_368] : memref<10240xf32, #tpu.memory_space<vmem_shared>> -> memref<10240xf32, #tpu.memory_space<vmem_shared>>
      tpu.enqueue_indirect_dma source(%arg20 : memref<128xf32, #tpu.memory_space<vmem>>) target(%dma_start3A_369 : memref<10240xf32, #tpu.memory_space<vmem_shared>>) offsets(%dma_start3A_367 : memref<128xi32, #tpu.memory_space<vmem>>) semaphore(%run_scoped3A_364 : memref<!tpu.dma_semaphore, #tpu.memory_space<semaphore_mem>>) {add = true}
      %dma_wait3A_370 = arith.constant 0 : i32
      %dma_wait3A_371 = tpu.memref_slice %arg12[%run_scoped3A_308, %dma_wait3A_370] : memref<16x128xi32, #tpu.memory_space<vmem>> -> memref<1x128xi32, #tpu.memory_space<vmem>>
      %dma_wait3A_372 = tpu.memref_squeeze %dma_wait3A_371 : memref<1x128xi32, #tpu.memory_space<vmem>> -> memref<128xi32, #tpu.memory_space<vmem>>
      %dma_wait3A_373 = arith.constant 0 : i32
      %dma_wait3A_374 = tpu.memref_slice %arg21[%dma_wait3A_373] : memref<10240xf32, #tpu.memory_space<vmem_shared>> -> memref<10240xf32, #tpu.memory_space<vmem_shared>>
      tpu.wait_indirect_dma semaphore(%run_scoped3A_364 : memref<!tpu.dma_semaphore, #tpu.memory_space<semaphore_mem>>) src(%arg20 : memref<128xf32, #tpu.memory_space<vmem>>) dst(%dma_wait3A_374 : memref<10240xf32, #tpu.memory_space<vmem_shared>>)
      tpu.yield
    }) : () -> ()
    %dma_wait3A_309 = arith.constant 64 : i32
    %dma_wait3A_310 = arith.constant 0 : i32
    %dma_wait3A_311 = tpu.memref_slice %arg3[%add3A, %dma_wait3A_309, %dma_wait3A_310] : memref<32x80x128xi32, #tpu.memory_space<hbm>> -> memref<1x16x128xi32, #tpu.memory_space<hbm>>
    %dma_wait3A_312 = tpu.memref_squeeze %dma_wait3A_311 : memref<1x16x128xi32, #tpu.memory_space<hbm>> -> memref<16x128xi32, #tpu.memory_space<hbm>>
    %dma_wait3A_313 = arith.constant 64 : i32
    %dma_wait3A_314 = arith.constant 0 : i32
    %dma_wait3A_315 = tpu.memref_slice %arg3[%add3A, %dma_wait3A_313, %dma_wait3A_314] : memref<32x80x128xi32, #tpu.memory_space<hbm>> -> memref<1x16x128xi32, #tpu.memory_space<hbm>>
    %dma_wait3A_316 = tpu.memref_squeeze %dma_wait3A_315 : memref<1x16x128xi32, #tpu.memory_space<hbm>> -> memref<16x128xi32, #tpu.memory_space<hbm>>
    tpu.wait_dma2 semaphore(%arg18 : memref<!tpu.dma_semaphore, #tpu.memory_space<semaphore_mem>>) src(%dma_wait3A_316 : memref<16x128xi32, #tpu.memory_space<hbm>>) dst(%arg9 : memref<16x128xi32, #tpu.memory_space<vmem>>)
    %dma_wait3A_317 = arith.constant 64 : i32
    %dma_wait3A_318 = arith.constant 0 : i32
    %dma_wait3A_319 = tpu.memref_slice %arg4[%add3A, %dma_wait3A_317, %dma_wait3A_318] : memref<32x80x128xi32, #tpu.memory_space<hbm>> -> memref<1x16x128xi32, #tpu.memory_space<hbm>>
    %dma_wait3A_320 = tpu.memref_squeeze %dma_wait3A_319 : memref<1x16x128xi32, #tpu.memory_space<hbm>> -> memref<16x128xi32, #tpu.memory_space<hbm>>
    %dma_wait3A_321 = arith.constant 64 : i32
    %dma_wait3A_322 = arith.constant 0 : i32
    %dma_wait3A_323 = tpu.memref_slice %arg4[%add3A, %dma_wait3A_321, %dma_wait3A_322] : memref<32x80x128xi32, #tpu.memory_space<hbm>> -> memref<1x16x128xi32, #tpu.memory_space<hbm>>
    %dma_wait3A_324 = tpu.memref_squeeze %dma_wait3A_323 : memref<1x16x128xi32, #tpu.memory_space<hbm>> -> memref<16x128xi32, #tpu.memory_space<hbm>>
    tpu.wait_dma2 semaphore(%arg19 : memref<!tpu.dma_semaphore, #tpu.memory_space<semaphore_mem>>) src(%dma_wait3A_324 : memref<16x128xi32, #tpu.memory_space<hbm>>) dst(%arg10 : memref<16x128xi32, #tpu.memory_space<vmem>>)
    %dma_start3A_325 = arith.constant 0 : i32
    %dma_start3A_326 = arith.constant 0 : i32
    %dma_start3A_327 = tpu.memref_slice %arg9[%dma_start3A_325, %dma_start3A_326] : memref<16x128xi32, #tpu.memory_space<vmem>> -> memref<1x128xi32, #tpu.memory_space<vmem>>
    %dma_start3A_328 = tpu.memref_squeeze %dma_start3A_327 : memref<1x128xi32, #tpu.memory_space<vmem>> -> memref<128xi32, #tpu.memory_space<vmem>>
    %dma_start3A_329 = arith.constant 0 : i32
    %dma_start3A_330 = arith.constant 0 : i32
    %dma_start3A_331 = tpu.memref_slice %arg2[%dma_start3A_329, %dma_start3A_330] : memref<10240x128xf32, #tpu.memory_space<hbm>> -> memref<10240x128xf32, #tpu.memory_space<hbm>>
    tpu.enqueue_indirect_dma source(%dma_start3A_331 : memref<10240x128xf32, #tpu.memory_space<hbm>>) target(%arg13 : memref<128x128xf32, #tpu.memory_space<vmem>>) offsets(%dma_start3A_328 : memref<128xi32, #tpu.memory_space<vmem>>) semaphore(%arg16 : memref<!tpu.dma_semaphore, #tpu.memory_space<semaphore_mem>>)
    %scan3A_332 = arith.constant 0 : i32
    %scan3A_333 = arith.constant 0 : i32
    %scan3A_334 = arith.constant 7 : i32
    %scan3A_335 = arith.addi %scan3A_333, %scan3A_334 : i32
    %scan3A_336 = arith.constant 1 : i32
    scf.for %scan3A_364 = %scan3A_333 to %scan3A_335 step %scan3A_336  : i32 {
      %mul3A_365 = arith.constant 2 : i32
      %mul3A_366 = arith.muli %mul3A_365, %scan3A_364 : i32
      %add3A_367 = arith.constant 1 : i32
      %add3A_368 = arith.addi %mul3A_366, %add3A_367 : i32
      %dma_start3A_369 = arith.constant 0 : i32
      %dma_start3A_370 = tpu.memref_slice %arg9[%add3A_368, %dma_start3A_369] : memref<16x128xi32, #tpu.memory_space<vmem>> -> memref<1x128xi32, #tpu.memory_space<vmem>>
      %dma_start3A_371 = tpu.memref_squeeze %dma_start3A_370 : memref<1x128xi32, #tpu.memory_space<vmem>> -> memref<128xi32, #tpu.memory_space<vmem>>
      %dma_start3A_372 = arith.constant 0 : i32
      %dma_start3A_373 = arith.constant 0 : i32
      %dma_start3A_374 = tpu.memref_slice %arg2[%dma_start3A_372, %dma_start3A_373] : memref<10240x128xf32, #tpu.memory_space<hbm>> -> memref<10240x128xf32, #tpu.memory_space<hbm>>
      tpu.enqueue_indirect_dma source(%dma_start3A_374 : memref<10240x128xf32, #tpu.memory_space<hbm>>) target(%arg14 : memref<128x128xf32, #tpu.memory_space<vmem>>) offsets(%dma_start3A_371 : memref<128xi32, #tpu.memory_space<vmem>>) semaphore(%arg17 : memref<!tpu.dma_semaphore, #tpu.memory_space<semaphore_mem>>)
      %dma_wait3A_375 = arith.constant 0 : i32
      %dma_wait3A_376 = tpu.memref_slice %arg9[%mul3A_366, %dma_wait3A_375] : memref<16x128xi32, #tpu.memory_space<vmem>> -> memref<1x128xi32, #tpu.memory_space<vmem>>
      %dma_wait3A_377 = tpu.memref_squeeze %dma_wait3A_376 : memref<1x128xi32, #tpu.memory_space<vmem>> -> memref<128xi32, #tpu.memory_space<vmem>>
      %dma_wait3A_378 = arith.constant 0 : i32
      %dma_wait3A_379 = arith.constant 0 : i32
      %dma_wait3A_380 = tpu.memref_slice %arg2[%dma_wait3A_378, %dma_wait3A_379] : memref<10240x128xf32, #tpu.memory_space<hbm>> -> memref<10240x128xf32, #tpu.memory_space<hbm>>
      tpu.wait_indirect_dma semaphore(%arg16 : memref<!tpu.dma_semaphore, #tpu.memory_space<semaphore_mem>>) src(%dma_wait3A_380 : memref<10240x128xf32, #tpu.memory_space<hbm>>) dst(%arg13 : memref<128x128xf32, #tpu.memory_space<vmem>>)
      "tpu.region"() ({
        %run_scoped3A_399 = tpu.sem_alloc : memref<!tpu.dma_semaphore, #tpu.memory_space<semaphore_mem>>
        %dma_start3A_400 = arith.constant 0 : i32
        %dma_start3A_401 = tpu.memref_slice %arg10[%mul3A_366, %dma_start3A_400] : memref<16x128xi32, #tpu.memory_space<vmem>> -> memref<1x128xi32, #tpu.memory_space<vmem>>
        %dma_start3A_402 = tpu.memref_squeeze %dma_start3A_401 : memref<1x128xi32, #tpu.memory_space<vmem>> -> memref<128xi32, #tpu.memory_space<vmem>>
        %dma_start3A_403 = arith.constant 0 : i32
        %dma_start3A_404 = arith.constant 0 : i32
        %dma_start3A_405 = tpu.memref_slice %arg15[%dma_start3A_403, %dma_start3A_404] : memref<10240x128xf32, #tpu.memory_space<vmem_shared>> -> memref<10240x128xf32, #tpu.memory_space<vmem_shared>>
        tpu.enqueue_indirect_dma source(%arg13 : memref<128x128xf32, #tpu.memory_space<vmem>>) target(%dma_start3A_405 : memref<10240x128xf32, #tpu.memory_space<vmem_shared>>) offsets(%dma_start3A_402 : memref<128xi32, #tpu.memory_space<vmem>>) semaphore(%run_scoped3A_399 : memref<!tpu.dma_semaphore, #tpu.memory_space<semaphore_mem>>) {add = true}
        %dma_wait3A_406 = arith.constant 0 : i32
        %dma_wait3A_407 = tpu.memref_slice %arg10[%mul3A_366, %dma_wait3A_406] : memref<16x128xi32, #tpu.memory_space<vmem>> -> memref<1x128xi32, #tpu.memory_space<vmem>>
        %dma_wait3A_408 = tpu.memref_squeeze %dma_wait3A_407 : memref<1x128xi32, #tpu.memory_space<vmem>> -> memref<128xi32, #tpu.memory_space<vmem>>
        %dma_wait3A_409 = arith.constant 0 : i32
        %dma_wait3A_410 = arith.constant 0 : i32
        %dma_wait3A_411 = tpu.memref_slice %arg15[%dma_wait3A_409, %dma_wait3A_410] : memref<10240x128xf32, #tpu.memory_space<vmem_shared>> -> memref<10240x128xf32, #tpu.memory_space<vmem_shared>>
        tpu.wait_indirect_dma semaphore(%run_scoped3A_399 : memref<!tpu.dma_semaphore, #tpu.memory_space<semaphore_mem>>) src(%arg13 : memref<128x128xf32, #tpu.memory_space<vmem>>) dst(%dma_wait3A_411 : memref<10240x128xf32, #tpu.memory_space<vmem_shared>>)
        tpu.yield
      }) : () -> ()
      "tpu.region"() ({
        %run_scoped3A_399 = tpu.sem_alloc : memref<!tpu.dma_semaphore, #tpu.memory_space<semaphore_mem>>
        %dma_start3A_400 = arith.constant 0 : i32
        %dma_start3A_401 = tpu.memref_slice %arg10[%mul3A_366, %dma_start3A_400] : memref<16x128xi32, #tpu.memory_space<vmem>> -> memref<1x128xi32, #tpu.memory_space<vmem>>
        %dma_start3A_402 = tpu.memref_squeeze %dma_start3A_401 : memref<1x128xi32, #tpu.memory_space<vmem>> -> memref<128xi32, #tpu.memory_space<vmem>>
        %dma_start3A_403 = arith.constant 0 : i32
        %dma_start3A_404 = tpu.memref_slice %arg21[%dma_start3A_403] : memref<10240xf32, #tpu.memory_space<vmem_shared>> -> memref<10240xf32, #tpu.memory_space<vmem_shared>>
        tpu.enqueue_indirect_dma source(%arg20 : memref<128xf32, #tpu.memory_space<vmem>>) target(%dma_start3A_404 : memref<10240xf32, #tpu.memory_space<vmem_shared>>) offsets(%dma_start3A_402 : memref<128xi32, #tpu.memory_space<vmem>>) semaphore(%run_scoped3A_399 : memref<!tpu.dma_semaphore, #tpu.memory_space<semaphore_mem>>) {add = true}
        %dma_wait3A_405 = arith.constant 0 : i32
        %dma_wait3A_406 = tpu.memref_slice %arg10[%mul3A_366, %dma_wait3A_405] : memref<16x128xi32, #tpu.memory_space<vmem>> -> memref<1x128xi32, #tpu.memory_space<vmem>>
        %dma_wait3A_407 = tpu.memref_squeeze %dma_wait3A_406 : memref<1x128xi32, #tpu.memory_space<vmem>> -> memref<128xi32, #tpu.memory_space<vmem>>
        %dma_wait3A_408 = arith.constant 0 : i32
        %dma_wait3A_409 = tpu.memref_slice %arg21[%dma_wait3A_408] : memref<10240xf32, #tpu.memory_space<vmem_shared>> -> memref<10240xf32, #tpu.memory_space<vmem_shared>>
        tpu.wait_indirect_dma semaphore(%run_scoped3A_399 : memref<!tpu.dma_semaphore, #tpu.memory_space<semaphore_mem>>) src(%arg20 : memref<128xf32, #tpu.memory_space<vmem>>) dst(%dma_wait3A_409 : memref<10240xf32, #tpu.memory_space<vmem_shared>>)
        tpu.yield
      }) : () -> ()
      %add3A_381 = arith.constant 2 : i32
      %add3A_382 = arith.addi %mul3A_366, %add3A_381 : i32
      %dma_start3A_383 = arith.constant 0 : i32
      %dma_start3A_384 = tpu.memref_slice %arg9[%add3A_382, %dma_start3A_383] : memref<16x128xi32, #tpu.memory_space<vmem>> -> memref<1x128xi32, #tpu.memory_space<vmem>>
      %dma_start3A_385 = tpu.memref_squeeze %dma_start3A_384 : memref<1x128xi32, #tpu.memory_space<vmem>> -> memref<128xi32, #tpu.memory_space<vmem>>
      %dma_start3A_386 = arith.constant 0 : i32
      %dma_start3A_387 = arith.constant 0 : i32
      %dma_start3A_388 = tpu.memref_slice %arg2[%dma_start3A_386, %dma_start3A_387] : memref<10240x128xf32, #tpu.memory_space<hbm>> -> memref<10240x128xf32, #tpu.memory_space<hbm>>
      tpu.enqueue_indirect_dma source(%dma_start3A_388 : memref<10240x128xf32, #tpu.memory_space<hbm>>) target(%arg13 : memref<128x128xf32, #tpu.memory_space<vmem>>) offsets(%dma_start3A_385 : memref<128xi32, #tpu.memory_space<vmem>>) semaphore(%arg16 : memref<!tpu.dma_semaphore, #tpu.memory_space<semaphore_mem>>)
      %add3A_389 = arith.constant 1 : i32
      %add3A_390 = arith.addi %mul3A_366, %add3A_389 : i32
      %dma_wait3A_391 = arith.constant 0 : i32
      %dma_wait3A_392 = tpu.memref_slice %arg9[%add3A_390, %dma_wait3A_391] : memref<16x128xi32, #tpu.memory_space<vmem>> -> memref<1x128xi32, #tpu.memory_space<vmem>>
      %dma_wait3A_393 = tpu.memref_squeeze %dma_wait3A_392 : memref<1x128xi32, #tpu.memory_space<vmem>> -> memref<128xi32, #tpu.memory_space<vmem>>
      %dma_wait3A_394 = arith.constant 0 : i32
      %dma_wait3A_395 = arith.constant 0 : i32
      %dma_wait3A_396 = tpu.memref_slice %arg2[%dma_wait3A_394, %dma_wait3A_395] : memref<10240x128xf32, #tpu.memory_space<hbm>> -> memref<10240x128xf32, #tpu.memory_space<hbm>>
      tpu.wait_indirect_dma semaphore(%arg17 : memref<!tpu.dma_semaphore, #tpu.memory_space<semaphore_mem>>) src(%dma_wait3A_396 : memref<10240x128xf32, #tpu.memory_space<hbm>>) dst(%arg14 : memref<128x128xf32, #tpu.memory_space<vmem>>)
      %add3A_397 = arith.constant 1 : i32
      %add3A_398 = arith.addi %mul3A_366, %add3A_397 : i32
      "tpu.region"() ({
        %run_scoped3A_399 = tpu.sem_alloc : memref<!tpu.dma_semaphore, #tpu.memory_space<semaphore_mem>>
        %dma_start3A_400 = arith.constant 0 : i32
        %dma_start3A_401 = tpu.memref_slice %arg10[%add3A_398, %dma_start3A_400] : memref<16x128xi32, #tpu.memory_space<vmem>> -> memref<1x128xi32, #tpu.memory_space<vmem>>
        %dma_start3A_402 = tpu.memref_squeeze %dma_start3A_401 : memref<1x128xi32, #tpu.memory_space<vmem>> -> memref<128xi32, #tpu.memory_space<vmem>>
        %dma_start3A_403 = arith.constant 0 : i32
        %dma_start3A_404 = arith.constant 0 : i32
        %dma_start3A_405 = tpu.memref_slice %arg15[%dma_start3A_403, %dma_start3A_404] : memref<10240x128xf32, #tpu.memory_space<vmem_shared>> -> memref<10240x128xf32, #tpu.memory_space<vmem_shared>>
        tpu.enqueue_indirect_dma source(%arg14 : memref<128x128xf32, #tpu.memory_space<vmem>>) target(%dma_start3A_405 : memref<10240x128xf32, #tpu.memory_space<vmem_shared>>) offsets(%dma_start3A_402 : memref<128xi32, #tpu.memory_space<vmem>>) semaphore(%run_scoped3A_399 : memref<!tpu.dma_semaphore, #tpu.memory_space<semaphore_mem>>) {add = true}
        %dma_wait3A_406 = arith.constant 0 : i32
        %dma_wait3A_407 = tpu.memref_slice %arg10[%add3A_398, %dma_wait3A_406] : memref<16x128xi32, #tpu.memory_space<vmem>> -> memref<1x128xi32, #tpu.memory_space<vmem>>
        %dma_wait3A_408 = tpu.memref_squeeze %dma_wait3A_407 : memref<1x128xi32, #tpu.memory_space<vmem>> -> memref<128xi32, #tpu.memory_space<vmem>>
        %dma_wait3A_409 = arith.constant 0 : i32
        %dma_wait3A_410 = arith.constant 0 : i32
        %dma_wait3A_411 = tpu.memref_slice %arg15[%dma_wait3A_409, %dma_wait3A_410] : memref<10240x128xf32, #tpu.memory_space<vmem_shared>> -> memref<10240x128xf32, #tpu.memory_space<vmem_shared>>
        tpu.wait_indirect_dma semaphore(%run_scoped3A_399 : memref<!tpu.dma_semaphore, #tpu.memory_space<semaphore_mem>>) src(%arg14 : memref<128x128xf32, #tpu.memory_space<vmem>>) dst(%dma_wait3A_411 : memref<10240x128xf32, #tpu.memory_space<vmem_shared>>)
        tpu.yield
      }) : () -> ()
      "tpu.region"() ({
        %run_scoped3A_399 = tpu.sem_alloc : memref<!tpu.dma_semaphore, #tpu.memory_space<semaphore_mem>>
        %dma_start3A_400 = arith.constant 0 : i32
        %dma_start3A_401 = tpu.memref_slice %arg10[%add3A_398, %dma_start3A_400] : memref<16x128xi32, #tpu.memory_space<vmem>> -> memref<1x128xi32, #tpu.memory_space<vmem>>
        %dma_start3A_402 = tpu.memref_squeeze %dma_start3A_401 : memref<1x128xi32, #tpu.memory_space<vmem>> -> memref<128xi32, #tpu.memory_space<vmem>>
        %dma_start3A_403 = arith.constant 0 : i32
        %dma_start3A_404 = tpu.memref_slice %arg21[%dma_start3A_403] : memref<10240xf32, #tpu.memory_space<vmem_shared>> -> memref<10240xf32, #tpu.memory_space<vmem_shared>>
        tpu.enqueue_indirect_dma source(%arg20 : memref<128xf32, #tpu.memory_space<vmem>>) target(%dma_start3A_404 : memref<10240xf32, #tpu.memory_space<vmem_shared>>) offsets(%dma_start3A_402 : memref<128xi32, #tpu.memory_space<vmem>>) semaphore(%run_scoped3A_399 : memref<!tpu.dma_semaphore, #tpu.memory_space<semaphore_mem>>) {add = true}
        %dma_wait3A_405 = arith.constant 0 : i32
        %dma_wait3A_406 = tpu.memref_slice %arg10[%add3A_398, %dma_wait3A_405] : memref<16x128xi32, #tpu.memory_space<vmem>> -> memref<1x128xi32, #tpu.memory_space<vmem>>
        %dma_wait3A_407 = tpu.memref_squeeze %dma_wait3A_406 : memref<1x128xi32, #tpu.memory_space<vmem>> -> memref<128xi32, #tpu.memory_space<vmem>>
        %dma_wait3A_408 = arith.constant 0 : i32
        %dma_wait3A_409 = tpu.memref_slice %arg21[%dma_wait3A_408] : memref<10240xf32, #tpu.memory_space<vmem_shared>> -> memref<10240xf32, #tpu.memory_space<vmem_shared>>
        tpu.wait_indirect_dma semaphore(%run_scoped3A_399 : memref<!tpu.dma_semaphore, #tpu.memory_space<semaphore_mem>>) src(%arg20 : memref<128xf32, #tpu.memory_space<vmem>>) dst(%dma_wait3A_409 : memref<10240xf32, #tpu.memory_space<vmem_shared>>)
        tpu.yield
      }) : () -> ()
    }
    %scan3A_337 = arith.constant 7 : i32
    %dma_start3A_338 = arith.constant 15 : i32
    %dma_start3A_339 = arith.constant 0 : i32
    %dma_start3A_340 = tpu.memref_slice %arg9[%dma_start3A_338, %dma_start3A_339] : memref<16x128xi32, #tpu.memory_space<vmem>> -> memref<1x128xi32, #tpu.memory_space<vmem>>
    %dma_start3A_341 = tpu.memref_squeeze %dma_start3A_340 : memref<1x128xi32, #tpu.memory_space<vmem>> -> memref<128xi32, #tpu.memory_space<vmem>>
    %dma_start3A_342 = arith.constant 0 : i32
    %dma_start3A_343 = arith.constant 0 : i32
    %dma_start3A_344 = tpu.memref_slice %arg2[%dma_start3A_342, %dma_start3A_343] : memref<10240x128xf32, #tpu.memory_space<hbm>> -> memref<10240x128xf32, #tpu.memory_space<hbm>>
    tpu.enqueue_indirect_dma source(%dma_start3A_344 : memref<10240x128xf32, #tpu.memory_space<hbm>>) target(%arg14 : memref<128x128xf32, #tpu.memory_space<vmem>>) offsets(%dma_start3A_341 : memref<128xi32, #tpu.memory_space<vmem>>) semaphore(%arg17 : memref<!tpu.dma_semaphore, #tpu.memory_space<semaphore_mem>>)
    %dma_wait3A_345 = arith.constant 14 : i32
    %dma_wait3A_346 = arith.constant 0 : i32
    %dma_wait3A_347 = tpu.memref_slice %arg9[%dma_wait3A_345, %dma_wait3A_346] : memref<16x128xi32, #tpu.memory_space<vmem>> -> memref<1x128xi32, #tpu.memory_space<vmem>>
    %dma_wait3A_348 = tpu.memref_squeeze %dma_wait3A_347 : memref<1x128xi32, #tpu.memory_space<vmem>> -> memref<128xi32, #tpu.memory_space<vmem>>
    %dma_wait3A_349 = arith.constant 0 : i32
    %dma_wait3A_350 = arith.constant 0 : i32
    %dma_wait3A_351 = tpu.memref_slice %arg2[%dma_wait3A_349, %dma_wait3A_350] : memref<10240x128xf32, #tpu.memory_space<hbm>> -> memref<10240x128xf32, #tpu.memory_space<hbm>>
    tpu.wait_indirect_dma semaphore(%arg16 : memref<!tpu.dma_semaphore, #tpu.memory_space<semaphore_mem>>) src(%dma_wait3A_351 : memref<10240x128xf32, #tpu.memory_space<hbm>>) dst(%arg13 : memref<128x128xf32, #tpu.memory_space<vmem>>)
    %run_scoped3A_352 = arith.constant 14 : i32
    "tpu.region"() ({
      %run_scoped3A_364 = tpu.sem_alloc : memref<!tpu.dma_semaphore, #tpu.memory_space<semaphore_mem>>
      %dma_start3A_365 = arith.constant 0 : i32
      %dma_start3A_366 = tpu.memref_slice %arg10[%run_scoped3A_352, %dma_start3A_365] : memref<16x128xi32, #tpu.memory_space<vmem>> -> memref<1x128xi32, #tpu.memory_space<vmem>>
      %dma_start3A_367 = tpu.memref_squeeze %dma_start3A_366 : memref<1x128xi32, #tpu.memory_space<vmem>> -> memref<128xi32, #tpu.memory_space<vmem>>
      %dma_start3A_368 = arith.constant 0 : i32
      %dma_start3A_369 = arith.constant 0 : i32
      %dma_start3A_370 = tpu.memref_slice %arg15[%dma_start3A_368, %dma_start3A_369] : memref<10240x128xf32, #tpu.memory_space<vmem_shared>> -> memref<10240x128xf32, #tpu.memory_space<vmem_shared>>
      tpu.enqueue_indirect_dma source(%arg13 : memref<128x128xf32, #tpu.memory_space<vmem>>) target(%dma_start3A_370 : memref<10240x128xf32, #tpu.memory_space<vmem_shared>>) offsets(%dma_start3A_367 : memref<128xi32, #tpu.memory_space<vmem>>) semaphore(%run_scoped3A_364 : memref<!tpu.dma_semaphore, #tpu.memory_space<semaphore_mem>>) {add = true}
      %dma_wait3A_371 = arith.constant 0 : i32
      %dma_wait3A_372 = tpu.memref_slice %arg10[%run_scoped3A_352, %dma_wait3A_371] : memref<16x128xi32, #tpu.memory_space<vmem>> -> memref<1x128xi32, #tpu.memory_space<vmem>>
      %dma_wait3A_373 = tpu.memref_squeeze %dma_wait3A_372 : memref<1x128xi32, #tpu.memory_space<vmem>> -> memref<128xi32, #tpu.memory_space<vmem>>
      %dma_wait3A_374 = arith.constant 0 : i32
      %dma_wait3A_375 = arith.constant 0 : i32
      %dma_wait3A_376 = tpu.memref_slice %arg15[%dma_wait3A_374, %dma_wait3A_375] : memref<10240x128xf32, #tpu.memory_space<vmem_shared>> -> memref<10240x128xf32, #tpu.memory_space<vmem_shared>>
      tpu.wait_indirect_dma semaphore(%run_scoped3A_364 : memref<!tpu.dma_semaphore, #tpu.memory_space<semaphore_mem>>) src(%arg13 : memref<128x128xf32, #tpu.memory_space<vmem>>) dst(%dma_wait3A_376 : memref<10240x128xf32, #tpu.memory_space<vmem_shared>>)
      tpu.yield
    }) : () -> ()
    %run_scoped3A_353 = arith.constant 14 : i32
    "tpu.region"() ({
      %run_scoped3A_364 = tpu.sem_alloc : memref<!tpu.dma_semaphore, #tpu.memory_space<semaphore_mem>>
      %dma_start3A_365 = arith.constant 0 : i32
      %dma_start3A_366 = tpu.memref_slice %arg10[%run_scoped3A_353, %dma_start3A_365] : memref<16x128xi32, #tpu.memory_space<vmem>> -> memref<1x128xi32, #tpu.memory_space<vmem>>
      %dma_start3A_367 = tpu.memref_squeeze %dma_start3A_366 : memref<1x128xi32, #tpu.memory_space<vmem>> -> memref<128xi32, #tpu.memory_space<vmem>>
      %dma_start3A_368 = arith.constant 0 : i32
      %dma_start3A_369 = tpu.memref_slice %arg21[%dma_start3A_368] : memref<10240xf32, #tpu.memory_space<vmem_shared>> -> memref<10240xf32, #tpu.memory_space<vmem_shared>>
      tpu.enqueue_indirect_dma source(%arg20 : memref<128xf32, #tpu.memory_space<vmem>>) target(%dma_start3A_369 : memref<10240xf32, #tpu.memory_space<vmem_shared>>) offsets(%dma_start3A_367 : memref<128xi32, #tpu.memory_space<vmem>>) semaphore(%run_scoped3A_364 : memref<!tpu.dma_semaphore, #tpu.memory_space<semaphore_mem>>) {add = true}
      %dma_wait3A_370 = arith.constant 0 : i32
      %dma_wait3A_371 = tpu.memref_slice %arg10[%run_scoped3A_353, %dma_wait3A_370] : memref<16x128xi32, #tpu.memory_space<vmem>> -> memref<1x128xi32, #tpu.memory_space<vmem>>
      %dma_wait3A_372 = tpu.memref_squeeze %dma_wait3A_371 : memref<1x128xi32, #tpu.memory_space<vmem>> -> memref<128xi32, #tpu.memory_space<vmem>>
      %dma_wait3A_373 = arith.constant 0 : i32
      %dma_wait3A_374 = tpu.memref_slice %arg21[%dma_wait3A_373] : memref<10240xf32, #tpu.memory_space<vmem_shared>> -> memref<10240xf32, #tpu.memory_space<vmem_shared>>
      tpu.wait_indirect_dma semaphore(%run_scoped3A_364 : memref<!tpu.dma_semaphore, #tpu.memory_space<semaphore_mem>>) src(%arg20 : memref<128xf32, #tpu.memory_space<vmem>>) dst(%dma_wait3A_374 : memref<10240xf32, #tpu.memory_space<vmem_shared>>)
      tpu.yield
    }) : () -> ()
    %dma_wait3A_354 = arith.constant 15 : i32
    %dma_wait3A_355 = arith.constant 0 : i32
    %dma_wait3A_356 = tpu.memref_slice %arg9[%dma_wait3A_354, %dma_wait3A_355] : memref<16x128xi32, #tpu.memory_space<vmem>> -> memref<1x128xi32, #tpu.memory_space<vmem>>
    %dma_wait3A_357 = tpu.memref_squeeze %dma_wait3A_356 : memref<1x128xi32, #tpu.memory_space<vmem>> -> memref<128xi32, #tpu.memory_space<vmem>>
    %dma_wait3A_358 = arith.constant 0 : i32
    %dma_wait3A_359 = arith.constant 0 : i32
    %dma_wait3A_360 = tpu.memref_slice %arg2[%dma_wait3A_358, %dma_wait3A_359] : memref<10240x128xf32, #tpu.memory_space<hbm>> -> memref<10240x128xf32, #tpu.memory_space<hbm>>
    tpu.wait_indirect_dma semaphore(%arg17 : memref<!tpu.dma_semaphore, #tpu.memory_space<semaphore_mem>>) src(%dma_wait3A_360 : memref<10240x128xf32, #tpu.memory_space<hbm>>) dst(%arg14 : memref<128x128xf32, #tpu.memory_space<vmem>>)
    %run_scoped3A_361 = arith.constant 15 : i32
    "tpu.region"() ({
      %run_scoped3A_364 = tpu.sem_alloc : memref<!tpu.dma_semaphore, #tpu.memory_space<semaphore_mem>>
      %dma_start3A_365 = arith.constant 0 : i32
      %dma_start3A_366 = tpu.memref_slice %arg10[%run_scoped3A_361, %dma_start3A_365] : memref<16x128xi32, #tpu.memory_space<vmem>> -> memref<1x128xi32, #tpu.memory_space<vmem>>
      %dma_start3A_367 = tpu.memref_squeeze %dma_start3A_366 : memref<1x128xi32, #tpu.memory_space<vmem>> -> memref<128xi32, #tpu.memory_space<vmem>>
      %dma_start3A_368 = arith.constant 0 : i32
      %dma_start3A_369 = arith.constant 0 : i32
      %dma_start3A_370 = tpu.memref_slice %arg15[%dma_start3A_368, %dma_start3A_369] : memref<10240x128xf32, #tpu.memory_space<vmem_shared>> -> memref<10240x128xf32, #tpu.memory_space<vmem_shared>>
      tpu.enqueue_indirect_dma source(%arg14 : memref<128x128xf32, #tpu.memory_space<vmem>>) target(%dma_start3A_370 : memref<10240x128xf32, #tpu.memory_space<vmem_shared>>) offsets(%dma_start3A_367 : memref<128xi32, #tpu.memory_space<vmem>>) semaphore(%run_scoped3A_364 : memref<!tpu.dma_semaphore, #tpu.memory_space<semaphore_mem>>) {add = true}
      %dma_wait3A_371 = arith.constant 0 : i32
      %dma_wait3A_372 = tpu.memref_slice %arg10[%run_scoped3A_361, %dma_wait3A_371] : memref<16x128xi32, #tpu.memory_space<vmem>> -> memref<1x128xi32, #tpu.memory_space<vmem>>
      %dma_wait3A_373 = tpu.memref_squeeze %dma_wait3A_372 : memref<1x128xi32, #tpu.memory_space<vmem>> -> memref<128xi32, #tpu.memory_space<vmem>>
      %dma_wait3A_374 = arith.constant 0 : i32
      %dma_wait3A_375 = arith.constant 0 : i32
      %dma_wait3A_376 = tpu.memref_slice %arg15[%dma_wait3A_374, %dma_wait3A_375] : memref<10240x128xf32, #tpu.memory_space<vmem_shared>> -> memref<10240x128xf32, #tpu.memory_space<vmem_shared>>
      tpu.wait_indirect_dma semaphore(%run_scoped3A_364 : memref<!tpu.dma_semaphore, #tpu.memory_space<semaphore_mem>>) src(%arg14 : memref<128x128xf32, #tpu.memory_space<vmem>>) dst(%dma_wait3A_376 : memref<10240x128xf32, #tpu.memory_space<vmem_shared>>)
      tpu.yield
    }) : () -> ()
    %run_scoped3A_362 = arith.constant 15 : i32
    "tpu.region"() ({
      %run_scoped3A_364 = tpu.sem_alloc : memref<!tpu.dma_semaphore, #tpu.memory_space<semaphore_mem>>
      %dma_start3A_365 = arith.constant 0 : i32
      %dma_start3A_366 = tpu.memref_slice %arg10[%run_scoped3A_362, %dma_start3A_365] : memref<16x128xi32, #tpu.memory_space<vmem>> -> memref<1x128xi32, #tpu.memory_space<vmem>>
      %dma_start3A_367 = tpu.memref_squeeze %dma_start3A_366 : memref<1x128xi32, #tpu.memory_space<vmem>> -> memref<128xi32, #tpu.memory_space<vmem>>
      %dma_start3A_368 = arith.constant 0 : i32
      %dma_start3A_369 = tpu.memref_slice %arg21[%dma_start3A_368] : memref<10240xf32, #tpu.memory_space<vmem_shared>> -> memref<10240xf32, #tpu.memory_space<vmem_shared>>
      tpu.enqueue_indirect_dma source(%arg20 : memref<128xf32, #tpu.memory_space<vmem>>) target(%dma_start3A_369 : memref<10240xf32, #tpu.memory_space<vmem_shared>>) offsets(%dma_start3A_367 : memref<128xi32, #tpu.memory_space<vmem>>) semaphore(%run_scoped3A_364 : memref<!tpu.dma_semaphore, #tpu.memory_space<semaphore_mem>>) {add = true}
      %dma_wait3A_370 = arith.constant 0 : i32
      %dma_wait3A_371 = tpu.memref_slice %arg10[%run_scoped3A_362, %dma_wait3A_370] : memref<16x128xi32, #tpu.memory_space<vmem>> -> memref<1x128xi32, #tpu.memory_space<vmem>>
      %dma_wait3A_372 = tpu.memref_squeeze %dma_wait3A_371 : memref<1x128xi32, #tpu.memory_space<vmem>> -> memref<128xi32, #tpu.memory_space<vmem>>
      %dma_wait3A_373 = arith.constant 0 : i32
      %dma_wait3A_374 = tpu.memref_slice %arg21[%dma_wait3A_373] : memref<10240xf32, #tpu.memory_space<vmem_shared>> -> memref<10240xf32, #tpu.memory_space<vmem_shared>>
      tpu.wait_indirect_dma semaphore(%run_scoped3A_364 : memref<!tpu.dma_semaphore, #tpu.memory_space<semaphore_mem>>) src(%arg20 : memref<128xf32, #tpu.memory_space<vmem>>) dst(%dma_wait3A_374 : memref<10240xf32, #tpu.memory_space<vmem_shared>>)
      tpu.yield
    }) : () -> ()
    %barrier3A_363 = arith.constant 0 : index
    tpu.barrier barrier_id(%barrier3A_363)
    "tpu.region"() ({
      %run_scoped3A_364 = tpu.sem_alloc : memref<!tpu.dma_semaphore, #tpu.memory_space<semaphore_mem>>
      %dma_start3A_365 = arith.constant 0 : i32
      %dma_start3A_366 = tpu.memref_slice %arg7[%arg0, %multiple_of3A, %dma_start3A_365] : memref<2x10240x128xf32, #tpu.memory_space<hbm>> -> memref<1x640x128xf32, #tpu.memory_space<hbm>>
      %dma_start3A_367 = tpu.memref_squeeze %dma_start3A_366 : memref<1x640x128xf32, #tpu.memory_space<hbm>> -> memref<640x128xf32, #tpu.memory_space<hbm>>
      %dma_start3A_368 = arith.constant 0 : i32
      %dma_start3A_369 = tpu.memref_slice %arg15[%multiple_of3A, %dma_start3A_368] : memref<10240x128xf32, #tpu.memory_space<vmem_shared>> -> memref<640x128xf32, #tpu.memory_space<vmem_shared>>
      tpu.enqueue_dma source(%dma_start3A_369 : memref<640x128xf32, #tpu.memory_space<vmem_shared>>) target(%dma_start3A_367 : memref<640x128xf32, #tpu.memory_space<hbm>>) target_semaphore(%run_scoped3A_364 : memref<!tpu.dma_semaphore, #tpu.memory_space<semaphore_mem>>)
      %dma_wait3A_370 = arith.constant 0 : i32
      %dma_wait3A_371 = tpu.memref_slice %arg7[%arg0, %multiple_of3A, %dma_wait3A_370] : memref<2x10240x128xf32, #tpu.memory_space<hbm>> -> memref<1x640x128xf32, #tpu.memory_space<hbm>>
      %dma_wait3A_372 = tpu.memref_squeeze %dma_wait3A_371 : memref<1x640x128xf32, #tpu.memory_space<hbm>> -> memref<640x128xf32, #tpu.memory_space<hbm>>
      %dma_wait3A_373 = arith.constant 0 : i32
      %dma_wait3A_374 = tpu.memref_slice %arg15[%multiple_of3A, %dma_wait3A_373] : memref<10240x128xf32, #tpu.memory_space<vmem_shared>> -> memref<640x128xf32, #tpu.memory_space<vmem_shared>>
      tpu.wait_dma2 semaphore(%run_scoped3A_364 : memref<!tpu.dma_semaphore, #tpu.memory_space<semaphore_mem>>) src(%dma_wait3A_374 : memref<640x128xf32, #tpu.memory_space<vmem_shared>>) dst(%dma_wait3A_372 : memref<640x128xf32, #tpu.memory_space<hbm>>)
      tpu.yield
    }) : () -> ()
    "tpu.region"() ({
      %run_scoped3A_364 = tpu.sem_alloc : memref<!tpu.dma_semaphore, #tpu.memory_space<semaphore_mem>>
      %dma_start3A_365 = tpu.memref_slice %arg8[%arg0, %multiple_of3A] : memref<2x10240xf32, #tpu.memory_space<hbm>> -> memref<1x640xf32, #tpu.memory_space<hbm>>
      %dma_start3A_366 = tpu.memref_squeeze %dma_start3A_365 : memref<1x640xf32, #tpu.memory_space<hbm>> -> memref<640xf32, #tpu.memory_space<hbm>>
      %dma_start3A_367 = tpu.memref_slice %arg21[%multiple_of3A] : memref<10240xf32, #tpu.memory_space<vmem_shared>> -> memref<640xf32, #tpu.memory_space<vmem_shared>>
      tpu.enqueue_dma source(%dma_start3A_367 : memref<640xf32, #tpu.memory_space<vmem_shared>>) target(%dma_start3A_366 : memref<640xf32, #tpu.memory_space<hbm>>) target_semaphore(%run_scoped3A_364 : memref<!tpu.dma_semaphore, #tpu.memory_space<semaphore_mem>>)
      %dma_wait3A_368 = tpu.memref_slice %arg8[%arg0, %multiple_of3A] : memref<2x10240xf32, #tpu.memory_space<hbm>> -> memref<1x640xf32, #tpu.memory_space<hbm>>
      %dma_wait3A_369 = tpu.memref_squeeze %dma_wait3A_368 : memref<1x640xf32, #tpu.memory_space<hbm>> -> memref<640xf32, #tpu.memory_space<hbm>>
      %dma_wait3A_370 = tpu.memref_slice %arg21[%multiple_of3A] : memref<10240xf32, #tpu.memory_space<vmem_shared>> -> memref<640xf32, #tpu.memory_space<vmem_shared>>
      tpu.wait_dma2 semaphore(%run_scoped3A_364 : memref<!tpu.dma_semaphore, #tpu.memory_space<semaphore_mem>>) src(%dma_wait3A_370 : memref<640xf32, #tpu.memory_space<vmem_shared>>) dst(%dma_wait3A_369 : memref<640xf32, #tpu.memory_space<hbm>>)
      tpu.yield
    }) : () -> ()
    return
  }
}

#map = affine_map<(d0, d1) -> (0, 0)>
#map1 = affine_map<(d0, d1) -> (0, 0, 0)>
#map2 = affine_map<(d0, d1) -> (0)>
module attributes {stable_mosaic.version = 14 : i64} {
  func.func @body(%arg0: i32, %arg1: i32, %arg2: memref<10240x128xf32, #tpu.memory_space<hbm>>, %arg3: memref<32x80x128xi32, #tpu.memory_space<hbm>>, %arg4: memref<32x80x128xi32, #tpu.memory_space<hbm>>, %arg5: memref<640x128xf32, #tpu.memory_space<hbm>>, %arg6: memref<640xf32, #tpu.memory_space<hbm>>, %arg7: memref<2x10240x128xf32, #tpu.memory_space<hbm>>, %arg8: memref<16x128xi32, #tpu.memory_space<vmem>>, %arg9: memref<16x128xi32, #tpu.memory_space<vmem>>, %arg10: memref<16x128xi32, #tpu.memory_space<vmem>>, %arg11: memref<16x128xi32, #tpu.memory_space<vmem>>, %arg12: memref<128x128xf32, #tpu.memory_space<vmem>>, %arg13: memref<128x128xf32, #tpu.memory_space<vmem>>, %arg14: memref<10240x128xf32, #tpu.memory_space<vmem_shared>>, %arg15: memref<!tpu.dma_semaphore, #tpu.memory_space<semaphore_mem>>, %arg16: memref<!tpu.dma_semaphore, #tpu.memory_space<semaphore_mem>>, %arg17: memref<!tpu.dma_semaphore, #tpu.memory_space<semaphore_mem>>, %arg18: memref<!tpu.dma_semaphore, #tpu.memory_space<semaphore_mem>>) attributes {dimension_semantics = [#tpu.dimension_semantics<core_parallel>, #tpu.dimension_semantics<subcore_parallel>], iteration_bounds = array<i64: 2, 16>, scalar_prefetch = 0 : i64, scratch_operands = 11 : i64, tpu.core_type = #tpu.core_type<sc_vector_subcore>, window_params = [{transform_indices = #map}, {transform_indices = #map1}, {transform_indices = #map1}, {transform_indices = #map}, {transform_indices = #map2}, {transform_indices = #map1}]} {
    %mul3A = arith.constant 2 : i32
    %mul3A_0 = arith.muli %arg1, %mul3A : i32
    %add3A = arith.addi %mul3A_0, %arg0 : i32
    %mul3A_1 = arith.constant 640 : i32
    %mul3A_2 = arith.muli %arg1, %mul3A_1 : i32
    %multiple_of3A = tpu.assume_multiple %mul3A_2, 8 : i32
    "tpu.region"() ({
      %run_scoped3A_308 = tpu.sem_alloc : memref<!tpu.dma_semaphore, #tpu.memory_space<semaphore_mem>>
      %dma_start3A_309 = arith.constant 0 : i32
      %dma_start3A_310 = tpu.memref_slice %arg14[%multiple_of3A, %dma_start3A_309] : memref<10240x128xf32, #tpu.memory_space<vmem_shared>> -> memref<640x128xf32, #tpu.memory_space<vmem_shared>>
      tpu.enqueue_dma source(%arg5 : memref<640x128xf32, #tpu.memory_space<hbm>>) target(%dma_start3A_310 : memref<640x128xf32, #tpu.memory_space<vmem_shared>>) target_semaphore(%run_scoped3A_308 : memref<!tpu.dma_semaphore, #tpu.memory_space<semaphore_mem>>)
      %dma_wait3A_311 = arith.constant 0 : i32
      %dma_wait3A_312 = tpu.memref_slice %arg14[%multiple_of3A, %dma_wait3A_311] : memref<10240x128xf32, #tpu.memory_space<vmem_shared>> -> memref<640x128xf32, #tpu.memory_space<vmem_shared>>
      tpu.wait_dma2 semaphore(%run_scoped3A_308 : memref<!tpu.dma_semaphore, #tpu.memory_space<semaphore_mem>>) src(%arg5 : memref<640x128xf32, #tpu.memory_space<hbm>>) dst(%dma_wait3A_312 : memref<640x128xf32, #tpu.memory_space<vmem_shared>>)
      tpu.yield
    }) : () -> ()
    %barrier3A = arith.constant 0 : index
    tpu.barrier barrier_id(%barrier3A)
    "tpu.region"() ({
      %run_scoped3A_308 = tpu.sem_alloc : memref<!tpu.dma_semaphore, #tpu.memory_space<semaphore_mem>>
      %dma_start3A_309 = arith.constant 0 : i32
      %dma_start3A_310 = arith.constant 0 : i32
      %dma_start3A_311 = tpu.memref_slice %arg3[%add3A, %dma_start3A_309, %dma_start3A_310] : memref<32x80x128xi32, #tpu.memory_space<hbm>> -> memref<1x16x128xi32, #tpu.memory_space<hbm>>
      %dma_start3A_312 = tpu.memref_squeeze %dma_start3A_311 : memref<1x16x128xi32, #tpu.memory_space<hbm>> -> memref<16x128xi32, #tpu.memory_space<hbm>>
      %dma_start3A_313 = arith.constant 0 : i32
      %dma_start3A_314 = arith.constant 0 : i32
      %dma_start3A_315 = tpu.memref_slice %arg3[%add3A, %dma_start3A_313, %dma_start3A_314] : memref<32x80x128xi32, #tpu.memory_space<hbm>> -> memref<1x16x128xi32, #tpu.memory_space<hbm>>
      %dma_start3A_316 = tpu.memref_squeeze %dma_start3A_315 : memref<1x16x128xi32, #tpu.memory_space<hbm>> -> memref<16x128xi32, #tpu.memory_space<hbm>>
      tpu.enqueue_dma source(%dma_start3A_316 : memref<16x128xi32, #tpu.memory_space<hbm>>) target(%arg8 : memref<16x128xi32, #tpu.memory_space<vmem>>) target_semaphore(%run_scoped3A_308 : memref<!tpu.dma_semaphore, #tpu.memory_space<semaphore_mem>>)
      %dma_wait3A_317 = arith.constant 0 : i32
      %dma_wait3A_318 = arith.constant 0 : i32
      %dma_wait3A_319 = tpu.memref_slice %arg3[%add3A, %dma_wait3A_317, %dma_wait3A_318] : memref<32x80x128xi32, #tpu.memory_space<hbm>> -> memref<1x16x128xi32, #tpu.memory_space<hbm>>
      %dma_wait3A_320 = tpu.memref_squeeze %dma_wait3A_319 : memref<1x16x128xi32, #tpu.memory_space<hbm>> -> memref<16x128xi32, #tpu.memory_space<hbm>>
      %dma_wait3A_321 = arith.constant 0 : i32
      %dma_wait3A_322 = arith.constant 0 : i32
      %dma_wait3A_323 = tpu.memref_slice %arg3[%add3A, %dma_wait3A_321, %dma_wait3A_322] : memref<32x80x128xi32, #tpu.memory_space<hbm>> -> memref<1x16x128xi32, #tpu.memory_space<hbm>>
      %dma_wait3A_324 = tpu.memref_squeeze %dma_wait3A_323 : memref<1x16x128xi32, #tpu.memory_space<hbm>> -> memref<16x128xi32, #tpu.memory_space<hbm>>
      tpu.wait_dma2 semaphore(%run_scoped3A_308 : memref<!tpu.dma_semaphore, #tpu.memory_space<semaphore_mem>>) src(%dma_wait3A_324 : memref<16x128xi32, #tpu.memory_space<hbm>>) dst(%arg8 : memref<16x128xi32, #tpu.memory_space<vmem>>)
      tpu.yield
    }) : () -> ()
    "tpu.region"() ({
      %run_scoped3A_308 = tpu.sem_alloc : memref<!tpu.dma_semaphore, #tpu.memory_space<semaphore_mem>>
      %dma_start3A_309 = arith.constant 0 : i32
      %dma_start3A_310 = arith.constant 0 : i32
      %dma_start3A_311 = tpu.memref_slice %arg4[%add3A, %dma_start3A_309, %dma_start3A_310] : memref<32x80x128xi32, #tpu.memory_space<hbm>> -> memref<1x16x128xi32, #tpu.memory_space<hbm>>
      %dma_start3A_312 = tpu.memref_squeeze %dma_start3A_311 : memref<1x16x128xi32, #tpu.memory_space<hbm>> -> memref<16x128xi32, #tpu.memory_space<hbm>>
      %dma_start3A_313 = arith.constant 0 : i32
      %dma_start3A_314 = arith.constant 0 : i32
      %dma_start3A_315 = tpu.memref_slice %arg4[%add3A, %dma_start3A_313, %dma_start3A_314] : memref<32x80x128xi32, #tpu.memory_space<hbm>> -> memref<1x16x128xi32, #tpu.memory_space<hbm>>
      %dma_start3A_316 = tpu.memref_squeeze %dma_start3A_315 : memref<1x16x128xi32, #tpu.memory_space<hbm>> -> memref<16x128xi32, #tpu.memory_space<hbm>>
      tpu.enqueue_dma source(%dma_start3A_316 : memref<16x128xi32, #tpu.memory_space<hbm>>) target(%arg9 : memref<16x128xi32, #tpu.memory_space<vmem>>) target_semaphore(%run_scoped3A_308 : memref<!tpu.dma_semaphore, #tpu.memory_space<semaphore_mem>>)
      %dma_wait3A_317 = arith.constant 0 : i32
      %dma_wait3A_318 = arith.constant 0 : i32
      %dma_wait3A_319 = tpu.memref_slice %arg4[%add3A, %dma_wait3A_317, %dma_wait3A_318] : memref<32x80x128xi32, #tpu.memory_space<hbm>> -> memref<1x16x128xi32, #tpu.memory_space<hbm>>
      %dma_wait3A_320 = tpu.memref_squeeze %dma_wait3A_319 : memref<1x16x128xi32, #tpu.memory_space<hbm>> -> memref<16x128xi32, #tpu.memory_space<hbm>>
      %dma_wait3A_321 = arith.constant 0 : i32
      %dma_wait3A_322 = arith.constant 0 : i32
      %dma_wait3A_323 = tpu.memref_slice %arg4[%add3A, %dma_wait3A_321, %dma_wait3A_322] : memref<32x80x128xi32, #tpu.memory_space<hbm>> -> memref<1x16x128xi32, #tpu.memory_space<hbm>>
      %dma_wait3A_324 = tpu.memref_squeeze %dma_wait3A_323 : memref<1x16x128xi32, #tpu.memory_space<hbm>> -> memref<16x128xi32, #tpu.memory_space<hbm>>
      tpu.wait_dma2 semaphore(%run_scoped3A_308 : memref<!tpu.dma_semaphore, #tpu.memory_space<semaphore_mem>>) src(%dma_wait3A_324 : memref<16x128xi32, #tpu.memory_space<hbm>>) dst(%arg9 : memref<16x128xi32, #tpu.memory_space<vmem>>)
      tpu.yield
    }) : () -> ()
    %dma_start3A = arith.constant 16 : i32
    %dma_start3A_3 = arith.constant 0 : i32
    %dma_start3A_4 = tpu.memref_slice %arg3[%add3A, %dma_start3A, %dma_start3A_3] : memref<32x80x128xi32, #tpu.memory_space<hbm>> -> memref<1x16x128xi32, #tpu.memory_space<hbm>>
    %dma_start3A_5 = tpu.memref_squeeze %dma_start3A_4 : memref<1x16x128xi32, #tpu.memory_space<hbm>> -> memref<16x128xi32, #tpu.memory_space<hbm>>
    %dma_start3A_6 = arith.constant 16 : i32
    %dma_start3A_7 = arith.constant 0 : i32
    %dma_start3A_8 = tpu.memref_slice %arg3[%add3A, %dma_start3A_6, %dma_start3A_7] : memref<32x80x128xi32, #tpu.memory_space<hbm>> -> memref<1x16x128xi32, #tpu.memory_space<hbm>>
    %dma_start3A_9 = tpu.memref_squeeze %dma_start3A_8 : memref<1x16x128xi32, #tpu.memory_space<hbm>> -> memref<16x128xi32, #tpu.memory_space<hbm>>
    tpu.enqueue_dma source(%dma_start3A_9 : memref<16x128xi32, #tpu.memory_space<hbm>>) target(%arg10 : memref<16x128xi32, #tpu.memory_space<vmem>>) target_semaphore(%arg17 : memref<!tpu.dma_semaphore, #tpu.memory_space<semaphore_mem>>)
    %dma_start3A_10 = arith.constant 16 : i32
    %dma_start3A_11 = arith.constant 0 : i32
    %dma_start3A_12 = tpu.memref_slice %arg4[%add3A, %dma_start3A_10, %dma_start3A_11] : memref<32x80x128xi32, #tpu.memory_space<hbm>> -> memref<1x16x128xi32, #tpu.memory_space<hbm>>
    %dma_start3A_13 = tpu.memref_squeeze %dma_start3A_12 : memref<1x16x128xi32, #tpu.memory_space<hbm>> -> memref<16x128xi32, #tpu.memory_space<hbm>>
    %dma_start3A_14 = arith.constant 16 : i32
    %dma_start3A_15 = arith.constant 0 : i32
    %dma_start3A_16 = tpu.memref_slice %arg4[%add3A, %dma_start3A_14, %dma_start3A_15] : memref<32x80x128xi32, #tpu.memory_space<hbm>> -> memref<1x16x128xi32, #tpu.memory_space<hbm>>
    %dma_start3A_17 = tpu.memref_squeeze %dma_start3A_16 : memref<1x16x128xi32, #tpu.memory_space<hbm>> -> memref<16x128xi32, #tpu.memory_space<hbm>>
    tpu.enqueue_dma source(%dma_start3A_17 : memref<16x128xi32, #tpu.memory_space<hbm>>) target(%arg11 : memref<16x128xi32, #tpu.memory_space<vmem>>) target_semaphore(%arg18 : memref<!tpu.dma_semaphore, #tpu.memory_space<semaphore_mem>>)
    %dma_start3A_18 = arith.constant 0 : i32
    %dma_start3A_19 = arith.constant 0 : i32
    %dma_start3A_20 = tpu.memref_slice %arg8[%dma_start3A_18, %dma_start3A_19] : memref<16x128xi32, #tpu.memory_space<vmem>> -> memref<1x128xi32, #tpu.memory_space<vmem>>
    %dma_start3A_21 = tpu.memref_squeeze %dma_start3A_20 : memref<1x128xi32, #tpu.memory_space<vmem>> -> memref<128xi32, #tpu.memory_space<vmem>>
    %dma_start3A_22 = arith.constant 0 : i32
    %dma_start3A_23 = arith.constant 0 : i32
    %dma_start3A_24 = tpu.memref_slice %arg2[%dma_start3A_22, %dma_start3A_23] : memref<10240x128xf32, #tpu.memory_space<hbm>> -> memref<10240x128xf32, #tpu.memory_space<hbm>>
    tpu.enqueue_indirect_dma source(%dma_start3A_24 : memref<10240x128xf32, #tpu.memory_space<hbm>>) target(%arg12 : memref<128x128xf32, #tpu.memory_space<vmem>>) offsets(%dma_start3A_21 : memref<128xi32, #tpu.memory_space<vmem>>) semaphore(%arg15 : memref<!tpu.dma_semaphore, #tpu.memory_space<semaphore_mem>>)
    %scan3A = arith.constant 0 : i32
    %scan3A_25 = arith.constant 0 : i32
    %scan3A_26 = arith.constant 7 : i32
    %scan3A_27 = arith.addi %scan3A_25, %scan3A_26 : i32
    %scan3A_28 = arith.constant 1 : i32
    scf.for %scan3A_308 = %scan3A_25 to %scan3A_27 step %scan3A_28  : i32 {
      %mul3A_309 = arith.constant 2 : i32
      %mul3A_310 = arith.muli %mul3A_309, %scan3A_308 : i32
      %add3A_311 = arith.constant 1 : i32
      %add3A_312 = arith.addi %mul3A_310, %add3A_311 : i32
      %dma_start3A_313 = arith.constant 0 : i32
      %dma_start3A_314 = tpu.memref_slice %arg8[%add3A_312, %dma_start3A_313] : memref<16x128xi32, #tpu.memory_space<vmem>> -> memref<1x128xi32, #tpu.memory_space<vmem>>
      %dma_start3A_315 = tpu.memref_squeeze %dma_start3A_314 : memref<1x128xi32, #tpu.memory_space<vmem>> -> memref<128xi32, #tpu.memory_space<vmem>>
      %dma_start3A_316 = arith.constant 0 : i32
      %dma_start3A_317 = arith.constant 0 : i32
      %dma_start3A_318 = tpu.memref_slice %arg2[%dma_start3A_316, %dma_start3A_317] : memref<10240x128xf32, #tpu.memory_space<hbm>> -> memref<10240x128xf32, #tpu.memory_space<hbm>>
      tpu.enqueue_indirect_dma source(%dma_start3A_318 : memref<10240x128xf32, #tpu.memory_space<hbm>>) target(%arg13 : memref<128x128xf32, #tpu.memory_space<vmem>>) offsets(%dma_start3A_315 : memref<128xi32, #tpu.memory_space<vmem>>) semaphore(%arg16 : memref<!tpu.dma_semaphore, #tpu.memory_space<semaphore_mem>>)
      %dma_wait3A_319 = arith.constant 0 : i32
      %dma_wait3A_320 = tpu.memref_slice %arg8[%mul3A_310, %dma_wait3A_319] : memref<16x128xi32, #tpu.memory_space<vmem>> -> memref<1x128xi32, #tpu.memory_space<vmem>>
      %dma_wait3A_321 = tpu.memref_squeeze %dma_wait3A_320 : memref<1x128xi32, #tpu.memory_space<vmem>> -> memref<128xi32, #tpu.memory_space<vmem>>
      %dma_wait3A_322 = arith.constant 0 : i32
      %dma_wait3A_323 = arith.constant 0 : i32
      %dma_wait3A_324 = tpu.memref_slice %arg2[%dma_wait3A_322, %dma_wait3A_323] : memref<10240x128xf32, #tpu.memory_space<hbm>> -> memref<10240x128xf32, #tpu.memory_space<hbm>>
      tpu.wait_indirect_dma semaphore(%arg15 : memref<!tpu.dma_semaphore, #tpu.memory_space<semaphore_mem>>) src(%dma_wait3A_324 : memref<10240x128xf32, #tpu.memory_space<hbm>>) dst(%arg12 : memref<128x128xf32, #tpu.memory_space<vmem>>)
      "tpu.region"() ({
        %run_scoped3A_343 = tpu.sem_alloc : memref<!tpu.dma_semaphore, #tpu.memory_space<semaphore_mem>>
        %dma_start3A_344 = arith.constant 0 : i32
        %dma_start3A_345 = tpu.memref_slice %arg9[%mul3A_310, %dma_start3A_344] : memref<16x128xi32, #tpu.memory_space<vmem>> -> memref<1x128xi32, #tpu.memory_space<vmem>>
        %dma_start3A_346 = tpu.memref_squeeze %dma_start3A_345 : memref<1x128xi32, #tpu.memory_space<vmem>> -> memref<128xi32, #tpu.memory_space<vmem>>
        %dma_start3A_347 = arith.constant 0 : i32
        %dma_start3A_348 = arith.constant 0 : i32
        %dma_start3A_349 = tpu.memref_slice %arg14[%dma_start3A_347, %dma_start3A_348] : memref<10240x128xf32, #tpu.memory_space<vmem_shared>> -> memref<10240x128xf32, #tpu.memory_space<vmem_shared>>
        tpu.enqueue_indirect_dma source(%arg12 : memref<128x128xf32, #tpu.memory_space<vmem>>) target(%dma_start3A_349 : memref<10240x128xf32, #tpu.memory_space<vmem_shared>>) offsets(%dma_start3A_346 : memref<128xi32, #tpu.memory_space<vmem>>) semaphore(%run_scoped3A_343 : memref<!tpu.dma_semaphore, #tpu.memory_space<semaphore_mem>>) {add = true}
        %dma_wait3A_350 = arith.constant 0 : i32
        %dma_wait3A_351 = tpu.memref_slice %arg9[%mul3A_310, %dma_wait3A_350] : memref<16x128xi32, #tpu.memory_space<vmem>> -> memref<1x128xi32, #tpu.memory_space<vmem>>
        %dma_wait3A_352 = tpu.memref_squeeze %dma_wait3A_351 : memref<1x128xi32, #tpu.memory_space<vmem>> -> memref<128xi32, #tpu.memory_space<vmem>>
        %dma_wait3A_353 = arith.constant 0 : i32
        %dma_wait3A_354 = arith.constant 0 : i32
        %dma_wait3A_355 = tpu.memref_slice %arg14[%dma_wait3A_353, %dma_wait3A_354] : memref<10240x128xf32, #tpu.memory_space<vmem_shared>> -> memref<10240x128xf32, #tpu.memory_space<vmem_shared>>
        tpu.wait_indirect_dma semaphore(%run_scoped3A_343 : memref<!tpu.dma_semaphore, #tpu.memory_space<semaphore_mem>>) src(%arg12 : memref<128x128xf32, #tpu.memory_space<vmem>>) dst(%dma_wait3A_355 : memref<10240x128xf32, #tpu.memory_space<vmem_shared>>)
        tpu.yield
      }) : () -> ()
      %add3A_325 = arith.constant 2 : i32
      %add3A_326 = arith.addi %mul3A_310, %add3A_325 : i32
      %dma_start3A_327 = arith.constant 0 : i32
      %dma_start3A_328 = tpu.memref_slice %arg8[%add3A_326, %dma_start3A_327] : memref<16x128xi32, #tpu.memory_space<vmem>> -> memref<1x128xi32, #tpu.memory_space<vmem>>
      %dma_start3A_329 = tpu.memref_squeeze %dma_start3A_328 : memref<1x128xi32, #tpu.memory_space<vmem>> -> memref<128xi32, #tpu.memory_space<vmem>>
      %dma_start3A_330 = arith.constant 0 : i32
      %dma_start3A_331 = arith.constant 0 : i32
      %dma_start3A_332 = tpu.memref_slice %arg2[%dma_start3A_330, %dma_start3A_331] : memref<10240x128xf32, #tpu.memory_space<hbm>> -> memref<10240x128xf32, #tpu.memory_space<hbm>>
      tpu.enqueue_indirect_dma source(%dma_start3A_332 : memref<10240x128xf32, #tpu.memory_space<hbm>>) target(%arg12 : memref<128x128xf32, #tpu.memory_space<vmem>>) offsets(%dma_start3A_329 : memref<128xi32, #tpu.memory_space<vmem>>) semaphore(%arg15 : memref<!tpu.dma_semaphore, #tpu.memory_space<semaphore_mem>>)
      %add3A_333 = arith.constant 1 : i32
      %add3A_334 = arith.addi %mul3A_310, %add3A_333 : i32
      %dma_wait3A_335 = arith.constant 0 : i32
      %dma_wait3A_336 = tpu.memref_slice %arg8[%add3A_334, %dma_wait3A_335] : memref<16x128xi32, #tpu.memory_space<vmem>> -> memref<1x128xi32, #tpu.memory_space<vmem>>
      %dma_wait3A_337 = tpu.memref_squeeze %dma_wait3A_336 : memref<1x128xi32, #tpu.memory_space<vmem>> -> memref<128xi32, #tpu.memory_space<vmem>>
      %dma_wait3A_338 = arith.constant 0 : i32
      %dma_wait3A_339 = arith.constant 0 : i32
      %dma_wait3A_340 = tpu.memref_slice %arg2[%dma_wait3A_338, %dma_wait3A_339] : memref<10240x128xf32, #tpu.memory_space<hbm>> -> memref<10240x128xf32, #tpu.memory_space<hbm>>
      tpu.wait_indirect_dma semaphore(%arg16 : memref<!tpu.dma_semaphore, #tpu.memory_space<semaphore_mem>>) src(%dma_wait3A_340 : memref<10240x128xf32, #tpu.memory_space<hbm>>) dst(%arg13 : memref<128x128xf32, #tpu.memory_space<vmem>>)
      %add3A_341 = arith.constant 1 : i32
      %add3A_342 = arith.addi %mul3A_310, %add3A_341 : i32
      "tpu.region"() ({
        %run_scoped3A_343 = tpu.sem_alloc : memref<!tpu.dma_semaphore, #tpu.memory_space<semaphore_mem>>
        %dma_start3A_344 = arith.constant 0 : i32
        %dma_start3A_345 = tpu.memref_slice %arg9[%add3A_342, %dma_start3A_344] : memref<16x128xi32, #tpu.memory_space<vmem>> -> memref<1x128xi32, #tpu.memory_space<vmem>>
        %dma_start3A_346 = tpu.memref_squeeze %dma_start3A_345 : memref<1x128xi32, #tpu.memory_space<vmem>> -> memref<128xi32, #tpu.memory_space<vmem>>
        %dma_start3A_347 = arith.constant 0 : i32
        %dma_start3A_348 = arith.constant 0 : i32
        %dma_start3A_349 = tpu.memref_slice %arg14[%dma_start3A_347, %dma_start3A_348] : memref<10240x128xf32, #tpu.memory_space<vmem_shared>> -> memref<10240x128xf32, #tpu.memory_space<vmem_shared>>
        tpu.enqueue_indirect_dma source(%arg13 : memref<128x128xf32, #tpu.memory_space<vmem>>) target(%dma_start3A_349 : memref<10240x128xf32, #tpu.memory_space<vmem_shared>>) offsets(%dma_start3A_346 : memref<128xi32, #tpu.memory_space<vmem>>) semaphore(%run_scoped3A_343 : memref<!tpu.dma_semaphore, #tpu.memory_space<semaphore_mem>>) {add = true}
        %dma_wait3A_350 = arith.constant 0 : i32
        %dma_wait3A_351 = tpu.memref_slice %arg9[%add3A_342, %dma_wait3A_350] : memref<16x128xi32, #tpu.memory_space<vmem>> -> memref<1x128xi32, #tpu.memory_space<vmem>>
        %dma_wait3A_352 = tpu.memref_squeeze %dma_wait3A_351 : memref<1x128xi32, #tpu.memory_space<vmem>> -> memref<128xi32, #tpu.memory_space<vmem>>
        %dma_wait3A_353 = arith.constant 0 : i32
        %dma_wait3A_354 = arith.constant 0 : i32
        %dma_wait3A_355 = tpu.memref_slice %arg14[%dma_wait3A_353, %dma_wait3A_354] : memref<10240x128xf32, #tpu.memory_space<vmem_shared>> -> memref<10240x128xf32, #tpu.memory_space<vmem_shared>>
        tpu.wait_indirect_dma semaphore(%run_scoped3A_343 : memref<!tpu.dma_semaphore, #tpu.memory_space<semaphore_mem>>) src(%arg13 : memref<128x128xf32, #tpu.memory_space<vmem>>) dst(%dma_wait3A_355 : memref<10240x128xf32, #tpu.memory_space<vmem_shared>>)
        tpu.yield
      }) : () -> ()
    }
    %scan3A_29 = arith.constant 7 : i32
    %dma_start3A_30 = arith.constant 15 : i32
    %dma_start3A_31 = arith.constant 0 : i32
    %dma_start3A_32 = tpu.memref_slice %arg8[%dma_start3A_30, %dma_start3A_31] : memref<16x128xi32, #tpu.memory_space<vmem>> -> memref<1x128xi32, #tpu.memory_space<vmem>>
    %dma_start3A_33 = tpu.memref_squeeze %dma_start3A_32 : memref<1x128xi32, #tpu.memory_space<vmem>> -> memref<128xi32, #tpu.memory_space<vmem>>
    %dma_start3A_34 = arith.constant 0 : i32
    %dma_start3A_35 = arith.constant 0 : i32
    %dma_start3A_36 = tpu.memref_slice %arg2[%dma_start3A_34, %dma_start3A_35] : memref<10240x128xf32, #tpu.memory_space<hbm>> -> memref<10240x128xf32, #tpu.memory_space<hbm>>
    tpu.enqueue_indirect_dma source(%dma_start3A_36 : memref<10240x128xf32, #tpu.memory_space<hbm>>) target(%arg13 : memref<128x128xf32, #tpu.memory_space<vmem>>) offsets(%dma_start3A_33 : memref<128xi32, #tpu.memory_space<vmem>>) semaphore(%arg16 : memref<!tpu.dma_semaphore, #tpu.memory_space<semaphore_mem>>)
    %dma_wait3A = arith.constant 14 : i32
    %dma_wait3A_37 = arith.constant 0 : i32
    %dma_wait3A_38 = tpu.memref_slice %arg8[%dma_wait3A, %dma_wait3A_37] : memref<16x128xi32, #tpu.memory_space<vmem>> -> memref<1x128xi32, #tpu.memory_space<vmem>>
    %dma_wait3A_39 = tpu.memref_squeeze %dma_wait3A_38 : memref<1x128xi32, #tpu.memory_space<vmem>> -> memref<128xi32, #tpu.memory_space<vmem>>
    %dma_wait3A_40 = arith.constant 0 : i32
    %dma_wait3A_41 = arith.constant 0 : i32
    %dma_wait3A_42 = tpu.memref_slice %arg2[%dma_wait3A_40, %dma_wait3A_41] : memref<10240x128xf32, #tpu.memory_space<hbm>> -> memref<10240x128xf32, #tpu.memory_space<hbm>>
    tpu.wait_indirect_dma semaphore(%arg15 : memref<!tpu.dma_semaphore, #tpu.memory_space<semaphore_mem>>) src(%dma_wait3A_42 : memref<10240x128xf32, #tpu.memory_space<hbm>>) dst(%arg12 : memref<128x128xf32, #tpu.memory_space<vmem>>)
    %run_scoped3A = arith.constant 14 : i32
    "tpu.region"() ({
      %run_scoped3A_308 = tpu.sem_alloc : memref<!tpu.dma_semaphore, #tpu.memory_space<semaphore_mem>>
      %dma_start3A_309 = arith.constant 0 : i32
      %dma_start3A_310 = tpu.memref_slice %arg9[%run_scoped3A, %dma_start3A_309] : memref<16x128xi32, #tpu.memory_space<vmem>> -> memref<1x128xi32, #tpu.memory_space<vmem>>
      %dma_start3A_311 = tpu.memref_squeeze %dma_start3A_310 : memref<1x128xi32, #tpu.memory_space<vmem>> -> memref<128xi32, #tpu.memory_space<vmem>>
      %dma_start3A_312 = arith.constant 0 : i32
      %dma_start3A_313 = arith.constant 0 : i32
      %dma_start3A_314 = tpu.memref_slice %arg14[%dma_start3A_312, %dma_start3A_313] : memref<10240x128xf32, #tpu.memory_space<vmem_shared>> -> memref<10240x128xf32, #tpu.memory_space<vmem_shared>>
      tpu.enqueue_indirect_dma source(%arg12 : memref<128x128xf32, #tpu.memory_space<vmem>>) target(%dma_start3A_314 : memref<10240x128xf32, #tpu.memory_space<vmem_shared>>) offsets(%dma_start3A_311 : memref<128xi32, #tpu.memory_space<vmem>>) semaphore(%run_scoped3A_308 : memref<!tpu.dma_semaphore, #tpu.memory_space<semaphore_mem>>) {add = true}
      %dma_wait3A_315 = arith.constant 0 : i32
      %dma_wait3A_316 = tpu.memref_slice %arg9[%run_scoped3A, %dma_wait3A_315] : memref<16x128xi32, #tpu.memory_space<vmem>> -> memref<1x128xi32, #tpu.memory_space<vmem>>
      %dma_wait3A_317 = tpu.memref_squeeze %dma_wait3A_316 : memref<1x128xi32, #tpu.memory_space<vmem>> -> memref<128xi32, #tpu.memory_space<vmem>>
      %dma_wait3A_318 = arith.constant 0 : i32
      %dma_wait3A_319 = arith.constant 0 : i32
      %dma_wait3A_320 = tpu.memref_slice %arg14[%dma_wait3A_318, %dma_wait3A_319] : memref<10240x128xf32, #tpu.memory_space<vmem_shared>> -> memref<10240x128xf32, #tpu.memory_space<vmem_shared>>
      tpu.wait_indirect_dma semaphore(%run_scoped3A_308 : memref<!tpu.dma_semaphore, #tpu.memory_space<semaphore_mem>>) src(%arg12 : memref<128x128xf32, #tpu.memory_space<vmem>>) dst(%dma_wait3A_320 : memref<10240x128xf32, #tpu.memory_space<vmem_shared>>)
      tpu.yield
    }) : () -> ()
    %dma_wait3A_43 = arith.constant 15 : i32
    %dma_wait3A_44 = arith.constant 0 : i32
    %dma_wait3A_45 = tpu.memref_slice %arg8[%dma_wait3A_43, %dma_wait3A_44] : memref<16x128xi32, #tpu.memory_space<vmem>> -> memref<1x128xi32, #tpu.memory_space<vmem>>
    %dma_wait3A_46 = tpu.memref_squeeze %dma_wait3A_45 : memref<1x128xi32, #tpu.memory_space<vmem>> -> memref<128xi32, #tpu.memory_space<vmem>>
    %dma_wait3A_47 = arith.constant 0 : i32
    %dma_wait3A_48 = arith.constant 0 : i32
    %dma_wait3A_49 = tpu.memref_slice %arg2[%dma_wait3A_47, %dma_wait3A_48] : memref<10240x128xf32, #tpu.memory_space<hbm>> -> memref<10240x128xf32, #tpu.memory_space<hbm>>
    tpu.wait_indirect_dma semaphore(%arg16 : memref<!tpu.dma_semaphore, #tpu.memory_space<semaphore_mem>>) src(%dma_wait3A_49 : memref<10240x128xf32, #tpu.memory_space<hbm>>) dst(%arg13 : memref<128x128xf32, #tpu.memory_space<vmem>>)
    %run_scoped3A_50 = arith.constant 15 : i32
    "tpu.region"() ({
      %run_scoped3A_308 = tpu.sem_alloc : memref<!tpu.dma_semaphore, #tpu.memory_space<semaphore_mem>>
      %dma_start3A_309 = arith.constant 0 : i32
      %dma_start3A_310 = tpu.memref_slice %arg9[%run_scoped3A_50, %dma_start3A_309] : memref<16x128xi32, #tpu.memory_space<vmem>> -> memref<1x128xi32, #tpu.memory_space<vmem>>
      %dma_start3A_311 = tpu.memref_squeeze %dma_start3A_310 : memref<1x128xi32, #tpu.memory_space<vmem>> -> memref<128xi32, #tpu.memory_space<vmem>>
      %dma_start3A_312 = arith.constant 0 : i32
      %dma_start3A_313 = arith.constant 0 : i32
      %dma_start3A_314 = tpu.memref_slice %arg14[%dma_start3A_312, %dma_start3A_313] : memref<10240x128xf32, #tpu.memory_space<vmem_shared>> -> memref<10240x128xf32, #tpu.memory_space<vmem_shared>>
      tpu.enqueue_indirect_dma source(%arg13 : memref<128x128xf32, #tpu.memory_space<vmem>>) target(%dma_start3A_314 : memref<10240x128xf32, #tpu.memory_space<vmem_shared>>) offsets(%dma_start3A_311 : memref<128xi32, #tpu.memory_space<vmem>>) semaphore(%run_scoped3A_308 : memref<!tpu.dma_semaphore, #tpu.memory_space<semaphore_mem>>) {add = true}
      %dma_wait3A_315 = arith.constant 0 : i32
      %dma_wait3A_316 = tpu.memref_slice %arg9[%run_scoped3A_50, %dma_wait3A_315] : memref<16x128xi32, #tpu.memory_space<vmem>> -> memref<1x128xi32, #tpu.memory_space<vmem>>
      %dma_wait3A_317 = tpu.memref_squeeze %dma_wait3A_316 : memref<1x128xi32, #tpu.memory_space<vmem>> -> memref<128xi32, #tpu.memory_space<vmem>>
      %dma_wait3A_318 = arith.constant 0 : i32
      %dma_wait3A_319 = arith.constant 0 : i32
      %dma_wait3A_320 = tpu.memref_slice %arg14[%dma_wait3A_318, %dma_wait3A_319] : memref<10240x128xf32, #tpu.memory_space<vmem_shared>> -> memref<10240x128xf32, #tpu.memory_space<vmem_shared>>
      tpu.wait_indirect_dma semaphore(%run_scoped3A_308 : memref<!tpu.dma_semaphore, #tpu.memory_space<semaphore_mem>>) src(%arg13 : memref<128x128xf32, #tpu.memory_space<vmem>>) dst(%dma_wait3A_320 : memref<10240x128xf32, #tpu.memory_space<vmem_shared>>)
      tpu.yield
    }) : () -> ()
    %dma_wait3A_51 = arith.constant 16 : i32
    %dma_wait3A_52 = arith.constant 0 : i32
    %dma_wait3A_53 = tpu.memref_slice %arg3[%add3A, %dma_wait3A_51, %dma_wait3A_52] : memref<32x80x128xi32, #tpu.memory_space<hbm>> -> memref<1x16x128xi32, #tpu.memory_space<hbm>>
    %dma_wait3A_54 = tpu.memref_squeeze %dma_wait3A_53 : memref<1x16x128xi32, #tpu.memory_space<hbm>> -> memref<16x128xi32, #tpu.memory_space<hbm>>
    %dma_wait3A_55 = arith.constant 16 : i32
    %dma_wait3A_56 = arith.constant 0 : i32
    %dma_wait3A_57 = tpu.memref_slice %arg3[%add3A, %dma_wait3A_55, %dma_wait3A_56] : memref<32x80x128xi32, #tpu.memory_space<hbm>> -> memref<1x16x128xi32, #tpu.memory_space<hbm>>
    %dma_wait3A_58 = tpu.memref_squeeze %dma_wait3A_57 : memref<1x16x128xi32, #tpu.memory_space<hbm>> -> memref<16x128xi32, #tpu.memory_space<hbm>>
    tpu.wait_dma2 semaphore(%arg17 : memref<!tpu.dma_semaphore, #tpu.memory_space<semaphore_mem>>) src(%dma_wait3A_58 : memref<16x128xi32, #tpu.memory_space<hbm>>) dst(%arg10 : memref<16x128xi32, #tpu.memory_space<vmem>>)
    %dma_wait3A_59 = arith.constant 16 : i32
    %dma_wait3A_60 = arith.constant 0 : i32
    %dma_wait3A_61 = tpu.memref_slice %arg4[%add3A, %dma_wait3A_59, %dma_wait3A_60] : memref<32x80x128xi32, #tpu.memory_space<hbm>> -> memref<1x16x128xi32, #tpu.memory_space<hbm>>
    %dma_wait3A_62 = tpu.memref_squeeze %dma_wait3A_61 : memref<1x16x128xi32, #tpu.memory_space<hbm>> -> memref<16x128xi32, #tpu.memory_space<hbm>>
    %dma_wait3A_63 = arith.constant 16 : i32
    %dma_wait3A_64 = arith.constant 0 : i32
    %dma_wait3A_65 = tpu.memref_slice %arg4[%add3A, %dma_wait3A_63, %dma_wait3A_64] : memref<32x80x128xi32, #tpu.memory_space<hbm>> -> memref<1x16x128xi32, #tpu.memory_space<hbm>>
    %dma_wait3A_66 = tpu.memref_squeeze %dma_wait3A_65 : memref<1x16x128xi32, #tpu.memory_space<hbm>> -> memref<16x128xi32, #tpu.memory_space<hbm>>
    tpu.wait_dma2 semaphore(%arg18 : memref<!tpu.dma_semaphore, #tpu.memory_space<semaphore_mem>>) src(%dma_wait3A_66 : memref<16x128xi32, #tpu.memory_space<hbm>>) dst(%arg11 : memref<16x128xi32, #tpu.memory_space<vmem>>)
    %dma_start3A_67 = arith.constant 32 : i32
    %dma_start3A_68 = arith.constant 0 : i32
    %dma_start3A_69 = tpu.memref_slice %arg3[%add3A, %dma_start3A_67, %dma_start3A_68] : memref<32x80x128xi32, #tpu.memory_space<hbm>> -> memref<1x16x128xi32, #tpu.memory_space<hbm>>
    %dma_start3A_70 = tpu.memref_squeeze %dma_start3A_69 : memref<1x16x128xi32, #tpu.memory_space<hbm>> -> memref<16x128xi32, #tpu.memory_space<hbm>>
    %dma_start3A_71 = arith.constant 32 : i32
    %dma_start3A_72 = arith.constant 0 : i32
    %dma_start3A_73 = tpu.memref_slice %arg3[%add3A, %dma_start3A_71, %dma_start3A_72] : memref<32x80x128xi32, #tpu.memory_space<hbm>> -> memref<1x16x128xi32, #tpu.memory_space<hbm>>
    %dma_start3A_74 = tpu.memref_squeeze %dma_start3A_73 : memref<1x16x128xi32, #tpu.memory_space<hbm>> -> memref<16x128xi32, #tpu.memory_space<hbm>>
    tpu.enqueue_dma source(%dma_start3A_74 : memref<16x128xi32, #tpu.memory_space<hbm>>) target(%arg8 : memref<16x128xi32, #tpu.memory_space<vmem>>) target_semaphore(%arg17 : memref<!tpu.dma_semaphore, #tpu.memory_space<semaphore_mem>>)
    %dma_start3A_75 = arith.constant 32 : i32
    %dma_start3A_76 = arith.constant 0 : i32
    %dma_start3A_77 = tpu.memref_slice %arg4[%add3A, %dma_start3A_75, %dma_start3A_76] : memref<32x80x128xi32, #tpu.memory_space<hbm>> -> memref<1x16x128xi32, #tpu.memory_space<hbm>>
    %dma_start3A_78 = tpu.memref_squeeze %dma_start3A_77 : memref<1x16x128xi32, #tpu.memory_space<hbm>> -> memref<16x128xi32, #tpu.memory_space<hbm>>
    %dma_start3A_79 = arith.constant 32 : i32
    %dma_start3A_80 = arith.constant 0 : i32
    %dma_start3A_81 = tpu.memref_slice %arg4[%add3A, %dma_start3A_79, %dma_start3A_80] : memref<32x80x128xi32, #tpu.memory_space<hbm>> -> memref<1x16x128xi32, #tpu.memory_space<hbm>>
    %dma_start3A_82 = tpu.memref_squeeze %dma_start3A_81 : memref<1x16x128xi32, #tpu.memory_space<hbm>> -> memref<16x128xi32, #tpu.memory_space<hbm>>
    tpu.enqueue_dma source(%dma_start3A_82 : memref<16x128xi32, #tpu.memory_space<hbm>>) target(%arg9 : memref<16x128xi32, #tpu.memory_space<vmem>>) target_semaphore(%arg18 : memref<!tpu.dma_semaphore, #tpu.memory_space<semaphore_mem>>)
    %dma_start3A_83 = arith.constant 0 : i32
    %dma_start3A_84 = arith.constant 0 : i32
    %dma_start3A_85 = tpu.memref_slice %arg10[%dma_start3A_83, %dma_start3A_84] : memref<16x128xi32, #tpu.memory_space<vmem>> -> memref<1x128xi32, #tpu.memory_space<vmem>>
    %dma_start3A_86 = tpu.memref_squeeze %dma_start3A_85 : memref<1x128xi32, #tpu.memory_space<vmem>> -> memref<128xi32, #tpu.memory_space<vmem>>
    %dma_start3A_87 = arith.constant 0 : i32
    %dma_start3A_88 = arith.constant 0 : i32
    %dma_start3A_89 = tpu.memref_slice %arg2[%dma_start3A_87, %dma_start3A_88] : memref<10240x128xf32, #tpu.memory_space<hbm>> -> memref<10240x128xf32, #tpu.memory_space<hbm>>
    tpu.enqueue_indirect_dma source(%dma_start3A_89 : memref<10240x128xf32, #tpu.memory_space<hbm>>) target(%arg12 : memref<128x128xf32, #tpu.memory_space<vmem>>) offsets(%dma_start3A_86 : memref<128xi32, #tpu.memory_space<vmem>>) semaphore(%arg15 : memref<!tpu.dma_semaphore, #tpu.memory_space<semaphore_mem>>)
    %scan3A_90 = arith.constant 0 : i32
    %scan3A_91 = arith.constant 0 : i32
    %scan3A_92 = arith.constant 7 : i32
    %scan3A_93 = arith.addi %scan3A_91, %scan3A_92 : i32
    %scan3A_94 = arith.constant 1 : i32
    scf.for %scan3A_308 = %scan3A_91 to %scan3A_93 step %scan3A_94  : i32 {
      %mul3A_309 = arith.constant 2 : i32
      %mul3A_310 = arith.muli %mul3A_309, %scan3A_308 : i32
      %add3A_311 = arith.constant 1 : i32
      %add3A_312 = arith.addi %mul3A_310, %add3A_311 : i32
      %dma_start3A_313 = arith.constant 0 : i32
      %dma_start3A_314 = tpu.memref_slice %arg10[%add3A_312, %dma_start3A_313] : memref<16x128xi32, #tpu.memory_space<vmem>> -> memref<1x128xi32, #tpu.memory_space<vmem>>
      %dma_start3A_315 = tpu.memref_squeeze %dma_start3A_314 : memref<1x128xi32, #tpu.memory_space<vmem>> -> memref<128xi32, #tpu.memory_space<vmem>>
      %dma_start3A_316 = arith.constant 0 : i32
      %dma_start3A_317 = arith.constant 0 : i32
      %dma_start3A_318 = tpu.memref_slice %arg2[%dma_start3A_316, %dma_start3A_317] : memref<10240x128xf32, #tpu.memory_space<hbm>> -> memref<10240x128xf32, #tpu.memory_space<hbm>>
      tpu.enqueue_indirect_dma source(%dma_start3A_318 : memref<10240x128xf32, #tpu.memory_space<hbm>>) target(%arg13 : memref<128x128xf32, #tpu.memory_space<vmem>>) offsets(%dma_start3A_315 : memref<128xi32, #tpu.memory_space<vmem>>) semaphore(%arg16 : memref<!tpu.dma_semaphore, #tpu.memory_space<semaphore_mem>>)
      %dma_wait3A_319 = arith.constant 0 : i32
      %dma_wait3A_320 = tpu.memref_slice %arg10[%mul3A_310, %dma_wait3A_319] : memref<16x128xi32, #tpu.memory_space<vmem>> -> memref<1x128xi32, #tpu.memory_space<vmem>>
      %dma_wait3A_321 = tpu.memref_squeeze %dma_wait3A_320 : memref<1x128xi32, #tpu.memory_space<vmem>> -> memref<128xi32, #tpu.memory_space<vmem>>
      %dma_wait3A_322 = arith.constant 0 : i32
      %dma_wait3A_323 = arith.constant 0 : i32
      %dma_wait3A_324 = tpu.memref_slice %arg2[%dma_wait3A_322, %dma_wait3A_323] : memref<10240x128xf32, #tpu.memory_space<hbm>> -> memref<10240x128xf32, #tpu.memory_space<hbm>>
      tpu.wait_indirect_dma semaphore(%arg15 : memref<!tpu.dma_semaphore, #tpu.memory_space<semaphore_mem>>) src(%dma_wait3A_324 : memref<10240x128xf32, #tpu.memory_space<hbm>>) dst(%arg12 : memref<128x128xf32, #tpu.memory_space<vmem>>)
      "tpu.region"() ({
        %run_scoped3A_343 = tpu.sem_alloc : memref<!tpu.dma_semaphore, #tpu.memory_space<semaphore_mem>>
        %dma_start3A_344 = arith.constant 0 : i32
        %dma_start3A_345 = tpu.memref_slice %arg11[%mul3A_310, %dma_start3A_344] : memref<16x128xi32, #tpu.memory_space<vmem>> -> memref<1x128xi32, #tpu.memory_space<vmem>>
        %dma_start3A_346 = tpu.memref_squeeze %dma_start3A_345 : memref<1x128xi32, #tpu.memory_space<vmem>> -> memref<128xi32, #tpu.memory_space<vmem>>
        %dma_start3A_347 = arith.constant 0 : i32
        %dma_start3A_348 = arith.constant 0 : i32
        %dma_start3A_349 = tpu.memref_slice %arg14[%dma_start3A_347, %dma_start3A_348] : memref<10240x128xf32, #tpu.memory_space<vmem_shared>> -> memref<10240x128xf32, #tpu.memory_space<vmem_shared>>
        tpu.enqueue_indirect_dma source(%arg12 : memref<128x128xf32, #tpu.memory_space<vmem>>) target(%dma_start3A_349 : memref<10240x128xf32, #tpu.memory_space<vmem_shared>>) offsets(%dma_start3A_346 : memref<128xi32, #tpu.memory_space<vmem>>) semaphore(%run_scoped3A_343 : memref<!tpu.dma_semaphore, #tpu.memory_space<semaphore_mem>>) {add = true}
        %dma_wait3A_350 = arith.constant 0 : i32
        %dma_wait3A_351 = tpu.memref_slice %arg11[%mul3A_310, %dma_wait3A_350] : memref<16x128xi32, #tpu.memory_space<vmem>> -> memref<1x128xi32, #tpu.memory_space<vmem>>
        %dma_wait3A_352 = tpu.memref_squeeze %dma_wait3A_351 : memref<1x128xi32, #tpu.memory_space<vmem>> -> memref<128xi32, #tpu.memory_space<vmem>>
        %dma_wait3A_353 = arith.constant 0 : i32
        %dma_wait3A_354 = arith.constant 0 : i32
        %dma_wait3A_355 = tpu.memref_slice %arg14[%dma_wait3A_353, %dma_wait3A_354] : memref<10240x128xf32, #tpu.memory_space<vmem_shared>> -> memref<10240x128xf32, #tpu.memory_space<vmem_shared>>
        tpu.wait_indirect_dma semaphore(%run_scoped3A_343 : memref<!tpu.dma_semaphore, #tpu.memory_space<semaphore_mem>>) src(%arg12 : memref<128x128xf32, #tpu.memory_space<vmem>>) dst(%dma_wait3A_355 : memref<10240x128xf32, #tpu.memory_space<vmem_shared>>)
        tpu.yield
      }) : () -> ()
      %add3A_325 = arith.constant 2 : i32
      %add3A_326 = arith.addi %mul3A_310, %add3A_325 : i32
      %dma_start3A_327 = arith.constant 0 : i32
      %dma_start3A_328 = tpu.memref_slice %arg10[%add3A_326, %dma_start3A_327] : memref<16x128xi32, #tpu.memory_space<vmem>> -> memref<1x128xi32, #tpu.memory_space<vmem>>
      %dma_start3A_329 = tpu.memref_squeeze %dma_start3A_328 : memref<1x128xi32, #tpu.memory_space<vmem>> -> memref<128xi32, #tpu.memory_space<vmem>>
      %dma_start3A_330 = arith.constant 0 : i32
      %dma_start3A_331 = arith.constant 0 : i32
      %dma_start3A_332 = tpu.memref_slice %arg2[%dma_start3A_330, %dma_start3A_331] : memref<10240x128xf32, #tpu.memory_space<hbm>> -> memref<10240x128xf32, #tpu.memory_space<hbm>>
      tpu.enqueue_indirect_dma source(%dma_start3A_332 : memref<10240x128xf32, #tpu.memory_space<hbm>>) target(%arg12 : memref<128x128xf32, #tpu.memory_space<vmem>>) offsets(%dma_start3A_329 : memref<128xi32, #tpu.memory_space<vmem>>) semaphore(%arg15 : memref<!tpu.dma_semaphore, #tpu.memory_space<semaphore_mem>>)
      %add3A_333 = arith.constant 1 : i32
      %add3A_334 = arith.addi %mul3A_310, %add3A_333 : i32
      %dma_wait3A_335 = arith.constant 0 : i32
      %dma_wait3A_336 = tpu.memref_slice %arg10[%add3A_334, %dma_wait3A_335] : memref<16x128xi32, #tpu.memory_space<vmem>> -> memref<1x128xi32, #tpu.memory_space<vmem>>
      %dma_wait3A_337 = tpu.memref_squeeze %dma_wait3A_336 : memref<1x128xi32, #tpu.memory_space<vmem>> -> memref<128xi32, #tpu.memory_space<vmem>>
      %dma_wait3A_338 = arith.constant 0 : i32
      %dma_wait3A_339 = arith.constant 0 : i32
      %dma_wait3A_340 = tpu.memref_slice %arg2[%dma_wait3A_338, %dma_wait3A_339] : memref<10240x128xf32, #tpu.memory_space<hbm>> -> memref<10240x128xf32, #tpu.memory_space<hbm>>
      tpu.wait_indirect_dma semaphore(%arg16 : memref<!tpu.dma_semaphore, #tpu.memory_space<semaphore_mem>>) src(%dma_wait3A_340 : memref<10240x128xf32, #tpu.memory_space<hbm>>) dst(%arg13 : memref<128x128xf32, #tpu.memory_space<vmem>>)
      %add3A_341 = arith.constant 1 : i32
      %add3A_342 = arith.addi %mul3A_310, %add3A_341 : i32
      "tpu.region"() ({
        %run_scoped3A_343 = tpu.sem_alloc : memref<!tpu.dma_semaphore, #tpu.memory_space<semaphore_mem>>
        %dma_start3A_344 = arith.constant 0 : i32
        %dma_start3A_345 = tpu.memref_slice %arg11[%add3A_342, %dma_start3A_344] : memref<16x128xi32, #tpu.memory_space<vmem>> -> memref<1x128xi32, #tpu.memory_space<vmem>>
        %dma_start3A_346 = tpu.memref_squeeze %dma_start3A_345 : memref<1x128xi32, #tpu.memory_space<vmem>> -> memref<128xi32, #tpu.memory_space<vmem>>
        %dma_start3A_347 = arith.constant 0 : i32
        %dma_start3A_348 = arith.constant 0 : i32
        %dma_start3A_349 = tpu.memref_slice %arg14[%dma_start3A_347, %dma_start3A_348] : memref<10240x128xf32, #tpu.memory_space<vmem_shared>> -> memref<10240x128xf32, #tpu.memory_space<vmem_shared>>
        tpu.enqueue_indirect_dma source(%arg13 : memref<128x128xf32, #tpu.memory_space<vmem>>) target(%dma_start3A_349 : memref<10240x128xf32, #tpu.memory_space<vmem_shared>>) offsets(%dma_start3A_346 : memref<128xi32, #tpu.memory_space<vmem>>) semaphore(%run_scoped3A_343 : memref<!tpu.dma_semaphore, #tpu.memory_space<semaphore_mem>>) {add = true}
        %dma_wait3A_350 = arith.constant 0 : i32
        %dma_wait3A_351 = tpu.memref_slice %arg11[%add3A_342, %dma_wait3A_350] : memref<16x128xi32, #tpu.memory_space<vmem>> -> memref<1x128xi32, #tpu.memory_space<vmem>>
        %dma_wait3A_352 = tpu.memref_squeeze %dma_wait3A_351 : memref<1x128xi32, #tpu.memory_space<vmem>> -> memref<128xi32, #tpu.memory_space<vmem>>
        %dma_wait3A_353 = arith.constant 0 : i32
        %dma_wait3A_354 = arith.constant 0 : i32
        %dma_wait3A_355 = tpu.memref_slice %arg14[%dma_wait3A_353, %dma_wait3A_354] : memref<10240x128xf32, #tpu.memory_space<vmem_shared>> -> memref<10240x128xf32, #tpu.memory_space<vmem_shared>>
        tpu.wait_indirect_dma semaphore(%run_scoped3A_343 : memref<!tpu.dma_semaphore, #tpu.memory_space<semaphore_mem>>) src(%arg13 : memref<128x128xf32, #tpu.memory_space<vmem>>) dst(%dma_wait3A_355 : memref<10240x128xf32, #tpu.memory_space<vmem_shared>>)
        tpu.yield
      }) : () -> ()
    }
    %scan3A_95 = arith.constant 7 : i32
    %dma_start3A_96 = arith.constant 15 : i32
    %dma_start3A_97 = arith.constant 0 : i32
    %dma_start3A_98 = tpu.memref_slice %arg10[%dma_start3A_96, %dma_start3A_97] : memref<16x128xi32, #tpu.memory_space<vmem>> -> memref<1x128xi32, #tpu.memory_space<vmem>>
    %dma_start3A_99 = tpu.memref_squeeze %dma_start3A_98 : memref<1x128xi32, #tpu.memory_space<vmem>> -> memref<128xi32, #tpu.memory_space<vmem>>
    %dma_start3A_100 = arith.constant 0 : i32
    %dma_start3A_101 = arith.constant 0 : i32
    %dma_start3A_102 = tpu.memref_slice %arg2[%dma_start3A_100, %dma_start3A_101] : memref<10240x128xf32, #tpu.memory_space<hbm>> -> memref<10240x128xf32, #tpu.memory_space<hbm>>
    tpu.enqueue_indirect_dma source(%dma_start3A_102 : memref<10240x128xf32, #tpu.memory_space<hbm>>) target(%arg13 : memref<128x128xf32, #tpu.memory_space<vmem>>) offsets(%dma_start3A_99 : memref<128xi32, #tpu.memory_space<vmem>>) semaphore(%arg16 : memref<!tpu.dma_semaphore, #tpu.memory_space<semaphore_mem>>)
    %dma_wait3A_103 = arith.constant 14 : i32
    %dma_wait3A_104 = arith.constant 0 : i32
    %dma_wait3A_105 = tpu.memref_slice %arg10[%dma_wait3A_103, %dma_wait3A_104] : memref<16x128xi32, #tpu.memory_space<vmem>> -> memref<1x128xi32, #tpu.memory_space<vmem>>
    %dma_wait3A_106 = tpu.memref_squeeze %dma_wait3A_105 : memref<1x128xi32, #tpu.memory_space<vmem>> -> memref<128xi32, #tpu.memory_space<vmem>>
    %dma_wait3A_107 = arith.constant 0 : i32
    %dma_wait3A_108 = arith.constant 0 : i32
    %dma_wait3A_109 = tpu.memref_slice %arg2[%dma_wait3A_107, %dma_wait3A_108] : memref<10240x128xf32, #tpu.memory_space<hbm>> -> memref<10240x128xf32, #tpu.memory_space<hbm>>
    tpu.wait_indirect_dma semaphore(%arg15 : memref<!tpu.dma_semaphore, #tpu.memory_space<semaphore_mem>>) src(%dma_wait3A_109 : memref<10240x128xf32, #tpu.memory_space<hbm>>) dst(%arg12 : memref<128x128xf32, #tpu.memory_space<vmem>>)
    %run_scoped3A_110 = arith.constant 14 : i32
    "tpu.region"() ({
      %run_scoped3A_308 = tpu.sem_alloc : memref<!tpu.dma_semaphore, #tpu.memory_space<semaphore_mem>>
      %dma_start3A_309 = arith.constant 0 : i32
      %dma_start3A_310 = tpu.memref_slice %arg11[%run_scoped3A_110, %dma_start3A_309] : memref<16x128xi32, #tpu.memory_space<vmem>> -> memref<1x128xi32, #tpu.memory_space<vmem>>
      %dma_start3A_311 = tpu.memref_squeeze %dma_start3A_310 : memref<1x128xi32, #tpu.memory_space<vmem>> -> memref<128xi32, #tpu.memory_space<vmem>>
      %dma_start3A_312 = arith.constant 0 : i32
      %dma_start3A_313 = arith.constant 0 : i32
      %dma_start3A_314 = tpu.memref_slice %arg14[%dma_start3A_312, %dma_start3A_313] : memref<10240x128xf32, #tpu.memory_space<vmem_shared>> -> memref<10240x128xf32, #tpu.memory_space<vmem_shared>>
      tpu.enqueue_indirect_dma source(%arg12 : memref<128x128xf32, #tpu.memory_space<vmem>>) target(%dma_start3A_314 : memref<10240x128xf32, #tpu.memory_space<vmem_shared>>) offsets(%dma_start3A_311 : memref<128xi32, #tpu.memory_space<vmem>>) semaphore(%run_scoped3A_308 : memref<!tpu.dma_semaphore, #tpu.memory_space<semaphore_mem>>) {add = true}
      %dma_wait3A_315 = arith.constant 0 : i32
      %dma_wait3A_316 = tpu.memref_slice %arg11[%run_scoped3A_110, %dma_wait3A_315] : memref<16x128xi32, #tpu.memory_space<vmem>> -> memref<1x128xi32, #tpu.memory_space<vmem>>
      %dma_wait3A_317 = tpu.memref_squeeze %dma_wait3A_316 : memref<1x128xi32, #tpu.memory_space<vmem>> -> memref<128xi32, #tpu.memory_space<vmem>>
      %dma_wait3A_318 = arith.constant 0 : i32
      %dma_wait3A_319 = arith.constant 0 : i32
      %dma_wait3A_320 = tpu.memref_slice %arg14[%dma_wait3A_318, %dma_wait3A_319] : memref<10240x128xf32, #tpu.memory_space<vmem_shared>> -> memref<10240x128xf32, #tpu.memory_space<vmem_shared>>
      tpu.wait_indirect_dma semaphore(%run_scoped3A_308 : memref<!tpu.dma_semaphore, #tpu.memory_space<semaphore_mem>>) src(%arg12 : memref<128x128xf32, #tpu.memory_space<vmem>>) dst(%dma_wait3A_320 : memref<10240x128xf32, #tpu.memory_space<vmem_shared>>)
      tpu.yield
    }) : () -> ()
    %dma_wait3A_111 = arith.constant 15 : i32
    %dma_wait3A_112 = arith.constant 0 : i32
    %dma_wait3A_113 = tpu.memref_slice %arg10[%dma_wait3A_111, %dma_wait3A_112] : memref<16x128xi32, #tpu.memory_space<vmem>> -> memref<1x128xi32, #tpu.memory_space<vmem>>
    %dma_wait3A_114 = tpu.memref_squeeze %dma_wait3A_113 : memref<1x128xi32, #tpu.memory_space<vmem>> -> memref<128xi32, #tpu.memory_space<vmem>>
    %dma_wait3A_115 = arith.constant 0 : i32
    %dma_wait3A_116 = arith.constant 0 : i32
    %dma_wait3A_117 = tpu.memref_slice %arg2[%dma_wait3A_115, %dma_wait3A_116] : memref<10240x128xf32, #tpu.memory_space<hbm>> -> memref<10240x128xf32, #tpu.memory_space<hbm>>
    tpu.wait_indirect_dma semaphore(%arg16 : memref<!tpu.dma_semaphore, #tpu.memory_space<semaphore_mem>>) src(%dma_wait3A_117 : memref<10240x128xf32, #tpu.memory_space<hbm>>) dst(%arg13 : memref<128x128xf32, #tpu.memory_space<vmem>>)
    %run_scoped3A_118 = arith.constant 15 : i32
    "tpu.region"() ({
      %run_scoped3A_308 = tpu.sem_alloc : memref<!tpu.dma_semaphore, #tpu.memory_space<semaphore_mem>>
      %dma_start3A_309 = arith.constant 0 : i32
      %dma_start3A_310 = tpu.memref_slice %arg11[%run_scoped3A_118, %dma_start3A_309] : memref<16x128xi32, #tpu.memory_space<vmem>> -> memref<1x128xi32, #tpu.memory_space<vmem>>
      %dma_start3A_311 = tpu.memref_squeeze %dma_start3A_310 : memref<1x128xi32, #tpu.memory_space<vmem>> -> memref<128xi32, #tpu.memory_space<vmem>>
      %dma_start3A_312 = arith.constant 0 : i32
      %dma_start3A_313 = arith.constant 0 : i32
      %dma_start3A_314 = tpu.memref_slice %arg14[%dma_start3A_312, %dma_start3A_313] : memref<10240x128xf32, #tpu.memory_space<vmem_shared>> -> memref<10240x128xf32, #tpu.memory_space<vmem_shared>>
      tpu.enqueue_indirect_dma source(%arg13 : memref<128x128xf32, #tpu.memory_space<vmem>>) target(%dma_start3A_314 : memref<10240x128xf32, #tpu.memory_space<vmem_shared>>) offsets(%dma_start3A_311 : memref<128xi32, #tpu.memory_space<vmem>>) semaphore(%run_scoped3A_308 : memref<!tpu.dma_semaphore, #tpu.memory_space<semaphore_mem>>) {add = true}
      %dma_wait3A_315 = arith.constant 0 : i32
      %dma_wait3A_316 = tpu.memref_slice %arg11[%run_scoped3A_118, %dma_wait3A_315] : memref<16x128xi32, #tpu.memory_space<vmem>> -> memref<1x128xi32, #tpu.memory_space<vmem>>
      %dma_wait3A_317 = tpu.memref_squeeze %dma_wait3A_316 : memref<1x128xi32, #tpu.memory_space<vmem>> -> memref<128xi32, #tpu.memory_space<vmem>>
      %dma_wait3A_318 = arith.constant 0 : i32
      %dma_wait3A_319 = arith.constant 0 : i32
      %dma_wait3A_320 = tpu.memref_slice %arg14[%dma_wait3A_318, %dma_wait3A_319] : memref<10240x128xf32, #tpu.memory_space<vmem_shared>> -> memref<10240x128xf32, #tpu.memory_space<vmem_shared>>
      tpu.wait_indirect_dma semaphore(%run_scoped3A_308 : memref<!tpu.dma_semaphore, #tpu.memory_space<semaphore_mem>>) src(%arg13 : memref<128x128xf32, #tpu.memory_space<vmem>>) dst(%dma_wait3A_320 : memref<10240x128xf32, #tpu.memory_space<vmem_shared>>)
      tpu.yield
    }) : () -> ()
    %dma_wait3A_119 = arith.constant 32 : i32
    %dma_wait3A_120 = arith.constant 0 : i32
    %dma_wait3A_121 = tpu.memref_slice %arg3[%add3A, %dma_wait3A_119, %dma_wait3A_120] : memref<32x80x128xi32, #tpu.memory_space<hbm>> -> memref<1x16x128xi32, #tpu.memory_space<hbm>>
    %dma_wait3A_122 = tpu.memref_squeeze %dma_wait3A_121 : memref<1x16x128xi32, #tpu.memory_space<hbm>> -> memref<16x128xi32, #tpu.memory_space<hbm>>
    %dma_wait3A_123 = arith.constant 32 : i32
    %dma_wait3A_124 = arith.constant 0 : i32
    %dma_wait3A_125 = tpu.memref_slice %arg3[%add3A, %dma_wait3A_123, %dma_wait3A_124] : memref<32x80x128xi32, #tpu.memory_space<hbm>> -> memref<1x16x128xi32, #tpu.memory_space<hbm>>
    %dma_wait3A_126 = tpu.memref_squeeze %dma_wait3A_125 : memref<1x16x128xi32, #tpu.memory_space<hbm>> -> memref<16x128xi32, #tpu.memory_space<hbm>>
    tpu.wait_dma2 semaphore(%arg17 : memref<!tpu.dma_semaphore, #tpu.memory_space<semaphore_mem>>) src(%dma_wait3A_126 : memref<16x128xi32, #tpu.memory_space<hbm>>) dst(%arg8 : memref<16x128xi32, #tpu.memory_space<vmem>>)
    %dma_wait3A_127 = arith.constant 32 : i32
    %dma_wait3A_128 = arith.constant 0 : i32
    %dma_wait3A_129 = tpu.memref_slice %arg4[%add3A, %dma_wait3A_127, %dma_wait3A_128] : memref<32x80x128xi32, #tpu.memory_space<hbm>> -> memref<1x16x128xi32, #tpu.memory_space<hbm>>
    %dma_wait3A_130 = tpu.memref_squeeze %dma_wait3A_129 : memref<1x16x128xi32, #tpu.memory_space<hbm>> -> memref<16x128xi32, #tpu.memory_space<hbm>>
    %dma_wait3A_131 = arith.constant 32 : i32
    %dma_wait3A_132 = arith.constant 0 : i32
    %dma_wait3A_133 = tpu.memref_slice %arg4[%add3A, %dma_wait3A_131, %dma_wait3A_132] : memref<32x80x128xi32, #tpu.memory_space<hbm>> -> memref<1x16x128xi32, #tpu.memory_space<hbm>>
    %dma_wait3A_134 = tpu.memref_squeeze %dma_wait3A_133 : memref<1x16x128xi32, #tpu.memory_space<hbm>> -> memref<16x128xi32, #tpu.memory_space<hbm>>
    tpu.wait_dma2 semaphore(%arg18 : memref<!tpu.dma_semaphore, #tpu.memory_space<semaphore_mem>>) src(%dma_wait3A_134 : memref<16x128xi32, #tpu.memory_space<hbm>>) dst(%arg9 : memref<16x128xi32, #tpu.memory_space<vmem>>)
    %dma_start3A_135 = arith.constant 48 : i32
    %dma_start3A_136 = arith.constant 0 : i32
    %dma_start3A_137 = tpu.memref_slice %arg3[%add3A, %dma_start3A_135, %dma_start3A_136] : memref<32x80x128xi32, #tpu.memory_space<hbm>> -> memref<1x16x128xi32, #tpu.memory_space<hbm>>
    %dma_start3A_138 = tpu.memref_squeeze %dma_start3A_137 : memref<1x16x128xi32, #tpu.memory_space<hbm>> -> memref<16x128xi32, #tpu.memory_space<hbm>>
    %dma_start3A_139 = arith.constant 48 : i32
    %dma_start3A_140 = arith.constant 0 : i32
    %dma_start3A_141 = tpu.memref_slice %arg3[%add3A, %dma_start3A_139, %dma_start3A_140] : memref<32x80x128xi32, #tpu.memory_space<hbm>> -> memref<1x16x128xi32, #tpu.memory_space<hbm>>
    %dma_start3A_142 = tpu.memref_squeeze %dma_start3A_141 : memref<1x16x128xi32, #tpu.memory_space<hbm>> -> memref<16x128xi32, #tpu.memory_space<hbm>>
    tpu.enqueue_dma source(%dma_start3A_142 : memref<16x128xi32, #tpu.memory_space<hbm>>) target(%arg10 : memref<16x128xi32, #tpu.memory_space<vmem>>) target_semaphore(%arg17 : memref<!tpu.dma_semaphore, #tpu.memory_space<semaphore_mem>>)
    %dma_start3A_143 = arith.constant 48 : i32
    %dma_start3A_144 = arith.constant 0 : i32
    %dma_start3A_145 = tpu.memref_slice %arg4[%add3A, %dma_start3A_143, %dma_start3A_144] : memref<32x80x128xi32, #tpu.memory_space<hbm>> -> memref<1x16x128xi32, #tpu.memory_space<hbm>>
    %dma_start3A_146 = tpu.memref_squeeze %dma_start3A_145 : memref<1x16x128xi32, #tpu.memory_space<hbm>> -> memref<16x128xi32, #tpu.memory_space<hbm>>
    %dma_start3A_147 = arith.constant 48 : i32
    %dma_start3A_148 = arith.constant 0 : i32
    %dma_start3A_149 = tpu.memref_slice %arg4[%add3A, %dma_start3A_147, %dma_start3A_148] : memref<32x80x128xi32, #tpu.memory_space<hbm>> -> memref<1x16x128xi32, #tpu.memory_space<hbm>>
    %dma_start3A_150 = tpu.memref_squeeze %dma_start3A_149 : memref<1x16x128xi32, #tpu.memory_space<hbm>> -> memref<16x128xi32, #tpu.memory_space<hbm>>
    tpu.enqueue_dma source(%dma_start3A_150 : memref<16x128xi32, #tpu.memory_space<hbm>>) target(%arg11 : memref<16x128xi32, #tpu.memory_space<vmem>>) target_semaphore(%arg18 : memref<!tpu.dma_semaphore, #tpu.memory_space<semaphore_mem>>)
    %dma_start3A_151 = arith.constant 0 : i32
    %dma_start3A_152 = arith.constant 0 : i32
    %dma_start3A_153 = tpu.memref_slice %arg8[%dma_start3A_151, %dma_start3A_152] : memref<16x128xi32, #tpu.memory_space<vmem>> -> memref<1x128xi32, #tpu.memory_space<vmem>>
    %dma_start3A_154 = tpu.memref_squeeze %dma_start3A_153 : memref<1x128xi32, #tpu.memory_space<vmem>> -> memref<128xi32, #tpu.memory_space<vmem>>
    %dma_start3A_155 = arith.constant 0 : i32
    %dma_start3A_156 = arith.constant 0 : i32
    %dma_start3A_157 = tpu.memref_slice %arg2[%dma_start3A_155, %dma_start3A_156] : memref<10240x128xf32, #tpu.memory_space<hbm>> -> memref<10240x128xf32, #tpu.memory_space<hbm>>
    tpu.enqueue_indirect_dma source(%dma_start3A_157 : memref<10240x128xf32, #tpu.memory_space<hbm>>) target(%arg12 : memref<128x128xf32, #tpu.memory_space<vmem>>) offsets(%dma_start3A_154 : memref<128xi32, #tpu.memory_space<vmem>>) semaphore(%arg15 : memref<!tpu.dma_semaphore, #tpu.memory_space<semaphore_mem>>)
    %scan3A_158 = arith.constant 0 : i32
    %scan3A_159 = arith.constant 0 : i32
    %scan3A_160 = arith.constant 7 : i32
    %scan3A_161 = arith.addi %scan3A_159, %scan3A_160 : i32
    %scan3A_162 = arith.constant 1 : i32
    scf.for %scan3A_308 = %scan3A_159 to %scan3A_161 step %scan3A_162  : i32 {
      %mul3A_309 = arith.constant 2 : i32
      %mul3A_310 = arith.muli %mul3A_309, %scan3A_308 : i32
      %add3A_311 = arith.constant 1 : i32
      %add3A_312 = arith.addi %mul3A_310, %add3A_311 : i32
      %dma_start3A_313 = arith.constant 0 : i32
      %dma_start3A_314 = tpu.memref_slice %arg8[%add3A_312, %dma_start3A_313] : memref<16x128xi32, #tpu.memory_space<vmem>> -> memref<1x128xi32, #tpu.memory_space<vmem>>
      %dma_start3A_315 = tpu.memref_squeeze %dma_start3A_314 : memref<1x128xi32, #tpu.memory_space<vmem>> -> memref<128xi32, #tpu.memory_space<vmem>>
      %dma_start3A_316 = arith.constant 0 : i32
      %dma_start3A_317 = arith.constant 0 : i32
      %dma_start3A_318 = tpu.memref_slice %arg2[%dma_start3A_316, %dma_start3A_317] : memref<10240x128xf32, #tpu.memory_space<hbm>> -> memref<10240x128xf32, #tpu.memory_space<hbm>>
      tpu.enqueue_indirect_dma source(%dma_start3A_318 : memref<10240x128xf32, #tpu.memory_space<hbm>>) target(%arg13 : memref<128x128xf32, #tpu.memory_space<vmem>>) offsets(%dma_start3A_315 : memref<128xi32, #tpu.memory_space<vmem>>) semaphore(%arg16 : memref<!tpu.dma_semaphore, #tpu.memory_space<semaphore_mem>>)
      %dma_wait3A_319 = arith.constant 0 : i32
      %dma_wait3A_320 = tpu.memref_slice %arg8[%mul3A_310, %dma_wait3A_319] : memref<16x128xi32, #tpu.memory_space<vmem>> -> memref<1x128xi32, #tpu.memory_space<vmem>>
      %dma_wait3A_321 = tpu.memref_squeeze %dma_wait3A_320 : memref<1x128xi32, #tpu.memory_space<vmem>> -> memref<128xi32, #tpu.memory_space<vmem>>
      %dma_wait3A_322 = arith.constant 0 : i32
      %dma_wait3A_323 = arith.constant 0 : i32
      %dma_wait3A_324 = tpu.memref_slice %arg2[%dma_wait3A_322, %dma_wait3A_323] : memref<10240x128xf32, #tpu.memory_space<hbm>> -> memref<10240x128xf32, #tpu.memory_space<hbm>>
      tpu.wait_indirect_dma semaphore(%arg15 : memref<!tpu.dma_semaphore, #tpu.memory_space<semaphore_mem>>) src(%dma_wait3A_324 : memref<10240x128xf32, #tpu.memory_space<hbm>>) dst(%arg12 : memref<128x128xf32, #tpu.memory_space<vmem>>)
      "tpu.region"() ({
        %run_scoped3A_343 = tpu.sem_alloc : memref<!tpu.dma_semaphore, #tpu.memory_space<semaphore_mem>>
        %dma_start3A_344 = arith.constant 0 : i32
        %dma_start3A_345 = tpu.memref_slice %arg9[%mul3A_310, %dma_start3A_344] : memref<16x128xi32, #tpu.memory_space<vmem>> -> memref<1x128xi32, #tpu.memory_space<vmem>>
        %dma_start3A_346 = tpu.memref_squeeze %dma_start3A_345 : memref<1x128xi32, #tpu.memory_space<vmem>> -> memref<128xi32, #tpu.memory_space<vmem>>
        %dma_start3A_347 = arith.constant 0 : i32
        %dma_start3A_348 = arith.constant 0 : i32
        %dma_start3A_349 = tpu.memref_slice %arg14[%dma_start3A_347, %dma_start3A_348] : memref<10240x128xf32, #tpu.memory_space<vmem_shared>> -> memref<10240x128xf32, #tpu.memory_space<vmem_shared>>
        tpu.enqueue_indirect_dma source(%arg12 : memref<128x128xf32, #tpu.memory_space<vmem>>) target(%dma_start3A_349 : memref<10240x128xf32, #tpu.memory_space<vmem_shared>>) offsets(%dma_start3A_346 : memref<128xi32, #tpu.memory_space<vmem>>) semaphore(%run_scoped3A_343 : memref<!tpu.dma_semaphore, #tpu.memory_space<semaphore_mem>>) {add = true}
        %dma_wait3A_350 = arith.constant 0 : i32
        %dma_wait3A_351 = tpu.memref_slice %arg9[%mul3A_310, %dma_wait3A_350] : memref<16x128xi32, #tpu.memory_space<vmem>> -> memref<1x128xi32, #tpu.memory_space<vmem>>
        %dma_wait3A_352 = tpu.memref_squeeze %dma_wait3A_351 : memref<1x128xi32, #tpu.memory_space<vmem>> -> memref<128xi32, #tpu.memory_space<vmem>>
        %dma_wait3A_353 = arith.constant 0 : i32
        %dma_wait3A_354 = arith.constant 0 : i32
        %dma_wait3A_355 = tpu.memref_slice %arg14[%dma_wait3A_353, %dma_wait3A_354] : memref<10240x128xf32, #tpu.memory_space<vmem_shared>> -> memref<10240x128xf32, #tpu.memory_space<vmem_shared>>
        tpu.wait_indirect_dma semaphore(%run_scoped3A_343 : memref<!tpu.dma_semaphore, #tpu.memory_space<semaphore_mem>>) src(%arg12 : memref<128x128xf32, #tpu.memory_space<vmem>>) dst(%dma_wait3A_355 : memref<10240x128xf32, #tpu.memory_space<vmem_shared>>)
        tpu.yield
      }) : () -> ()
      %add3A_325 = arith.constant 2 : i32
      %add3A_326 = arith.addi %mul3A_310, %add3A_325 : i32
      %dma_start3A_327 = arith.constant 0 : i32
      %dma_start3A_328 = tpu.memref_slice %arg8[%add3A_326, %dma_start3A_327] : memref<16x128xi32, #tpu.memory_space<vmem>> -> memref<1x128xi32, #tpu.memory_space<vmem>>
      %dma_start3A_329 = tpu.memref_squeeze %dma_start3A_328 : memref<1x128xi32, #tpu.memory_space<vmem>> -> memref<128xi32, #tpu.memory_space<vmem>>
      %dma_start3A_330 = arith.constant 0 : i32
      %dma_start3A_331 = arith.constant 0 : i32
      %dma_start3A_332 = tpu.memref_slice %arg2[%dma_start3A_330, %dma_start3A_331] : memref<10240x128xf32, #tpu.memory_space<hbm>> -> memref<10240x128xf32, #tpu.memory_space<hbm>>
      tpu.enqueue_indirect_dma source(%dma_start3A_332 : memref<10240x128xf32, #tpu.memory_space<hbm>>) target(%arg12 : memref<128x128xf32, #tpu.memory_space<vmem>>) offsets(%dma_start3A_329 : memref<128xi32, #tpu.memory_space<vmem>>) semaphore(%arg15 : memref<!tpu.dma_semaphore, #tpu.memory_space<semaphore_mem>>)
      %add3A_333 = arith.constant 1 : i32
      %add3A_334 = arith.addi %mul3A_310, %add3A_333 : i32
      %dma_wait3A_335 = arith.constant 0 : i32
      %dma_wait3A_336 = tpu.memref_slice %arg8[%add3A_334, %dma_wait3A_335] : memref<16x128xi32, #tpu.memory_space<vmem>> -> memref<1x128xi32, #tpu.memory_space<vmem>>
      %dma_wait3A_337 = tpu.memref_squeeze %dma_wait3A_336 : memref<1x128xi32, #tpu.memory_space<vmem>> -> memref<128xi32, #tpu.memory_space<vmem>>
      %dma_wait3A_338 = arith.constant 0 : i32
      %dma_wait3A_339 = arith.constant 0 : i32
      %dma_wait3A_340 = tpu.memref_slice %arg2[%dma_wait3A_338, %dma_wait3A_339] : memref<10240x128xf32, #tpu.memory_space<hbm>> -> memref<10240x128xf32, #tpu.memory_space<hbm>>
      tpu.wait_indirect_dma semaphore(%arg16 : memref<!tpu.dma_semaphore, #tpu.memory_space<semaphore_mem>>) src(%dma_wait3A_340 : memref<10240x128xf32, #tpu.memory_space<hbm>>) dst(%arg13 : memref<128x128xf32, #tpu.memory_space<vmem>>)
      %add3A_341 = arith.constant 1 : i32
      %add3A_342 = arith.addi %mul3A_310, %add3A_341 : i32
      "tpu.region"() ({
        %run_scoped3A_343 = tpu.sem_alloc : memref<!tpu.dma_semaphore, #tpu.memory_space<semaphore_mem>>
        %dma_start3A_344 = arith.constant 0 : i32
        %dma_start3A_345 = tpu.memref_slice %arg9[%add3A_342, %dma_start3A_344] : memref<16x128xi32, #tpu.memory_space<vmem>> -> memref<1x128xi32, #tpu.memory_space<vmem>>
        %dma_start3A_346 = tpu.memref_squeeze %dma_start3A_345 : memref<1x128xi32, #tpu.memory_space<vmem>> -> memref<128xi32, #tpu.memory_space<vmem>>
        %dma_start3A_347 = arith.constant 0 : i32
        %dma_start3A_348 = arith.constant 0 : i32
        %dma_start3A_349 = tpu.memref_slice %arg14[%dma_start3A_347, %dma_start3A_348] : memref<10240x128xf32, #tpu.memory_space<vmem_shared>> -> memref<10240x128xf32, #tpu.memory_space<vmem_shared>>
        tpu.enqueue_indirect_dma source(%arg13 : memref<128x128xf32, #tpu.memory_space<vmem>>) target(%dma_start3A_349 : memref<10240x128xf32, #tpu.memory_space<vmem_shared>>) offsets(%dma_start3A_346 : memref<128xi32, #tpu.memory_space<vmem>>) semaphore(%run_scoped3A_343 : memref<!tpu.dma_semaphore, #tpu.memory_space<semaphore_mem>>) {add = true}
        %dma_wait3A_350 = arith.constant 0 : i32
        %dma_wait3A_351 = tpu.memref_slice %arg9[%add3A_342, %dma_wait3A_350] : memref<16x128xi32, #tpu.memory_space<vmem>> -> memref<1x128xi32, #tpu.memory_space<vmem>>
        %dma_wait3A_352 = tpu.memref_squeeze %dma_wait3A_351 : memref<1x128xi32, #tpu.memory_space<vmem>> -> memref<128xi32, #tpu.memory_space<vmem>>
        %dma_wait3A_353 = arith.constant 0 : i32
        %dma_wait3A_354 = arith.constant 0 : i32
        %dma_wait3A_355 = tpu.memref_slice %arg14[%dma_wait3A_353, %dma_wait3A_354] : memref<10240x128xf32, #tpu.memory_space<vmem_shared>> -> memref<10240x128xf32, #tpu.memory_space<vmem_shared>>
        tpu.wait_indirect_dma semaphore(%run_scoped3A_343 : memref<!tpu.dma_semaphore, #tpu.memory_space<semaphore_mem>>) src(%arg13 : memref<128x128xf32, #tpu.memory_space<vmem>>) dst(%dma_wait3A_355 : memref<10240x128xf32, #tpu.memory_space<vmem_shared>>)
        tpu.yield
      }) : () -> ()
    }
    %scan3A_163 = arith.constant 7 : i32
    %dma_start3A_164 = arith.constant 15 : i32
    %dma_start3A_165 = arith.constant 0 : i32
    %dma_start3A_166 = tpu.memref_slice %arg8[%dma_start3A_164, %dma_start3A_165] : memref<16x128xi32, #tpu.memory_space<vmem>> -> memref<1x128xi32, #tpu.memory_space<vmem>>
    %dma_start3A_167 = tpu.memref_squeeze %dma_start3A_166 : memref<1x128xi32, #tpu.memory_space<vmem>> -> memref<128xi32, #tpu.memory_space<vmem>>
    %dma_start3A_168 = arith.constant 0 : i32
    %dma_start3A_169 = arith.constant 0 : i32
    %dma_start3A_170 = tpu.memref_slice %arg2[%dma_start3A_168, %dma_start3A_169] : memref<10240x128xf32, #tpu.memory_space<hbm>> -> memref<10240x128xf32, #tpu.memory_space<hbm>>
    tpu.enqueue_indirect_dma source(%dma_start3A_170 : memref<10240x128xf32, #tpu.memory_space<hbm>>) target(%arg13 : memref<128x128xf32, #tpu.memory_space<vmem>>) offsets(%dma_start3A_167 : memref<128xi32, #tpu.memory_space<vmem>>) semaphore(%arg16 : memref<!tpu.dma_semaphore, #tpu.memory_space<semaphore_mem>>)
    %dma_wait3A_171 = arith.constant 14 : i32
    %dma_wait3A_172 = arith.constant 0 : i32
    %dma_wait3A_173 = tpu.memref_slice %arg8[%dma_wait3A_171, %dma_wait3A_172] : memref<16x128xi32, #tpu.memory_space<vmem>> -> memref<1x128xi32, #tpu.memory_space<vmem>>
    %dma_wait3A_174 = tpu.memref_squeeze %dma_wait3A_173 : memref<1x128xi32, #tpu.memory_space<vmem>> -> memref<128xi32, #tpu.memory_space<vmem>>
    %dma_wait3A_175 = arith.constant 0 : i32
    %dma_wait3A_176 = arith.constant 0 : i32
    %dma_wait3A_177 = tpu.memref_slice %arg2[%dma_wait3A_175, %dma_wait3A_176] : memref<10240x128xf32, #tpu.memory_space<hbm>> -> memref<10240x128xf32, #tpu.memory_space<hbm>>
    tpu.wait_indirect_dma semaphore(%arg15 : memref<!tpu.dma_semaphore, #tpu.memory_space<semaphore_mem>>) src(%dma_wait3A_177 : memref<10240x128xf32, #tpu.memory_space<hbm>>) dst(%arg12 : memref<128x128xf32, #tpu.memory_space<vmem>>)
    %run_scoped3A_178 = arith.constant 14 : i32
    "tpu.region"() ({
      %run_scoped3A_308 = tpu.sem_alloc : memref<!tpu.dma_semaphore, #tpu.memory_space<semaphore_mem>>
      %dma_start3A_309 = arith.constant 0 : i32
      %dma_start3A_310 = tpu.memref_slice %arg9[%run_scoped3A_178, %dma_start3A_309] : memref<16x128xi32, #tpu.memory_space<vmem>> -> memref<1x128xi32, #tpu.memory_space<vmem>>
      %dma_start3A_311 = tpu.memref_squeeze %dma_start3A_310 : memref<1x128xi32, #tpu.memory_space<vmem>> -> memref<128xi32, #tpu.memory_space<vmem>>
      %dma_start3A_312 = arith.constant 0 : i32
      %dma_start3A_313 = arith.constant 0 : i32
      %dma_start3A_314 = tpu.memref_slice %arg14[%dma_start3A_312, %dma_start3A_313] : memref<10240x128xf32, #tpu.memory_space<vmem_shared>> -> memref<10240x128xf32, #tpu.memory_space<vmem_shared>>
      tpu.enqueue_indirect_dma source(%arg12 : memref<128x128xf32, #tpu.memory_space<vmem>>) target(%dma_start3A_314 : memref<10240x128xf32, #tpu.memory_space<vmem_shared>>) offsets(%dma_start3A_311 : memref<128xi32, #tpu.memory_space<vmem>>) semaphore(%run_scoped3A_308 : memref<!tpu.dma_semaphore, #tpu.memory_space<semaphore_mem>>) {add = true}
      %dma_wait3A_315 = arith.constant 0 : i32
      %dma_wait3A_316 = tpu.memref_slice %arg9[%run_scoped3A_178, %dma_wait3A_315] : memref<16x128xi32, #tpu.memory_space<vmem>> -> memref<1x128xi32, #tpu.memory_space<vmem>>
      %dma_wait3A_317 = tpu.memref_squeeze %dma_wait3A_316 : memref<1x128xi32, #tpu.memory_space<vmem>> -> memref<128xi32, #tpu.memory_space<vmem>>
      %dma_wait3A_318 = arith.constant 0 : i32
      %dma_wait3A_319 = arith.constant 0 : i32
      %dma_wait3A_320 = tpu.memref_slice %arg14[%dma_wait3A_318, %dma_wait3A_319] : memref<10240x128xf32, #tpu.memory_space<vmem_shared>> -> memref<10240x128xf32, #tpu.memory_space<vmem_shared>>
      tpu.wait_indirect_dma semaphore(%run_scoped3A_308 : memref<!tpu.dma_semaphore, #tpu.memory_space<semaphore_mem>>) src(%arg12 : memref<128x128xf32, #tpu.memory_space<vmem>>) dst(%dma_wait3A_320 : memref<10240x128xf32, #tpu.memory_space<vmem_shared>>)
      tpu.yield
    }) : () -> ()
    %dma_wait3A_179 = arith.constant 15 : i32
    %dma_wait3A_180 = arith.constant 0 : i32
    %dma_wait3A_181 = tpu.memref_slice %arg8[%dma_wait3A_179, %dma_wait3A_180] : memref<16x128xi32, #tpu.memory_space<vmem>> -> memref<1x128xi32, #tpu.memory_space<vmem>>
    %dma_wait3A_182 = tpu.memref_squeeze %dma_wait3A_181 : memref<1x128xi32, #tpu.memory_space<vmem>> -> memref<128xi32, #tpu.memory_space<vmem>>
    %dma_wait3A_183 = arith.constant 0 : i32
    %dma_wait3A_184 = arith.constant 0 : i32
    %dma_wait3A_185 = tpu.memref_slice %arg2[%dma_wait3A_183, %dma_wait3A_184] : memref<10240x128xf32, #tpu.memory_space<hbm>> -> memref<10240x128xf32, #tpu.memory_space<hbm>>
    tpu.wait_indirect_dma semaphore(%arg16 : memref<!tpu.dma_semaphore, #tpu.memory_space<semaphore_mem>>) src(%dma_wait3A_185 : memref<10240x128xf32, #tpu.memory_space<hbm>>) dst(%arg13 : memref<128x128xf32, #tpu.memory_space<vmem>>)
    %run_scoped3A_186 = arith.constant 15 : i32
    "tpu.region"() ({
      %run_scoped3A_308 = tpu.sem_alloc : memref<!tpu.dma_semaphore, #tpu.memory_space<semaphore_mem>>
      %dma_start3A_309 = arith.constant 0 : i32
      %dma_start3A_310 = tpu.memref_slice %arg9[%run_scoped3A_186, %dma_start3A_309] : memref<16x128xi32, #tpu.memory_space<vmem>> -> memref<1x128xi32, #tpu.memory_space<vmem>>
      %dma_start3A_311 = tpu.memref_squeeze %dma_start3A_310 : memref<1x128xi32, #tpu.memory_space<vmem>> -> memref<128xi32, #tpu.memory_space<vmem>>
      %dma_start3A_312 = arith.constant 0 : i32
      %dma_start3A_313 = arith.constant 0 : i32
      %dma_start3A_314 = tpu.memref_slice %arg14[%dma_start3A_312, %dma_start3A_313] : memref<10240x128xf32, #tpu.memory_space<vmem_shared>> -> memref<10240x128xf32, #tpu.memory_space<vmem_shared>>
      tpu.enqueue_indirect_dma source(%arg13 : memref<128x128xf32, #tpu.memory_space<vmem>>) target(%dma_start3A_314 : memref<10240x128xf32, #tpu.memory_space<vmem_shared>>) offsets(%dma_start3A_311 : memref<128xi32, #tpu.memory_space<vmem>>) semaphore(%run_scoped3A_308 : memref<!tpu.dma_semaphore, #tpu.memory_space<semaphore_mem>>) {add = true}
      %dma_wait3A_315 = arith.constant 0 : i32
      %dma_wait3A_316 = tpu.memref_slice %arg9[%run_scoped3A_186, %dma_wait3A_315] : memref<16x128xi32, #tpu.memory_space<vmem>> -> memref<1x128xi32, #tpu.memory_space<vmem>>
      %dma_wait3A_317 = tpu.memref_squeeze %dma_wait3A_316 : memref<1x128xi32, #tpu.memory_space<vmem>> -> memref<128xi32, #tpu.memory_space<vmem>>
      %dma_wait3A_318 = arith.constant 0 : i32
      %dma_wait3A_319 = arith.constant 0 : i32
      %dma_wait3A_320 = tpu.memref_slice %arg14[%dma_wait3A_318, %dma_wait3A_319] : memref<10240x128xf32, #tpu.memory_space<vmem_shared>> -> memref<10240x128xf32, #tpu.memory_space<vmem_shared>>
      tpu.wait_indirect_dma semaphore(%run_scoped3A_308 : memref<!tpu.dma_semaphore, #tpu.memory_space<semaphore_mem>>) src(%arg13 : memref<128x128xf32, #tpu.memory_space<vmem>>) dst(%dma_wait3A_320 : memref<10240x128xf32, #tpu.memory_space<vmem_shared>>)
      tpu.yield
    }) : () -> ()
    %dma_wait3A_187 = arith.constant 48 : i32
    %dma_wait3A_188 = arith.constant 0 : i32
    %dma_wait3A_189 = tpu.memref_slice %arg3[%add3A, %dma_wait3A_187, %dma_wait3A_188] : memref<32x80x128xi32, #tpu.memory_space<hbm>> -> memref<1x16x128xi32, #tpu.memory_space<hbm>>
    %dma_wait3A_190 = tpu.memref_squeeze %dma_wait3A_189 : memref<1x16x128xi32, #tpu.memory_space<hbm>> -> memref<16x128xi32, #tpu.memory_space<hbm>>
    %dma_wait3A_191 = arith.constant 48 : i32
    %dma_wait3A_192 = arith.constant 0 : i32
    %dma_wait3A_193 = tpu.memref_slice %arg3[%add3A, %dma_wait3A_191, %dma_wait3A_192] : memref<32x80x128xi32, #tpu.memory_space<hbm>> -> memref<1x16x128xi32, #tpu.memory_space<hbm>>
    %dma_wait3A_194 = tpu.memref_squeeze %dma_wait3A_193 : memref<1x16x128xi32, #tpu.memory_space<hbm>> -> memref<16x128xi32, #tpu.memory_space<hbm>>
    tpu.wait_dma2 semaphore(%arg17 : memref<!tpu.dma_semaphore, #tpu.memory_space<semaphore_mem>>) src(%dma_wait3A_194 : memref<16x128xi32, #tpu.memory_space<hbm>>) dst(%arg10 : memref<16x128xi32, #tpu.memory_space<vmem>>)
    %dma_wait3A_195 = arith.constant 48 : i32
    %dma_wait3A_196 = arith.constant 0 : i32
    %dma_wait3A_197 = tpu.memref_slice %arg4[%add3A, %dma_wait3A_195, %dma_wait3A_196] : memref<32x80x128xi32, #tpu.memory_space<hbm>> -> memref<1x16x128xi32, #tpu.memory_space<hbm>>
    %dma_wait3A_198 = tpu.memref_squeeze %dma_wait3A_197 : memref<1x16x128xi32, #tpu.memory_space<hbm>> -> memref<16x128xi32, #tpu.memory_space<hbm>>
    %dma_wait3A_199 = arith.constant 48 : i32
    %dma_wait3A_200 = arith.constant 0 : i32
    %dma_wait3A_201 = tpu.memref_slice %arg4[%add3A, %dma_wait3A_199, %dma_wait3A_200] : memref<32x80x128xi32, #tpu.memory_space<hbm>> -> memref<1x16x128xi32, #tpu.memory_space<hbm>>
    %dma_wait3A_202 = tpu.memref_squeeze %dma_wait3A_201 : memref<1x16x128xi32, #tpu.memory_space<hbm>> -> memref<16x128xi32, #tpu.memory_space<hbm>>
    tpu.wait_dma2 semaphore(%arg18 : memref<!tpu.dma_semaphore, #tpu.memory_space<semaphore_mem>>) src(%dma_wait3A_202 : memref<16x128xi32, #tpu.memory_space<hbm>>) dst(%arg11 : memref<16x128xi32, #tpu.memory_space<vmem>>)
    %dma_start3A_203 = arith.constant 64 : i32
    %dma_start3A_204 = arith.constant 0 : i32
    %dma_start3A_205 = tpu.memref_slice %arg3[%add3A, %dma_start3A_203, %dma_start3A_204] : memref<32x80x128xi32, #tpu.memory_space<hbm>> -> memref<1x16x128xi32, #tpu.memory_space<hbm>>
    %dma_start3A_206 = tpu.memref_squeeze %dma_start3A_205 : memref<1x16x128xi32, #tpu.memory_space<hbm>> -> memref<16x128xi32, #tpu.memory_space<hbm>>
    %dma_start3A_207 = arith.constant 64 : i32
    %dma_start3A_208 = arith.constant 0 : i32
    %dma_start3A_209 = tpu.memref_slice %arg3[%add3A, %dma_start3A_207, %dma_start3A_208] : memref<32x80x128xi32, #tpu.memory_space<hbm>> -> memref<1x16x128xi32, #tpu.memory_space<hbm>>
    %dma_start3A_210 = tpu.memref_squeeze %dma_start3A_209 : memref<1x16x128xi32, #tpu.memory_space<hbm>> -> memref<16x128xi32, #tpu.memory_space<hbm>>
    tpu.enqueue_dma source(%dma_start3A_210 : memref<16x128xi32, #tpu.memory_space<hbm>>) target(%arg8 : memref<16x128xi32, #tpu.memory_space<vmem>>) target_semaphore(%arg17 : memref<!tpu.dma_semaphore, #tpu.memory_space<semaphore_mem>>)
    %dma_start3A_211 = arith.constant 64 : i32
    %dma_start3A_212 = arith.constant 0 : i32
    %dma_start3A_213 = tpu.memref_slice %arg4[%add3A, %dma_start3A_211, %dma_start3A_212] : memref<32x80x128xi32, #tpu.memory_space<hbm>> -> memref<1x16x128xi32, #tpu.memory_space<hbm>>
    %dma_start3A_214 = tpu.memref_squeeze %dma_start3A_213 : memref<1x16x128xi32, #tpu.memory_space<hbm>> -> memref<16x128xi32, #tpu.memory_space<hbm>>
    %dma_start3A_215 = arith.constant 64 : i32
    %dma_start3A_216 = arith.constant 0 : i32
    %dma_start3A_217 = tpu.memref_slice %arg4[%add3A, %dma_start3A_215, %dma_start3A_216] : memref<32x80x128xi32, #tpu.memory_space<hbm>> -> memref<1x16x128xi32, #tpu.memory_space<hbm>>
    %dma_start3A_218 = tpu.memref_squeeze %dma_start3A_217 : memref<1x16x128xi32, #tpu.memory_space<hbm>> -> memref<16x128xi32, #tpu.memory_space<hbm>>
    tpu.enqueue_dma source(%dma_start3A_218 : memref<16x128xi32, #tpu.memory_space<hbm>>) target(%arg9 : memref<16x128xi32, #tpu.memory_space<vmem>>) target_semaphore(%arg18 : memref<!tpu.dma_semaphore, #tpu.memory_space<semaphore_mem>>)
    %dma_start3A_219 = arith.constant 0 : i32
    %dma_start3A_220 = arith.constant 0 : i32
    %dma_start3A_221 = tpu.memref_slice %arg10[%dma_start3A_219, %dma_start3A_220] : memref<16x128xi32, #tpu.memory_space<vmem>> -> memref<1x128xi32, #tpu.memory_space<vmem>>
    %dma_start3A_222 = tpu.memref_squeeze %dma_start3A_221 : memref<1x128xi32, #tpu.memory_space<vmem>> -> memref<128xi32, #tpu.memory_space<vmem>>
    %dma_start3A_223 = arith.constant 0 : i32
    %dma_start3A_224 = arith.constant 0 : i32
    %dma_start3A_225 = tpu.memref_slice %arg2[%dma_start3A_223, %dma_start3A_224] : memref<10240x128xf32, #tpu.memory_space<hbm>> -> memref<10240x128xf32, #tpu.memory_space<hbm>>
    tpu.enqueue_indirect_dma source(%dma_start3A_225 : memref<10240x128xf32, #tpu.memory_space<hbm>>) target(%arg12 : memref<128x128xf32, #tpu.memory_space<vmem>>) offsets(%dma_start3A_222 : memref<128xi32, #tpu.memory_space<vmem>>) semaphore(%arg15 : memref<!tpu.dma_semaphore, #tpu.memory_space<semaphore_mem>>)
    %scan3A_226 = arith.constant 0 : i32
    %scan3A_227 = arith.constant 0 : i32
    %scan3A_228 = arith.constant 7 : i32
    %scan3A_229 = arith.addi %scan3A_227, %scan3A_228 : i32
    %scan3A_230 = arith.constant 1 : i32
    scf.for %scan3A_308 = %scan3A_227 to %scan3A_229 step %scan3A_230  : i32 {
      %mul3A_309 = arith.constant 2 : i32
      %mul3A_310 = arith.muli %mul3A_309, %scan3A_308 : i32
      %add3A_311 = arith.constant 1 : i32
      %add3A_312 = arith.addi %mul3A_310, %add3A_311 : i32
      %dma_start3A_313 = arith.constant 0 : i32
      %dma_start3A_314 = tpu.memref_slice %arg10[%add3A_312, %dma_start3A_313] : memref<16x128xi32, #tpu.memory_space<vmem>> -> memref<1x128xi32, #tpu.memory_space<vmem>>
      %dma_start3A_315 = tpu.memref_squeeze %dma_start3A_314 : memref<1x128xi32, #tpu.memory_space<vmem>> -> memref<128xi32, #tpu.memory_space<vmem>>
      %dma_start3A_316 = arith.constant 0 : i32
      %dma_start3A_317 = arith.constant 0 : i32
      %dma_start3A_318 = tpu.memref_slice %arg2[%dma_start3A_316, %dma_start3A_317] : memref<10240x128xf32, #tpu.memory_space<hbm>> -> memref<10240x128xf32, #tpu.memory_space<hbm>>
      tpu.enqueue_indirect_dma source(%dma_start3A_318 : memref<10240x128xf32, #tpu.memory_space<hbm>>) target(%arg13 : memref<128x128xf32, #tpu.memory_space<vmem>>) offsets(%dma_start3A_315 : memref<128xi32, #tpu.memory_space<vmem>>) semaphore(%arg16 : memref<!tpu.dma_semaphore, #tpu.memory_space<semaphore_mem>>)
      %dma_wait3A_319 = arith.constant 0 : i32
      %dma_wait3A_320 = tpu.memref_slice %arg10[%mul3A_310, %dma_wait3A_319] : memref<16x128xi32, #tpu.memory_space<vmem>> -> memref<1x128xi32, #tpu.memory_space<vmem>>
      %dma_wait3A_321 = tpu.memref_squeeze %dma_wait3A_320 : memref<1x128xi32, #tpu.memory_space<vmem>> -> memref<128xi32, #tpu.memory_space<vmem>>
      %dma_wait3A_322 = arith.constant 0 : i32
      %dma_wait3A_323 = arith.constant 0 : i32
      %dma_wait3A_324 = tpu.memref_slice %arg2[%dma_wait3A_322, %dma_wait3A_323] : memref<10240x128xf32, #tpu.memory_space<hbm>> -> memref<10240x128xf32, #tpu.memory_space<hbm>>
      tpu.wait_indirect_dma semaphore(%arg15 : memref<!tpu.dma_semaphore, #tpu.memory_space<semaphore_mem>>) src(%dma_wait3A_324 : memref<10240x128xf32, #tpu.memory_space<hbm>>) dst(%arg12 : memref<128x128xf32, #tpu.memory_space<vmem>>)
      "tpu.region"() ({
        %run_scoped3A_343 = tpu.sem_alloc : memref<!tpu.dma_semaphore, #tpu.memory_space<semaphore_mem>>
        %dma_start3A_344 = arith.constant 0 : i32
        %dma_start3A_345 = tpu.memref_slice %arg11[%mul3A_310, %dma_start3A_344] : memref<16x128xi32, #tpu.memory_space<vmem>> -> memref<1x128xi32, #tpu.memory_space<vmem>>
        %dma_start3A_346 = tpu.memref_squeeze %dma_start3A_345 : memref<1x128xi32, #tpu.memory_space<vmem>> -> memref<128xi32, #tpu.memory_space<vmem>>
        %dma_start3A_347 = arith.constant 0 : i32
        %dma_start3A_348 = arith.constant 0 : i32
        %dma_start3A_349 = tpu.memref_slice %arg14[%dma_start3A_347, %dma_start3A_348] : memref<10240x128xf32, #tpu.memory_space<vmem_shared>> -> memref<10240x128xf32, #tpu.memory_space<vmem_shared>>
        tpu.enqueue_indirect_dma source(%arg12 : memref<128x128xf32, #tpu.memory_space<vmem>>) target(%dma_start3A_349 : memref<10240x128xf32, #tpu.memory_space<vmem_shared>>) offsets(%dma_start3A_346 : memref<128xi32, #tpu.memory_space<vmem>>) semaphore(%run_scoped3A_343 : memref<!tpu.dma_semaphore, #tpu.memory_space<semaphore_mem>>) {add = true}
        %dma_wait3A_350 = arith.constant 0 : i32
        %dma_wait3A_351 = tpu.memref_slice %arg11[%mul3A_310, %dma_wait3A_350] : memref<16x128xi32, #tpu.memory_space<vmem>> -> memref<1x128xi32, #tpu.memory_space<vmem>>
        %dma_wait3A_352 = tpu.memref_squeeze %dma_wait3A_351 : memref<1x128xi32, #tpu.memory_space<vmem>> -> memref<128xi32, #tpu.memory_space<vmem>>
        %dma_wait3A_353 = arith.constant 0 : i32
        %dma_wait3A_354 = arith.constant 0 : i32
        %dma_wait3A_355 = tpu.memref_slice %arg14[%dma_wait3A_353, %dma_wait3A_354] : memref<10240x128xf32, #tpu.memory_space<vmem_shared>> -> memref<10240x128xf32, #tpu.memory_space<vmem_shared>>
        tpu.wait_indirect_dma semaphore(%run_scoped3A_343 : memref<!tpu.dma_semaphore, #tpu.memory_space<semaphore_mem>>) src(%arg12 : memref<128x128xf32, #tpu.memory_space<vmem>>) dst(%dma_wait3A_355 : memref<10240x128xf32, #tpu.memory_space<vmem_shared>>)
        tpu.yield
      }) : () -> ()
      %add3A_325 = arith.constant 2 : i32
      %add3A_326 = arith.addi %mul3A_310, %add3A_325 : i32
      %dma_start3A_327 = arith.constant 0 : i32
      %dma_start3A_328 = tpu.memref_slice %arg10[%add3A_326, %dma_start3A_327] : memref<16x128xi32, #tpu.memory_space<vmem>> -> memref<1x128xi32, #tpu.memory_space<vmem>>
      %dma_start3A_329 = tpu.memref_squeeze %dma_start3A_328 : memref<1x128xi32, #tpu.memory_space<vmem>> -> memref<128xi32, #tpu.memory_space<vmem>>
      %dma_start3A_330 = arith.constant 0 : i32
      %dma_start3A_331 = arith.constant 0 : i32
      %dma_start3A_332 = tpu.memref_slice %arg2[%dma_start3A_330, %dma_start3A_331] : memref<10240x128xf32, #tpu.memory_space<hbm>> -> memref<10240x128xf32, #tpu.memory_space<hbm>>
      tpu.enqueue_indirect_dma source(%dma_start3A_332 : memref<10240x128xf32, #tpu.memory_space<hbm>>) target(%arg12 : memref<128x128xf32, #tpu.memory_space<vmem>>) offsets(%dma_start3A_329 : memref<128xi32, #tpu.memory_space<vmem>>) semaphore(%arg15 : memref<!tpu.dma_semaphore, #tpu.memory_space<semaphore_mem>>)
      %add3A_333 = arith.constant 1 : i32
      %add3A_334 = arith.addi %mul3A_310, %add3A_333 : i32
      %dma_wait3A_335 = arith.constant 0 : i32
      %dma_wait3A_336 = tpu.memref_slice %arg10[%add3A_334, %dma_wait3A_335] : memref<16x128xi32, #tpu.memory_space<vmem>> -> memref<1x128xi32, #tpu.memory_space<vmem>>
      %dma_wait3A_337 = tpu.memref_squeeze %dma_wait3A_336 : memref<1x128xi32, #tpu.memory_space<vmem>> -> memref<128xi32, #tpu.memory_space<vmem>>
      %dma_wait3A_338 = arith.constant 0 : i32
      %dma_wait3A_339 = arith.constant 0 : i32
      %dma_wait3A_340 = tpu.memref_slice %arg2[%dma_wait3A_338, %dma_wait3A_339] : memref<10240x128xf32, #tpu.memory_space<hbm>> -> memref<10240x128xf32, #tpu.memory_space<hbm>>
      tpu.wait_indirect_dma semaphore(%arg16 : memref<!tpu.dma_semaphore, #tpu.memory_space<semaphore_mem>>) src(%dma_wait3A_340 : memref<10240x128xf32, #tpu.memory_space<hbm>>) dst(%arg13 : memref<128x128xf32, #tpu.memory_space<vmem>>)
      %add3A_341 = arith.constant 1 : i32
      %add3A_342 = arith.addi %mul3A_310, %add3A_341 : i32
      "tpu.region"() ({
        %run_scoped3A_343 = tpu.sem_alloc : memref<!tpu.dma_semaphore, #tpu.memory_space<semaphore_mem>>
        %dma_start3A_344 = arith.constant 0 : i32
        %dma_start3A_345 = tpu.memref_slice %arg11[%add3A_342, %dma_start3A_344] : memref<16x128xi32, #tpu.memory_space<vmem>> -> memref<1x128xi32, #tpu.memory_space<vmem>>
        %dma_start3A_346 = tpu.memref_squeeze %dma_start3A_345 : memref<1x128xi32, #tpu.memory_space<vmem>> -> memref<128xi32, #tpu.memory_space<vmem>>
        %dma_start3A_347 = arith.constant 0 : i32
        %dma_start3A_348 = arith.constant 0 : i32
        %dma_start3A_349 = tpu.memref_slice %arg14[%dma_start3A_347, %dma_start3A_348] : memref<10240x128xf32, #tpu.memory_space<vmem_shared>> -> memref<10240x128xf32, #tpu.memory_space<vmem_shared>>
        tpu.enqueue_indirect_dma source(%arg13 : memref<128x128xf32, #tpu.memory_space<vmem>>) target(%dma_start3A_349 : memref<10240x128xf32, #tpu.memory_space<vmem_shared>>) offsets(%dma_start3A_346 : memref<128xi32, #tpu.memory_space<vmem>>) semaphore(%run_scoped3A_343 : memref<!tpu.dma_semaphore, #tpu.memory_space<semaphore_mem>>) {add = true}
        %dma_wait3A_350 = arith.constant 0 : i32
        %dma_wait3A_351 = tpu.memref_slice %arg11[%add3A_342, %dma_wait3A_350] : memref<16x128xi32, #tpu.memory_space<vmem>> -> memref<1x128xi32, #tpu.memory_space<vmem>>
        %dma_wait3A_352 = tpu.memref_squeeze %dma_wait3A_351 : memref<1x128xi32, #tpu.memory_space<vmem>> -> memref<128xi32, #tpu.memory_space<vmem>>
        %dma_wait3A_353 = arith.constant 0 : i32
        %dma_wait3A_354 = arith.constant 0 : i32
        %dma_wait3A_355 = tpu.memref_slice %arg14[%dma_wait3A_353, %dma_wait3A_354] : memref<10240x128xf32, #tpu.memory_space<vmem_shared>> -> memref<10240x128xf32, #tpu.memory_space<vmem_shared>>
        tpu.wait_indirect_dma semaphore(%run_scoped3A_343 : memref<!tpu.dma_semaphore, #tpu.memory_space<semaphore_mem>>) src(%arg13 : memref<128x128xf32, #tpu.memory_space<vmem>>) dst(%dma_wait3A_355 : memref<10240x128xf32, #tpu.memory_space<vmem_shared>>)
        tpu.yield
      }) : () -> ()
    }
    %scan3A_231 = arith.constant 7 : i32
    %dma_start3A_232 = arith.constant 15 : i32
    %dma_start3A_233 = arith.constant 0 : i32
    %dma_start3A_234 = tpu.memref_slice %arg10[%dma_start3A_232, %dma_start3A_233] : memref<16x128xi32, #tpu.memory_space<vmem>> -> memref<1x128xi32, #tpu.memory_space<vmem>>
    %dma_start3A_235 = tpu.memref_squeeze %dma_start3A_234 : memref<1x128xi32, #tpu.memory_space<vmem>> -> memref<128xi32, #tpu.memory_space<vmem>>
    %dma_start3A_236 = arith.constant 0 : i32
    %dma_start3A_237 = arith.constant 0 : i32
    %dma_start3A_238 = tpu.memref_slice %arg2[%dma_start3A_236, %dma_start3A_237] : memref<10240x128xf32, #tpu.memory_space<hbm>> -> memref<10240x128xf32, #tpu.memory_space<hbm>>
    tpu.enqueue_indirect_dma source(%dma_start3A_238 : memref<10240x128xf32, #tpu.memory_space<hbm>>) target(%arg13 : memref<128x128xf32, #tpu.memory_space<vmem>>) offsets(%dma_start3A_235 : memref<128xi32, #tpu.memory_space<vmem>>) semaphore(%arg16 : memref<!tpu.dma_semaphore, #tpu.memory_space<semaphore_mem>>)
    %dma_wait3A_239 = arith.constant 14 : i32
    %dma_wait3A_240 = arith.constant 0 : i32
    %dma_wait3A_241 = tpu.memref_slice %arg10[%dma_wait3A_239, %dma_wait3A_240] : memref<16x128xi32, #tpu.memory_space<vmem>> -> memref<1x128xi32, #tpu.memory_space<vmem>>
    %dma_wait3A_242 = tpu.memref_squeeze %dma_wait3A_241 : memref<1x128xi32, #tpu.memory_space<vmem>> -> memref<128xi32, #tpu.memory_space<vmem>>
    %dma_wait3A_243 = arith.constant 0 : i32
    %dma_wait3A_244 = arith.constant 0 : i32
    %dma_wait3A_245 = tpu.memref_slice %arg2[%dma_wait3A_243, %dma_wait3A_244] : memref<10240x128xf32, #tpu.memory_space<hbm>> -> memref<10240x128xf32, #tpu.memory_space<hbm>>
    tpu.wait_indirect_dma semaphore(%arg15 : memref<!tpu.dma_semaphore, #tpu.memory_space<semaphore_mem>>) src(%dma_wait3A_245 : memref<10240x128xf32, #tpu.memory_space<hbm>>) dst(%arg12 : memref<128x128xf32, #tpu.memory_space<vmem>>)
    %run_scoped3A_246 = arith.constant 14 : i32
    "tpu.region"() ({
      %run_scoped3A_308 = tpu.sem_alloc : memref<!tpu.dma_semaphore, #tpu.memory_space<semaphore_mem>>
      %dma_start3A_309 = arith.constant 0 : i32
      %dma_start3A_310 = tpu.memref_slice %arg11[%run_scoped3A_246, %dma_start3A_309] : memref<16x128xi32, #tpu.memory_space<vmem>> -> memref<1x128xi32, #tpu.memory_space<vmem>>
      %dma_start3A_311 = tpu.memref_squeeze %dma_start3A_310 : memref<1x128xi32, #tpu.memory_space<vmem>> -> memref<128xi32, #tpu.memory_space<vmem>>
      %dma_start3A_312 = arith.constant 0 : i32
      %dma_start3A_313 = arith.constant 0 : i32
      %dma_start3A_314 = tpu.memref_slice %arg14[%dma_start3A_312, %dma_start3A_313] : memref<10240x128xf32, #tpu.memory_space<vmem_shared>> -> memref<10240x128xf32, #tpu.memory_space<vmem_shared>>
      tpu.enqueue_indirect_dma source(%arg12 : memref<128x128xf32, #tpu.memory_space<vmem>>) target(%dma_start3A_314 : memref<10240x128xf32, #tpu.memory_space<vmem_shared>>) offsets(%dma_start3A_311 : memref<128xi32, #tpu.memory_space<vmem>>) semaphore(%run_scoped3A_308 : memref<!tpu.dma_semaphore, #tpu.memory_space<semaphore_mem>>) {add = true}
      %dma_wait3A_315 = arith.constant 0 : i32
      %dma_wait3A_316 = tpu.memref_slice %arg11[%run_scoped3A_246, %dma_wait3A_315] : memref<16x128xi32, #tpu.memory_space<vmem>> -> memref<1x128xi32, #tpu.memory_space<vmem>>
      %dma_wait3A_317 = tpu.memref_squeeze %dma_wait3A_316 : memref<1x128xi32, #tpu.memory_space<vmem>> -> memref<128xi32, #tpu.memory_space<vmem>>
      %dma_wait3A_318 = arith.constant 0 : i32
      %dma_wait3A_319 = arith.constant 0 : i32
      %dma_wait3A_320 = tpu.memref_slice %arg14[%dma_wait3A_318, %dma_wait3A_319] : memref<10240x128xf32, #tpu.memory_space<vmem_shared>> -> memref<10240x128xf32, #tpu.memory_space<vmem_shared>>
      tpu.wait_indirect_dma semaphore(%run_scoped3A_308 : memref<!tpu.dma_semaphore, #tpu.memory_space<semaphore_mem>>) src(%arg12 : memref<128x128xf32, #tpu.memory_space<vmem>>) dst(%dma_wait3A_320 : memref<10240x128xf32, #tpu.memory_space<vmem_shared>>)
      tpu.yield
    }) : () -> ()
    %dma_wait3A_247 = arith.constant 15 : i32
    %dma_wait3A_248 = arith.constant 0 : i32
    %dma_wait3A_249 = tpu.memref_slice %arg10[%dma_wait3A_247, %dma_wait3A_248] : memref<16x128xi32, #tpu.memory_space<vmem>> -> memref<1x128xi32, #tpu.memory_space<vmem>>
    %dma_wait3A_250 = tpu.memref_squeeze %dma_wait3A_249 : memref<1x128xi32, #tpu.memory_space<vmem>> -> memref<128xi32, #tpu.memory_space<vmem>>
    %dma_wait3A_251 = arith.constant 0 : i32
    %dma_wait3A_252 = arith.constant 0 : i32
    %dma_wait3A_253 = tpu.memref_slice %arg2[%dma_wait3A_251, %dma_wait3A_252] : memref<10240x128xf32, #tpu.memory_space<hbm>> -> memref<10240x128xf32, #tpu.memory_space<hbm>>
    tpu.wait_indirect_dma semaphore(%arg16 : memref<!tpu.dma_semaphore, #tpu.memory_space<semaphore_mem>>) src(%dma_wait3A_253 : memref<10240x128xf32, #tpu.memory_space<hbm>>) dst(%arg13 : memref<128x128xf32, #tpu.memory_space<vmem>>)
    %run_scoped3A_254 = arith.constant 15 : i32
    "tpu.region"() ({
      %run_scoped3A_308 = tpu.sem_alloc : memref<!tpu.dma_semaphore, #tpu.memory_space<semaphore_mem>>
      %dma_start3A_309 = arith.constant 0 : i32
      %dma_start3A_310 = tpu.memref_slice %arg11[%run_scoped3A_254, %dma_start3A_309] : memref<16x128xi32, #tpu.memory_space<vmem>> -> memref<1x128xi32, #tpu.memory_space<vmem>>
      %dma_start3A_311 = tpu.memref_squeeze %dma_start3A_310 : memref<1x128xi32, #tpu.memory_space<vmem>> -> memref<128xi32, #tpu.memory_space<vmem>>
      %dma_start3A_312 = arith.constant 0 : i32
      %dma_start3A_313 = arith.constant 0 : i32
      %dma_start3A_314 = tpu.memref_slice %arg14[%dma_start3A_312, %dma_start3A_313] : memref<10240x128xf32, #tpu.memory_space<vmem_shared>> -> memref<10240x128xf32, #tpu.memory_space<vmem_shared>>
      tpu.enqueue_indirect_dma source(%arg13 : memref<128x128xf32, #tpu.memory_space<vmem>>) target(%dma_start3A_314 : memref<10240x128xf32, #tpu.memory_space<vmem_shared>>) offsets(%dma_start3A_311 : memref<128xi32, #tpu.memory_space<vmem>>) semaphore(%run_scoped3A_308 : memref<!tpu.dma_semaphore, #tpu.memory_space<semaphore_mem>>) {add = true}
      %dma_wait3A_315 = arith.constant 0 : i32
      %dma_wait3A_316 = tpu.memref_slice %arg11[%run_scoped3A_254, %dma_wait3A_315] : memref<16x128xi32, #tpu.memory_space<vmem>> -> memref<1x128xi32, #tpu.memory_space<vmem>>
      %dma_wait3A_317 = tpu.memref_squeeze %dma_wait3A_316 : memref<1x128xi32, #tpu.memory_space<vmem>> -> memref<128xi32, #tpu.memory_space<vmem>>
      %dma_wait3A_318 = arith.constant 0 : i32
      %dma_wait3A_319 = arith.constant 0 : i32
      %dma_wait3A_320 = tpu.memref_slice %arg14[%dma_wait3A_318, %dma_wait3A_319] : memref<10240x128xf32, #tpu.memory_space<vmem_shared>> -> memref<10240x128xf32, #tpu.memory_space<vmem_shared>>
      tpu.wait_indirect_dma semaphore(%run_scoped3A_308 : memref<!tpu.dma_semaphore, #tpu.memory_space<semaphore_mem>>) src(%arg13 : memref<128x128xf32, #tpu.memory_space<vmem>>) dst(%dma_wait3A_320 : memref<10240x128xf32, #tpu.memory_space<vmem_shared>>)
      tpu.yield
    }) : () -> ()
    %dma_wait3A_255 = arith.constant 64 : i32
    %dma_wait3A_256 = arith.constant 0 : i32
    %dma_wait3A_257 = tpu.memref_slice %arg3[%add3A, %dma_wait3A_255, %dma_wait3A_256] : memref<32x80x128xi32, #tpu.memory_space<hbm>> -> memref<1x16x128xi32, #tpu.memory_space<hbm>>
    %dma_wait3A_258 = tpu.memref_squeeze %dma_wait3A_257 : memref<1x16x128xi32, #tpu.memory_space<hbm>> -> memref<16x128xi32, #tpu.memory_space<hbm>>
    %dma_wait3A_259 = arith.constant 64 : i32
    %dma_wait3A_260 = arith.constant 0 : i32
    %dma_wait3A_261 = tpu.memref_slice %arg3[%add3A, %dma_wait3A_259, %dma_wait3A_260] : memref<32x80x128xi32, #tpu.memory_space<hbm>> -> memref<1x16x128xi32, #tpu.memory_space<hbm>>
    %dma_wait3A_262 = tpu.memref_squeeze %dma_wait3A_261 : memref<1x16x128xi32, #tpu.memory_space<hbm>> -> memref<16x128xi32, #tpu.memory_space<hbm>>
    tpu.wait_dma2 semaphore(%arg17 : memref<!tpu.dma_semaphore, #tpu.memory_space<semaphore_mem>>) src(%dma_wait3A_262 : memref<16x128xi32, #tpu.memory_space<hbm>>) dst(%arg8 : memref<16x128xi32, #tpu.memory_space<vmem>>)
    %dma_wait3A_263 = arith.constant 64 : i32
    %dma_wait3A_264 = arith.constant 0 : i32
    %dma_wait3A_265 = tpu.memref_slice %arg4[%add3A, %dma_wait3A_263, %dma_wait3A_264] : memref<32x80x128xi32, #tpu.memory_space<hbm>> -> memref<1x16x128xi32, #tpu.memory_space<hbm>>
    %dma_wait3A_266 = tpu.memref_squeeze %dma_wait3A_265 : memref<1x16x128xi32, #tpu.memory_space<hbm>> -> memref<16x128xi32, #tpu.memory_space<hbm>>
    %dma_wait3A_267 = arith.constant 64 : i32
    %dma_wait3A_268 = arith.constant 0 : i32
    %dma_wait3A_269 = tpu.memref_slice %arg4[%add3A, %dma_wait3A_267, %dma_wait3A_268] : memref<32x80x128xi32, #tpu.memory_space<hbm>> -> memref<1x16x128xi32, #tpu.memory_space<hbm>>
    %dma_wait3A_270 = tpu.memref_squeeze %dma_wait3A_269 : memref<1x16x128xi32, #tpu.memory_space<hbm>> -> memref<16x128xi32, #tpu.memory_space<hbm>>
    tpu.wait_dma2 semaphore(%arg18 : memref<!tpu.dma_semaphore, #tpu.memory_space<semaphore_mem>>) src(%dma_wait3A_270 : memref<16x128xi32, #tpu.memory_space<hbm>>) dst(%arg9 : memref<16x128xi32, #tpu.memory_space<vmem>>)
    %dma_start3A_271 = arith.constant 0 : i32
    %dma_start3A_272 = arith.constant 0 : i32
    %dma_start3A_273 = tpu.memref_slice %arg8[%dma_start3A_271, %dma_start3A_272] : memref<16x128xi32, #tpu.memory_space<vmem>> -> memref<1x128xi32, #tpu.memory_space<vmem>>
    %dma_start3A_274 = tpu.memref_squeeze %dma_start3A_273 : memref<1x128xi32, #tpu.memory_space<vmem>> -> memref<128xi32, #tpu.memory_space<vmem>>
    %dma_start3A_275 = arith.constant 0 : i32
    %dma_start3A_276 = arith.constant 0 : i32
    %dma_start3A_277 = tpu.memref_slice %arg2[%dma_start3A_275, %dma_start3A_276] : memref<10240x128xf32, #tpu.memory_space<hbm>> -> memref<10240x128xf32, #tpu.memory_space<hbm>>
    tpu.enqueue_indirect_dma source(%dma_start3A_277 : memref<10240x128xf32, #tpu.memory_space<hbm>>) target(%arg12 : memref<128x128xf32, #tpu.memory_space<vmem>>) offsets(%dma_start3A_274 : memref<128xi32, #tpu.memory_space<vmem>>) semaphore(%arg15 : memref<!tpu.dma_semaphore, #tpu.memory_space<semaphore_mem>>)
    %scan3A_278 = arith.constant 0 : i32
    %scan3A_279 = arith.constant 0 : i32
    %scan3A_280 = arith.constant 7 : i32
    %scan3A_281 = arith.addi %scan3A_279, %scan3A_280 : i32
    %scan3A_282 = arith.constant 1 : i32
    scf.for %scan3A_308 = %scan3A_279 to %scan3A_281 step %scan3A_282  : i32 {
      %mul3A_309 = arith.constant 2 : i32
      %mul3A_310 = arith.muli %mul3A_309, %scan3A_308 : i32
      %add3A_311 = arith.constant 1 : i32
      %add3A_312 = arith.addi %mul3A_310, %add3A_311 : i32
      %dma_start3A_313 = arith.constant 0 : i32
      %dma_start3A_314 = tpu.memref_slice %arg8[%add3A_312, %dma_start3A_313] : memref<16x128xi32, #tpu.memory_space<vmem>> -> memref<1x128xi32, #tpu.memory_space<vmem>>
      %dma_start3A_315 = tpu.memref_squeeze %dma_start3A_314 : memref<1x128xi32, #tpu.memory_space<vmem>> -> memref<128xi32, #tpu.memory_space<vmem>>
      %dma_start3A_316 = arith.constant 0 : i32
      %dma_start3A_317 = arith.constant 0 : i32
      %dma_start3A_318 = tpu.memref_slice %arg2[%dma_start3A_316, %dma_start3A_317] : memref<10240x128xf32, #tpu.memory_space<hbm>> -> memref<10240x128xf32, #tpu.memory_space<hbm>>
      tpu.enqueue_indirect_dma source(%dma_start3A_318 : memref<10240x128xf32, #tpu.memory_space<hbm>>) target(%arg13 : memref<128x128xf32, #tpu.memory_space<vmem>>) offsets(%dma_start3A_315 : memref<128xi32, #tpu.memory_space<vmem>>) semaphore(%arg16 : memref<!tpu.dma_semaphore, #tpu.memory_space<semaphore_mem>>)
      %dma_wait3A_319 = arith.constant 0 : i32
      %dma_wait3A_320 = tpu.memref_slice %arg8[%mul3A_310, %dma_wait3A_319] : memref<16x128xi32, #tpu.memory_space<vmem>> -> memref<1x128xi32, #tpu.memory_space<vmem>>
      %dma_wait3A_321 = tpu.memref_squeeze %dma_wait3A_320 : memref<1x128xi32, #tpu.memory_space<vmem>> -> memref<128xi32, #tpu.memory_space<vmem>>
      %dma_wait3A_322 = arith.constant 0 : i32
      %dma_wait3A_323 = arith.constant 0 : i32
      %dma_wait3A_324 = tpu.memref_slice %arg2[%dma_wait3A_322, %dma_wait3A_323] : memref<10240x128xf32, #tpu.memory_space<hbm>> -> memref<10240x128xf32, #tpu.memory_space<hbm>>
      tpu.wait_indirect_dma semaphore(%arg15 : memref<!tpu.dma_semaphore, #tpu.memory_space<semaphore_mem>>) src(%dma_wait3A_324 : memref<10240x128xf32, #tpu.memory_space<hbm>>) dst(%arg12 : memref<128x128xf32, #tpu.memory_space<vmem>>)
      "tpu.region"() ({
        %run_scoped3A_343 = tpu.sem_alloc : memref<!tpu.dma_semaphore, #tpu.memory_space<semaphore_mem>>
        %dma_start3A_344 = arith.constant 0 : i32
        %dma_start3A_345 = tpu.memref_slice %arg9[%mul3A_310, %dma_start3A_344] : memref<16x128xi32, #tpu.memory_space<vmem>> -> memref<1x128xi32, #tpu.memory_space<vmem>>
        %dma_start3A_346 = tpu.memref_squeeze %dma_start3A_345 : memref<1x128xi32, #tpu.memory_space<vmem>> -> memref<128xi32, #tpu.memory_space<vmem>>
        %dma_start3A_347 = arith.constant 0 : i32
        %dma_start3A_348 = arith.constant 0 : i32
        %dma_start3A_349 = tpu.memref_slice %arg14[%dma_start3A_347, %dma_start3A_348] : memref<10240x128xf32, #tpu.memory_space<vmem_shared>> -> memref<10240x128xf32, #tpu.memory_space<vmem_shared>>
        tpu.enqueue_indirect_dma source(%arg12 : memref<128x128xf32, #tpu.memory_space<vmem>>) target(%dma_start3A_349 : memref<10240x128xf32, #tpu.memory_space<vmem_shared>>) offsets(%dma_start3A_346 : memref<128xi32, #tpu.memory_space<vmem>>) semaphore(%run_scoped3A_343 : memref<!tpu.dma_semaphore, #tpu.memory_space<semaphore_mem>>) {add = true}
        %dma_wait3A_350 = arith.constant 0 : i32
        %dma_wait3A_351 = tpu.memref_slice %arg9[%mul3A_310, %dma_wait3A_350] : memref<16x128xi32, #tpu.memory_space<vmem>> -> memref<1x128xi32, #tpu.memory_space<vmem>>
        %dma_wait3A_352 = tpu.memref_squeeze %dma_wait3A_351 : memref<1x128xi32, #tpu.memory_space<vmem>> -> memref<128xi32, #tpu.memory_space<vmem>>
        %dma_wait3A_353 = arith.constant 0 : i32
        %dma_wait3A_354 = arith.constant 0 : i32
        %dma_wait3A_355 = tpu.memref_slice %arg14[%dma_wait3A_353, %dma_wait3A_354] : memref<10240x128xf32, #tpu.memory_space<vmem_shared>> -> memref<10240x128xf32, #tpu.memory_space<vmem_shared>>
        tpu.wait_indirect_dma semaphore(%run_scoped3A_343 : memref<!tpu.dma_semaphore, #tpu.memory_space<semaphore_mem>>) src(%arg12 : memref<128x128xf32, #tpu.memory_space<vmem>>) dst(%dma_wait3A_355 : memref<10240x128xf32, #tpu.memory_space<vmem_shared>>)
        tpu.yield
      }) : () -> ()
      %add3A_325 = arith.constant 2 : i32
      %add3A_326 = arith.addi %mul3A_310, %add3A_325 : i32
      %dma_start3A_327 = arith.constant 0 : i32
      %dma_start3A_328 = tpu.memref_slice %arg8[%add3A_326, %dma_start3A_327] : memref<16x128xi32, #tpu.memory_space<vmem>> -> memref<1x128xi32, #tpu.memory_space<vmem>>
      %dma_start3A_329 = tpu.memref_squeeze %dma_start3A_328 : memref<1x128xi32, #tpu.memory_space<vmem>> -> memref<128xi32, #tpu.memory_space<vmem>>
      %dma_start3A_330 = arith.constant 0 : i32
      %dma_start3A_331 = arith.constant 0 : i32
      %dma_start3A_332 = tpu.memref_slice %arg2[%dma_start3A_330, %dma_start3A_331] : memref<10240x128xf32, #tpu.memory_space<hbm>> -> memref<10240x128xf32, #tpu.memory_space<hbm>>
      tpu.enqueue_indirect_dma source(%dma_start3A_332 : memref<10240x128xf32, #tpu.memory_space<hbm>>) target(%arg12 : memref<128x128xf32, #tpu.memory_space<vmem>>) offsets(%dma_start3A_329 : memref<128xi32, #tpu.memory_space<vmem>>) semaphore(%arg15 : memref<!tpu.dma_semaphore, #tpu.memory_space<semaphore_mem>>)
      %add3A_333 = arith.constant 1 : i32
      %add3A_334 = arith.addi %mul3A_310, %add3A_333 : i32
      %dma_wait3A_335 = arith.constant 0 : i32
      %dma_wait3A_336 = tpu.memref_slice %arg8[%add3A_334, %dma_wait3A_335] : memref<16x128xi32, #tpu.memory_space<vmem>> -> memref<1x128xi32, #tpu.memory_space<vmem>>
      %dma_wait3A_337 = tpu.memref_squeeze %dma_wait3A_336 : memref<1x128xi32, #tpu.memory_space<vmem>> -> memref<128xi32, #tpu.memory_space<vmem>>
      %dma_wait3A_338 = arith.constant 0 : i32
      %dma_wait3A_339 = arith.constant 0 : i32
      %dma_wait3A_340 = tpu.memref_slice %arg2[%dma_wait3A_338, %dma_wait3A_339] : memref<10240x128xf32, #tpu.memory_space<hbm>> -> memref<10240x128xf32, #tpu.memory_space<hbm>>
      tpu.wait_indirect_dma semaphore(%arg16 : memref<!tpu.dma_semaphore, #tpu.memory_space<semaphore_mem>>) src(%dma_wait3A_340 : memref<10240x128xf32, #tpu.memory_space<hbm>>) dst(%arg13 : memref<128x128xf32, #tpu.memory_space<vmem>>)
      %add3A_341 = arith.constant 1 : i32
      %add3A_342 = arith.addi %mul3A_310, %add3A_341 : i32
      "tpu.region"() ({
        %run_scoped3A_343 = tpu.sem_alloc : memref<!tpu.dma_semaphore, #tpu.memory_space<semaphore_mem>>
        %dma_start3A_344 = arith.constant 0 : i32
        %dma_start3A_345 = tpu.memref_slice %arg9[%add3A_342, %dma_start3A_344] : memref<16x128xi32, #tpu.memory_space<vmem>> -> memref<1x128xi32, #tpu.memory_space<vmem>>
        %dma_start3A_346 = tpu.memref_squeeze %dma_start3A_345 : memref<1x128xi32, #tpu.memory_space<vmem>> -> memref<128xi32, #tpu.memory_space<vmem>>
        %dma_start3A_347 = arith.constant 0 : i32
        %dma_start3A_348 = arith.constant 0 : i32
        %dma_start3A_349 = tpu.memref_slice %arg14[%dma_start3A_347, %dma_start3A_348] : memref<10240x128xf32, #tpu.memory_space<vmem_shared>> -> memref<10240x128xf32, #tpu.memory_space<vmem_shared>>
        tpu.enqueue_indirect_dma source(%arg13 : memref<128x128xf32, #tpu.memory_space<vmem>>) target(%dma_start3A_349 : memref<10240x128xf32, #tpu.memory_space<vmem_shared>>) offsets(%dma_start3A_346 : memref<128xi32, #tpu.memory_space<vmem>>) semaphore(%run_scoped3A_343 : memref<!tpu.dma_semaphore, #tpu.memory_space<semaphore_mem>>) {add = true}
        %dma_wait3A_350 = arith.constant 0 : i32
        %dma_wait3A_351 = tpu.memref_slice %arg9[%add3A_342, %dma_wait3A_350] : memref<16x128xi32, #tpu.memory_space<vmem>> -> memref<1x128xi32, #tpu.memory_space<vmem>>
        %dma_wait3A_352 = tpu.memref_squeeze %dma_wait3A_351 : memref<1x128xi32, #tpu.memory_space<vmem>> -> memref<128xi32, #tpu.memory_space<vmem>>
        %dma_wait3A_353 = arith.constant 0 : i32
        %dma_wait3A_354 = arith.constant 0 : i32
        %dma_wait3A_355 = tpu.memref_slice %arg14[%dma_wait3A_353, %dma_wait3A_354] : memref<10240x128xf32, #tpu.memory_space<vmem_shared>> -> memref<10240x128xf32, #tpu.memory_space<vmem_shared>>
        tpu.wait_indirect_dma semaphore(%run_scoped3A_343 : memref<!tpu.dma_semaphore, #tpu.memory_space<semaphore_mem>>) src(%arg13 : memref<128x128xf32, #tpu.memory_space<vmem>>) dst(%dma_wait3A_355 : memref<10240x128xf32, #tpu.memory_space<vmem_shared>>)
        tpu.yield
      }) : () -> ()
    }
    %scan3A_283 = arith.constant 7 : i32
    %dma_start3A_284 = arith.constant 15 : i32
    %dma_start3A_285 = arith.constant 0 : i32
    %dma_start3A_286 = tpu.memref_slice %arg8[%dma_start3A_284, %dma_start3A_285] : memref<16x128xi32, #tpu.memory_space<vmem>> -> memref<1x128xi32, #tpu.memory_space<vmem>>
    %dma_start3A_287 = tpu.memref_squeeze %dma_start3A_286 : memref<1x128xi32, #tpu.memory_space<vmem>> -> memref<128xi32, #tpu.memory_space<vmem>>
    %dma_start3A_288 = arith.constant 0 : i32
    %dma_start3A_289 = arith.constant 0 : i32
    %dma_start3A_290 = tpu.memref_slice %arg2[%dma_start3A_288, %dma_start3A_289] : memref<10240x128xf32, #tpu.memory_space<hbm>> -> memref<10240x128xf32, #tpu.memory_space<hbm>>
    tpu.enqueue_indirect_dma source(%dma_start3A_290 : memref<10240x128xf32, #tpu.memory_space<hbm>>) target(%arg13 : memref<128x128xf32, #tpu.memory_space<vmem>>) offsets(%dma_start3A_287 : memref<128xi32, #tpu.memory_space<vmem>>) semaphore(%arg16 : memref<!tpu.dma_semaphore, #tpu.memory_space<semaphore_mem>>)
    %dma_wait3A_291 = arith.constant 14 : i32
    %dma_wait3A_292 = arith.constant 0 : i32
    %dma_wait3A_293 = tpu.memref_slice %arg8[%dma_wait3A_291, %dma_wait3A_292] : memref<16x128xi32, #tpu.memory_space<vmem>> -> memref<1x128xi32, #tpu.memory_space<vmem>>
    %dma_wait3A_294 = tpu.memref_squeeze %dma_wait3A_293 : memref<1x128xi32, #tpu.memory_space<vmem>> -> memref<128xi32, #tpu.memory_space<vmem>>
    %dma_wait3A_295 = arith.constant 0 : i32
    %dma_wait3A_296 = arith.constant 0 : i32
    %dma_wait3A_297 = tpu.memref_slice %arg2[%dma_wait3A_295, %dma_wait3A_296] : memref<10240x128xf32, #tpu.memory_space<hbm>> -> memref<10240x128xf32, #tpu.memory_space<hbm>>
    tpu.wait_indirect_dma semaphore(%arg15 : memref<!tpu.dma_semaphore, #tpu.memory_space<semaphore_mem>>) src(%dma_wait3A_297 : memref<10240x128xf32, #tpu.memory_space<hbm>>) dst(%arg12 : memref<128x128xf32, #tpu.memory_space<vmem>>)
    %run_scoped3A_298 = arith.constant 14 : i32
    "tpu.region"() ({
      %run_scoped3A_308 = tpu.sem_alloc : memref<!tpu.dma_semaphore, #tpu.memory_space<semaphore_mem>>
      %dma_start3A_309 = arith.constant 0 : i32
      %dma_start3A_310 = tpu.memref_slice %arg9[%run_scoped3A_298, %dma_start3A_309] : memref<16x128xi32, #tpu.memory_space<vmem>> -> memref<1x128xi32, #tpu.memory_space<vmem>>
      %dma_start3A_311 = tpu.memref_squeeze %dma_start3A_310 : memref<1x128xi32, #tpu.memory_space<vmem>> -> memref<128xi32, #tpu.memory_space<vmem>>
      %dma_start3A_312 = arith.constant 0 : i32
      %dma_start3A_313 = arith.constant 0 : i32
      %dma_start3A_314 = tpu.memref_slice %arg14[%dma_start3A_312, %dma_start3A_313] : memref<10240x128xf32, #tpu.memory_space<vmem_shared>> -> memref<10240x128xf32, #tpu.memory_space<vmem_shared>>
      tpu.enqueue_indirect_dma source(%arg12 : memref<128x128xf32, #tpu.memory_space<vmem>>) target(%dma_start3A_314 : memref<10240x128xf32, #tpu.memory_space<vmem_shared>>) offsets(%dma_start3A_311 : memref<128xi32, #tpu.memory_space<vmem>>) semaphore(%run_scoped3A_308 : memref<!tpu.dma_semaphore, #tpu.memory_space<semaphore_mem>>) {add = true}
      %dma_wait3A_315 = arith.constant 0 : i32
      %dma_wait3A_316 = tpu.memref_slice %arg9[%run_scoped3A_298, %dma_wait3A_315] : memref<16x128xi32, #tpu.memory_space<vmem>> -> memref<1x128xi32, #tpu.memory_space<vmem>>
      %dma_wait3A_317 = tpu.memref_squeeze %dma_wait3A_316 : memref<1x128xi32, #tpu.memory_space<vmem>> -> memref<128xi32, #tpu.memory_space<vmem>>
      %dma_wait3A_318 = arith.constant 0 : i32
      %dma_wait3A_319 = arith.constant 0 : i32
      %dma_wait3A_320 = tpu.memref_slice %arg14[%dma_wait3A_318, %dma_wait3A_319] : memref<10240x128xf32, #tpu.memory_space<vmem_shared>> -> memref<10240x128xf32, #tpu.memory_space<vmem_shared>>
      tpu.wait_indirect_dma semaphore(%run_scoped3A_308 : memref<!tpu.dma_semaphore, #tpu.memory_space<semaphore_mem>>) src(%arg12 : memref<128x128xf32, #tpu.memory_space<vmem>>) dst(%dma_wait3A_320 : memref<10240x128xf32, #tpu.memory_space<vmem_shared>>)
      tpu.yield
    }) : () -> ()
    %dma_wait3A_299 = arith.constant 15 : i32
    %dma_wait3A_300 = arith.constant 0 : i32
    %dma_wait3A_301 = tpu.memref_slice %arg8[%dma_wait3A_299, %dma_wait3A_300] : memref<16x128xi32, #tpu.memory_space<vmem>> -> memref<1x128xi32, #tpu.memory_space<vmem>>
    %dma_wait3A_302 = tpu.memref_squeeze %dma_wait3A_301 : memref<1x128xi32, #tpu.memory_space<vmem>> -> memref<128xi32, #tpu.memory_space<vmem>>
    %dma_wait3A_303 = arith.constant 0 : i32
    %dma_wait3A_304 = arith.constant 0 : i32
    %dma_wait3A_305 = tpu.memref_slice %arg2[%dma_wait3A_303, %dma_wait3A_304] : memref<10240x128xf32, #tpu.memory_space<hbm>> -> memref<10240x128xf32, #tpu.memory_space<hbm>>
    tpu.wait_indirect_dma semaphore(%arg16 : memref<!tpu.dma_semaphore, #tpu.memory_space<semaphore_mem>>) src(%dma_wait3A_305 : memref<10240x128xf32, #tpu.memory_space<hbm>>) dst(%arg13 : memref<128x128xf32, #tpu.memory_space<vmem>>)
    %run_scoped3A_306 = arith.constant 15 : i32
    "tpu.region"() ({
      %run_scoped3A_308 = tpu.sem_alloc : memref<!tpu.dma_semaphore, #tpu.memory_space<semaphore_mem>>
      %dma_start3A_309 = arith.constant 0 : i32
      %dma_start3A_310 = tpu.memref_slice %arg9[%run_scoped3A_306, %dma_start3A_309] : memref<16x128xi32, #tpu.memory_space<vmem>> -> memref<1x128xi32, #tpu.memory_space<vmem>>
      %dma_start3A_311 = tpu.memref_squeeze %dma_start3A_310 : memref<1x128xi32, #tpu.memory_space<vmem>> -> memref<128xi32, #tpu.memory_space<vmem>>
      %dma_start3A_312 = arith.constant 0 : i32
      %dma_start3A_313 = arith.constant 0 : i32
      %dma_start3A_314 = tpu.memref_slice %arg14[%dma_start3A_312, %dma_start3A_313] : memref<10240x128xf32, #tpu.memory_space<vmem_shared>> -> memref<10240x128xf32, #tpu.memory_space<vmem_shared>>
      tpu.enqueue_indirect_dma source(%arg13 : memref<128x128xf32, #tpu.memory_space<vmem>>) target(%dma_start3A_314 : memref<10240x128xf32, #tpu.memory_space<vmem_shared>>) offsets(%dma_start3A_311 : memref<128xi32, #tpu.memory_space<vmem>>) semaphore(%run_scoped3A_308 : memref<!tpu.dma_semaphore, #tpu.memory_space<semaphore_mem>>) {add = true}
      %dma_wait3A_315 = arith.constant 0 : i32
      %dma_wait3A_316 = tpu.memref_slice %arg9[%run_scoped3A_306, %dma_wait3A_315] : memref<16x128xi32, #tpu.memory_space<vmem>> -> memref<1x128xi32, #tpu.memory_space<vmem>>
      %dma_wait3A_317 = tpu.memref_squeeze %dma_wait3A_316 : memref<1x128xi32, #tpu.memory_space<vmem>> -> memref<128xi32, #tpu.memory_space<vmem>>
      %dma_wait3A_318 = arith.constant 0 : i32
      %dma_wait3A_319 = arith.constant 0 : i32
      %dma_wait3A_320 = tpu.memref_slice %arg14[%dma_wait3A_318, %dma_wait3A_319] : memref<10240x128xf32, #tpu.memory_space<vmem_shared>> -> memref<10240x128xf32, #tpu.memory_space<vmem_shared>>
      tpu.wait_indirect_dma semaphore(%run_scoped3A_308 : memref<!tpu.dma_semaphore, #tpu.memory_space<semaphore_mem>>) src(%arg13 : memref<128x128xf32, #tpu.memory_space<vmem>>) dst(%dma_wait3A_320 : memref<10240x128xf32, #tpu.memory_space<vmem_shared>>)
      tpu.yield
    }) : () -> ()
    %barrier3A_307 = arith.constant 0 : index
    tpu.barrier barrier_id(%barrier3A_307)
    "tpu.region"() ({
      %run_scoped3A_308 = tpu.sem_alloc : memref<!tpu.dma_semaphore, #tpu.memory_space<semaphore_mem>>
      %dma_start3A_309 = arith.constant 0 : i32
      %dma_start3A_310 = tpu.memref_slice %arg7[%arg0, %multiple_of3A, %dma_start3A_309] : memref<2x10240x128xf32, #tpu.memory_space<hbm>> -> memref<1x640x128xf32, #tpu.memory_space<hbm>>
      %dma_start3A_311 = tpu.memref_squeeze %dma_start3A_310 : memref<1x640x128xf32, #tpu.memory_space<hbm>> -> memref<640x128xf32, #tpu.memory_space<hbm>>
      %dma_start3A_312 = arith.constant 0 : i32
      %dma_start3A_313 = tpu.memref_slice %arg14[%multiple_of3A, %dma_start3A_312] : memref<10240x128xf32, #tpu.memory_space<vmem_shared>> -> memref<640x128xf32, #tpu.memory_space<vmem_shared>>
      tpu.enqueue_dma source(%dma_start3A_313 : memref<640x128xf32, #tpu.memory_space<vmem_shared>>) target(%dma_start3A_311 : memref<640x128xf32, #tpu.memory_space<hbm>>) target_semaphore(%run_scoped3A_308 : memref<!tpu.dma_semaphore, #tpu.memory_space<semaphore_mem>>)
      %dma_wait3A_314 = arith.constant 0 : i32
      %dma_wait3A_315 = tpu.memref_slice %arg7[%arg0, %multiple_of3A, %dma_wait3A_314] : memref<2x10240x128xf32, #tpu.memory_space<hbm>> -> memref<1x640x128xf32, #tpu.memory_space<hbm>>
      %dma_wait3A_316 = tpu.memref_squeeze %dma_wait3A_315 : memref<1x640x128xf32, #tpu.memory_space<hbm>> -> memref<640x128xf32, #tpu.memory_space<hbm>>
      %dma_wait3A_317 = arith.constant 0 : i32
      %dma_wait3A_318 = tpu.memref_slice %arg14[%multiple_of3A, %dma_wait3A_317] : memref<10240x128xf32, #tpu.memory_space<vmem_shared>> -> memref<640x128xf32, #tpu.memory_space<vmem_shared>>
      tpu.wait_dma2 semaphore(%run_scoped3A_308 : memref<!tpu.dma_semaphore, #tpu.memory_space<semaphore_mem>>) src(%dma_wait3A_318 : memref<640x128xf32, #tpu.memory_space<vmem_shared>>) dst(%dma_wait3A_316 : memref<640x128xf32, #tpu.memory_space<hbm>>)
      tpu.yield
    }) : () -> ()
    return
  }
}

module attributes {stable_mosaic.version = 14 : i64} {
  func.func @body(%arg0: i32, %arg1: memref<1024x128xf32, #tpu.memory_space<vmem>>, %arg2: memref<2x1024x128xf32, #tpu.memory_space<vmem>>, %arg3: memref<2x1024x1xf32, #tpu.memory_space<vmem>>, %arg4: memref<128x128xf32, #tpu.memory_space<vmem>>, %arg5: memref<128x128xf32, #tpu.memory_space<vmem>>, %arg6: memref<1x128xf32, #tpu.memory_space<vmem>>, %arg7: memref<1024x128xf32, #tpu.memory_space<vmem>>) attributes {dimension_semantics = [#tpu.dimension_semantics<arbitrary>], iteration_bounds = array<i64: 10>, scalar_prefetch = 0 : i64, scratch_operands = 0 : i64, tpu.core_type = #tpu.core_type<tc>, window_params = [{transform_indices = @transform_0, window_bounds = array<i64: 1024, 128>}, {transform_indices = @transform_1, window_bounds = array<i64: 2, 1024, 128>}, {transform_indices = @transform_2, window_bounds = array<i64: 2, 1024, 1>}, {pipeline_mode = #tpu.pipeline_mode<synchronous>, transform_indices = @transform_3, window_bounds = array<i64: 128, 128>}, {pipeline_mode = #tpu.pipeline_mode<synchronous>, transform_indices = @transform_4, window_bounds = array<i64: 128, 128>}, {pipeline_mode = #tpu.pipeline_mode<synchronous>, transform_indices = @transform_5, window_bounds = array<i64: 1, 128>}, {transform_indices = @transform_6, window_bounds = array<i64: 1024, 128>}]} {
    %get3A = arith.constant 0 : index
    %get3A_0 = arith.constant 0 : index
    %get3A_1 = vector.load %arg1[%get3A, %get3A_0] : memref<1024x128xf32, #tpu.memory_space<vmem>>, vector<1024x128xf32>
    %get3A_2 = arith.constant 0 : index
    %get3A_3 = arith.constant 0 : index
    %get3A_4 = arith.constant 0 : index
    %get3A_5 = vector.load %arg2[%get3A_2, %get3A_3, %get3A_4] : memref<2x1024x128xf32, #tpu.memory_space<vmem>>, vector<2x1024x128xf32>
    %slice3A = vector.extract_strided_slice %get3A_5 {offsets = [0, 0, 0], sizes = [1, 1024, 128], strides = [1, 1, 1]} : vector<2x1024x128xf32> to vector<1x1024x128xf32>
    %squeeze3A = vector.shape_cast %slice3A : vector<1x1024x128xf32> to vector<1024x128xf32>
    %slice3A_6 = vector.extract_strided_slice %get3A_5 {offsets = [1, 0, 0], sizes = [1, 1024, 128], strides = [1, 1, 1]} : vector<2x1024x128xf32> to vector<1x1024x128xf32>
    %squeeze3A_7 = vector.shape_cast %slice3A_6 : vector<1x1024x128xf32> to vector<1024x128xf32>
    %add3A = arith.addf %squeeze3A, %squeeze3A_7 : vector<1024x128xf32>
    %get3A_8 = arith.constant 0 : index
    %get3A_9 = arith.constant 0 : index
    %get3A_10 = arith.constant 0 : index
    %get3A_11 = vector.load %arg3[%get3A_8, %get3A_9, %get3A_10] : memref<2x1024x1xf32, #tpu.memory_space<vmem>>, vector<2x1024x1xf32>
    %slice3A_12 = vector.extract_strided_slice %get3A_11 {offsets = [0, 0, 0], sizes = [1, 1024, 1], strides = [1, 1, 1]} : vector<2x1024x1xf32> to vector<1x1024x1xf32>
    %squeeze3A_13 = vector.shape_cast %slice3A_12 : vector<1x1024x1xf32> to vector<1024x1xf32>
    %slice3A_14 = vector.extract_strided_slice %get3A_11 {offsets = [1, 0, 0], sizes = [1, 1024, 1], strides = [1, 1, 1]} : vector<2x1024x1xf32> to vector<1x1024x1xf32>
    %squeeze3A_15 = vector.shape_cast %slice3A_14 : vector<1x1024x1xf32> to vector<1024x1xf32>
    %add3A_16 = arith.addf %squeeze3A_13, %squeeze3A_15 : vector<1024x1xf32>
    %max3A = arith.constant 1.000000e+00 : f32
    %max3A_17 = vector.broadcast %max3A : f32 to vector<1024x1xf32>
    %max3A_18 = arith.maximumf %add3A_16, %max3A_17 : vector<1024x1xf32>
    %div3A = vector.broadcast %max3A_18 : vector<1024x1xf32> to vector<1024x128xf32>
    %div3A_19 = arith.divf %add3A, %div3A : vector<1024x128xf32>
    %get3A_20 = arith.constant 0 : index
    %get3A_21 = arith.constant 0 : index
    %get3A_22 = vector.load %arg4[%get3A_20, %get3A_21] : memref<128x128xf32, #tpu.memory_space<vmem>>, vector<128x128xf32>
    %dot_general3A = arith.constant dense<0.000000e+00> : vector<1024x128xf32>
    %dot_general3A_23 = tpu.matmul %get3A_1, %get3A_22, %dot_general3A {dimension_numbers = #tpu.dot_dimension_numbers<[1], [0], [0], [1], [0, 0, 1, 1], [], []>, precision = #tpu.contract_precision<fp32>, transpose_lhs_hint = false} : vector<1024x128xf32>, vector<128x128xf32>, vector<1024x128xf32> -> vector<1024x128xf32>
    %get3A_24 = arith.constant 0 : index
    %get3A_25 = arith.constant 0 : index
    %get3A_26 = vector.load %arg5[%get3A_24, %get3A_25] : memref<128x128xf32, #tpu.memory_space<vmem>>, vector<128x128xf32>
    %dot_general3A_27 = arith.constant dense<0.000000e+00> : vector<1024x128xf32>
    %dot_general3A_28 = tpu.matmul %div3A_19, %get3A_26, %dot_general3A_27 {dimension_numbers = #tpu.dot_dimension_numbers<[1], [0], [0], [1], [0, 0, 1, 1], [], []>, precision = #tpu.contract_precision<fp32>, transpose_lhs_hint = false} : vector<1024x128xf32>, vector<128x128xf32>, vector<1024x128xf32> -> vector<1024x128xf32>
    %add3A_29 = arith.addf %dot_general3A_23, %dot_general3A_28 : vector<1024x128xf32>
    %get3A_30 = arith.constant 0 : index
    %get3A_31 = arith.constant 0 : index
    %get3A_32 = vector.load %arg6[%get3A_30, %get3A_31] : memref<1x128xf32, #tpu.memory_space<vmem>>, vector<1x128xf32>
    %add3A_33 = vector.broadcast %get3A_32 : vector<1x128xf32> to vector<1024x128xf32>
    %add3A_34 = arith.addf %add3A_29, %add3A_33 : vector<1024x128xf32>
    %max3A_35 = arith.constant 0.000000e+00 : f32
    %max3A_36 = vector.broadcast %max3A_35 : f32 to vector<1024x128xf32>
    %max3A_37 = arith.maximumf %add3A_34, %max3A_36 : vector<1024x128xf32>
    %swap3A = arith.constant 0 : index
    %swap3A_38 = arith.constant 0 : index
    %swap3A_39 = vector.load %arg7[%swap3A, %swap3A_38] : memref<1024x128xf32, #tpu.memory_space<vmem>>, vector<1024x128xf32>
    tpu.vector_store %arg7[%swap3A, %swap3A_38], %max3A_37 {strides = array<i32>} : memref<1024x128xf32, #tpu.memory_space<vmem>>, vector<1024x128xf32>,
    return
  }
  func.func @transform_0(%arg0: i32) -> (i32, i32) {
    %c0_i32 = arith.constant 0 : i32
    %c0_i32_0 = arith.constant 0 : i32
    return %arg0, %c0_i32 : i32, i32
  }
  func.func @transform_1(%arg0: i32) -> (i32, i32, i32) {
    %c0_i32 = arith.constant 0 : i32
    %c0_i32_0 = arith.constant 0 : i32
    %c0_i32_1 = arith.constant 0 : i32
    return %c0_i32, %arg0, %c0_i32_0 : i32, i32, i32
  }
  func.func @transform_2(%arg0: i32) -> (i32, i32, i32) {
    %c0_i32 = arith.constant 0 : i32
    %c0_i32_0 = arith.constant 0 : i32
    %c0_i32_1 = arith.constant 0 : i32
    return %c0_i32, %arg0, %c0_i32_0 : i32, i32, i32
  }
  func.func @transform_3(%arg0: i32) -> (i32, i32) {
    %c0_i32 = arith.constant 0 : i32
    %c0_i32_0 = arith.constant 0 : i32
    %c0_i32_1 = arith.constant 0 : i32
    return %c0_i32, %c0_i32_0 : i32, i32
  }
  func.func @transform_4(%arg0: i32) -> (i32, i32) {
    %c0_i32 = arith.constant 0 : i32
    %c0_i32_0 = arith.constant 0 : i32
    %c0_i32_1 = arith.constant 0 : i32
    return %c0_i32, %c0_i32_0 : i32, i32
  }
  func.func @transform_5(%arg0: i32) -> (i32, i32) {
    %c0_i32 = arith.constant 0 : i32
    %c0_i32_0 = arith.constant 0 : i32
    %c0_i32_1 = arith.constant 0 : i32
    return %c0_i32, %c0_i32_0 : i32, i32
  }
  func.func @transform_6(%arg0: i32) -> (i32, i32) {
    %c0_i32 = arith.constant 0 : i32
    %c0_i32_0 = arith.constant 0 : i32
    return %arg0, %c0_i32 : i32, i32
  }
}

module attributes {stable_mosaic.version = 14 : i64} {
  func.func @body(%arg0: i32, %arg1: memref<1024x128xf32, #tpu.memory_space<vmem>>, %arg2: memref<2x1024x128xf32, #tpu.memory_space<vmem>>, %arg3: memref<2x1024x1xf32, #tpu.memory_space<vmem>>, %arg4: memref<128x128xf32, #tpu.memory_space<vmem>>, %arg5: memref<128x128xf32, #tpu.memory_space<vmem>>, %arg6: memref<1x128xf32, #tpu.memory_space<vmem>>, %arg7: memref<1024x128xf32, #tpu.memory_space<vmem>>) attributes {dimension_semantics = [#tpu.dimension_semantics<arbitrary>], iteration_bounds = array<i64: 10>, scalar_prefetch = 0 : i64, scratch_operands = 0 : i64, tpu.core_type = #tpu.core_type<tc>, window_params = [{transform_indices = @transform_0, window_bounds = array<i64: 1024, 128>}, {transform_indices = @transform_1, window_bounds = array<i64: 2, 1024, 128>}, {transform_indices = @transform_2, window_bounds = array<i64: 2, 1024, 1>}, {pipeline_mode = #tpu.pipeline_mode<synchronous>, transform_indices = @transform_3, window_bounds = array<i64: 128, 128>}, {pipeline_mode = #tpu.pipeline_mode<synchronous>, transform_indices = @transform_4, window_bounds = array<i64: 128, 128>}, {pipeline_mode = #tpu.pipeline_mode<synchronous>, transform_indices = @transform_5, window_bounds = array<i64: 1, 128>}, {transform_indices = @transform_6, window_bounds = array<i64: 1024, 128>}]} {
    %get3A = arith.constant 0 : index
    %get3A_0 = arith.constant 0 : index
    %get3A_1 = vector.load %arg1[%get3A, %get3A_0] : memref<1024x128xf32, #tpu.memory_space<vmem>>, vector<1024x128xf32>
    %get3A_2 = arith.constant 0 : index
    %get3A_3 = arith.constant 0 : index
    %get3A_4 = arith.constant 0 : index
    %get3A_5 = vector.load %arg2[%get3A_2, %get3A_3, %get3A_4] : memref<2x1024x128xf32, #tpu.memory_space<vmem>>, vector<2x1024x128xf32>
    %slice3A = vector.extract_strided_slice %get3A_5 {offsets = [0, 0, 0], sizes = [1, 1024, 128], strides = [1, 1, 1]} : vector<2x1024x128xf32> to vector<1x1024x128xf32>
    %squeeze3A = vector.shape_cast %slice3A : vector<1x1024x128xf32> to vector<1024x128xf32>
    %slice3A_6 = vector.extract_strided_slice %get3A_5 {offsets = [1, 0, 0], sizes = [1, 1024, 128], strides = [1, 1, 1]} : vector<2x1024x128xf32> to vector<1x1024x128xf32>
    %squeeze3A_7 = vector.shape_cast %slice3A_6 : vector<1x1024x128xf32> to vector<1024x128xf32>
    %add3A = arith.addf %squeeze3A, %squeeze3A_7 : vector<1024x128xf32>
    %get3A_8 = arith.constant 0 : index
    %get3A_9 = arith.constant 0 : index
    %get3A_10 = arith.constant 0 : index
    %get3A_11 = vector.load %arg3[%get3A_8, %get3A_9, %get3A_10] : memref<2x1024x1xf32, #tpu.memory_space<vmem>>, vector<2x1024x1xf32>
    %slice3A_12 = vector.extract_strided_slice %get3A_11 {offsets = [0, 0, 0], sizes = [1, 1024, 1], strides = [1, 1, 1]} : vector<2x1024x1xf32> to vector<1x1024x1xf32>
    %squeeze3A_13 = vector.shape_cast %slice3A_12 : vector<1x1024x1xf32> to vector<1024x1xf32>
    %slice3A_14 = vector.extract_strided_slice %get3A_11 {offsets = [1, 0, 0], sizes = [1, 1024, 1], strides = [1, 1, 1]} : vector<2x1024x1xf32> to vector<1x1024x1xf32>
    %squeeze3A_15 = vector.shape_cast %slice3A_14 : vector<1x1024x1xf32> to vector<1024x1xf32>
    %add3A_16 = arith.addf %squeeze3A_13, %squeeze3A_15 : vector<1024x1xf32>
    %max3A = arith.constant 1.000000e+00 : f32
    %max3A_17 = vector.broadcast %max3A : f32 to vector<1024x1xf32>
    %max3A_18 = arith.maximumf %add3A_16, %max3A_17 : vector<1024x1xf32>
    %div3A = vector.broadcast %max3A_18 : vector<1024x1xf32> to vector<1024x128xf32>
    %div3A_19 = arith.divf %add3A, %div3A : vector<1024x128xf32>
    %get3A_20 = arith.constant 0 : index
    %get3A_21 = arith.constant 0 : index
    %get3A_22 = vector.load %arg4[%get3A_20, %get3A_21] : memref<128x128xf32, #tpu.memory_space<vmem>>, vector<128x128xf32>
    %dot_general3A = arith.constant dense<0.000000e+00> : vector<1024x128xf32>
    %dot_general3A_23 = tpu.matmul %get3A_1, %get3A_22, %dot_general3A {dimension_numbers = #tpu.dot_dimension_numbers<[1], [0], [0], [1], [0, 0, 1, 1], [], []>, precision = #tpu.contract_precision<fp32>, transpose_lhs_hint = false} : vector<1024x128xf32>, vector<128x128xf32>, vector<1024x128xf32> -> vector<1024x128xf32>
    %get3A_24 = arith.constant 0 : index
    %get3A_25 = arith.constant 0 : index
    %get3A_26 = vector.load %arg5[%get3A_24, %get3A_25] : memref<128x128xf32, #tpu.memory_space<vmem>>, vector<128x128xf32>
    %dot_general3A_27 = arith.constant dense<0.000000e+00> : vector<1024x128xf32>
    %dot_general3A_28 = tpu.matmul %div3A_19, %get3A_26, %dot_general3A_27 {dimension_numbers = #tpu.dot_dimension_numbers<[1], [0], [0], [1], [0, 0, 1, 1], [], []>, precision = #tpu.contract_precision<fp32>, transpose_lhs_hint = false} : vector<1024x128xf32>, vector<128x128xf32>, vector<1024x128xf32> -> vector<1024x128xf32>
    %add3A_29 = arith.addf %dot_general3A_23, %dot_general3A_28 : vector<1024x128xf32>
    %get3A_30 = arith.constant 0 : index
    %get3A_31 = arith.constant 0 : index
    %get3A_32 = vector.load %arg6[%get3A_30, %get3A_31] : memref<1x128xf32, #tpu.memory_space<vmem>>, vector<1x128xf32>
    %add3A_33 = vector.broadcast %get3A_32 : vector<1x128xf32> to vector<1024x128xf32>
    %add3A_34 = arith.addf %add3A_29, %add3A_33 : vector<1024x128xf32>
    %swap3A = arith.constant 0 : index
    %swap3A_35 = arith.constant 0 : index
    %swap3A_36 = vector.load %arg7[%swap3A, %swap3A_35] : memref<1024x128xf32, #tpu.memory_space<vmem>>, vector<1024x128xf32>
    tpu.vector_store %arg7[%swap3A, %swap3A_35], %add3A_34 {strides = array<i32>} : memref<1024x128xf32, #tpu.memory_space<vmem>>, vector<1024x128xf32>,
    return
  }
  func.func @transform_0(%arg0: i32) -> (i32, i32) {
    %c0_i32 = arith.constant 0 : i32
    %c0_i32_0 = arith.constant 0 : i32
    return %arg0, %c0_i32 : i32, i32
  }
  func.func @transform_1(%arg0: i32) -> (i32, i32, i32) {
    %c0_i32 = arith.constant 0 : i32
    %c0_i32_0 = arith.constant 0 : i32
    %c0_i32_1 = arith.constant 0 : i32
    return %c0_i32, %arg0, %c0_i32_0 : i32, i32, i32
  }
  func.func @transform_2(%arg0: i32) -> (i32, i32, i32) {
    %c0_i32 = arith.constant 0 : i32
    %c0_i32_0 = arith.constant 0 : i32
    %c0_i32_1 = arith.constant 0 : i32
    return %c0_i32, %arg0, %c0_i32_0 : i32, i32, i32
  }
  func.func @transform_3(%arg0: i32) -> (i32, i32) {
    %c0_i32 = arith.constant 0 : i32
    %c0_i32_0 = arith.constant 0 : i32
    %c0_i32_1 = arith.constant 0 : i32
    return %c0_i32, %c0_i32_0 : i32, i32
  }
  func.func @transform_4(%arg0: i32) -> (i32, i32) {
    %c0_i32 = arith.constant 0 : i32
    %c0_i32_0 = arith.constant 0 : i32
    %c0_i32_1 = arith.constant 0 : i32
    return %c0_i32, %c0_i32_0 : i32, i32
  }
  func.func @transform_5(%arg0: i32) -> (i32, i32) {
    %c0_i32 = arith.constant 0 : i32
    %c0_i32_0 = arith.constant 0 : i32
    %c0_i32_1 = arith.constant 0 : i32
    return %c0_i32, %c0_i32_0 : i32, i32
  }
  func.func @transform_6(%arg0: i32) -> (i32, i32) {
    %c0_i32 = arith.constant 0 : i32
    %c0_i32_0 = arith.constant 0 : i32
    return %arg0, %c0_i32 : i32, i32
  }
}

</mosaic_0001>

<sc_bundles>
// kernel: kernel.6.cloned.1.call-start
scs
__scs_entry_jumppad:
0x0: {  	(pc) =	sbr.rel $0x88, $3  }
0x1: {  	(tag) =	ssettag $0x0;
	lr =	simm.s32 $0x1  }
0x2: {  	[smem:$0x3F99] =	sst lr;
	_ =	strace $0xD0000000  }
0x3: {  	_ = 	snop  }
0x4: {  	_ = 	snop  }
0x5: {  	_ = 	snop  }
0x6: {  	_ = 	snop  }
0x7: {  	_ = 	snop  }
__scs_overlays_trampoline_lowered:
0x8: {  	[smem:$0x3FA8] =	sst s0  }
0x9: {  	[smem:$0x3FA9] =	sst s1  }
0xa: {  	[smem:$0x3FAA] =	sst s2  }
0xb: {  	[smem:$0x3FAB] =	sst s3  }
0xc: {  	[smem:$0x3FAC] =	sst s4  }
0xd: {  	[smem:$0x3FAD] =	sst s5  }
0xe: {  	[smem:$0x3FAE] =	sst s6  }
0xf: {  	[smem:$0x3FAF] =	sst s7  }
0x10: {  	[smem:$0x3FB0] =	sst s8  }
0x11: {  	[smem:$0x3FB1] =	sst s9;
	s0 =	simm.s32 @!p0 $0x0  }
0x12: {  	s1 =	sld [smem:$0x3F97];
	s0 =	simm.s32 @p0 $0x1  }
0x13: {  	[smem:$0x3FB2] =	sst s0;
	s0 =	simm.s32 @!p1 $0x0  }
0x14: {  	s2 =	sld [smem:$0x3F96];
	s0 =	simm.s32 @p1 $0x1  }
0x15: {  	[smem:$0x3FB3] =	sst s0;
	s0 =	simm.s32 @!p2 $0x0  }
0x16: {  	s3 =	sld [smem:$0x3FDB];
	s0 =	simm.s32 @p2 $0x1  }
0x17: {  	s4 =	simm.s32 $0x1BF5;
	[smem:$0x3FB5] =	sst s0  }
0x18: {  	s0 =	sld [smem:$0x3F98];
	_ =	swait.ge [sflag:s4], $0x0  }
0x19: {  	s7 =	sld [smem:$0x3F99]  }
0x1a: {  	s8 =	sadd.s32 $0xFFFFE003, lr  }
0x1b: {  	s9 =	sadd.s32 $0xFFFFFEF7, lr;
	s5 =	simm.s32 $0xFFFFFFFF;
	p2 =	slt.u32 s8, $0xFFFFF086  }
0x1c: {  	p1 =	slt.u32 s9, $0xF7A;
	s5 =	simm.s32 @!p2 $0x0  }
0x1d: {  	s5 =	simm.s32 @p1 $0x1;
	p0 =	seq.s32 s7, s2  }
0x1e: {  	s7 =	smul.u32 @!p0 $0xF7A, s2;
	p2 =	seq.s32 @!p0 s5, $0x0  }
0x1f: {  	s9 =	smul.u32 $0xF7A, s1;
	s8 =	simm.s32 @!p0 $0x1BF5;
	p2 =	por !p2, p0  }
0x20: {  	[sflag:s8] =	ssyncset.s32 @!p0 $0xFFFFF086;
	s6 =	sadd.s32 @!p0 s3, s7;
	s7 =	simm.s32 @!p0 $0x108  }
0x21: {  	s3 =	sadd.s32 s3, s9;
	s6 =	sadd.s32 @!p0 $0x88, s6;
	s7 =	simm.s32 @p2 $0x1082  }
0x22: {  	[simem:s7], [sflag:s8] =	dma.local @!p0 [hbm:s6], $0xF7A  }
0x23: {  	s9 =	sor.u32 $0xD0000000, s2;
	s6 =	simm.s32 $0x108;
	_ =	swait.ge @!p0 [sflag:s8], $0x0  }
0x24: {  	s3 =	sadd.s32 $0x88, s3;
	s6 =	simm.s32 @!p1 $0x1082;
	[sflag:s4] =	ssyncset.s32 $0xFFFFF086  }
0x25: {  	[simem:s6], [sflag:s4] =	dma.local [hbm:s3], $0xF7A  }
0x26: {  	[smem:$0x3F99] =	sst s1;
	(tag) =	ssettag s2;
	_ =	strace s9  }
0x27: {  	s1 =	sld [smem:$0x3FA9]  }
0x28: {  	s2 =	sld [smem:$0x3FAA]  }
0x29: {  	s4 =	sld [smem:$0x3FAC]  }
0x2a: {  	p0 =	seq.s32 s5, $0x0;
	s5 =	sld [smem:$0x3FAD]  }
0x2b: {  	s6 =	sld [smem:$0x3FAE]  }
0x2c: {  	s7 =	sld [smem:$0x3FAF]  }
0x2d: {  	s3 =	simm.s32 $0x108;
	s8 =	sld [smem:$0x3FB0]  }
0x2e: {  	s3 =	simm.s32 @!p0 $0x1082;
	s9 =	sld [smem:$0x3FB1]  }
0x2f: {  	lr =	sadd.s32 s0, s3;
	s0 =	sld [smem:$0x3FA8]  }
0x30: {  	s3 =	sld [smem:$0x3FAB]  }
0x31: {  	[smem:$0x3FB4] =	sst s10  }
0x32: {  	s10 =	sld [smem:$0x3FB2];
	_ =	sdelay $0x3  }
0x33: {  	p0 =	seq.s32 s10, $0x1;
	s10 =	sld [smem:$0x3FB4];
	_ =	sdelay $0x3  }
0x34: {  	[smem:$0x3FB4] =	sst s10  }
0x35: {  	s10 =	sld [smem:$0x3FB3];
	_ =	sdelay $0x3  }
0x36: {  	p1 =	seq.s32 s10, $0x1;
	s10 =	sld [smem:$0x3FB4];
	_ =	sdelay $0x3  }
0x37: {  	[smem:$0x3FB4] =	sst s10  }
0x38: {  	s10 =	sld [smem:$0x3FB5]  }
0x39: {  	_ = 	snop;
	(pc) =	sbr.ind lr, $3  }
0x3a: {  	_ = 	snop  }
0x3b: {  	_ = 	snop  }
0x3c: {  	p2 =	seq.s32 s10, $0x1;
	s10 =	sld [smem:$0x3FB4]  }
0x3d: {  	_ =	shalt  }
0x3e: {  	_ =	shalt  }
0x3f: {  	_ =	shalt  }
0x40: {  	_ =	shalt  }
0x41: {  	_ =	shalt  }
0x42: {  	_ =	shalt  }
0x43: {  	_ =	shalt  }
0x44: {  	_ =	shalt  }
0x45: {  	_ =	shalt  }
0x46: {  	_ =	shalt  }
0x47: {  	_ =	shalt  }
0x48: {  	_ =	shalt  }
0x49: {  	_ =	shalt  }
0x4a: {  	_ =	shalt  }
0x4b: {  	_ =	shalt  }
0x4c: {  	_ =	shalt  }
0x4d: {  	_ =	shalt  }
0x4e: {  	_ =	shalt  }
0x4f: {  	_ =	shalt  }
0x50: {  	_ =	shalt  }
0x51: {  	_ =	shalt  }
0x52: {  	_ =	shalt  }
0x53: {  	_ =	shalt  }
0x54: {  	_ =	shalt  }
0x55: {  	_ =	shalt  }
0x56: {  	_ =	shalt  }
0x57: {  	_ =	shalt  }
0x58: {  	_ =	shalt  }
0x59: {  	_ =	shalt  }
0x5a: {  	_ =	shalt  }
0x5b: {  	_ =	shalt  }
0x5c: {  	_ =	shalt  }
0x5d: {  	_ =	shalt  }
0x5e: {  	_ =	shalt  }
0x5f: {  	_ =	shalt  }
0x60: {  	_ =	shalt  }
0x61: {  	_ =	shalt  }
0x62: {  	_ =	shalt  }
0x63: {  	_ =	shalt  }
0x64: {  	_ =	shalt  }
0x65: {  	_ =	shalt  }
0x66: {  	_ =	shalt  }
0x67: {  	_ =	shalt  }
0x68: {  	_ =	shalt  }
0x69: {  	_ =	shalt  }
0x6a: {  	_ =	shalt  }
0x6b: {  	_ =	shalt  }
0x6c: {  	_ =	shalt  }
0x6d: {  	_ =	shalt  }
0x6e: {  	_ =	shalt  }
0x6f: {  	_ =	shalt  }
0x70: {  	_ =	shalt  }
0x71: {  	_ =	shalt  }
0x72: {  	_ =	shalt  }
0x73: {  	_ =	shalt  }
0x74: {  	_ =	shalt  }
0x75: {  	_ =	shalt  }
0x76: {  	_ =	shalt  }
0x77: {  	_ =	shalt  }
0x78: {  	_ =	shalt  }
0x79: {  	_ =	shalt  }
0x7a: {  	_ =	shalt  }
0x7b: {  	_ =	shalt  }
0x7c: {  	_ =	shalt  }
0x7d: {  	_ =	shalt  }
0x7e: {  	_ =	shalt  }
0x7f: {  	_ =	shalt  }
0x80: {  	_ =	shalt  }
0x81: {  	_ =	shalt  }
0x82: {  	_ =	shalt  }
0x83: {  	_ =	shalt  }
0x84: {  	_ =	shalt  }
0x85: {  	_ =	shalt  }
0x86: {  	_ =	shalt  }
0x87: {  	_ =	shalt  }
.Lfunc_end0:
.L_simem_size_0:
called_computation_lowered:
.L_overlay_start_0:
0x88: {  	s2 =	sld [smem:$0x3FD9]  }
0x89: {  	s3 =	sld [smem:$0x3FFE];
	_ =	sdelay $0x1  }
0x8a: {  	s1 =	srdreg.scid  }
0x8b: {  	s0 =	sand.u32 $0x1, s1  }
0x8c: {  	s17 =	sshll.u32 s0, $0xA;
	s2 =	sadd.s32 s3, s2  }
0x8d: {  	s2 =	sadd.s32 s2, s17  }
0x8e: {  	[smem:$0x3FC0] =	sst s2  }
0x8f: {  	_ = 	snop  }
0x90: {  	s2 =	sld [smem:$0x3FD0];
	(tm) =	ssettm $0x1  }
0x91: {  	s18 =	sld [smem:$0x3FFB];
	_ =	sdelay $0x3  }
0x92: {  	_ =	strace s18  }
0x93: {  	s3 =	sld [smem:$0x3FFC];
	_ =	sdelay $0x3  }
0x94: {  	_ =	strace s3  }
0x95: {  	s3 =	sld [smem:$0x3FFD];
	_ =	sdelay $0x3  }
0x96: {  	_ =	strace s3  }
0x97: {  	_ =	strace $0x8FFFFFFF  }
0x98: {  	s19 =	sld [smem:$0x3FDB];
	_ =	sdelay $0x1  }
0x99: {  	s4 =	simm.s32 $_scs_section_size  }
0x9a: {  	s5 =	simm.s32 $_size__tile_overlayer_lowered;
	s6 =	simm.s32 $_tile_overlayer_lowered  }
0x9b: {  	s22 =	simm.s32 $0x1BFF;
	s21 =	sshll.u32 s6, $0x1;
	s3 =	sadd.s32 s4, s19  }
0x9c: {  	s7 =	simm.s32 $0x0;
	s20 =	sshll.u32 s5, $0x1;
	s5 =	sadd.s32 s21, s3  }
0x9d: {  	[timem:s7], [sflag:s22] =	dma.local [hbm:s5], s20  }
0x9e: {  	_ =	swait.ge [sflag:s22], s20  }
0x9f: {  	s4 =	ssub.s32 $0x0, s20;
	[sflag:s22] =	ssyncset.done $0x0  }
0xa0: {  	[sflag:s22] =	ssyncadd.s32 s4;
	_ =	sdelay $0x1  }
0xa1: {  	s23 =	simm.s32 $0x1B8B  }
0xa2: {  	_ =	swait.ge [sflag:s23], $0x1  }
0xa3: {  	[sflag:s23] =	ssyncset.done $0x0  }
0xa4: {  	s25 =	simm.s32 $0x1B8E;
	s24 =	sld [smem:$0x3FFE];
	[sflag:s23] =	ssyncadd.s32 $0xFFFFFFFF  }
0xa5: {  	s26 =	simm.s32 $execute0_lowered;
	[smem:$0x3FD2] =	sst s25  }
0xa6: {  	s5 =	sshll.u32 s26, $0x1;
	_ =	strace $0x80000046;
	[dreg:$0x1] =	wrdreg $0xFFFFFFFF  }
0xa7: {  	s28 =	simm.s32 $_size_execute0_lowered;
	s3 =	sadd.s32 s3, s5;
	[dreg:$0x0] =	wrdreg $0x0  }
0xa8: {  	s5 =	sshll.u32 s28, $0x1;
	[dreg:$0x2] =	wrdreg s3  }
0xa9: {  	[dreg:$0x3] =	wrdreg s5  }
0xaa: {  	[dreg:$0x4] =	wrdreg $0xC0  }
0xab: {  	_ =	task [dreg:s7], $0x5FFFF  }
0xac: {  	[dreg:$0x1] =	wrdreg $0xFFFFFFFF  }
0xad: {  	[dreg:$0x0] =	wrdreg $0x60  }
0xae: {  	[dreg:$0x2] =	wrdreg s24  }
0xaf: {  	[dreg:$0x3] =	wrdreg s2  }
0xb0: {  	[dreg:$0x4] =	wrdreg $0xA0000  }
0xb1: {  	[dreg:$0x5] =	wrdreg $0x1E0800  }
0xb2: {  	[dreg:$0x6] =	wrdreg $0x9  }
0xb3: {  	_ =	task.clear_ibuf [dreg:s7], $0x7FFFF;
	_ =	strace $0x90000046  }
0xb4: {  	s29 =	simm.s32 $0x9;
	_ =	strace $0x80000048  }
0xb5: {  	_ =	swait.ge [sflag:s29], $0x1  }
0xb6: {  	[sflag:s29] =	ssyncadd.s32 $0xFFFFFFFF  }
0xb7: {  	_ =	strace $0x90000048  }
0xb8: {  	_ =	sfence  }
0xb9: {  	s30 =	sld [smem:$0x0];
	_ =	sdelay $0x2  }
0xba: {  	s31 =	sshll.u32 s1, $0xD;
	s1 =	sshrl.u32 s1, $0x2  }
0xbb: {  	s3 =	sand.u32 $0x4000, s31;
	s1 =	sadd.s32 s1, s30  }
0xbc: {  	s0 =	sor.u32 s3, s0;
	s1 =	sshll.u32 s1, $0x11  }
0xbd: {  	s0 =	sor.u32 s1, s0  }
0xbe: {  	s0 =	sadd.s32 $0x8F2B, s0  }
0xbf: {  	[sflag:s0] =	ssyncadd.remote.s32 $0x1  }
0xc0: {  	_ =	sfence.sel $0xFFFF  }
0xc1: {  	[dreg:$0x0] =	wrdreg $0xFFFFFFFF;
	(pc) =	sbr.abs _section_cstart, $3  }
0xc2: {  	[dreg:$0x1] =	wrdreg $0xFFFFFFFF  }
0xc3: {  	_ =	task.clear_ibuf [dreg:s7], $0x2FFFF;
	_ =	strace $0x9FFFFFFF  }
0xc4: {  	(tm) =	ssettm $0x7FFFFFFF  }
0xc5: {  	_ =	shalt  }
tec
execute0_lowered:
.L_overlay_start_1:
0x0: {  	(tag) =	ssettag $0x1  }
0x1: {  	s0 =	rddreg [dreg:$0x0]  }
0x2: {  	s4 =	rddreg [dreg:$0x1]  }
0x3: {  	s1 =	rddreg [dreg:$0x2]  }
0x4: {  	s2 =	rddreg [dreg:$0x3];
	s3 =	simm.s32 $0x0  }
0x5: {  	s5 =	srdreg.scid;
	s13 =	stileid.u32;
	s30 =	simm.s32 $0x1880  }
0x6: {  	s28 =	simm.s32 $0x1C00;
	s29 =	simm.s32 $0x1C80;
	s31 =	simm.s32 $0x1D00  }
0x7: {  	[smem:$0x7FF] =	sst s3;
	s6 =	sand.u32 $0x1, s5;
	s10 =	smul.u32 $0x14000, s13  }
0x8: {  	s5 =	sadd.s32 $0xC200, s0;
	s3 =	sadd.s32 $0x2200, s0;
	s14 =	smul.u32 $0x500, s13  }
0x9: {  	s9 =	sadd.s32 $0x34400, s0;
	s12 =	sadd.s32 $0x34200, s0;
	s23 =	smul.u32 $0x50000, s13  }
0xa: {  	s11 =	sshll.u32 s13, $0x1;
	_ =	strace $0x80000047;
	s7 =	smul.u32 $0x140000, s6  }
0xb: {  	[dreg:$0x5] =	wrdreg s9;
	s11 =	sor.u32 s6, s11;
	s8 =	sshll.u32 s6, $0x7  }
0xc: {  	[dreg:$0x6] =	wrdreg s12;
	s6 =	ssub.s32 $0x2, s6;
	s11 =	smul.u32 $0x2800, s11  }
0xd: {  	s15 =	sor.u32 s8, s14;
	s17 =	sshrl.u32 s6, $0x1;
	s8 =	sshrl.u32 s23, $0x2  }
0xe: {  	s7 =	sadd.s32 s10, s7;
	s9 =	sshrl.u32 s15, $0x3;
	s15 =	sadd.s32 s8, s1  }
0xf: {  	s8 =	simm.s32 $0x1900;
	s7 =	sshrl.u32 s7, $0x3;
	s16 =	sshrl.u32 s11, $0x3  }
0x10: {  	s23 =	sshrl.u32 s15, $0x3;
	s15 =	simm.s32 $0x2000;
	s7 =	sadd.s32 s7, s0  }
0x11: {  	s0 =	sadd.s32 s9, s0;
	s11 =	sadd.s32 s4, s16;
	s18 =	sadd.s32 s3, s16  }
0x12: {  	s19 =	sadd.s32 $0x100, s16;
	s9 =	ssub.s32 s6, s17;
	[dreg:$0x15] =	wrdreg s23  }
0x13: {  	s22 =	sadd.s32 $0x200, s16;
	s26 =	sadd.s32 $0x300, s16;
	[dreg:$0x7] =	wrdreg s11  }
0x14: {  	s10 =	sadd.s32 $0x400, s16;
	[dreg:$0x8] =	wrdreg s18;
	s20 =	sadd.s32 s4, s19  }
0x15: {  	s16 =	smul.u32 $0xA00, s13;
	s21 =	sadd.s32 s3, s19;
	[dreg:$0x9] =	wrdreg s20  }
0x16: {  	s24 =	sadd.s32 s4, s22;
	s25 =	sadd.s32 s3, s22;
	[dreg:$0xa] =	wrdreg s21  }
0x17: {  	s12 =	sadd.s32 s4, s26;
	s14 =	sadd.s32 s3, s26;
	[dreg:$0xb] =	wrdreg s24  }
0x18: {  	s4 =	sadd.s32 s4, s10;
	s17 =	sadd.s32 s3, s10;
	[dreg:$0xc] =	wrdreg s25  }
0x19: {  	s18 =	sshll.u32 s13, $0x6;
	s19 =	sadd.s32 $0x37600, s7;
	[dreg:$0xd] =	wrdreg s12  }
0x1a: {  	s0 =	sadd.s32 $0x36C00, s0;
	s7 =	smax.u32 s9, $0x1;
	[dreg:$0xe] =	wrdreg s14  }
0x1b: {  	s9 =	simm.s32 $0x5;
	s26 =	simm.s32 $0x10;
	[dreg:$0xf] =	wrdreg s4  }
0x1c: {  	s10 =	simm.s32 $0x0;
	s13 =	simm.s32 $0x3;
	[dreg:$0x10] =	wrdreg s17  }
0x1d: {  	s20 =	sshrl.u32 s16, $0x2;
	[dreg:$0x11] =	wrdreg s19;
	s21 =	sor.u32 $0x1C05, s18  }
0x1e: {  	[dreg:$0x12] =	wrdreg s0;
	s14 =	simm.s32 $0x80;
	s16 =	simm.s32 $0x6000  }
0x1f: {  	s17 =	simm.s32 $0x1;
	s18 =	simm.s32 $0x1E000;
	s25 =	simm.s32 $0x20  }
0x20: {  	[dreg:$0x14] =	wrdreg s26;
	s12 =	simm.s32 $0x1980;
	s19 =	simm.s32 $0x1A00  }
0x21: {  	s26 =	simm.s32 $0x1B80;
	[dreg:$0x17] =	wrdreg s21;
	s22 =	sadd.s32 s20, s2  }
0x22: {  	s20 =	simm.s32 $0x2;
	[dreg:$0x13] =	wrdreg s25;
	s24 =	sshrl.u32 s22, $0x3  }
0x23: {  	v0 =	vimm.f32 $1.000000000e+00;
	s22 =	simm.s32 $0x1A80;
	[dreg:$0x16] =	wrdreg s24;
	s24 =	simm.s32 $0x1B00  }
.LBB2_1:
0x24: {  	s21 =	rddreg [dreg:$0x5]  }
0x25: {  	s3 =	rddreg [dreg:$0x15]  }
0x26: {  	s0 =	rddreg [dreg:$0x17]  }
0x27: {  	[spmem:s3], [sflag:s0] =	dma.local [hbm:s21], $0x2800  }
0x28: {  	_ =	swait.ge [sflag:s9], $0x2800  }
0x29: {  	s23 =	rddreg [dreg:$0x6];
	[sflag:s9] =	ssyncset.done $0x0  }
0x2a: {  	s25 =	rddreg [dreg:$0x16];
	[sflag:s9] =	ssyncadd.s32 $0xFFFFD800  }
0x2b: {  	[spmem:s25], [sflag:s0] =	dma.local [hbm:s23], $0x50  }
0x2c: {  	_ =	swait.ge [sflag:s9], $0x50  }
0x2d: {  	[sflag:s9] =	ssyncset.done $0x0  }
0x2e: {  	[sflag:s9] =	ssyncadd.s32 $0xFFFFFFB0  }
0x2f: {  	[tilespmem:$0x1E000] =	vst v0  }
0x30: {  	[tilespmem:$0x1E010] =	vst v0  }
0x31: {  	[tilespmem:$0x1E020] =	vst v0  }
0x32: {  	[tilespmem:$0x1E030] =	vst v0  }
0x33: {  	[tilespmem:$0x1E040] =	vst v0  }
0x34: {  	[tilespmem:$0x1E050] =	vst v0  }
0x35: {  	[tilespmem:$0x1E060] =	vst v0  }
0x36: {  	[tilespmem:$0x1E070] =	vst v0  }
0x37: {  	[bflag:$0x0] =	sbarrier.arrive $0xFFFF  }
0x38: {  	s3 =	rddreg [dreg:$0x7]  }
0x39: {  	[tilespmem:s10], [sflag:$0x5] =	stream.linear.gather [hbm4b:s3+s10], $0x800, $0x38;
	[tilespmem:$0x1E300] =	vst v63  }
0x3a: {  	_ =	swait.ge [sflag:s9], $0x800  }
0x3b: {  	[sflag:s9] =	ssyncset.done $0x0  }
0x3c: {  	s3 =	simm.s32 $0x800;
	s4 =	rddreg [dreg:$0x8];
	[sflag:s9] =	ssyncadd.s32 $0xFFFFF800  }
0x3d: {  	[tilespmem:s3], [sflag:$0x5] =	stream.linear.gather [hbm4b:s4+s10], $0x800, $0x38;
	[tilespmem:$0x1E300] =	vst v63  }
0x3e: {  	_ =	swait.ge [sflag:s9], $0x800  }
0x3f: {  	[sflag:s9] =	ssyncset.done $0x0  }
0x40: {  	s11 =	simm.s32 $0x1000;
	s6 =	rddreg [dreg:$0x9];
	[sflag:s9] =	ssyncadd.s32 $0xFFFFF800  }
0x41: {  	[tilespmem:s11], [sflag:$0x3] =	stream.linear.gather [hbm4b:s6+s10], $0x800, $0x38;
	[tilespmem:$0x1E300] =	vst v63  }
0x42: {  	s21 =	simm.s32 $0x1800;
	s23 =	rddreg [dreg:$0xa]  }
0x43: {  	[tilespmem:s21], [sflag:$0x4] =	stream.linear.gather [hbm4b:s23+s10], $0x800, $0x38;
	[tilespmem:$0x1E300] =	vst v63  }
0x44: {  	_ = 	snop  }
0x45: {  	[tilespmem:s15], [sflag:$0x1] =	stream.indirect.gather [hbm4b:s5+s14], $0x80, s10, s14, $0xb8;
	[tilespmem:$0x1E300] =	vst v63  }
0x46: {  	_ = 	snop  }
0x47: {  	[tilespmem:s16], [sflag:$0x2] =	stream.indirect.gather [hbm4b:s5+s14], $0x80, s14, s14, $0xb8;
	[tilespmem:$0x1E300] =	vst v63  }
0x48: {  	_ =	swait.ge [sflag:s17], $0x4000  }
0x49: {  	[sflag:s17] =	ssyncset.done $0x0  }
0x4a: {  	[sflag:s17] =	ssyncadd.s32 $0xFFFFC000  }
0x4b: {  	[spmem:s1] =	stream.indirect.scatter.add.f32 [tilespmem:s15], [sflag:$0x5], $0x80, s3, s14, $0xb8;
	[tilespmem:$0x1E300] =	vst v63  }
0x4c: {  	_ =	swait.ge [sflag:s9], $0x4000  }
0x4d: {  	[sflag:s9] =	ssyncset.done $0x0  }
0x4e: {  	[sflag:s9] =	ssyncadd.s32 $0xFFFFC000  }
0x4f: {  	[spmem:s2] =	stream.indirect.scatter.add.f32 [tilespmem:s18], [sflag:$0x5], $0x1, s3, s14, $0xb8;
	[tilespmem:$0x1E300] =	vst v63  }
0x50: {  	_ =	swait.ge [sflag:s9], $0x80  }
0x51: {  	[sflag:s9] =	ssyncset.done $0x0  }
0x52: {  	s25 =	simm.s32 $0x100;
	[sflag:s9] =	ssyncadd.s32 $0xFFFFFF80  }
0x53: {  	[tilespmem:s15], [sflag:$0x1] =	stream.indirect.gather [hbm4b:s5+s14], $0x80, s25, s14, $0xb8;
	[tilespmem:$0x1E300] =	vst v63  }
0x54: {  	_ =	swait.ge [sflag:s20], $0x4000  }
0x55: {  	[sflag:s20] =	ssyncset.done $0x0  }
0x56: {  	s6 =	simm.s32 $0x880;
	[sflag:s20] =	ssyncadd.s32 $0xFFFFC000  }
0x57: {  	[spmem:s1] =	stream.indirect.scatter.add.f32 [tilespmem:s16], [sflag:$0x5], $0x80, s6, s14, $0xb8;
	[tilespmem:$0x1E300] =	vst v63  }
0x58: {  	_ =	swait.ge [sflag:s9], $0x4000  }
0x59: {  	[sflag:s9] =	ssyncset.done $0x0  }
0x5a: {  	[sflag:s9] =	ssyncadd.s32 $0xFFFFC000  }
0x5b: {  	[spmem:s2] =	stream.indirect.scatter.add.f32 [tilespmem:s18], [sflag:$0x5], $0x1, s6, s14, $0xb8;
	[tilespmem:$0x1E300] =	vst v63  }
0x5c: {  	_ =	swait.ge [sflag:s9], $0x80  }
0x5d: {  	[sflag:s9] =	ssyncset.done $0x0  }
0x5e: {  	s11 =	simm.s32 $0x180;
	[sflag:s9] =	ssyncadd.s32 $0xFFFFFF80  }
0x5f: {  	[tilespmem:s16], [sflag:$0x2] =	stream.indirect.gather [hbm4b:s5+s14], $0x80, s11, s14, $0xb8;
	[tilespmem:$0x1E300] =	vst v63  }
0x60: {  	_ =	swait.ge [sflag:s17], $0x4000  }
0x61: {  	[sflag:s17] =	ssyncset.done $0x0  }
0x62: {  	s21 =	simm.s32 $0x900;
	[sflag:s17] =	ssyncadd.s32 $0xFFFFC000  }
0x63: {  	[spmem:s1] =	stream.indirect.scatter.add.f32 [tilespmem:s15], [sflag:$0x5], $0x80, s21, s14, $0xb8;
	[tilespmem:$0x1E300] =	vst v63  }
0x64: {  	_ =	swait.ge [sflag:s9], $0x4000  }
0x65: {  	[sflag:s9] =	ssyncset.done $0x0  }
0x66: {  	[sflag:s9] =	ssyncadd.s32 $0xFFFFC000  }
0x67: {  	[spmem:s2] =	stream.indirect.scatter.add.f32 [tilespmem:s18], [sflag:$0x5], $0x1, s21, s14, $0xb8;
	[tilespmem:$0x1E300] =	vst v63  }
0x68: {  	_ =	swait.ge [sflag:s9], $0x80  }
0x69: {  	[sflag:s9] =	ssyncset.done $0x0  }
0x6a: {  	s23 =	simm.s32 $0x200;
	[sflag:s9] =	ssyncadd.s32 $0xFFFFFF80  }
0x6b: {  	[tilespmem:s15], [sflag:$0x1] =	stream.indirect.gather [hbm4b:s5+s14], $0x80, s23, s14, $0xb8;
	[tilespmem:$0x1E300] =	vst v63  }
0x6c: {  	_ =	swait.ge [sflag:s20], $0x4000  }
0x6d: {  	[sflag:s20] =	ssyncset.done $0x0  }
0x6e: {  	s25 =	simm.s32 $0x980;
	[sflag:s20] =	ssyncadd.s32 $0xFFFFC000  }
0x6f: {  	[spmem:s1] =	stream.indirect.scatter.add.f32 [tilespmem:s16], [sflag:$0x5], $0x80, s25, s14, $0xb8;
	[tilespmem:$0x1E300] =	vst v63  }
0x70: {  	_ =	swait.ge [sflag:s9], $0x4000  }
0x71: {  	[sflag:s9] =	ssyncset.done $0x0  }
0x72: {  	[sflag:s9] =	ssyncadd.s32 $0xFFFFC000  }
0x73: {  	[spmem:s2] =	stream.indirect.scatter.add.f32 [tilespmem:s18], [sflag:$0x5], $0x1, s25, s14, $0xb8;
	[tilespmem:$0x1E300] =	vst v63  }
0x74: {  	_ =	swait.ge [sflag:s9], $0x80  }
0x75: {  	[sflag:s9] =	ssyncset.done $0x0  }
0x76: {  	s6 =	simm.s32 $0x280;
	[sflag:s9] =	ssyncadd.s32 $0xFFFFFF80  }
0x77: {  	[tilespmem:s16], [sflag:$0x2] =	stream.indirect.gather [hbm4b:s5+s14], $0x80, s6, s14, $0xb8;
	[tilespmem:$0x1E300] =	vst v63  }
0x78: {  	_ =	swait.ge [sflag:s17], $0x4000  }
0x79: {  	[sflag:s17] =	ssyncset.done $0x0  }
0x7a: {  	s11 =	simm.s32 $0xA00;
	[sflag:s17] =	ssyncadd.s32 $0xFFFFC000  }
0x7b: {  	[spmem:s1] =	stream.indirect.scatter.add.f32 [tilespmem:s15], [sflag:$0x5], $0x80, s11, s14, $0xb8;
	[tilespmem:$0x1E300] =	vst v63  }
0x7c: {  	_ =	swait.ge [sflag:s9], $0x4000  }
0x7d: {  	[sflag:s9] =	ssyncset.done $0x0  }
0x7e: {  	[sflag:s9] =	ssyncadd.s32 $0xFFFFC000  }
0x7f: {  	[spmem:s2] =	stream.indirect.scatter.add.f32 [tilespmem:s18], [sflag:$0x5], $0x1, s11, s14, $0xb8;
	[tilespmem:$0x1E300] =	vst v63  }
0x80: {  	_ =	swait.ge [sflag:s9], $0x80  }
0x81: {  	[sflag:s9] =	ssyncset.done $0x0  }
0x82: {  	s21 =	simm.s32 $0x300;
	[sflag:s9] =	ssyncadd.s32 $0xFFFFFF80  }
0x83: {  	[tilespmem:s15], [sflag:$0x1] =	stream.indirect.gather [hbm4b:s5+s14], $0x80, s21, s14, $0xb8;
	[tilespmem:$0x1E300] =	vst v63  }
0x84: {  	_ =	swait.ge [sflag:s20], $0x4000  }
0x85: {  	[sflag:s20] =	ssyncset.done $0x0  }
0x86: {  	s23 =	simm.s32 $0xA80;
	[sflag:s20] =	ssyncadd.s32 $0xFFFFC000  }
0x87: {  	[spmem:s1] =	stream.indirect.scatter.add.f32 [tilespmem:s16], [sflag:$0x5], $0x80, s23, s14, $0xb8;
	[tilespmem:$0x1E300] =	vst v63  }
0x88: {  	_ =	swait.ge [sflag:s9], $0x4000  }
0x89: {  	[sflag:s9] =	ssyncset.done $0x0  }
0x8a: {  	[sflag:s9] =	ssyncadd.s32 $0xFFFFC000  }
0x8b: {  	[spmem:s2] =	stream.indirect.scatter.add.f32 [tilespmem:s18], [sflag:$0x5], $0x1, s23, s14, $0xb8;
	[tilespmem:$0x1E300] =	vst v63  }
0x8c: {  	_ =	swait.ge [sflag:s9], $0x80  }
0x8d: {  	[sflag:s9] =	ssyncset.done $0x0  }
0x8e: {  	s25 =	simm.s32 $0x380;
	[sflag:s9] =	ssyncadd.s32 $0xFFFFFF80  }
0x8f: {  	[tilespmem:s16], [sflag:$0x2] =	stream.indirect.gather [hbm4b:s5+s14], $0x80, s25, s14, $0xb8;
	[tilespmem:$0x1E300] =	vst v63  }
0x90: {  	_ =	swait.ge [sflag:s17], $0x4000  }
0x91: {  	[sflag:s17] =	ssyncset.done $0x0  }
0x92: {  	s6 =	simm.s32 $0xB00;
	[sflag:s17] =	ssyncadd.s32 $0xFFFFC000  }
0x93: {  	[spmem:s1] =	stream.indirect.scatter.add.f32 [tilespmem:s15], [sflag:$0x5], $0x80, s6, s14, $0xb8;
	[tilespmem:$0x1E300] =	vst v63  }
0x94: {  	_ =	swait.ge [sflag:s9], $0x4000  }
0x95: {  	[sflag:s9] =	ssyncset.done $0x0  }
0x96: {  	[sflag:s9] =	ssyncadd.s32 $0xFFFFC000  }
0x97: {  	[spmem:s2] =	stream.indirect.scatter.add.f32 [tilespmem:s18], [sflag:$0x5], $0x1, s6, s14, $0xb8;
	[tilespmem:$0x1E300] =	vst v63  }
0x98: {  	_ =	swait.ge [sflag:s9], $0x80  }
0x99: {  	[sflag:s9] =	ssyncset.done $0x0  }
0x9a: {  	s11 =	simm.s32 $0x400;
	[sflag:s9] =	ssyncadd.s32 $0xFFFFFF80  }
0x9b: {  	[tilespmem:s15], [sflag:$0x1] =	stream.indirect.gather [hbm4b:s5+s14], $0x80, s11, s14, $0xb8;
	[tilespmem:$0x1E300] =	vst v63  }
0x9c: {  	_ =	swait.ge [sflag:s20], $0x4000  }
0x9d: {  	[sflag:s20] =	ssyncset.done $0x0  }
0x9e: {  	s21 =	simm.s32 $0xB80;
	[sflag:s20] =	ssyncadd.s32 $0xFFFFC000  }
0x9f: {  	[spmem:s1] =	stream.indirect.scatter.add.f32 [tilespmem:s16], [sflag:$0x5], $0x80, s21, s14, $0xb8;
	[tilespmem:$0x1E300] =	vst v63  }
0xa0: {  	_ =	swait.ge [sflag:s9], $0x4000  }
0xa1: {  	[sflag:s9] =	ssyncset.done $0x0  }
0xa2: {  	[sflag:s9] =	ssyncadd.s32 $0xFFFFC000  }
0xa3: {  	[spmem:s2] =	stream.indirect.scatter.add.f32 [tilespmem:s18], [sflag:$0x5], $0x1, s21, s14, $0xb8;
	[tilespmem:$0x1E300] =	vst v63  }
0xa4: {  	_ =	swait.ge [sflag:s9], $0x80  }
0xa5: {  	[sflag:s9] =	ssyncset.done $0x0  }
0xa6: {  	s23 =	simm.s32 $0x480;
	[sflag:s9] =	ssyncadd.s32 $0xFFFFFF80  }
0xa7: {  	[tilespmem:s16], [sflag:$0x2] =	stream.indirect.gather [hbm4b:s5+s14], $0x80, s23, s14, $0xb8;
	[tilespmem:$0x1E300] =	vst v63  }
0xa8: {  	_ =	swait.ge [sflag:s17], $0x4000  }
0xa9: {  	[sflag:s17] =	ssyncset.done $0x0  }
0xaa: {  	s25 =	simm.s32 $0xC00;
	[sflag:s17] =	ssyncadd.s32 $0xFFFFC000  }
0xab: {  	[spmem:s1] =	stream.indirect.scatter.add.f32 [tilespmem:s15], [sflag:$0x5], $0x80, s25, s14, $0xb8;
	[tilespmem:$0x1E300] =	vst v63  }
0xac: {  	_ =	swait.ge [sflag:s9], $0x4000  }
0xad: {  	[sflag:s9] =	ssyncset.done $0x0  }
0xae: {  	[sflag:s9] =	ssyncadd.s32 $0xFFFFC000  }
0xaf: {  	[spmem:s2] =	stream.indirect.scatter.add.f32 [tilespmem:s18], [sflag:$0x5], $0x1, s25, s14, $0xb8;
	[tilespmem:$0x1E300] =	vst v63  }
0xb0: {  	_ =	swait.ge [sflag:s9], $0x80  }
0xb1: {  	[sflag:s9] =	ssyncset.done $0x0  }
0xb2: {  	s6 =	simm.s32 $0x500;
	[sflag:s9] =	ssyncadd.s32 $0xFFFFFF80  }
0xb3: {  	[tilespmem:s15], [sflag:$0x1] =	stream.indirect.gather [hbm4b:s5+s14], $0x80, s6, s14, $0xb8;
	[tilespmem:$0x1E300] =	vst v63  }
0xb4: {  	_ =	swait.ge [sflag:s20], $0x4000  }
0xb5: {  	[sflag:s20] =	ssyncset.done $0x0  }
0xb6: {  	s11 =	simm.s32 $0xC80;
	[sflag:s20] =	ssyncadd.s32 $0xFFFFC000  }
0xb7: {  	[spmem:s1] =	stream.indirect.scatter.add.f32 [tilespmem:s16], [sflag:$0x5], $0x80, s11, s14, $0xb8;
	[tilespmem:$0x1E300] =	vst v63  }
0xb8: {  	_ =	swait.ge [sflag:s9], $0x4000  }
0xb9: {  	[sflag:s9] =	ssyncset.done $0x0  }
0xba: {  	[sflag:s9] =	ssyncadd.s32 $0xFFFFC000  }
0xbb: {  	[spmem:s2] =	stream.indirect.scatter.add.f32 [tilespmem:s18], [sflag:$0x5], $0x1, s11, s14, $0xb8;
	[tilespmem:$0x1E300] =	vst v63  }
0xbc: {  	_ =	swait.ge [sflag:s9], $0x80  }
0xbd: {  	[sflag:s9] =	ssyncset.done $0x0  }
0xbe: {  	s21 =	simm.s32 $0x580;
	[sflag:s9] =	ssyncadd.s32 $0xFFFFFF80  }
0xbf: {  	[tilespmem:s16], [sflag:$0x2] =	stream.indirect.gather [hbm4b:s5+s14], $0x80, s21, s14, $0xb8;
	[tilespmem:$0x1E300] =	vst v63  }
0xc0: {  	_ =	swait.ge [sflag:s17], $0x4000  }
0xc1: {  	[sflag:s17] =	ssyncset.done $0x0  }
0xc2: {  	s23 =	simm.s32 $0xD00;
	[sflag:s17] =	ssyncadd.s32 $0xFFFFC000  }
0xc3: {  	[spmem:s1] =	stream.indirect.scatter.add.f32 [tilespmem:s15], [sflag:$0x5], $0x80, s23, s14, $0xb8;
	[tilespmem:$0x1E300] =	vst v63  }
0xc4: {  	_ =	swait.ge [sflag:s9], $0x4000  }
0xc5: {  	[sflag:s9] =	ssyncset.done $0x0  }
0xc6: {  	[sflag:s9] =	ssyncadd.s32 $0xFFFFC000  }
0xc7: {  	[spmem:s2] =	stream.indirect.scatter.add.f32 [tilespmem:s18], [sflag:$0x5], $0x1, s23, s14, $0xb8;
	[tilespmem:$0x1E300] =	vst v63  }
0xc8: {  	_ =	swait.ge [sflag:s9], $0x80  }
0xc9: {  	[sflag:s9] =	ssyncset.done $0x0  }
0xca: {  	s25 =	simm.s32 $0x600;
	[sflag:s9] =	ssyncadd.s32 $0xFFFFFF80  }
0xcb: {  	[tilespmem:s15], [sflag:$0x1] =	stream.indirect.gather [hbm4b:s5+s14], $0x80, s25, s14, $0xb8;
	[tilespmem:$0x1E300] =	vst v63  }
0xcc: {  	_ =	swait.ge [sflag:s20], $0x4000  }
0xcd: {  	[sflag:s20] =	ssyncset.done $0x0  }
0xce: {  	s6 =	simm.s32 $0xD80;
	[sflag:s20] =	ssyncadd.s32 $0xFFFFC000  }
0xcf: {  	[spmem:s1] =	stream.indirect.scatter.add.f32 [tilespmem:s16], [sflag:$0x5], $0x80, s6, s14, $0xb8;
	[tilespmem:$0x1E300] =	vst v63  }
0xd0: {  	_ =	swait.ge [sflag:s9], $0x4000  }
0xd1: {  	[sflag:s9] =	ssyncset.done $0x0  }
0xd2: {  	[sflag:s9] =	ssyncadd.s32 $0xFFFFC000  }
0xd3: {  	[spmem:s2] =	stream.indirect.scatter.add.f32 [tilespmem:s18], [sflag:$0x5], $0x1, s6, s14, $0xb8;
	[tilespmem:$0x1E300] =	vst v63  }
0xd4: {  	_ =	swait.ge [sflag:s9], $0x80  }
0xd5: {  	[sflag:s9] =	ssyncset.done $0x0  }
0xd6: {  	s11 =	simm.s32 $0x680;
	[sflag:s9] =	ssyncadd.s32 $0xFFFFFF80  }
0xd7: {  	[tilespmem:s16], [sflag:$0x2] =	stream.indirect.gather [hbm4b:s5+s14], $0x80, s11, s14, $0xb8;
	[tilespmem:$0x1E300] =	vst v63  }
0xd8: {  	_ =	swait.ge [sflag:s17], $0x4000  }
0xd9: {  	[sflag:s17] =	ssyncset.done $0x0  }
0xda: {  	s21 =	simm.s32 $0xE00;
	[sflag:s17] =	ssyncadd.s32 $0xFFFFC000  }
0xdb: {  	[spmem:s1] =	stream.indirect.scatter.add.f32 [tilespmem:s15], [sflag:$0x5], $0x80, s21, s14, $0xb8;
	[tilespmem:$0x1E300] =	vst v63  }
0xdc: {  	_ =	swait.ge [sflag:s9], $0x4000  }
0xdd: {  	[sflag:s9] =	ssyncset.done $0x0  }
0xde: {  	[sflag:s9] =	ssyncadd.s32 $0xFFFFC000  }
0xdf: {  	[spmem:s2] =	stream.indirect.scatter.add.f32 [tilespmem:s18], [sflag:$0x5], $0x1, s21, s14, $0xb8;
	[tilespmem:$0x1E300] =	vst v63  }
0xe0: {  	_ =	swait.ge [sflag:s9], $0x80  }
0xe1: {  	[sflag:s9] =	ssyncset.done $0x0  }
0xe2: {  	s23 =	simm.s32 $0x700;
	[sflag:s9] =	ssyncadd.s32 $0xFFFFFF80  }
0xe3: {  	[tilespmem:s15], [sflag:$0x1] =	stream.indirect.gather [hbm4b:s5+s14], $0x80, s23, s14, $0xb8;
	[tilespmem:$0x1E300] =	vst v63  }
0xe4: {  	_ =	swait.ge [sflag:s20], $0x4000  }
0xe5: {  	[sflag:s20] =	ssyncset.done $0x0  }
0xe6: {  	s25 =	simm.s32 $0xE80;
	[sflag:s20] =	ssyncadd.s32 $0xFFFFC000  }
0xe7: {  	[spmem:s1] =	stream.indirect.scatter.add.f32 [tilespmem:s16], [sflag:$0x5], $0x80, s25, s14, $0xb8;
	[tilespmem:$0x1E300] =	vst v63  }
0xe8: {  	_ =	swait.ge [sflag:s9], $0x4000  }
0xe9: {  	[sflag:s9] =	ssyncset.done $0x0  }
0xea: {  	[sflag:s9] =	ssyncadd.s32 $0xFFFFC000  }
0xeb: {  	[spmem:s2] =	stream.indirect.scatter.add.f32 [tilespmem:s18], [sflag:$0x5], $0x1, s25, s14, $0xb8;
	[tilespmem:$0x1E300] =	vst v63  }
0xec: {  	_ =	swait.ge [sflag:s9], $0x80  }
0xed: {  	[sflag:s9] =	ssyncset.done $0x0  }
0xee: {  	s6 =	simm.s32 $0x780;
	[sflag:s9] =	ssyncadd.s32 $0xFFFFFF80  }
0xef: {  	[tilespmem:s16], [sflag:$0x2] =	stream.indirect.gather [hbm4b:s5+s14], $0x80, s6, s14, $0xb8;
	[tilespmem:$0x1E300] =	vst v63  }
0xf0: {  	_ =	swait.ge [sflag:s17], $0x4000  }
0xf1: {  	[sflag:s17] =	ssyncset.done $0x0  }
0xf2: {  	s11 =	simm.s32 $0xF00;
	[sflag:s17] =	ssyncadd.s32 $0xFFFFC000  }
0xf3: {  	[spmem:s1] =	stream.indirect.scatter.add.f32 [tilespmem:s15], [sflag:$0x5], $0x80, s11, s14, $0xb8;
	[tilespmem:$0x1E300] =	vst v63  }
0xf4: {  	_ =	swait.ge [sflag:s9], $0x4000  }
0xf5: {  	[sflag:s9] =	ssyncset.done $0x0  }
0xf6: {  	[sflag:s9] =	ssyncadd.s32 $0xFFFFC000  }
0xf7: {  	[spmem:s2] =	stream.indirect.scatter.add.f32 [tilespmem:s18], [sflag:$0x5], $0x1, s11, s14, $0xb8;
	[tilespmem:$0x1E300] =	vst v63  }
0xf8: {  	_ =	swait.ge [sflag:s9], $0x80  }
0xf9: {  	[sflag:s9] =	ssyncset.done $0x0  }
0xfa: {  	[sflag:s9] =	ssyncadd.s32 $0xFFFFFF80  }
0xfb: {  	_ =	swait.ge [sflag:s20], $0x4000  }
0xfc: {  	[sflag:s20] =	ssyncset.done $0x0  }
0xfd: {  	s21 =	simm.s32 $0xF80;
	[sflag:s20] =	ssyncadd.s32 $0xFFFFC000  }
0xfe: {  	[spmem:s1] =	stream.indirect.scatter.add.f32 [tilespmem:s16], [sflag:$0x5], $0x80, s21, s14, $0xb8;
	[tilespmem:$0x1E300] =	vst v63  }
0xff: {  	_ =	swait.ge [sflag:s9], $0x4000  }
0x100: {  	[sflag:s9] =	ssyncset.done $0x0  }
0x101: {  	[sflag:s9] =	ssyncadd.s32 $0xFFFFC000  }
0x102: {  	[spmem:s2] =	stream.indirect.scatter.add.f32 [tilespmem:s18], [sflag:$0x5], $0x1, s21, s14, $0xb8;
	[tilespmem:$0x1E300] =	vst v63  }
0x103: {  	_ =	swait.ge [sflag:s9], $0x80  }
0x104: {  	[sflag:s9] =	ssyncset.done $0x0  }
0x105: {  	[sflag:s9] =	ssyncadd.s32 $0xFFFFFF80  }
0x106: {  	_ =	swait.ge [sflag:s13], $0x800  }
0x107: {  	[sflag:s13] =	ssyncset.done $0x0  }
0x108: {  	s0 =	simm.s32 $0x4;
	[sflag:s13] =	ssyncadd.s32 $0xFFFFF800  }
0x109: {  	_ =	swait.ge [sflag:s0], $0x800  }
0x10a: {  	[sflag:s0] =	ssyncset.done $0x0  }
0x10b: {  	s23 =	rddreg [dreg:$0xb];
	[sflag:s0] =	ssyncadd.s32 $0xFFFFF800  }
0x10c: {  	[tilespmem:s10], [sflag:$0x3] =	stream.linear.gather [hbm4b:s23+s10], $0x800, $0x38;
	[tilespmem:$0x1E300] =	vst v63  }
0x10d: {  	s25 =	rddreg [dreg:$0xc]  }
0x10e: {  	[tilespmem:s3], [sflag:$0x4] =	stream.linear.gather [hbm4b:s25+s10], $0x800, $0x38;
	[tilespmem:$0x1E300] =	vst v63  }
0x10f: {  	s4 =	simm.s32 $0x1000  }
0x110: {  	[tilespmem:s15], [sflag:$0x1] =	stream.indirect.gather [hbm4b:s5+s14], $0x80, s4, s14, $0xb8;
	[tilespmem:$0x1E300] =	vst v63  }
0x111: {  	s6 =	simm.s32 $0x1080  }
0x112: {  	[tilespmem:s16], [sflag:$0x2] =	stream.indirect.gather [hbm4b:s5+s14], $0x80, s6, s14, $0xb8;
	[tilespmem:$0x1E300] =	vst v63  }
0x113: {  	_ =	swait.ge [sflag:s17], $0x4000  }
0x114: {  	[sflag:s17] =	ssyncset.done $0x0  }
0x115: {  	s11 =	simm.s32 $0x1800;
	[sflag:s17] =	ssyncadd.s32 $0xFFFFC000  }
0x116: {  	[spmem:s1] =	stream.indirect.scatter.add.f32 [tilespmem:s15], [sflag:$0x5], $0x80, s11, s14, $0xb8;
	[tilespmem:$0x1E300] =	vst v63  }
0x117: {  	_ =	swait.ge [sflag:s9], $0x4000  }
0x118: {  	[sflag:s9] =	ssyncset.done $0x0  }
0x119: {  	[sflag:s9] =	ssyncadd.s32 $0xFFFFC000  }
0x11a: {  	[spmem:s2] =	stream.indirect.scatter.add.f32 [tilespmem:s18], [sflag:$0x5], $0x1, s11, s14, $0xb8;
	[tilespmem:$0x1E300] =	vst v63  }
0x11b: {  	_ =	swait.ge [sflag:s9], $0x80  }
0x11c: {  	[sflag:s9] =	ssyncset.done $0x0  }
0x11d: {  	s21 =	simm.s32 $0x1100;
	[sflag:s9] =	ssyncadd.s32 $0xFFFFFF80  }
0x11e: {  	[tilespmem:s15], [sflag:$0x1] =	stream.indirect.gather [hbm4b:s5+s14], $0x80, s21, s14, $0xb8;
	[tilespmem:$0x1E300] =	vst v63  }
0x11f: {  	_ =	swait.ge [sflag:s20], $0x4000  }
0x120: {  	[sflag:s20] =	ssyncset.done $0x0  }
0x121: {  	[sflag:s20] =	ssyncadd.s32 $0xFFFFC000  }
0x122: {  	[spmem:s1] =	stream.indirect.scatter.add.f32 [tilespmem:s16], [sflag:$0x5], $0x80, s30, s14, $0xb8;
	[tilespmem:$0x1E300] =	vst v63  }
0x123: {  	_ =	swait.ge [sflag:s9], $0x4000  }
0x124: {  	[sflag:s9] =	ssyncset.done $0x0  }
0x125: {  	[sflag:s9] =	ssyncadd.s32 $0xFFFFC000  }
0x126: {  	[spmem:s2] =	stream.indirect.scatter.add.f32 [tilespmem:s18], [sflag:$0x5], $0x1, s30, s14, $0xb8;
	[tilespmem:$0x1E300] =	vst v63  }
0x127: {  	_ =	swait.ge [sflag:s9], $0x80  }
0x128: {  	[sflag:s9] =	ssyncset.done $0x0  }
0x129: {  	s23 =	simm.s32 $0x1180;
	[sflag:s9] =	ssyncadd.s32 $0xFFFFFF80  }
0x12a: {  	[tilespmem:s16], [sflag:$0x2] =	stream.indirect.gather [hbm4b:s5+s14], $0x80, s23, s14, $0xb8;
	[tilespmem:$0x1E300] =	vst v63  }
0x12b: {  	_ =	swait.ge [sflag:s17], $0x4000  }
0x12c: {  	[sflag:s17] =	ssyncset.done $0x0  }
0x12d: {  	[sflag:s17] =	ssyncadd.s32 $0xFFFFC000  }
0x12e: {  	[spmem:s1] =	stream.indirect.scatter.add.f32 [tilespmem:s15], [sflag:$0x5], $0x80, s8, s14, $0xb8;
	[tilespmem:$0x1E300] =	vst v63  }
0x12f: {  	_ =	swait.ge [sflag:s9], $0x4000  }
0x130: {  	[sflag:s9] =	ssyncset.done $0x0  }
0x131: {  	[sflag:s9] =	ssyncadd.s32 $0xFFFFC000  }
0x132: {  	[spmem:s2] =	stream.indirect.scatter.add.f32 [tilespmem:s18], [sflag:$0x5], $0x1, s8, s14, $0xb8;
	[tilespmem:$0x1E300] =	vst v63  }
0x133: {  	_ =	swait.ge [sflag:s9], $0x80  }
0x134: {  	[sflag:s9] =	ssyncset.done $0x0  }
0x135: {  	s25 =	simm.s32 $0x1200;
	[sflag:s9] =	ssyncadd.s32 $0xFFFFFF80  }
0x136: {  	[tilespmem:s15], [sflag:$0x1] =	stream.indirect.gather [hbm4b:s5+s14], $0x80, s25, s14, $0xb8;
	[tilespmem:$0x1E300] =	vst v63  }
0x137: {  	_ =	swait.ge [sflag:s20], $0x4000  }
0x138: {  	[sflag:s20] =	ssyncset.done $0x0  }
0x139: {  	[sflag:s20] =	ssyncadd.s32 $0xFFFFC000  }
0x13a: {  	[spmem:s1] =	stream.indirect.scatter.add.f32 [tilespmem:s16], [sflag:$0x5], $0x80, s12, s14, $0xb8;
	[tilespmem:$0x1E300] =	vst v63  }
0x13b: {  	_ =	swait.ge [sflag:s9], $0x4000  }
0x13c: {  	[sflag:s9] =	ssyncset.done $0x0  }
0x13d: {  	[sflag:s9] =	ssyncadd.s32 $0xFFFFC000  }
0x13e: {  	[spmem:s2] =	stream.indirect.scatter.add.f32 [tilespmem:s18], [sflag:$0x5], $0x1, s12, s14, $0xb8;
	[tilespmem:$0x1E300] =	vst v63  }
0x13f: {  	_ =	swait.ge [sflag:s9], $0x80  }
0x140: {  	[sflag:s9] =	ssyncset.done $0x0  }
0x141: {  	s6 =	simm.s32 $0x1280;
	[sflag:s9] =	ssyncadd.s32 $0xFFFFFF80  }
0x142: {  	[tilespmem:s16], [sflag:$0x2] =	stream.indirect.gather [hbm4b:s5+s14], $0x80, s6, s14, $0xb8;
	[tilespmem:$0x1E300] =	vst v63  }
0x143: {  	_ =	swait.ge [sflag:s17], $0x4000  }
0x144: {  	[sflag:s17] =	ssyncset.done $0x0  }
0x145: {  	[sflag:s17] =	ssyncadd.s32 $0xFFFFC000  }
0x146: {  	[spmem:s1] =	stream.indirect.scatter.add.f32 [tilespmem:s15], [sflag:$0x5], $0x80, s19, s14, $0xb8;
	[tilespmem:$0x1E300] =	vst v63  }
0x147: {  	_ =	swait.ge [sflag:s9], $0x4000  }
0x148: {  	[sflag:s9] =	ssyncset.done $0x0  }
0x149: {  	[sflag:s9] =	ssyncadd.s32 $0xFFFFC000  }
0x14a: {  	[spmem:s2] =	stream.indirect.scatter.add.f32 [tilespmem:s18], [sflag:$0x5], $0x1, s19, s14, $0xb8;
	[tilespmem:$0x1E300] =	vst v63  }
0x14b: {  	_ =	swait.ge [sflag:s9], $0x80  }
0x14c: {  	[sflag:s9] =	ssyncset.done $0x0  }
0x14d: {  	s11 =	simm.s32 $0x1300;
	[sflag:s9] =	ssyncadd.s32 $0xFFFFFF80  }
0x14e: {  	[tilespmem:s15], [sflag:$0x1] =	stream.indirect.gather [hbm4b:s5+s14], $0x80, s11, s14, $0xb8;
	[tilespmem:$0x1E300] =	vst v63  }
0x14f: {  	_ =	swait.ge [sflag:s20], $0x4000  }
0x150: {  	[sflag:s20] =	ssyncset.done $0x0  }
0x151: {  	[sflag:s20] =	ssyncadd.s32 $0xFFFFC000  }
0x152: {  	[spmem:s1] =	stream.indirect.scatter.add.f32 [tilespmem:s16], [sflag:$0x5], $0x80, s22, s14, $0xb8;
	[tilespmem:$0x1E300] =	vst v63  }
0x153: {  	_ =	swait.ge [sflag:s9], $0x4000  }
0x154: {  	[sflag:s9] =	ssyncset.done $0x0  }
0x155: {  	[sflag:s9] =	ssyncadd.s32 $0xFFFFC000  }
0x156: {  	[spmem:s2] =	stream.indirect.scatter.add.f32 [tilespmem:s18], [sflag:$0x5], $0x1, s22, s14, $0xb8;
	[tilespmem:$0x1E300] =	vst v63  }
0x157: {  	_ =	swait.ge [sflag:s9], $0x80  }
0x158: {  	[sflag:s9] =	ssyncset.done $0x0  }
0x159: {  	s21 =	simm.s32 $0x1380;
	[sflag:s9] =	ssyncadd.s32 $0xFFFFFF80  }
0x15a: {  	[tilespmem:s16], [sflag:$0x2] =	stream.indirect.gather [hbm4b:s5+s14], $0x80, s21, s14, $0xb8;
	[tilespmem:$0x1E300] =	vst v63  }
0x15b: {  	_ =	swait.ge [sflag:s17], $0x4000  }
0x15c: {  	[sflag:s17] =	ssyncset.done $0x0  }
0x15d: {  	[sflag:s17] =	ssyncadd.s32 $0xFFFFC000  }
0x15e: {  	[spmem:s1] =	stream.indirect.scatter.add.f32 [tilespmem:s15], [sflag:$0x5], $0x80, s24, s14, $0xb8;
	[tilespmem:$0x1E300] =	vst v63  }
0x15f: {  	_ =	swait.ge [sflag:s9], $0x4000  }
0x160: {  	[sflag:s9] =	ssyncset.done $0x0  }
0x161: {  	[sflag:s9] =	ssyncadd.s32 $0xFFFFC000  }
0x162: {  	[spmem:s2] =	stream.indirect.scatter.add.f32 [tilespmem:s18], [sflag:$0x5], $0x1, s24, s14, $0xb8;
	[tilespmem:$0x1E300] =	vst v63  }
0x163: {  	_ =	swait.ge [sflag:s9], $0x80  }
0x164: {  	[sflag:s9] =	ssyncset.done $0x0  }
0x165: {  	s23 =	simm.s32 $0x1400;
	[sflag:s9] =	ssyncadd.s32 $0xFFFFFF80  }
0x166: {  	[tilespmem:s15], [sflag:$0x1] =	stream.indirect.gather [hbm4b:s5+s14], $0x80, s23, s14, $0xb8;
	[tilespmem:$0x1E300] =	vst v63  }
0x167: {  	_ =	swait.ge [sflag:s20], $0x4000  }
0x168: {  	[sflag:s20] =	ssyncset.done $0x0  }
0x169: {  	[sflag:s20] =	ssyncadd.s32 $0xFFFFC000  }
0x16a: {  	[spmem:s1] =	stream.indirect.scatter.add.f32 [tilespmem:s16], [sflag:$0x5], $0x80, s26, s14, $0xb8;
	[tilespmem:$0x1E300] =	vst v63  }
0x16b: {  	_ =	swait.ge [sflag:s9], $0x4000  }
0x16c: {  	[sflag:s9] =	ssyncset.done $0x0  }
0x16d: {  	[sflag:s9] =	ssyncadd.s32 $0xFFFFC000  }
0x16e: {  	[spmem:s2] =	stream.indirect.scatter.add.f32 [tilespmem:s18], [sflag:$0x5], $0x1, s26, s14, $0xb8;
	[tilespmem:$0x1E300] =	vst v63  }
0x16f: {  	_ =	swait.ge [sflag:s9], $0x80  }
0x170: {  	[sflag:s9] =	ssyncset.done $0x0  }
0x171: {  	s25 =	simm.s32 $0x1480;
	[sflag:s9] =	ssyncadd.s32 $0xFFFFFF80  }
0x172: {  	[tilespmem:s16], [sflag:$0x2] =	stream.indirect.gather [hbm4b:s5+s14], $0x80, s25, s14, $0xb8;
	[tilespmem:$0x1E300] =	vst v63  }
0x173: {  	_ =	swait.ge [sflag:s17], $0x4000  }
0x174: {  	[sflag:s17] =	ssyncset.done $0x0  }
0x175: {  	[sflag:s17] =	ssyncadd.s32 $0xFFFFC000  }
0x176: {  	[spmem:s1] =	stream.indirect.scatter.add.f32 [tilespmem:s15], [sflag:$0x5], $0x80, s28, s14, $0xb8;
	[tilespmem:$0x1E300] =	vst v63  }
0x177: {  	_ =	swait.ge [sflag:s9], $0x4000  }
0x178: {  	[sflag:s9] =	ssyncset.done $0x0  }
0x179: {  	[sflag:s9] =	ssyncadd.s32 $0xFFFFC000  }
0x17a: {  	[spmem:s2] =	stream.indirect.scatter.add.f32 [tilespmem:s18], [sflag:$0x5], $0x1, s28, s14, $0xb8;
	[tilespmem:$0x1E300] =	vst v63  }
0x17b: {  	_ =	swait.ge [sflag:s9], $0x80  }
0x17c: {  	[sflag:s9] =	ssyncset.done $0x0  }
0x17d: {  	s6 =	simm.s32 $0x1500;
	[sflag:s9] =	ssyncadd.s32 $0xFFFFFF80  }
0x17e: {  	[tilespmem:s15], [sflag:$0x1] =	stream.indirect.gather [hbm4b:s5+s14], $0x80, s6, s14, $0xb8;
	[tilespmem:$0x1E300] =	vst v63  }
0x17f: {  	_ =	swait.ge [sflag:s20], $0x4000  }
0x180: {  	[sflag:s20] =	ssyncset.done $0x0  }
0x181: {  	[sflag:s20] =	ssyncadd.s32 $0xFFFFC000  }
0x182: {  	[spmem:s1] =	stream.indirect.scatter.add.f32 [tilespmem:s16], [sflag:$0x5], $0x80, s29, s14, $0xb8;
	[tilespmem:$0x1E300] =	vst v63  }
0x183: {  	_ =	swait.ge [sflag:s9], $0x4000  }
0x184: {  	[sflag:s9] =	ssyncset.done $0x0  }
0x185: {  	[sflag:s9] =	ssyncadd.s32 $0xFFFFC000  }
0x186: {  	[spmem:s2] =	stream.indirect.scatter.add.f32 [tilespmem:s18], [sflag:$0x5], $0x1, s29, s14, $0xb8;
	[tilespmem:$0x1E300] =	vst v63  }
0x187: {  	_ =	swait.ge [sflag:s9], $0x80  }
0x188: {  	[sflag:s9] =	ssyncset.done $0x0  }
0x189: {  	s11 =	simm.s32 $0x1580;
	[sflag:s9] =	ssyncadd.s32 $0xFFFFFF80  }
0x18a: {  	[tilespmem:s16], [sflag:$0x2] =	stream.indirect.gather [hbm4b:s5+s14], $0x80, s11, s14, $0xb8;
	[tilespmem:$0x1E300] =	vst v63  }
0x18b: {  	_ =	swait.ge [sflag:s17], $0x4000  }
0x18c: {  	[sflag:s17] =	ssyncset.done $0x0  }
0x18d: {  	[sflag:s17] =	ssyncadd.s32 $0xFFFFC000  }
0x18e: {  	[spmem:s1] =	stream.indirect.scatter.add.f32 [tilespmem:s15], [sflag:$0x5], $0x80, s31, s14, $0xb8;
	[tilespmem:$0x1E300] =	vst v63  }
0x18f: {  	_ =	swait.ge [sflag:s9], $0x4000  }
0x190: {  	[sflag:s9] =	ssyncset.done $0x0  }
0x191: {  	[sflag:s9] =	ssyncadd.s32 $0xFFFFC000  }
0x192: {  	[spmem:s2] =	stream.indirect.scatter.add.f32 [tilespmem:s18], [sflag:$0x5], $0x1, s31, s14, $0xb8;
	[tilespmem:$0x1E300] =	vst v63  }
0x193: {  	_ =	swait.ge [sflag:s9], $0x80  }
0x194: {  	[sflag:s9] =	ssyncset.done $0x0  }
0x195: {  	s21 =	simm.s32 $0x1600;
	[sflag:s9] =	ssyncadd.s32 $0xFFFFFF80  }
0x196: {  	[tilespmem:s15], [sflag:$0x1] =	stream.indirect.gather [hbm4b:s5+s14], $0x80, s21, s14, $0xb8;
	[tilespmem:$0x1E300] =	vst v63  }
0x197: {  	_ =	swait.ge [sflag:s20], $0x4000  }
0x198: {  	[sflag:s20] =	ssyncset.done $0x0  }
0x199: {  	s23 =	simm.s32 $0x1D80;
	[sflag:s20] =	ssyncadd.s32 $0xFFFFC000  }
0x19a: {  	[spmem:s1] =	stream.indirect.scatter.add.f32 [tilespmem:s16], [sflag:$0x5], $0x80, s23, s14, $0xb8;
	[tilespmem:$0x1E300] =	vst v63  }
0x19b: {  	_ =	swait.ge [sflag:s9], $0x4000  }
0x19c: {  	[sflag:s9] =	ssyncset.done $0x0  }
0x19d: {  	[sflag:s9] =	ssyncadd.s32 $0xFFFFC000  }
0x19e: {  	[spmem:s2] =	stream.indirect.scatter.add.f32 [tilespmem:s18], [sflag:$0x5], $0x1, s23, s14, $0xb8;
	[tilespmem:$0x1E300] =	vst v63  }
0x19f: {  	_ =	swait.ge [sflag:s9], $0x80  }
0x1a0: {  	[sflag:s9] =	ssyncset.done $0x0  }
0x1a1: {  	s6 =	simm.s32 $0x1680;
	[sflag:s9] =	ssyncadd.s32 $0xFFFFFF80  }
0x1a2: {  	[tilespmem:s16], [sflag:$0x2] =	stream.indirect.gather [hbm4b:s5+s14], $0x80, s6, s14, $0xb8;
	[tilespmem:$0x1E300] =	vst v63  }
0x1a3: {  	_ =	swait.ge [sflag:s17], $0x4000  }
0x1a4: {  	[sflag:s17] =	ssyncset.done $0x0  }
0x1a5: {  	s6 =	simm.s32 $0x1E00;
	[sflag:s17] =	ssyncadd.s32 $0xFFFFC000  }
0x1a6: {  	[spmem:s1] =	stream.indirect.scatter.add.f32 [tilespmem:s15], [sflag:$0x5], $0x80, s6, s14, $0xb8;
	[tilespmem:$0x1E300] =	vst v63  }
0x1a7: {  	_ =	swait.ge [sflag:s9], $0x4000  }
0x1a8: {  	[sflag:s9] =	ssyncset.done $0x0  }
0x1a9: {  	[sflag:s9] =	ssyncadd.s32 $0xFFFFC000  }
0x1aa: {  	[spmem:s2] =	stream.indirect.scatter.add.f32 [tilespmem:s18], [sflag:$0x5], $0x1, s6, s14, $0xb8;
	[tilespmem:$0x1E300] =	vst v63  }
0x1ab: {  	_ =	swait.ge [sflag:s9], $0x80  }
0x1ac: {  	[sflag:s9] =	ssyncset.done $0x0  }
0x1ad: {  	s11 =	simm.s32 $0x1700;
	[sflag:s9] =	ssyncadd.s32 $0xFFFFFF80  }
0x1ae: {  	[tilespmem:s15], [sflag:$0x1] =	stream.indirect.gather [hbm4b:s5+s14], $0x80, s11, s14, $0xb8;
	[tilespmem:$0x1E300] =	vst v63  }
0x1af: {  	_ =	swait.ge [sflag:s20], $0x4000  }
0x1b0: {  	[sflag:s20] =	ssyncset.done $0x0  }
0x1b1: {  	s11 =	simm.s32 $0x1E80;
	[sflag:s20] =	ssyncadd.s32 $0xFFFFC000  }
0x1b2: {  	[spmem:s1] =	stream.indirect.scatter.add.f32 [tilespmem:s16], [sflag:$0x5], $0x80, s11, s14, $0xb8;
	[tilespmem:$0x1E300] =	vst v63  }
0x1b3: {  	_ =	swait.ge [sflag:s9], $0x4000  }
0x1b4: {  	[sflag:s9] =	ssyncset.done $0x0  }
0x1b5: {  	[sflag:s9] =	ssyncadd.s32 $0xFFFFC000  }
0x1b6: {  	[spmem:s2] =	stream.indirect.scatter.add.f32 [tilespmem:s18], [sflag:$0x5], $0x1, s11, s14, $0xb8;
	[tilespmem:$0x1E300] =	vst v63  }
0x1b7: {  	_ =	swait.ge [sflag:s9], $0x80  }
0x1b8: {  	[sflag:s9] =	ssyncset.done $0x0  }
0x1b9: {  	s25 =	simm.s32 $0x1780;
	[sflag:s9] =	ssyncadd.s32 $0xFFFFFF80  }
0x1ba: {  	[tilespmem:s16], [sflag:$0x2] =	stream.indirect.gather [hbm4b:s5+s14], $0x80, s25, s14, $0xb8;
	[tilespmem:$0x1E300] =	vst v63  }
0x1bb: {  	_ =	swait.ge [sflag:s17], $0x4000  }
0x1bc: {  	[sflag:s17] =	ssyncset.done $0x0  }
0x1bd: {  	s25 =	simm.s32 $0x1F00;
	[sflag:s17] =	ssyncadd.s32 $0xFFFFC000  }
0x1be: {  	[spmem:s1] =	stream.indirect.scatter.add.f32 [tilespmem:s15], [sflag:$0x5], $0x80, s25, s14, $0xb8;
	[tilespmem:$0x1E300] =	vst v63  }
0x1bf: {  	_ =	swait.ge [sflag:s9], $0x4000  }
0x1c0: {  	[sflag:s9] =	ssyncset.done $0x0  }
0x1c1: {  	[sflag:s9] =	ssyncadd.s32 $0xFFFFC000  }
0x1c2: {  	[spmem:s2] =	stream.indirect.scatter.add.f32 [tilespmem:s18], [sflag:$0x5], $0x1, s25, s14, $0xb8;
	[tilespmem:$0x1E300] =	vst v63  }
0x1c3: {  	_ =	swait.ge [sflag:s9], $0x80  }
0x1c4: {  	[sflag:s9] =	ssyncset.done $0x0  }
0x1c5: {  	[sflag:s9] =	ssyncadd.s32 $0xFFFFFF80  }
0x1c6: {  	_ =	swait.ge [sflag:s20], $0x4000  }
0x1c7: {  	[sflag:s20] =	ssyncset.done $0x0  }
0x1c8: {  	s4 =	simm.s32 $0x1F80;
	[sflag:s20] =	ssyncadd.s32 $0xFFFFC000  }
0x1c9: {  	[spmem:s1] =	stream.indirect.scatter.add.f32 [tilespmem:s16], [sflag:$0x5], $0x80, s4, s14, $0xb8;
	[tilespmem:$0x1E300] =	vst v63  }
0x1ca: {  	_ =	swait.ge [sflag:s9], $0x4000  }
0x1cb: {  	[sflag:s9] =	ssyncset.done $0x0  }
0x1cc: {  	[sflag:s9] =	ssyncadd.s32 $0xFFFFC000  }
0x1cd: {  	[spmem:s2] =	stream.indirect.scatter.add.f32 [tilespmem:s18], [sflag:$0x5], $0x1, s4, s14, $0xb8;
	[tilespmem:$0x1E300] =	vst v63  }
0x1ce: {  	_ =	swait.ge [sflag:s9], $0x80  }
0x1cf: {  	[sflag:s9] =	ssyncset.done $0x0  }
0x1d0: {  	[sflag:s9] =	ssyncadd.s32 $0xFFFFFF80  }
0x1d1: {  	_ =	swait.ge [sflag:s13], $0x800  }
0x1d2: {  	[sflag:s13] =	ssyncset.done $0x0  }
0x1d3: {  	[sflag:s13] =	ssyncadd.s32 $0xFFFFF800  }
0x1d4: {  	_ =	swait.ge [sflag:s0], $0x800  }
0x1d5: {  	[sflag:s0] =	ssyncset.done $0x0  }
0x1d6: {  	s4 =	simm.s32 $0x1000;
	s21 =	rddreg [dreg:$0xd];
	[sflag:s0] =	ssyncadd.s32 $0xFFFFF800  }
0x1d7: {  	[tilespmem:s4], [sflag:$0x3] =	stream.linear.gather [hbm4b:s21+s10], $0x800, $0x38;
	[tilespmem:$0x1E300] =	vst v63  }
0x1d8: {  	s23 =	rddreg [dreg:$0xe];
	s21 =	simm.s32 $0x1800  }
0x1d9: {  	[tilespmem:s21], [sflag:$0x4] =	stream.linear.gather [hbm4b:s23+s10], $0x800, $0x38;
	[tilespmem:$0x1E300] =	vst v63  }
0x1da: {  	_ = 	snop  }
0x1db: {  	[tilespmem:s15], [sflag:$0x1] =	stream.indirect.gather [hbm4b:s5+s14], $0x80, s10, s14, $0xb8;
	[tilespmem:$0x1E300] =	vst v63  }
0x1dc: {  	_ = 	snop  }
0x1dd: {  	[tilespmem:s16], [sflag:$0x2] =	stream.indirect.gather [hbm4b:s5+s14], $0x80, s14, s14, $0xb8;
	[tilespmem:$0x1E300] =	vst v63  }
0x1de: {  	_ =	swait.ge [sflag:s17], $0x4000  }
0x1df: {  	[sflag:s17] =	ssyncset.done $0x0  }
0x1e0: {  	[sflag:s17] =	ssyncadd.s32 $0xFFFFC000  }
0x1e1: {  	[spmem:s1] =	stream.indirect.scatter.add.f32 [tilespmem:s15], [sflag:$0x5], $0x80, s3, s14, $0xb8;
	[tilespmem:$0x1E300] =	vst v63  }
0x1e2: {  	_ =	swait.ge [sflag:s9], $0x4000  }
0x1e3: {  	[sflag:s9] =	ssyncset.done $0x0  }
0x1e4: {  	[sflag:s9] =	ssyncadd.s32 $0xFFFFC000  }
0x1e5: {  	[spmem:s2] =	stream.indirect.scatter.add.f32 [tilespmem:s18], [sflag:$0x5], $0x1, s3, s14, $0xb8;
	[tilespmem:$0x1E300] =	vst v63  }
0x1e6: {  	_ =	swait.ge [sflag:s9], $0x80  }
0x1e7: {  	[sflag:s9] =	ssyncset.done $0x0  }
0x1e8: {  	s23 =	simm.s32 $0x100;
	[sflag:s9] =	ssyncadd.s32 $0xFFFFFF80  }
0x1e9: {  	[tilespmem:s15], [sflag:$0x1] =	stream.indirect.gather [hbm4b:s5+s14], $0x80, s23, s14, $0xb8;
	[tilespmem:$0x1E300] =	vst v63  }
0x1ea: {  	_ =	swait.ge [sflag:s20], $0x4000  }
0x1eb: {  	[sflag:s20] =	ssyncset.done $0x0  }
0x1ec: {  	s23 =	simm.s32 $0x880;
	[sflag:s20] =	ssyncadd.s32 $0xFFFFC000  }
0x1ed: {  	[spmem:s1] =	stream.indirect.scatter.add.f32 [tilespmem:s16], [sflag:$0x5], $0x80, s23, s14, $0xb8;
	[tilespmem:$0x1E300] =	vst v63  }
0x1ee: {  	_ =	swait.ge [sflag:s9], $0x4000  }
0x1ef: {  	[sflag:s9] =	ssyncset.done $0x0  }
0x1f0: {  	[sflag:s9] =	ssyncadd.s32 $0xFFFFC000  }
0x1f1: {  	[spmem:s2] =	stream.indirect.scatter.add.f32 [tilespmem:s18], [sflag:$0x5], $0x1, s23, s14, $0xb8;
	[tilespmem:$0x1E300] =	vst v63  }
0x1f2: {  	_ =	swait.ge [sflag:s9], $0x80  }
0x1f3: {  	[sflag:s9] =	ssyncset.done $0x0  }
0x1f4: {  	s23 =	simm.s32 $0x180;
	[sflag:s9] =	ssyncadd.s32 $0xFFFFFF80  }
0x1f5: {  	[tilespmem:s16], [sflag:$0x2] =	stream.indirect.gather [hbm4b:s5+s14], $0x80, s23, s14, $0xb8;
	[tilespmem:$0x1E300] =	vst v63  }
0x1f6: {  	_ =	swait.ge [sflag:s17], $0x4000  }
0x1f7: {  	[sflag:s17] =	ssyncset.done $0x0  }
0x1f8: {  	s23 =	simm.s32 $0x900;
	[sflag:s17] =	ssyncadd.s32 $0xFFFFC000  }
0x1f9: {  	[spmem:s1] =	stream.indirect.scatter.add.f32 [tilespmem:s15], [sflag:$0x5], $0x80, s23, s14, $0xb8;
	[tilespmem:$0x1E300] =	vst v63  }
0x1fa: {  	_ =	swait.ge [sflag:s9], $0x4000  }
0x1fb: {  	[sflag:s9] =	ssyncset.done $0x0  }
0x1fc: {  	[sflag:s9] =	ssyncadd.s32 $0xFFFFC000  }
0x1fd: {  	[spmem:s2] =	stream.indirect.scatter.add.f32 [tilespmem:s18], [sflag:$0x5], $0x1, s23, s14, $0xb8;
	[tilespmem:$0x1E300] =	vst v63  }
0x1fe: {  	_ =	swait.ge [sflag:s9], $0x80  }
0x1ff: {  	[sflag:s9] =	ssyncset.done $0x0  }
0x200: {  	s23 =	simm.s32 $0x200;
	[sflag:s9] =	ssyncadd.s32 $0xFFFFFF80  }
0x201: {  	[tilespmem:s15], [sflag:$0x1] =	stream.indirect.gather [hbm4b:s5+s14], $0x80, s23, s14, $0xb8;
	[tilespmem:$0x1E300] =	vst v63  }
0x202: {  	_ =	swait.ge [sflag:s20], $0x4000  }
0x203: {  	[sflag:s20] =	ssyncset.done $0x0  }
0x204: {  	s23 =	simm.s32 $0x980;
	[sflag:s20] =	ssyncadd.s32 $0xFFFFC000  }
0x205: {  	[spmem:s1] =	stream.indirect.scatter.add.f32 [tilespmem:s16], [sflag:$0x5], $0x80, s23, s14, $0xb8;
	[tilespmem:$0x1E300] =	vst v63  }
0x206: {  	_ =	swait.ge [sflag:s9], $0x4000  }
0x207: {  	[sflag:s9] =	ssyncset.done $0x0  }
0x208: {  	[sflag:s9] =	ssyncadd.s32 $0xFFFFC000  }
0x209: {  	[spmem:s2] =	stream.indirect.scatter.add.f32 [tilespmem:s18], [sflag:$0x5], $0x1, s23, s14, $0xb8;
	[tilespmem:$0x1E300] =	vst v63  }
0x20a: {  	_ =	swait.ge [sflag:s9], $0x80  }
0x20b: {  	[sflag:s9] =	ssyncset.done $0x0  }
0x20c: {  	s23 =	simm.s32 $0x280;
	[sflag:s9] =	ssyncadd.s32 $0xFFFFFF80  }
0x20d: {  	[tilespmem:s16], [sflag:$0x2] =	stream.indirect.gather [hbm4b:s5+s14], $0x80, s23, s14, $0xb8;
	[tilespmem:$0x1E300] =	vst v63  }
0x20e: {  	_ =	swait.ge [sflag:s17], $0x4000  }
0x20f: {  	[sflag:s17] =	ssyncset.done $0x0  }
0x210: {  	s23 =	simm.s32 $0xA00;
	[sflag:s17] =	ssyncadd.s32 $0xFFFFC000  }
0x211: {  	[spmem:s1] =	stream.indirect.scatter.add.f32 [tilespmem:s15], [sflag:$0x5], $0x80, s23, s14, $0xb8;
	[tilespmem:$0x1E300] =	vst v63  }
0x212: {  	_ =	swait.ge [sflag:s9], $0x4000  }
0x213: {  	[sflag:s9] =	ssyncset.done $0x0  }
0x214: {  	[sflag:s9] =	ssyncadd.s32 $0xFFFFC000  }
0x215: {  	[spmem:s2] =	stream.indirect.scatter.add.f32 [tilespmem:s18], [sflag:$0x5], $0x1, s23, s14, $0xb8;
	[tilespmem:$0x1E300] =	vst v63  }
0x216: {  	_ =	swait.ge [sflag:s9], $0x80  }
0x217: {  	[sflag:s9] =	ssyncset.done $0x0  }
0x218: {  	s23 =	simm.s32 $0x300;
	[sflag:s9] =	ssyncadd.s32 $0xFFFFFF80  }
0x219: {  	[tilespmem:s15], [sflag:$0x1] =	stream.indirect.gather [hbm4b:s5+s14], $0x80, s23, s14, $0xb8;
	[tilespmem:$0x1E300] =	vst v63  }
0x21a: {  	_ =	swait.ge [sflag:s20], $0x4000  }
0x21b: {  	[sflag:s20] =	ssyncset.done $0x0  }
0x21c: {  	s23 =	simm.s32 $0xA80;
	[sflag:s20] =	ssyncadd.s32 $0xFFFFC000  }
0x21d: {  	[spmem:s1] =	stream.indirect.scatter.add.f32 [tilespmem:s16], [sflag:$0x5], $0x80, s23, s14, $0xb8;
	[tilespmem:$0x1E300] =	vst v63  }
0x21e: {  	_ =	swait.ge [sflag:s9], $0x4000  }
0x21f: {  	[sflag:s9] =	ssyncset.done $0x0  }
0x220: {  	[sflag:s9] =	ssyncadd.s32 $0xFFFFC000  }
0x221: {  	[spmem:s2] =	stream.indirect.scatter.add.f32 [tilespmem:s18], [sflag:$0x5], $0x1, s23, s14, $0xb8;
	[tilespmem:$0x1E300] =	vst v63  }
0x222: {  	_ =	swait.ge [sflag:s9], $0x80  }
0x223: {  	[sflag:s9] =	ssyncset.done $0x0  }
0x224: {  	s23 =	simm.s32 $0x380;
	[sflag:s9] =	ssyncadd.s32 $0xFFFFFF80  }
0x225: {  	[tilespmem:s16], [sflag:$0x2] =	stream.indirect.gather [hbm4b:s5+s14], $0x80, s23, s14, $0xb8;
	[tilespmem:$0x1E300] =	vst v63  }
0x226: {  	_ =	swait.ge [sflag:s17], $0x4000  }
0x227: {  	[sflag:s17] =	ssyncset.done $0x0  }
0x228: {  	s23 =	simm.s32 $0xB00;
	[sflag:s17] =	ssyncadd.s32 $0xFFFFC000  }
0x229: {  	[spmem:s1] =	stream.indirect.scatter.add.f32 [tilespmem:s15], [sflag:$0x5], $0x80, s23, s14, $0xb8;
	[tilespmem:$0x1E300] =	vst v63  }
0x22a: {  	_ =	swait.ge [sflag:s9], $0x4000  }
0x22b: {  	[sflag:s9] =	ssyncset.done $0x0  }
0x22c: {  	[sflag:s9] =	ssyncadd.s32 $0xFFFFC000  }
0x22d: {  	[spmem:s2] =	stream.indirect.scatter.add.f32 [tilespmem:s18], [sflag:$0x5], $0x1, s23, s14, $0xb8;
	[tilespmem:$0x1E300] =	vst v63  }
0x22e: {  	_ =	swait.ge [sflag:s9], $0x80  }
0x22f: {  	[sflag:s9] =	ssyncset.done $0x0  }
0x230: {  	s23 =	simm.s32 $0x400;
	[sflag:s9] =	ssyncadd.s32 $0xFFFFFF80  }
0x231: {  	[tilespmem:s15], [sflag:$0x1] =	stream.indirect.gather [hbm4b:s5+s14], $0x80, s23, s14, $0xb8;
	[tilespmem:$0x1E300] =	vst v63  }
0x232: {  	_ =	swait.ge [sflag:s20], $0x4000  }
0x233: {  	[sflag:s20] =	ssyncset.done $0x0  }
0x234: {  	s23 =	simm.s32 $0xB80;
	[sflag:s20] =	ssyncadd.s32 $0xFFFFC000  }
0x235: {  	[spmem:s1] =	stream.indirect.scatter.add.f32 [tilespmem:s16], [sflag:$0x5], $0x80, s23, s14, $0xb8;
	[tilespmem:$0x1E300] =	vst v63  }
0x236: {  	_ =	swait.ge [sflag:s9], $0x4000  }
0x237: {  	[sflag:s9] =	ssyncset.done $0x0  }
0x238: {  	[sflag:s9] =	ssyncadd.s32 $0xFFFFC000  }
0x239: {  	[spmem:s2] =	stream.indirect.scatter.add.f32 [tilespmem:s18], [sflag:$0x5], $0x1, s23, s14, $0xb8;
	[tilespmem:$0x1E300] =	vst v63  }
0x23a: {  	_ =	swait.ge [sflag:s9], $0x80  }
0x23b: {  	[sflag:s9] =	ssyncset.done $0x0  }
0x23c: {  	s23 =	simm.s32 $0x480;
	[sflag:s9] =	ssyncadd.s32 $0xFFFFFF80  }
0x23d: {  	[tilespmem:s16], [sflag:$0x2] =	stream.indirect.gather [hbm4b:s5+s14], $0x80, s23, s14, $0xb8;
	[tilespmem:$0x1E300] =	vst v63  }
0x23e: {  	_ =	swait.ge [sflag:s17], $0x4000  }
0x23f: {  	[sflag:s17] =	ssyncset.done $0x0  }
0x240: {  	s23 =	simm.s32 $0xC00;
	[sflag:s17] =	ssyncadd.s32 $0xFFFFC000  }
0x241: {  	[spmem:s1] =	stream.indirect.scatter.add.f32 [tilespmem:s15], [sflag:$0x5], $0x80, s23, s14, $0xb8;
	[tilespmem:$0x1E300] =	vst v63  }
0x242: {  	_ =	swait.ge [sflag:s9], $0x4000  }
0x243: {  	[sflag:s9] =	ssyncset.done $0x0  }
0x244: {  	[sflag:s9] =	ssyncadd.s32 $0xFFFFC000  }
0x245: {  	[spmem:s2] =	stream.indirect.scatter.add.f32 [tilespmem:s18], [sflag:$0x5], $0x1, s23, s14, $0xb8;
	[tilespmem:$0x1E300] =	vst v63  }
0x246: {  	_ =	swait.ge [sflag:s9], $0x80  }
0x247: {  	[sflag:s9] =	ssyncset.done $0x0  }
0x248: {  	s23 =	simm.s32 $0x500;
	[sflag:s9] =	ssyncadd.s32 $0xFFFFFF80  }
0x249: {  	[tilespmem:s15], [sflag:$0x1] =	stream.indirect.gather [hbm4b:s5+s14], $0x80, s23, s14, $0xb8;
	[tilespmem:$0x1E300] =	vst v63  }
0x24a: {  	_ =	swait.ge [sflag:s20], $0x4000  }
0x24b: {  	[sflag:s20] =	ssyncset.done $0x0  }
0x24c: {  	s23 =	simm.s32 $0xC80;
	[sflag:s20] =	ssyncadd.s32 $0xFFFFC000  }
0x24d: {  	[spmem:s1] =	stream.indirect.scatter.add.f32 [tilespmem:s16], [sflag:$0x5], $0x80, s23, s14, $0xb8;
	[tilespmem:$0x1E300] =	vst v63  }
0x24e: {  	_ =	swait.ge [sflag:s9], $0x4000  }
0x24f: {  	[sflag:s9] =	ssyncset.done $0x0  }
0x250: {  	[sflag:s9] =	ssyncadd.s32 $0xFFFFC000  }
0x251: {  	[spmem:s2] =	stream.indirect.scatter.add.f32 [tilespmem:s18], [sflag:$0x5], $0x1, s23, s14, $0xb8;
	[tilespmem:$0x1E300] =	vst v63  }
0x252: {  	_ =	swait.ge [sflag:s9], $0x80  }
0x253: {  	[sflag:s9] =	ssyncset.done $0x0  }
0x254: {  	s23 =	simm.s32 $0x580;
	[sflag:s9] =	ssyncadd.s32 $0xFFFFFF80  }
0x255: {  	[tilespmem:s16], [sflag:$0x2] =	stream.indirect.gather [hbm4b:s5+s14], $0x80, s23, s14, $0xb8;
	[tilespmem:$0x1E300] =	vst v63  }
0x256: {  	_ =	swait.ge [sflag:s17], $0x4000  }
0x257: {  	[sflag:s17] =	ssyncset.done $0x0  }
0x258: {  	s23 =	simm.s32 $0xD00;
	[sflag:s17] =	ssyncadd.s32 $0xFFFFC000  }
0x259: {  	[spmem:s1] =	stream.indirect.scatter.add.f32 [tilespmem:s15], [sflag:$0x5], $0x80, s23, s14, $0xb8;
	[tilespmem:$0x1E300] =	vst v63  }
0x25a: {  	_ =	swait.ge [sflag:s9], $0x4000  }
0x25b: {  	[sflag:s9] =	ssyncset.done $0x0  }
0x25c: {  	[sflag:s9] =	ssyncadd.s32 $0xFFFFC000  }
0x25d: {  	[spmem:s2] =	stream.indirect.scatter.add.f32 [tilespmem:s18], [sflag:$0x5], $0x1, s23, s14, $0xb8;
	[tilespmem:$0x1E300] =	vst v63  }
0x25e: {  	_ =	swait.ge [sflag:s9], $0x80  }
0x25f: {  	[sflag:s9] =	ssyncset.done $0x0  }
0x260: {  	s23 =	simm.s32 $0x600;
	[sflag:s9] =	ssyncadd.s32 $0xFFFFFF80  }
0x261: {  	[tilespmem:s15], [sflag:$0x1] =	stream.indirect.gather [hbm4b:s5+s14], $0x80, s23, s14, $0xb8;
	[tilespmem:$0x1E300] =	vst v63  }
0x262: {  	_ =	swait.ge [sflag:s20], $0x4000  }
0x263: {  	[sflag:s20] =	ssyncset.done $0x0  }
0x264: {  	s23 =	simm.s32 $0xD80;
	[sflag:s20] =	ssyncadd.s32 $0xFFFFC000  }
0x265: {  	[spmem:s1] =	stream.indirect.scatter.add.f32 [tilespmem:s16], [sflag:$0x5], $0x80, s23, s14, $0xb8;
	[tilespmem:$0x1E300] =	vst v63  }
0x266: {  	_ =	swait.ge [sflag:s9], $0x4000  }
0x267: {  	[sflag:s9] =	ssyncset.done $0x0  }
0x268: {  	[sflag:s9] =	ssyncadd.s32 $0xFFFFC000  }
0x269: {  	[spmem:s2] =	stream.indirect.scatter.add.f32 [tilespmem:s18], [sflag:$0x5], $0x1, s23, s14, $0xb8;
	[tilespmem:$0x1E300] =	vst v63  }
0x26a: {  	_ =	swait.ge [sflag:s9], $0x80  }
0x26b: {  	[sflag:s9] =	ssyncset.done $0x0  }
0x26c: {  	s23 =	simm.s32 $0x680;
	[sflag:s9] =	ssyncadd.s32 $0xFFFFFF80  }
0x26d: {  	[tilespmem:s16], [sflag:$0x2] =	stream.indirect.gather [hbm4b:s5+s14], $0x80, s23, s14, $0xb8;
	[tilespmem:$0x1E300] =	vst v63  }
0x26e: {  	_ =	swait.ge [sflag:s17], $0x4000  }
0x26f: {  	[sflag:s17] =	ssyncset.done $0x0  }
0x270: {  	s23 =	simm.s32 $0xE00;
	[sflag:s17] =	ssyncadd.s32 $0xFFFFC000  }
0x271: {  	[spmem:s1] =	stream.indirect.scatter.add.f32 [tilespmem:s15], [sflag:$0x5], $0x80, s23, s14, $0xb8;
	[tilespmem:$0x1E300] =	vst v63  }
0x272: {  	_ =	swait.ge [sflag:s9], $0x4000  }
0x273: {  	[sflag:s9] =	ssyncset.done $0x0  }
0x274: {  	[sflag:s9] =	ssyncadd.s32 $0xFFFFC000  }
0x275: {  	[spmem:s2] =	stream.indirect.scatter.add.f32 [tilespmem:s18], [sflag:$0x5], $0x1, s23, s14, $0xb8;
	[tilespmem:$0x1E300] =	vst v63  }
0x276: {  	_ =	swait.ge [sflag:s9], $0x80  }
0x277: {  	[sflag:s9] =	ssyncset.done $0x0  }
0x278: {  	s23 =	simm.s32 $0x700;
	[sflag:s9] =	ssyncadd.s32 $0xFFFFFF80  }
0x279: {  	[tilespmem:s15], [sflag:$0x1] =	stream.indirect.gather [hbm4b:s5+s14], $0x80, s23, s14, $0xb8;
	[tilespmem:$0x1E300] =	vst v63  }
0x27a: {  	_ =	swait.ge [sflag:s20], $0x4000  }
0x27b: {  	[sflag:s20] =	ssyncset.done $0x0  }
0x27c: {  	s23 =	simm.s32 $0xE80;
	[sflag:s20] =	ssyncadd.s32 $0xFFFFC000  }
0x27d: {  	[spmem:s1] =	stream.indirect.scatter.add.f32 [tilespmem:s16], [sflag:$0x5], $0x80, s23, s14, $0xb8;
	[tilespmem:$0x1E300] =	vst v63  }
0x27e: {  	_ =	swait.ge [sflag:s9], $0x4000  }
0x27f: {  	[sflag:s9] =	ssyncset.done $0x0  }
0x280: {  	[sflag:s9] =	ssyncadd.s32 $0xFFFFC000  }
0x281: {  	[spmem:s2] =	stream.indirect.scatter.add.f32 [tilespmem:s18], [sflag:$0x5], $0x1, s23, s14, $0xb8;
	[tilespmem:$0x1E300] =	vst v63  }
0x282: {  	_ =	swait.ge [sflag:s9], $0x80  }
0x283: {  	[sflag:s9] =	ssyncset.done $0x0  }
0x284: {  	s23 =	simm.s32 $0x780;
	[sflag:s9] =	ssyncadd.s32 $0xFFFFFF80  }
0x285: {  	[tilespmem:s16], [sflag:$0x2] =	stream.indirect.gather [hbm4b:s5+s14], $0x80, s23, s14, $0xb8;
	[tilespmem:$0x1E300] =	vst v63  }
0x286: {  	_ =	swait.ge [sflag:s17], $0x4000  }
0x287: {  	[sflag:s17] =	ssyncset.done $0x0  }
0x288: {  	s23 =	simm.s32 $0xF00;
	[sflag:s17] =	ssyncadd.s32 $0xFFFFC000  }
0x289: {  	[spmem:s1] =	stream.indirect.scatter.add.f32 [tilespmem:s15], [sflag:$0x5], $0x80, s23, s14, $0xb8;
	[tilespmem:$0x1E300] =	vst v63  }
0x28a: {  	_ =	swait.ge [sflag:s9], $0x4000  }
0x28b: {  	[sflag:s9] =	ssyncset.done $0x0  }
0x28c: {  	[sflag:s9] =	ssyncadd.s32 $0xFFFFC000  }
0x28d: {  	[spmem:s2] =	stream.indirect.scatter.add.f32 [tilespmem:s18], [sflag:$0x5], $0x1, s23, s14, $0xb8;
	[tilespmem:$0x1E300] =	vst v63  }
0x28e: {  	_ =	swait.ge [sflag:s9], $0x80  }
0x28f: {  	[sflag:s9] =	ssyncset.done $0x0  }
0x290: {  	[sflag:s9] =	ssyncadd.s32 $0xFFFFFF80  }
0x291: {  	_ =	swait.ge [sflag:s20], $0x4000  }
0x292: {  	[sflag:s20] =	ssyncset.done $0x0  }
0x293: {  	s23 =	simm.s32 $0xF80;
	[sflag:s20] =	ssyncadd.s32 $0xFFFFC000  }
0x294: {  	[spmem:s1] =	stream.indirect.scatter.add.f32 [tilespmem:s16], [sflag:$0x5], $0x80, s23, s14, $0xb8;
	[tilespmem:$0x1E300] =	vst v63  }
0x295: {  	_ =	swait.ge [sflag:s9], $0x4000  }
0x296: {  	[sflag:s9] =	ssyncset.done $0x0  }
0x297: {  	[sflag:s9] =	ssyncadd.s32 $0xFFFFC000  }
0x298: {  	[spmem:s2] =	stream.indirect.scatter.add.f32 [tilespmem:s18], [sflag:$0x5], $0x1, s23, s14, $0xb8;
	[tilespmem:$0x1E300] =	vst v63  }
0x299: {  	_ =	swait.ge [sflag:s9], $0x80  }
0x29a: {  	[sflag:s9] =	ssyncset.done $0x0  }
0x29b: {  	[sflag:s9] =	ssyncadd.s32 $0xFFFFFF80  }
0x29c: {  	_ =	swait.ge [sflag:s13], $0x800  }
0x29d: {  	[sflag:s13] =	ssyncset.done $0x0  }
0x29e: {  	[sflag:s13] =	ssyncadd.s32 $0xFFFFF800  }
0x29f: {  	_ =	swait.ge [sflag:s0], $0x800  }
0x2a0: {  	[sflag:s0] =	ssyncset.done $0x0  }
0x2a1: {  	s21 =	rddreg [dreg:$0xf];
	[sflag:s0] =	ssyncadd.s32 $0xFFFFF800  }
0x2a2: {  	[tilespmem:s10], [sflag:$0x3] =	stream.linear.gather [hbm4b:s21+s10], $0x800, $0x38;
	[tilespmem:$0x1E300] =	vst v63  }
0x2a3: {  	s23 =	rddreg [dreg:$0x10]  }
0x2a4: {  	[tilespmem:s3], [sflag:$0x4] =	stream.linear.gather [hbm4b:s23+s10], $0x800, $0x38;
	[tilespmem:$0x1E300] =	vst v63  }
0x2a5: {  	s4 =	simm.s32 $0x1000  }
0x2a6: {  	[tilespmem:s15], [sflag:$0x1] =	stream.indirect.gather [hbm4b:s5+s14], $0x80, s4, s14, $0xb8;
	[tilespmem:$0x1E300] =	vst v63  }
0x2a7: {  	s23 =	simm.s32 $0x1080  }
0x2a8: {  	[tilespmem:s16], [sflag:$0x2] =	stream.indirect.gather [hbm4b:s5+s14], $0x80, s23, s14, $0xb8;
	[tilespmem:$0x1E300] =	vst v63  }
0x2a9: {  	_ =	swait.ge [sflag:s17], $0x4000  }
0x2aa: {  	[sflag:s17] =	ssyncset.done $0x0  }
0x2ab: {  	s21 =	simm.s32 $0x1800;
	[sflag:s17] =	ssyncadd.s32 $0xFFFFC000  }
0x2ac: {  	[spmem:s1] =	stream.indirect.scatter.add.f32 [tilespmem:s15], [sflag:$0x5], $0x80, s21, s14, $0xb8;
	[tilespmem:$0x1E300] =	vst v63  }
0x2ad: {  	_ =	swait.ge [sflag:s9], $0x4000  }
0x2ae: {  	[sflag:s9] =	ssyncset.done $0x0  }
0x2af: {  	[sflag:s9] =	ssyncadd.s32 $0xFFFFC000  }
0x2b0: {  	[spmem:s2] =	stream.indirect.scatter.add.f32 [tilespmem:s18], [sflag:$0x5], $0x1, s21, s14, $0xb8;
	[tilespmem:$0x1E300] =	vst v63  }
0x2b1: {  	_ =	swait.ge [sflag:s9], $0x80  }
0x2b2: {  	[sflag:s9] =	ssyncset.done $0x0  }
0x2b3: {  	s23 =	simm.s32 $0x1100;
	[sflag:s9] =	ssyncadd.s32 $0xFFFFFF80  }
0x2b4: {  	[tilespmem:s15], [sflag:$0x1] =	stream.indirect.gather [hbm4b:s5+s14], $0x80, s23, s14, $0xb8;
	[tilespmem:$0x1E300] =	vst v63  }
0x2b5: {  	_ =	swait.ge [sflag:s20], $0x4000  }
0x2b6: {  	[sflag:s20] =	ssyncset.done $0x0  }
0x2b7: {  	[sflag:s20] =	ssyncadd.s32 $0xFFFFC000  }
0x2b8: {  	[spmem:s1] =	stream.indirect.scatter.add.f32 [tilespmem:s16], [sflag:$0x5], $0x80, s30, s14, $0xb8;
	[tilespmem:$0x1E300] =	vst v63  }
0x2b9: {  	_ =	swait.ge [sflag:s9], $0x4000  }
0x2ba: {  	[sflag:s9] =	ssyncset.done $0x0  }
0x2bb: {  	[sflag:s9] =	ssyncadd.s32 $0xFFFFC000  }
0x2bc: {  	[spmem:s2] =	stream.indirect.scatter.add.f32 [tilespmem:s18], [sflag:$0x5], $0x1, s30, s14, $0xb8;
	[tilespmem:$0x1E300] =	vst v63  }
0x2bd: {  	_ =	swait.ge [sflag:s9], $0x80  }
0x2be: {  	[sflag:s9] =	ssyncset.done $0x0  }
0x2bf: {  	s21 =	simm.s32 $0x1180;
	[sflag:s9] =	ssyncadd.s32 $0xFFFFFF80  }
0x2c0: {  	[tilespmem:s16], [sflag:$0x2] =	stream.indirect.gather [hbm4b:s5+s14], $0x80, s21, s14, $0xb8;
	[tilespmem:$0x1E300] =	vst v63  }
0x2c1: {  	_ =	swait.ge [sflag:s17], $0x4000  }
0x2c2: {  	[sflag:s17] =	ssyncset.done $0x0  }
0x2c3: {  	[sflag:s17] =	ssyncadd.s32 $0xFFFFC000  }
0x2c4: {  	[spmem:s1] =	stream.indirect.scatter.add.f32 [tilespmem:s15], [sflag:$0x5], $0x80, s8, s14, $0xb8;
	[tilespmem:$0x1E300] =	vst v63  }
0x2c5: {  	_ =	swait.ge [sflag:s9], $0x4000  }
0x2c6: {  	[sflag:s9] =	ssyncset.done $0x0  }
0x2c7: {  	[sflag:s9] =	ssyncadd.s32 $0xFFFFC000  }
0x2c8: {  	[spmem:s2] =	stream.indirect.scatter.add.f32 [tilespmem:s18], [sflag:$0x5], $0x1, s8, s14, $0xb8;
	[tilespmem:$0x1E300] =	vst v63  }
0x2c9: {  	_ =	swait.ge [sflag:s9], $0x80  }
0x2ca: {  	[sflag:s9] =	ssyncset.done $0x0  }
0x2cb: {  	s23 =	simm.s32 $0x1200;
	[sflag:s9] =	ssyncadd.s32 $0xFFFFFF80  }
0x2cc: {  	[tilespmem:s15], [sflag:$0x1] =	stream.indirect.gather [hbm4b:s5+s14], $0x80, s23, s14, $0xb8;
	[tilespmem:$0x1E300] =	vst v63  }
0x2cd: {  	_ =	swait.ge [sflag:s20], $0x4000  }
0x2ce: {  	[sflag:s20] =	ssyncset.done $0x0  }
0x2cf: {  	[sflag:s20] =	ssyncadd.s32 $0xFFFFC000  }
0x2d0: {  	[spmem:s1] =	stream.indirect.scatter.add.f32 [tilespmem:s16], [sflag:$0x5], $0x80, s12, s14, $0xb8;
	[tilespmem:$0x1E300] =	vst v63  }
0x2d1: {  	_ =	swait.ge [sflag:s9], $0x4000  }
0x2d2: {  	[sflag:s9] =	ssyncset.done $0x0  }
0x2d3: {  	[sflag:s9] =	ssyncadd.s32 $0xFFFFC000  }
0x2d4: {  	[spmem:s2] =	stream.indirect.scatter.add.f32 [tilespmem:s18], [sflag:$0x5], $0x1, s12, s14, $0xb8;
	[tilespmem:$0x1E300] =	vst v63  }
0x2d5: {  	_ =	swait.ge [sflag:s9], $0x80  }
0x2d6: {  	[sflag:s9] =	ssyncset.done $0x0  }
0x2d7: {  	s21 =	simm.s32 $0x1280;
	[sflag:s9] =	ssyncadd.s32 $0xFFFFFF80  }
0x2d8: {  	[tilespmem:s16], [sflag:$0x2] =	stream.indirect.gather [hbm4b:s5+s14], $0x80, s21, s14, $0xb8;
	[tilespmem:$0x1E300] =	vst v63  }
0x2d9: {  	_ =	swait.ge [sflag:s17], $0x4000  }
0x2da: {  	[sflag:s17] =	ssyncset.done $0x0  }
0x2db: {  	[sflag:s17] =	ssyncadd.s32 $0xFFFFC000  }
0x2dc: {  	[spmem:s1] =	stream.indirect.scatter.add.f32 [tilespmem:s15], [sflag:$0x5], $0x80, s19, s14, $0xb8;
	[tilespmem:$0x1E300] =	vst v63  }
0x2dd: {  	_ =	swait.ge [sflag:s9], $0x4000  }
0x2de: {  	[sflag:s9] =	ssyncset.done $0x0  }
0x2df: {  	[sflag:s9] =	ssyncadd.s32 $0xFFFFC000  }
0x2e0: {  	[spmem:s2] =	stream.indirect.scatter.add.f32 [tilespmem:s18], [sflag:$0x5], $0x1, s19, s14, $0xb8;
	[tilespmem:$0x1E300] =	vst v63  }
0x2e1: {  	_ =	swait.ge [sflag:s9], $0x80  }
0x2e2: {  	[sflag:s9] =	ssyncset.done $0x0  }
0x2e3: {  	s23 =	simm.s32 $0x1300;
	[sflag:s9] =	ssyncadd.s32 $0xFFFFFF80  }
0x2e4: {  	[tilespmem:s15], [sflag:$0x1] =	stream.indirect.gather [hbm4b:s5+s14], $0x80, s23, s14, $0xb8;
	[tilespmem:$0x1E300] =	vst v63  }
0x2e5: {  	_ =	swait.ge [sflag:s20], $0x4000  }
0x2e6: {  	[sflag:s20] =	ssyncset.done $0x0  }
0x2e7: {  	[sflag:s20] =	ssyncadd.s32 $0xFFFFC000  }
0x2e8: {  	[spmem:s1] =	stream.indirect.scatter.add.f32 [tilespmem:s16], [sflag:$0x5], $0x80, s22, s14, $0xb8;
	[tilespmem:$0x1E300] =	vst v63  }
0x2e9: {  	_ =	swait.ge [sflag:s9], $0x4000  }
0x2ea: {  	[sflag:s9] =	ssyncset.done $0x0  }
0x2eb: {  	[sflag:s9] =	ssyncadd.s32 $0xFFFFC000  }
0x2ec: {  	[spmem:s2] =	stream.indirect.scatter.add.f32 [tilespmem:s18], [sflag:$0x5], $0x1, s22, s14, $0xb8;
	[tilespmem:$0x1E300] =	vst v63  }
0x2ed: {  	_ =	swait.ge [sflag:s9], $0x80  }
0x2ee: {  	[sflag:s9] =	ssyncset.done $0x0  }
0x2ef: {  	s21 =	simm.s32 $0x1380;
	[sflag:s9] =	ssyncadd.s32 $0xFFFFFF80  }
0x2f0: {  	[tilespmem:s16], [sflag:$0x2] =	stream.indirect.gather [hbm4b:s5+s14], $0x80, s21, s14, $0xb8;
	[tilespmem:$0x1E300] =	vst v63  }
0x2f1: {  	_ =	swait.ge [sflag:s17], $0x4000  }
0x2f2: {  	[sflag:s17] =	ssyncset.done $0x0  }
0x2f3: {  	[sflag:s17] =	ssyncadd.s32 $0xFFFFC000  }
0x2f4: {  	[spmem:s1] =	stream.indirect.scatter.add.f32 [tilespmem:s15], [sflag:$0x5], $0x80, s24, s14, $0xb8;
	[tilespmem:$0x1E300] =	vst v63  }
0x2f5: {  	_ =	swait.ge [sflag:s9], $0x4000  }
0x2f6: {  	[sflag:s9] =	ssyncset.done $0x0  }
0x2f7: {  	[sflag:s9] =	ssyncadd.s32 $0xFFFFC000  }
0x2f8: {  	[spmem:s2] =	stream.indirect.scatter.add.f32 [tilespmem:s18], [sflag:$0x5], $0x1, s24, s14, $0xb8;
	[tilespmem:$0x1E300] =	vst v63  }
0x2f9: {  	_ =	swait.ge [sflag:s9], $0x80  }
0x2fa: {  	[sflag:s9] =	ssyncset.done $0x0  }
0x2fb: {  	s23 =	simm.s32 $0x1400;
	[sflag:s9] =	ssyncadd.s32 $0xFFFFFF80  }
0x2fc: {  	[tilespmem:s15], [sflag:$0x1] =	stream.indirect.gather [hbm4b:s5+s14], $0x80, s23, s14, $0xb8;
	[tilespmem:$0x1E300] =	vst v63  }
0x2fd: {  	_ =	swait.ge [sflag:s20], $0x4000  }
0x2fe: {  	[sflag:s20] =	ssyncset.done $0x0  }
0x2ff: {  	[sflag:s20] =	ssyncadd.s32 $0xFFFFC000  }
0x300: {  	[spmem:s1] =	stream.indirect.scatter.add.f32 [tilespmem:s16], [sflag:$0x5], $0x80, s26, s14, $0xb8;
	[tilespmem:$0x1E300] =	vst v63  }
0x301: {  	_ =	swait.ge [sflag:s9], $0x4000  }
0x302: {  	[sflag:s9] =	ssyncset.done $0x0  }
0x303: {  	[sflag:s9] =	ssyncadd.s32 $0xFFFFC000  }
0x304: {  	[spmem:s2] =	stream.indirect.scatter.add.f32 [tilespmem:s18], [sflag:$0x5], $0x1, s26, s14, $0xb8;
	[tilespmem:$0x1E300] =	vst v63  }
0x305: {  	_ =	swait.ge [sflag:s9], $0x80  }
0x306: {  	[sflag:s9] =	ssyncset.done $0x0  }
0x307: {  	s21 =	simm.s32 $0x1480;
	[sflag:s9] =	ssyncadd.s32 $0xFFFFFF80  }
0x308: {  	[tilespmem:s16], [sflag:$0x2] =	stream.indirect.gather [hbm4b:s5+s14], $0x80, s21, s14, $0xb8;
	[tilespmem:$0x1E300] =	vst v63  }
0x309: {  	_ =	swait.ge [sflag:s17], $0x4000  }
0x30a: {  	[sflag:s17] =	ssyncset.done $0x0  }
0x30b: {  	[sflag:s17] =	ssyncadd.s32 $0xFFFFC000  }
0x30c: {  	[spmem:s1] =	stream.indirect.scatter.add.f32 [tilespmem:s15], [sflag:$0x5], $0x80, s28, s14, $0xb8;
	[tilespmem:$0x1E300] =	vst v63  }
0x30d: {  	_ =	swait.ge [sflag:s9], $0x4000  }
0x30e: {  	[sflag:s9] =	ssyncset.done $0x0  }
0x30f: {  	[sflag:s9] =	ssyncadd.s32 $0xFFFFC000  }
0x310: {  	[spmem:s2] =	stream.indirect.scatter.add.f32 [tilespmem:s18], [sflag:$0x5], $0x1, s28, s14, $0xb8;
	[tilespmem:$0x1E300] =	vst v63  }
0x311: {  	_ =	swait.ge [sflag:s9], $0x80  }
0x312: {  	[sflag:s9] =	ssyncset.done $0x0  }
0x313: {  	s23 =	simm.s32 $0x1500;
	[sflag:s9] =	ssyncadd.s32 $0xFFFFFF80  }
0x314: {  	[tilespmem:s15], [sflag:$0x1] =	stream.indirect.gather [hbm4b:s5+s14], $0x80, s23, s14, $0xb8;
	[tilespmem:$0x1E300] =	vst v63  }
0x315: {  	_ =	swait.ge [sflag:s20], $0x4000  }
0x316: {  	[sflag:s20] =	ssyncset.done $0x0  }
0x317: {  	[sflag:s20] =	ssyncadd.s32 $0xFFFFC000  }
0x318: {  	[spmem:s1] =	stream.indirect.scatter.add.f32 [tilespmem:s16], [sflag:$0x5], $0x80, s29, s14, $0xb8;
	[tilespmem:$0x1E300] =	vst v63  }
0x319: {  	_ =	swait.ge [sflag:s9], $0x4000  }
0x31a: {  	[sflag:s9] =	ssyncset.done $0x0  }
0x31b: {  	[sflag:s9] =	ssyncadd.s32 $0xFFFFC000  }
0x31c: {  	[spmem:s2] =	stream.indirect.scatter.add.f32 [tilespmem:s18], [sflag:$0x5], $0x1, s29, s14, $0xb8;
	[tilespmem:$0x1E300] =	vst v63  }
0x31d: {  	_ =	swait.ge [sflag:s9], $0x80  }
0x31e: {  	[sflag:s9] =	ssyncset.done $0x0  }
0x31f: {  	s21 =	simm.s32 $0x1580;
	[sflag:s9] =	ssyncadd.s32 $0xFFFFFF80  }
0x320: {  	[tilespmem:s16], [sflag:$0x2] =	stream.indirect.gather [hbm4b:s5+s14], $0x80, s21, s14, $0xb8;
	[tilespmem:$0x1E300] =	vst v63  }
0x321: {  	_ =	swait.ge [sflag:s17], $0x4000  }
0x322: {  	[sflag:s17] =	ssyncset.done $0x0  }
0x323: {  	[sflag:s17] =	ssyncadd.s32 $0xFFFFC000  }
0x324: {  	[spmem:s1] =	stream.indirect.scatter.add.f32 [tilespmem:s15], [sflag:$0x5], $0x80, s31, s14, $0xb8;
	[tilespmem:$0x1E300] =	vst v63  }
0x325: {  	_ =	swait.ge [sflag:s9], $0x4000  }
0x326: {  	[sflag:s9] =	ssyncset.done $0x0  }
0x327: {  	[sflag:s9] =	ssyncadd.s32 $0xFFFFC000  }
0x328: {  	[spmem:s2] =	stream.indirect.scatter.add.f32 [tilespmem:s18], [sflag:$0x5], $0x1, s31, s14, $0xb8;
	[tilespmem:$0x1E300] =	vst v63  }
0x329: {  	_ =	swait.ge [sflag:s9], $0x80  }
0x32a: {  	[sflag:s9] =	ssyncset.done $0x0  }
0x32b: {  	s23 =	simm.s32 $0x1600;
	[sflag:s9] =	ssyncadd.s32 $0xFFFFFF80  }
0x32c: {  	[tilespmem:s15], [sflag:$0x1] =	stream.indirect.gather [hbm4b:s5+s14], $0x80, s23, s14, $0xb8;
	[tilespmem:$0x1E300] =	vst v63  }
0x32d: {  	_ =	swait.ge [sflag:s20], $0x4000  }
0x32e: {  	[sflag:s20] =	ssyncset.done $0x0  }
0x32f: {  	s21 =	simm.s32 $0x1D80;
	[sflag:s20] =	ssyncadd.s32 $0xFFFFC000  }
0x330: {  	[spmem:s1] =	stream.indirect.scatter.add.f32 [tilespmem:s16], [sflag:$0x5], $0x80, s21, s14, $0xb8;
	[tilespmem:$0x1E300] =	vst v63  }
0x331: {  	_ =	swait.ge [sflag:s9], $0x4000  }
0x332: {  	[sflag:s9] =	ssyncset.done $0x0  }
0x333: {  	[sflag:s9] =	ssyncadd.s32 $0xFFFFC000  }
0x334: {  	[spmem:s2] =	stream.indirect.scatter.add.f32 [tilespmem:s18], [sflag:$0x5], $0x1, s21, s14, $0xb8;
	[tilespmem:$0x1E300] =	vst v63  }
0x335: {  	_ =	swait.ge [sflag:s9], $0x80  }
0x336: {  	[sflag:s9] =	ssyncset.done $0x0  }
0x337: {  	s23 =	simm.s32 $0x1680;
	[sflag:s9] =	ssyncadd.s32 $0xFFFFFF80  }
0x338: {  	[tilespmem:s16], [sflag:$0x2] =	stream.indirect.gather [hbm4b:s5+s14], $0x80, s23, s14, $0xb8;
	[tilespmem:$0x1E300] =	vst v63  }
0x339: {  	_ =	swait.ge [sflag:s17], $0x4000  }
0x33a: {  	[sflag:s17] =	ssyncset.done $0x0  }
0x33b: {  	[sflag:s17] =	ssyncadd.s32 $0xFFFFC000  }
0x33c: {  	[spmem:s1] =	stream.indirect.scatter.add.f32 [tilespmem:s15], [sflag:$0x5], $0x80, s6, s14, $0xb8;
	[tilespmem:$0x1E300] =	vst v63  }
0x33d: {  	_ =	swait.ge [sflag:s9], $0x4000  }
0x33e: {  	[sflag:s9] =	ssyncset.done $0x0  }
0x33f: {  	[sflag:s9] =	ssyncadd.s32 $0xFFFFC000  }
0x340: {  	[spmem:s2] =	stream.indirect.scatter.add.f32 [tilespmem:s18], [sflag:$0x5], $0x1, s6, s14, $0xb8;
	[tilespmem:$0x1E300] =	vst v63  }
0x341: {  	_ =	swait.ge [sflag:s9], $0x80  }
0x342: {  	[sflag:s9] =	ssyncset.done $0x0  }
0x343: {  	s21 =	simm.s32 $0x1700;
	[sflag:s9] =	ssyncadd.s32 $0xFFFFFF80  }
0x344: {  	[tilespmem:s15], [sflag:$0x1] =	stream.indirect.gather [hbm4b:s5+s14], $0x80, s21, s14, $0xb8;
	[tilespmem:$0x1E300] =	vst v63  }
0x345: {  	_ =	swait.ge [sflag:s20], $0x4000  }
0x346: {  	[sflag:s20] =	ssyncset.done $0x0  }
0x347: {  	[sflag:s20] =	ssyncadd.s32 $0xFFFFC000  }
0x348: {  	[spmem:s1] =	stream.indirect.scatter.add.f32 [tilespmem:s16], [sflag:$0x5], $0x80, s11, s14, $0xb8;
	[tilespmem:$0x1E300] =	vst v63  }
0x349: {  	_ =	swait.ge [sflag:s9], $0x4000  }
0x34a: {  	[sflag:s9] =	ssyncset.done $0x0  }
0x34b: {  	[sflag:s9] =	ssyncadd.s32 $0xFFFFC000  }
0x34c: {  	[spmem:s2] =	stream.indirect.scatter.add.f32 [tilespmem:s18], [sflag:$0x5], $0x1, s11, s14, $0xb8;
	[tilespmem:$0x1E300] =	vst v63  }
0x34d: {  	_ =	swait.ge [sflag:s9], $0x80  }
0x34e: {  	[sflag:s9] =	ssyncset.done $0x0  }
0x34f: {  	s23 =	simm.s32 $0x1780;
	[sflag:s9] =	ssyncadd.s32 $0xFFFFFF80  }
0x350: {  	[tilespmem:s16], [sflag:$0x2] =	stream.indirect.gather [hbm4b:s5+s14], $0x80, s23, s14, $0xb8;
	[tilespmem:$0x1E300] =	vst v63  }
0x351: {  	_ =	swait.ge [sflag:s17], $0x4000  }
0x352: {  	[sflag:s17] =	ssyncset.done $0x0  }
0x353: {  	[sflag:s17] =	ssyncadd.s32 $0xFFFFC000  }
0x354: {  	[spmem:s1] =	stream.indirect.scatter.add.f32 [tilespmem:s15], [sflag:$0x5], $0x80, s25, s14, $0xb8;
	[tilespmem:$0x1E300] =	vst v63  }
0x355: {  	_ =	swait.ge [sflag:s9], $0x4000  }
0x356: {  	[sflag:s9] =	ssyncset.done $0x0  }
0x357: {  	[sflag:s9] =	ssyncadd.s32 $0xFFFFC000  }
0x358: {  	[spmem:s2] =	stream.indirect.scatter.add.f32 [tilespmem:s18], [sflag:$0x5], $0x1, s25, s14, $0xb8;
	[tilespmem:$0x1E300] =	vst v63  }
0x359: {  	_ =	swait.ge [sflag:s9], $0x80  }
0x35a: {  	[sflag:s9] =	ssyncset.done $0x0  }
0x35b: {  	[sflag:s9] =	ssyncadd.s32 $0xFFFFFF80  }
0x35c: {  	_ =	swait.ge [sflag:s20], $0x4000  }
0x35d: {  	[sflag:s20] =	ssyncset.done $0x0  }
0x35e: {  	s25 =	simm.s32 $0x1F80;
	[sflag:s20] =	ssyncadd.s32 $0xFFFFC000  }
0x35f: {  	[spmem:s1] =	stream.indirect.scatter.add.f32 [tilespmem:s16], [sflag:$0x5], $0x80, s25, s14, $0xb8;
	[tilespmem:$0x1E300] =	vst v63  }
0x360: {  	_ =	swait.ge [sflag:s9], $0x4000  }
0x361: {  	[sflag:s9] =	ssyncset.done $0x0  }
0x362: {  	[sflag:s9] =	ssyncadd.s32 $0xFFFFC000  }
0x363: {  	[spmem:s2] =	stream.indirect.scatter.add.f32 [tilespmem:s18], [sflag:$0x5], $0x1, s25, s14, $0xb8;
	[tilespmem:$0x1E300] =	vst v63  }
0x364: {  	_ =	swait.ge [sflag:s9], $0x80  }
0x365: {  	[sflag:s9] =	ssyncset.done $0x0  }
0x366: {  	[sflag:s9] =	ssyncadd.s32 $0xFFFFFF80  }
0x367: {  	_ =	swait.ge [sflag:s13], $0x800  }
0x368: {  	[sflag:s13] =	ssyncset.done $0x0  }
0x369: {  	[sflag:s13] =	ssyncadd.s32 $0xFFFFF800  }
0x36a: {  	_ =	swait.ge [sflag:s0], $0x800  }
0x36b: {  	[sflag:s0] =	ssyncset.done $0x0  }
0x36c: {  	[sflag:s0] =	ssyncadd.s32 $0xFFFFF800  }
0x36d: {  	[tilespmem:s15], [sflag:$0x1] =	stream.indirect.gather [hbm4b:s5+s14], $0x80, s10, s14, $0xb8;
	[tilespmem:$0x1E300] =	vst v63  }
0x36e: {  	_ = 	snop  }
0x36f: {  	[tilespmem:s16], [sflag:$0x2] =	stream.indirect.gather [hbm4b:s5+s14], $0x80, s14, s14, $0xb8;
	[tilespmem:$0x1E300] =	vst v63  }
0x370: {  	_ =	swait.ge [sflag:s17], $0x4000  }
0x371: {  	[sflag:s17] =	ssyncset.done $0x0  }
0x372: {  	[sflag:s17] =	ssyncadd.s32 $0xFFFFC000  }
0x373: {  	[spmem:s1] =	stream.indirect.scatter.add.f32 [tilespmem:s15], [sflag:$0x5], $0x80, s3, s14, $0xb8;
	[tilespmem:$0x1E300] =	vst v63  }
0x374: {  	_ =	swait.ge [sflag:s9], $0x4000  }
0x375: {  	[sflag:s9] =	ssyncset.done $0x0  }
0x376: {  	[sflag:s9] =	ssyncadd.s32 $0xFFFFC000  }
0x377: {  	[spmem:s2] =	stream.indirect.scatter.add.f32 [tilespmem:s18], [sflag:$0x5], $0x1, s3, s14, $0xb8;
	[tilespmem:$0x1E300] =	vst v63  }
0x378: {  	_ =	swait.ge [sflag:s9], $0x80  }
0x379: {  	[sflag:s9] =	ssyncset.done $0x0  }
0x37a: {  	s6 =	simm.s32 $0x100;
	[sflag:s9] =	ssyncadd.s32 $0xFFFFFF80  }
0x37b: {  	[tilespmem:s15], [sflag:$0x1] =	stream.indirect.gather [hbm4b:s5+s14], $0x80, s6, s14, $0xb8;
	[tilespmem:$0x1E300] =	vst v63  }
0x37c: {  	_ =	swait.ge [sflag:s20], $0x4000  }
0x37d: {  	[sflag:s20] =	ssyncset.done $0x0  }
0x37e: {  	s11 =	simm.s32 $0x880;
	[sflag:s20] =	ssyncadd.s32 $0xFFFFC000  }
0x37f: {  	[spmem:s1] =	stream.indirect.scatter.add.f32 [tilespmem:s16], [sflag:$0x5], $0x80, s11, s14, $0xb8;
	[tilespmem:$0x1E300] =	vst v63  }
0x380: {  	_ =	swait.ge [sflag:s9], $0x4000  }
0x381: {  	[sflag:s9] =	ssyncset.done $0x0  }
0x382: {  	[sflag:s9] =	ssyncadd.s32 $0xFFFFC000  }
0x383: {  	[spmem:s2] =	stream.indirect.scatter.add.f32 [tilespmem:s18], [sflag:$0x5], $0x1, s11, s14, $0xb8;
	[tilespmem:$0x1E300] =	vst v63  }
0x384: {  	_ =	swait.ge [sflag:s9], $0x80  }
0x385: {  	[sflag:s9] =	ssyncset.done $0x0  }
0x386: {  	s21 =	simm.s32 $0x180;
	[sflag:s9] =	ssyncadd.s32 $0xFFFFFF80  }
0x387: {  	[tilespmem:s16], [sflag:$0x2] =	stream.indirect.gather [hbm4b:s5+s14], $0x80, s21, s14, $0xb8;
	[tilespmem:$0x1E300] =	vst v63  }
0x388: {  	_ =	swait.ge [sflag:s17], $0x4000  }
0x389: {  	[sflag:s17] =	ssyncset.done $0x0  }
0x38a: {  	s23 =	simm.s32 $0x900;
	[sflag:s17] =	ssyncadd.s32 $0xFFFFC000  }
0x38b: {  	[spmem:s1] =	stream.indirect.scatter.add.f32 [tilespmem:s15], [sflag:$0x5], $0x80, s23, s14, $0xb8;
	[tilespmem:$0x1E300] =	vst v63  }
0x38c: {  	_ =	swait.ge [sflag:s9], $0x4000  }
0x38d: {  	[sflag:s9] =	ssyncset.done $0x0  }
0x38e: {  	[sflag:s9] =	ssyncadd.s32 $0xFFFFC000  }
0x38f: {  	[spmem:s2] =	stream.indirect.scatter.add.f32 [tilespmem:s18], [sflag:$0x5], $0x1, s23, s14, $0xb8;
	[tilespmem:$0x1E300] =	vst v63  }
0x390: {  	_ =	swait.ge [sflag:s9], $0x80  }
0x391: {  	[sflag:s9] =	ssyncset.done $0x0  }
0x392: {  	s25 =	simm.s32 $0x200;
	[sflag:s9] =	ssyncadd.s32 $0xFFFFFF80  }
0x393: {  	[tilespmem:s15], [sflag:$0x1] =	stream.indirect.gather [hbm4b:s5+s14], $0x80, s25, s14, $0xb8;
	[tilespmem:$0x1E300] =	vst v63  }
0x394: {  	_ =	swait.ge [sflag:s20], $0x4000  }
0x395: {  	[sflag:s20] =	ssyncset.done $0x0  }
0x396: {  	s3 =	simm.s32 $0x980;
	[sflag:s20] =	ssyncadd.s32 $0xFFFFC000  }
0x397: {  	[spmem:s1] =	stream.indirect.scatter.add.f32 [tilespmem:s16], [sflag:$0x5], $0x80, s3, s14, $0xb8;
	[tilespmem:$0x1E300] =	vst v63  }
0x398: {  	_ =	swait.ge [sflag:s9], $0x4000  }
0x399: {  	[sflag:s9] =	ssyncset.done $0x0  }
0x39a: {  	[sflag:s9] =	ssyncadd.s32 $0xFFFFC000  }
0x39b: {  	[spmem:s2] =	stream.indirect.scatter.add.f32 [tilespmem:s18], [sflag:$0x5], $0x1, s3, s14, $0xb8;
	[tilespmem:$0x1E300] =	vst v63  }
0x39c: {  	_ =	swait.ge [sflag:s9], $0x80  }
0x39d: {  	[sflag:s9] =	ssyncset.done $0x0  }
0x39e: {  	s4 =	simm.s32 $0x280;
	[sflag:s9] =	ssyncadd.s32 $0xFFFFFF80  }
0x39f: {  	[tilespmem:s16], [sflag:$0x2] =	stream.indirect.gather [hbm4b:s5+s14], $0x80, s4, s14, $0xb8;
	[tilespmem:$0x1E300] =	vst v63  }
0x3a0: {  	_ =	swait.ge [sflag:s17], $0x4000  }
0x3a1: {  	[sflag:s17] =	ssyncset.done $0x0  }
0x3a2: {  	s6 =	simm.s32 $0xA00;
	[sflag:s17] =	ssyncadd.s32 $0xFFFFC000  }
0x3a3: {  	[spmem:s1] =	stream.indirect.scatter.add.f32 [tilespmem:s15], [sflag:$0x5], $0x80, s6, s14, $0xb8;
	[tilespmem:$0x1E300] =	vst v63  }
0x3a4: {  	_ =	swait.ge [sflag:s9], $0x4000  }
0x3a5: {  	[sflag:s9] =	ssyncset.done $0x0  }
0x3a6: {  	[sflag:s9] =	ssyncadd.s32 $0xFFFFC000  }
0x3a7: {  	[spmem:s2] =	stream.indirect.scatter.add.f32 [tilespmem:s18], [sflag:$0x5], $0x1, s6, s14, $0xb8;
	[tilespmem:$0x1E300] =	vst v63  }
0x3a8: {  	_ =	swait.ge [sflag:s9], $0x80  }
0x3a9: {  	[sflag:s9] =	ssyncset.done $0x0  }
0x3aa: {  	s11 =	simm.s32 $0x300;
	[sflag:s9] =	ssyncadd.s32 $0xFFFFFF80  }
0x3ab: {  	[tilespmem:s15], [sflag:$0x1] =	stream.indirect.gather [hbm4b:s5+s14], $0x80, s11, s14, $0xb8;
	[tilespmem:$0x1E300] =	vst v63  }
0x3ac: {  	_ =	swait.ge [sflag:s20], $0x4000  }
0x3ad: {  	[sflag:s20] =	ssyncset.done $0x0  }
0x3ae: {  	s21 =	simm.s32 $0xA80;
	[sflag:s20] =	ssyncadd.s32 $0xFFFFC000  }
0x3af: {  	[spmem:s1] =	stream.indirect.scatter.add.f32 [tilespmem:s16], [sflag:$0x5], $0x80, s21, s14, $0xb8;
	[tilespmem:$0x1E300] =	vst v63  }
0x3b0: {  	_ =	swait.ge [sflag:s9], $0x4000  }
0x3b1: {  	[sflag:s9] =	ssyncset.done $0x0  }
0x3b2: {  	[sflag:s9] =	ssyncadd.s32 $0xFFFFC000  }
0x3b3: {  	[spmem:s2] =	stream.indirect.scatter.add.f32 [tilespmem:s18], [sflag:$0x5], $0x1, s21, s14, $0xb8;
	[tilespmem:$0x1E300] =	vst v63  }
0x3b4: {  	_ =	swait.ge [sflag:s9], $0x80  }
0x3b5: {  	[sflag:s9] =	ssyncset.done $0x0  }
0x3b6: {  	s23 =	simm.s32 $0x380;
	[sflag:s9] =	ssyncadd.s32 $0xFFFFFF80  }
0x3b7: {  	[tilespmem:s16], [sflag:$0x2] =	stream.indirect.gather [hbm4b:s5+s14], $0x80, s23, s14, $0xb8;
	[tilespmem:$0x1E300] =	vst v63  }
0x3b8: {  	_ =	swait.ge [sflag:s17], $0x4000  }
0x3b9: {  	[sflag:s17] =	ssyncset.done $0x0  }
0x3ba: {  	s25 =	simm.s32 $0xB00;
	[sflag:s17] =	ssyncadd.s32 $0xFFFFC000  }
0x3bb: {  	[spmem:s1] =	stream.indirect.scatter.add.f32 [tilespmem:s15], [sflag:$0x5], $0x80, s25, s14, $0xb8;
	[tilespmem:$0x1E300] =	vst v63  }
0x3bc: {  	_ =	swait.ge [sflag:s9], $0x4000  }
0x3bd: {  	[sflag:s9] =	ssyncset.done $0x0  }
0x3be: {  	[sflag:s9] =	ssyncadd.s32 $0xFFFFC000  }
0x3bf: {  	[spmem:s2] =	stream.indirect.scatter.add.f32 [tilespmem:s18], [sflag:$0x5], $0x1, s25, s14, $0xb8;
	[tilespmem:$0x1E300] =	vst v63  }
0x3c0: {  	_ =	swait.ge [sflag:s9], $0x80  }
0x3c1: {  	[sflag:s9] =	ssyncset.done $0x0  }
0x3c2: {  	s3 =	simm.s32 $0x400;
	[sflag:s9] =	ssyncadd.s32 $0xFFFFFF80  }
0x3c3: {  	[tilespmem:s15], [sflag:$0x1] =	stream.indirect.gather [hbm4b:s5+s14], $0x80, s3, s14, $0xb8;
	[tilespmem:$0x1E300] =	vst v63  }
0x3c4: {  	_ =	swait.ge [sflag:s20], $0x4000  }
0x3c5: {  	[sflag:s20] =	ssyncset.done $0x0  }
0x3c6: {  	s4 =	simm.s32 $0xB80;
	[sflag:s20] =	ssyncadd.s32 $0xFFFFC000  }
0x3c7: {  	[spmem:s1] =	stream.indirect.scatter.add.f32 [tilespmem:s16], [sflag:$0x5], $0x80, s4, s14, $0xb8;
	[tilespmem:$0x1E300] =	vst v63  }
0x3c8: {  	_ =	swait.ge [sflag:s9], $0x4000  }
0x3c9: {  	[sflag:s9] =	ssyncset.done $0x0  }
0x3ca: {  	[sflag:s9] =	ssyncadd.s32 $0xFFFFC000  }
0x3cb: {  	[spmem:s2] =	stream.indirect.scatter.add.f32 [tilespmem:s18], [sflag:$0x5], $0x1, s4, s14, $0xb8;
	[tilespmem:$0x1E300] =	vst v63  }
0x3cc: {  	_ =	swait.ge [sflag:s9], $0x80  }
0x3cd: {  	[sflag:s9] =	ssyncset.done $0x0  }
0x3ce: {  	s6 =	simm.s32 $0x480;
	[sflag:s9] =	ssyncadd.s32 $0xFFFFFF80  }
0x3cf: {  	[tilespmem:s16], [sflag:$0x2] =	stream.indirect.gather [hbm4b:s5+s14], $0x80, s6, s14, $0xb8;
	[tilespmem:$0x1E300] =	vst v63  }
0x3d0: {  	_ =	swait.ge [sflag:s17], $0x4000  }
0x3d1: {  	[sflag:s17] =	ssyncset.done $0x0  }
0x3d2: {  	s11 =	simm.s32 $0xC00;
	[sflag:s17] =	ssyncadd.s32 $0xFFFFC000  }
0x3d3: {  	[spmem:s1] =	stream.indirect.scatter.add.f32 [tilespmem:s15], [sflag:$0x5], $0x80, s11, s14, $0xb8;
	[tilespmem:$0x1E300] =	vst v63  }
0x3d4: {  	_ =	swait.ge [sflag:s9], $0x4000  }
0x3d5: {  	[sflag:s9] =	ssyncset.done $0x0  }
0x3d6: {  	[sflag:s9] =	ssyncadd.s32 $0xFFFFC000  }
0x3d7: {  	[spmem:s2] =	stream.indirect.scatter.add.f32 [tilespmem:s18], [sflag:$0x5], $0x1, s11, s14, $0xb8;
	[tilespmem:$0x1E300] =	vst v63  }
0x3d8: {  	_ =	swait.ge [sflag:s9], $0x80  }
0x3d9: {  	[sflag:s9] =	ssyncset.done $0x0  }
0x3da: {  	s21 =	simm.s32 $0x500;
	[sflag:s9] =	ssyncadd.s32 $0xFFFFFF80  }
0x3db: {  	[tilespmem:s15], [sflag:$0x1] =	stream.indirect.gather [hbm4b:s5+s14], $0x80, s21, s14, $0xb8;
	[tilespmem:$0x1E300] =	vst v63  }
0x3dc: {  	_ =	swait.ge [sflag:s20], $0x4000  }
0x3dd: {  	[sflag:s20] =	ssyncset.done $0x0  }
0x3de: {  	s23 =	simm.s32 $0xC80;
	[sflag:s20] =	ssyncadd.s32 $0xFFFFC000  }
0x3df: {  	[spmem:s1] =	stream.indirect.scatter.add.f32 [tilespmem:s16], [sflag:$0x5], $0x80, s23, s14, $0xb8;
	[tilespmem:$0x1E300] =	vst v63  }
0x3e0: {  	_ =	swait.ge [sflag:s9], $0x4000  }
0x3e1: {  	[sflag:s9] =	ssyncset.done $0x0  }
0x3e2: {  	[sflag:s9] =	ssyncadd.s32 $0xFFFFC000  }
0x3e3: {  	[spmem:s2] =	stream.indirect.scatter.add.f32 [tilespmem:s18], [sflag:$0x5], $0x1, s23, s14, $0xb8;
	[tilespmem:$0x1E300] =	vst v63  }
0x3e4: {  	_ =	swait.ge [sflag:s9], $0x80  }
0x3e5: {  	[sflag:s9] =	ssyncset.done $0x0  }
0x3e6: {  	s25 =	simm.s32 $0x580;
	[sflag:s9] =	ssyncadd.s32 $0xFFFFFF80  }
0x3e7: {  	[tilespmem:s16], [sflag:$0x2] =	stream.indirect.gather [hbm4b:s5+s14], $0x80, s25, s14, $0xb8;
	[tilespmem:$0x1E300] =	vst v63  }
0x3e8: {  	_ =	swait.ge [sflag:s17], $0x4000  }
0x3e9: {  	[sflag:s17] =	ssyncset.done $0x0  }
0x3ea: {  	s3 =	simm.s32 $0xD00;
	[sflag:s17] =	ssyncadd.s32 $0xFFFFC000  }
0x3eb: {  	[spmem:s1] =	stream.indirect.scatter.add.f32 [tilespmem:s15], [sflag:$0x5], $0x80, s3, s14, $0xb8;
	[tilespmem:$0x1E300] =	vst v63  }
0x3ec: {  	_ =	swait.ge [sflag:s9], $0x4000  }
0x3ed: {  	[sflag:s9] =	ssyncset.done $0x0  }
0x3ee: {  	[sflag:s9] =	ssyncadd.s32 $0xFFFFC000  }
0x3ef: {  	[spmem:s2] =	stream.indirect.scatter.add.f32 [tilespmem:s18], [sflag:$0x5], $0x1, s3, s14, $0xb8;
	[tilespmem:$0x1E300] =	vst v63  }
0x3f0: {  	_ =	swait.ge [sflag:s9], $0x80  }
0x3f1: {  	[sflag:s9] =	ssyncset.done $0x0  }
0x3f2: {  	s4 =	simm.s32 $0x600;
	[sflag:s9] =	ssyncadd.s32 $0xFFFFFF80  }
0x3f3: {  	[tilespmem:s15], [sflag:$0x1] =	stream.indirect.gather [hbm4b:s5+s14], $0x80, s4, s14, $0xb8;
	[tilespmem:$0x1E300] =	vst v63  }
0x3f4: {  	_ =	swait.ge [sflag:s20], $0x4000  }
0x3f5: {  	[sflag:s20] =	ssyncset.done $0x0  }
0x3f6: {  	s6 =	simm.s32 $0xD80;
	[sflag:s20] =	ssyncadd.s32 $0xFFFFC000  }
0x3f7: {  	[spmem:s1] =	stream.indirect.scatter.add.f32 [tilespmem:s16], [sflag:$0x5], $0x80, s6, s14, $0xb8;
	[tilespmem:$0x1E300] =	vst v63  }
0x3f8: {  	_ =	swait.ge [sflag:s9], $0x4000  }
0x3f9: {  	[sflag:s9] =	ssyncset.done $0x0  }
0x3fa: {  	[sflag:s9] =	ssyncadd.s32 $0xFFFFC000  }
0x3fb: {  	[spmem:s2] =	stream.indirect.scatter.add.f32 [tilespmem:s18], [sflag:$0x5], $0x1, s6, s14, $0xb8;
	[tilespmem:$0x1E300] =	vst v63  }
0x3fc: {  	_ =	swait.ge [sflag:s9], $0x80  }
0x3fd: {  	[sflag:s9] =	ssyncset.done $0x0  }
0x3fe: {  	s11 =	simm.s32 $0x680;
	[sflag:s9] =	ssyncadd.s32 $0xFFFFFF80  }
0x3ff: {  	[tilespmem:s16], [sflag:$0x2] =	stream.indirect.gather [hbm4b:s5+s14], $0x80, s11, s14, $0xb8;
	[tilespmem:$0x1E300] =	vst v63  }
0x400: {  	_ =	swait.ge [sflag:s17], $0x4000  }
0x401: {  	[sflag:s17] =	ssyncset.done $0x0  }
0x402: {  	s21 =	simm.s32 $0xE00;
	[sflag:s17] =	ssyncadd.s32 $0xFFFFC000  }
0x403: {  	[spmem:s1] =	stream.indirect.scatter.add.f32 [tilespmem:s15], [sflag:$0x5], $0x80, s21, s14, $0xb8;
	[tilespmem:$0x1E300] =	vst v63  }
0x404: {  	_ =	swait.ge [sflag:s9], $0x4000  }
0x405: {  	[sflag:s9] =	ssyncset.done $0x0  }
0x406: {  	[sflag:s9] =	ssyncadd.s32 $0xFFFFC000  }
0x407: {  	[spmem:s2] =	stream.indirect.scatter.add.f32 [tilespmem:s18], [sflag:$0x5], $0x1, s21, s14, $0xb8;
	[tilespmem:$0x1E300] =	vst v63  }
0x408: {  	_ =	swait.ge [sflag:s9], $0x80  }
0x409: {  	[sflag:s9] =	ssyncset.done $0x0  }
0x40a: {  	s23 =	simm.s32 $0x700;
	[sflag:s9] =	ssyncadd.s32 $0xFFFFFF80  }
0x40b: {  	[tilespmem:s15], [sflag:$0x1] =	stream.indirect.gather [hbm4b:s5+s14], $0x80, s23, s14, $0xb8;
	[tilespmem:$0x1E300] =	vst v63  }
0x40c: {  	_ =	swait.ge [sflag:s20], $0x4000  }
0x40d: {  	[sflag:s20] =	ssyncset.done $0x0  }
0x40e: {  	s25 =	simm.s32 $0xE80;
	[sflag:s20] =	ssyncadd.s32 $0xFFFFC000  }
0x40f: {  	[spmem:s1] =	stream.indirect.scatter.add.f32 [tilespmem:s16], [sflag:$0x5], $0x80, s25, s14, $0xb8;
	[tilespmem:$0x1E300] =	vst v63  }
0x410: {  	_ =	swait.ge [sflag:s9], $0x4000  }
0x411: {  	[sflag:s9] =	ssyncset.done $0x0  }
0x412: {  	[sflag:s9] =	ssyncadd.s32 $0xFFFFC000  }
0x413: {  	[spmem:s2] =	stream.indirect.scatter.add.f32 [tilespmem:s18], [sflag:$0x5], $0x1, s25, s14, $0xb8;
	[tilespmem:$0x1E300] =	vst v63  }
0x414: {  	_ =	swait.ge [sflag:s9], $0x80  }
0x415: {  	[sflag:s9] =	ssyncset.done $0x0  }
0x416: {  	s3 =	simm.s32 $0x780;
	[sflag:s9] =	ssyncadd.s32 $0xFFFFFF80  }
0x417: {  	[tilespmem:s16], [sflag:$0x2] =	stream.indirect.gather [hbm4b:s5+s14], $0x80, s3, s14, $0xb8;
	[tilespmem:$0x1E300] =	vst v63  }
0x418: {  	_ =	swait.ge [sflag:s17], $0x4000  }
0x419: {  	[sflag:s17] =	ssyncset.done $0x0  }
0x41a: {  	s4 =	simm.s32 $0xF00;
	[sflag:s17] =	ssyncadd.s32 $0xFFFFC000  }
0x41b: {  	[spmem:s1] =	stream.indirect.scatter.add.f32 [tilespmem:s15], [sflag:$0x5], $0x80, s4, s14, $0xb8;
	[tilespmem:$0x1E300] =	vst v63  }
0x41c: {  	_ =	swait.ge [sflag:s9], $0x4000  }
0x41d: {  	[sflag:s9] =	ssyncset.done $0x0  }
0x41e: {  	[sflag:s9] =	ssyncadd.s32 $0xFFFFC000  }
0x41f: {  	[spmem:s2] =	stream.indirect.scatter.add.f32 [tilespmem:s18], [sflag:$0x5], $0x1, s4, s14, $0xb8;
	[tilespmem:$0x1E300] =	vst v63  }
0x420: {  	_ =	swait.ge [sflag:s9], $0x80  }
0x421: {  	[sflag:s9] =	ssyncset.done $0x0  }
0x422: {  	[sflag:s9] =	ssyncadd.s32 $0xFFFFFF80  }
0x423: {  	_ =	swait.ge [sflag:s20], $0x4000  }
0x424: {  	[sflag:s20] =	ssyncset.done $0x0  }
0x425: {  	s6 =	simm.s32 $0xF80;
	[sflag:s20] =	ssyncadd.s32 $0xFFFFC000  }
0x426: {  	[spmem:s1] =	stream.indirect.scatter.add.f32 [tilespmem:s16], [sflag:$0x5], $0x80, s6, s14, $0xb8;
	[tilespmem:$0x1E300] =	vst v63  }
0x427: {  	_ =	swait.ge [sflag:s9], $0x4000  }
0x428: {  	[sflag:s9] =	ssyncset.done $0x0  }
0x429: {  	[sflag:s9] =	ssyncadd.s32 $0xFFFFC000  }
0x42a: {  	[spmem:s2] =	stream.indirect.scatter.add.f32 [tilespmem:s18], [sflag:$0x5], $0x1, s6, s14, $0xb8;
	[tilespmem:$0x1E300] =	vst v63  }
0x42b: {  	_ =	swait.ge [sflag:s9], $0x80  }
0x42c: {  	[sflag:s9] =	ssyncset.done $0x0  }
0x42d: {  	[sflag:s9] =	ssyncadd.s32 $0xFFFFFF80  }
0x42e: {  	[bflag:$0x0] =	sbarrier.arrive $0xFFFF  }
0x42f: {  	s11 =	rddreg [dreg:$0x11]  }
0x430: {  	s23 =	rddreg [dreg:$0x17]  }
0x431: {  	s25 =	rddreg [dreg:$0x15]  }
0x432: {  	[hbm:s11], [sflag:s23] =	dma.local [spmem:s25], $0x2800  }
0x433: {  	_ =	swait.ge [sflag:s9], $0x2800  }
0x434: {  	s0 =	rddreg [dreg:$0x12]  }
0x435: {  	s4 =	rddreg [dreg:$0x13]  }
0x436: {  	p0 =	sne.s32 s7, $0x1;
	s6 =	rddreg [dreg:$0x14];
	[sflag:s9] =	ssyncset.done $0x0  }
.Ltmp0:
0x437: {  	s11 =	rddreg [dreg:$0x16];
	[sflag:s9] =	ssyncadd.s32 $0xFFFFD800;
	(pc) =	sbr.rel @p0 .LBB2_1-.Ltmp0, $4  }
0x438: {  	[hbm:s0@s4], [sflag:s23] =	dma.strided [spmem:s11@s6], $0x50, s17, $0x10   }
0x439: {  	_ =	swait.ge [sflag:s9], $0x50  }
0x43a: {  	[sflag:s9] =	ssyncset.done $0x0  }
0x43b: {  	s7 =	sadd.s32 $0xFFFFFFFF, s7;
	[sflag:s9] =	ssyncadd.s32 $0xFFFFFFB0  }
0x43c: {  	_ =	sfence.sel $0x180000  }
0x43d: {  	[bflag:$0x0] =	sbarrier.arrive $0xFFFF  }
0x43e: {  	_ =	strace $0x90000047  }
0x43f: {  	s0 =	stileid.u32;
	[bflag:$0x2] =	sbarrier.arrive $0xFFFF  }
0x440: {  	p0 =	sne.s32 s0, $0x0;
	s0 =	rddreg [dreg:$0x4]  }
0x441: {  	s0 =	sadd.s32 @!p0 $0x100000, s0  }
0x442: {  	[sflag:s0] =	ssyncadd.tile.s32 @!p0 $0x1;
	_ =	shalt  }
.Lfunc_end2:
_tile_overlayer_lowered:
.L_overlay_start_2:
0x443: {  	(tag) =	ssettag $0x2  }
0x444: {  	s0 =	rddreg [dreg:$0x0];
	s2 =	stileid.u32  }
0x445: {  	s1 =	rddreg [dreg:$0x1];
	p0 =	sne.s32 s2, $0x0  }
0x446: {  	s3 =	rddreg [dreg:$0x2];
	[bflag:$0x3] =	sbarrier.arrive $0xFFFF;
	s2 =	simm.s32 @!p0 $0x1C05  }
0x447: {  	[timem:s3], [sflag:s2] =	dma.local @!p0 [hbm:s0], s1  }
0x448: {  	s0 =	simm.s32 @!p0 $0x5  }
0x449: {  	_ =	swait.ge @!p0 [sflag:s0], s1  }
0x44a: {  	s1 =	ssub.s32 @!p0 $0x0, s1;
	[sflag:s0] =	ssyncset.done @!p0 $0x0  }
0x44b: {  	[sflag:s0] =	ssyncadd.s32 @!p0 s1  }
0x44c: {  	[bflag:$0x3] =	sbarrier.arrive $0xFFFF  }
0x44d: {  	_ =	shalt  }

// kernel: kernel.9.cloned.1.call-start
scs
__scs_entry_jumppad:
0x0: {  	(pc) =	sbr.rel $0x88, $3  }
0x1: {  	(tag) =	ssettag $0x0;
	lr =	simm.s32 $0x1  }
0x2: {  	[smem:$0x3F99] =	sst lr;
	_ =	strace $0xD0000000  }
0x3: {  	_ = 	snop  }
0x4: {  	_ = 	snop  }
0x5: {  	_ = 	snop  }
0x6: {  	_ = 	snop  }
0x7: {  	_ = 	snop  }
__scs_overlays_trampoline_lowered:
0x8: {  	[smem:$0x3FA8] =	sst s0  }
0x9: {  	[smem:$0x3FA9] =	sst s1  }
0xa: {  	[smem:$0x3FAA] =	sst s2  }
0xb: {  	[smem:$0x3FAB] =	sst s3  }
0xc: {  	[smem:$0x3FAC] =	sst s4  }
0xd: {  	[smem:$0x3FAD] =	sst s5  }
0xe: {  	[smem:$0x3FAE] =	sst s6  }
0xf: {  	[smem:$0x3FAF] =	sst s7  }
0x10: {  	[smem:$0x3FB0] =	sst s8  }
0x11: {  	[smem:$0x3FB1] =	sst s9;
	s0 =	simm.s32 @!p0 $0x0  }
0x12: {  	s1 =	sld [smem:$0x3F97];
	s0 =	simm.s32 @p0 $0x1  }
0x13: {  	[smem:$0x3FB2] =	sst s0;
	s0 =	simm.s32 @!p1 $0x0  }
0x14: {  	s2 =	sld [smem:$0x3F96];
	s0 =	simm.s32 @p1 $0x1  }
0x15: {  	[smem:$0x3FB3] =	sst s0;
	s0 =	simm.s32 @!p2 $0x0  }
0x16: {  	s3 =	sld [smem:$0x3FDB];
	s0 =	simm.s32 @p2 $0x1  }
0x17: {  	s4 =	simm.s32 $0x1BF5;
	[smem:$0x3FB5] =	sst s0  }
0x18: {  	s0 =	sld [smem:$0x3F98];
	_ =	swait.ge [sflag:s4], $0x0  }
0x19: {  	s7 =	sld [smem:$0x3F99]  }
0x1a: {  	s8 =	sadd.s32 $0xFFFFE003, lr  }
0x1b: {  	s9 =	sadd.s32 $0xFFFFFEF7, lr;
	s5 =	simm.s32 $0xFFFFFFFF;
	p2 =	slt.u32 s8, $0xFFFFF086  }
0x1c: {  	p1 =	slt.u32 s9, $0xF7A;
	s5 =	simm.s32 @!p2 $0x0  }
0x1d: {  	s5 =	simm.s32 @p1 $0x1;
	p0 =	seq.s32 s7, s2  }
0x1e: {  	s7 =	smul.u32 @!p0 $0xF7A, s2;
	p2 =	seq.s32 @!p0 s5, $0x0  }
0x1f: {  	s9 =	smul.u32 $0xF7A, s1;
	s8 =	simm.s32 @!p0 $0x1BF5;
	p2 =	por !p2, p0  }
0x20: {  	[sflag:s8] =	ssyncset.s32 @!p0 $0xFFFFF086;
	s6 =	sadd.s32 @!p0 s3, s7;
	s7 =	simm.s32 @!p0 $0x108  }
0x21: {  	s3 =	sadd.s32 s3, s9;
	s6 =	sadd.s32 @!p0 $0x88, s6;
	s7 =	simm.s32 @p2 $0x1082  }
0x22: {  	[simem:s7], [sflag:s8] =	dma.local @!p0 [hbm:s6], $0xF7A  }
0x23: {  	s9 =	sor.u32 $0xD0000000, s2;
	s6 =	simm.s32 $0x108;
	_ =	swait.ge @!p0 [sflag:s8], $0x0  }
0x24: {  	s3 =	sadd.s32 $0x88, s3;
	s6 =	simm.s32 @!p1 $0x1082;
	[sflag:s4] =	ssyncset.s32 $0xFFFFF086  }
0x25: {  	[simem:s6], [sflag:s4] =	dma.local [hbm:s3], $0xF7A  }
0x26: {  	[smem:$0x3F99] =	sst s1;
	(tag) =	ssettag s2;
	_ =	strace s9  }
0x27: {  	s1 =	sld [smem:$0x3FA9]  }
0x28: {  	s2 =	sld [smem:$0x3FAA]  }
0x29: {  	s4 =	sld [smem:$0x3FAC]  }
0x2a: {  	p0 =	seq.s32 s5, $0x0;
	s5 =	sld [smem:$0x3FAD]  }
0x2b: {  	s6 =	sld [smem:$0x3FAE]  }
0x2c: {  	s7 =	sld [smem:$0x3FAF]  }
0x2d: {  	s3 =	simm.s32 $0x108;
	s8 =	sld [smem:$0x3FB0]  }
0x2e: {  	s3 =	simm.s32 @!p0 $0x1082;
	s9 =	sld [smem:$0x3FB1]  }
0x2f: {  	lr =	sadd.s32 s0, s3;
	s0 =	sld [smem:$0x3FA8]  }
0x30: {  	s3 =	sld [smem:$0x3FAB]  }
0x31: {  	[smem:$0x3FB4] =	sst s10  }
0x32: {  	s10 =	sld [smem:$0x3FB2];
	_ =	sdelay $0x3  }
0x33: {  	p0 =	seq.s32 s10, $0x1;
	s10 =	sld [smem:$0x3FB4];
	_ =	sdelay $0x3  }
0x34: {  	[smem:$0x3FB4] =	sst s10  }
0x35: {  	s10 =	sld [smem:$0x3FB3];
	_ =	sdelay $0x3  }
0x36: {  	p1 =	seq.s32 s10, $0x1;
	s10 =	sld [smem:$0x3FB4];
	_ =	sdelay $0x3  }
0x37: {  	[smem:$0x3FB4] =	sst s10  }
0x38: {  	s10 =	sld [smem:$0x3FB5]  }
0x39: {  	_ = 	snop;
	(pc) =	sbr.ind lr, $3  }
0x3a: {  	_ = 	snop  }
0x3b: {  	_ = 	snop  }
0x3c: {  	p2 =	seq.s32 s10, $0x1;
	s10 =	sld [smem:$0x3FB4]  }
0x3d: {  	_ =	shalt  }
0x3e: {  	_ =	shalt  }
0x3f: {  	_ =	shalt  }
0x40: {  	_ =	shalt  }
0x41: {  	_ =	shalt  }
0x42: {  	_ =	shalt  }
0x43: {  	_ =	shalt  }
0x44: {  	_ =	shalt  }
0x45: {  	_ =	shalt  }
0x46: {  	_ =	shalt  }
0x47: {  	_ =	shalt  }
0x48: {  	_ =	shalt  }
0x49: {  	_ =	shalt  }
0x4a: {  	_ =	shalt  }
0x4b: {  	_ =	shalt  }
0x4c: {  	_ =	shalt  }
0x4d: {  	_ =	shalt  }
0x4e: {  	_ =	shalt  }
0x4f: {  	_ =	shalt  }
0x50: {  	_ =	shalt  }
0x51: {  	_ =	shalt  }
0x52: {  	_ =	shalt  }
0x53: {  	_ =	shalt  }
0x54: {  	_ =	shalt  }
0x55: {  	_ =	shalt  }
0x56: {  	_ =	shalt  }
0x57: {  	_ =	shalt  }
0x58: {  	_ =	shalt  }
0x59: {  	_ =	shalt  }
0x5a: {  	_ =	shalt  }
0x5b: {  	_ =	shalt  }
0x5c: {  	_ =	shalt  }
0x5d: {  	_ =	shalt  }
0x5e: {  	_ =	shalt  }
0x5f: {  	_ =	shalt  }
0x60: {  	_ =	shalt  }
0x61: {  	_ =	shalt  }
0x62: {  	_ =	shalt  }
0x63: {  	_ =	shalt  }
0x64: {  	_ =	shalt  }
0x65: {  	_ =	shalt  }
0x66: {  	_ =	shalt  }
0x67: {  	_ =	shalt  }
0x68: {  	_ =	shalt  }
0x69: {  	_ =	shalt  }
0x6a: {  	_ =	shalt  }
0x6b: {  	_ =	shalt  }
0x6c: {  	_ =	shalt  }
0x6d: {  	_ =	shalt  }
0x6e: {  	_ =	shalt  }
0x6f: {  	_ =	shalt  }
0x70: {  	_ =	shalt  }
0x71: {  	_ =	shalt  }
0x72: {  	_ =	shalt  }
0x73: {  	_ =	shalt  }
0x74: {  	_ =	shalt  }
0x75: {  	_ =	shalt  }
0x76: {  	_ =	shalt  }
0x77: {  	_ =	shalt  }
0x78: {  	_ =	shalt  }
0x79: {  	_ =	shalt  }
0x7a: {  	_ =	shalt  }
0x7b: {  	_ =	shalt  }
0x7c: {  	_ =	shalt  }
0x7d: {  	_ =	shalt  }
0x7e: {  	_ =	shalt  }
0x7f: {  	_ =	shalt  }
0x80: {  	_ =	shalt  }
0x81: {  	_ =	shalt  }
0x82: {  	_ =	shalt  }
0x83: {  	_ =	shalt  }
0x84: {  	_ =	shalt  }
0x85: {  	_ =	shalt  }
0x86: {  	_ =	shalt  }
0x87: {  	_ =	shalt  }
.Lfunc_end0:
.L_simem_size_0:
called_computation.1_lowered:
.L_overlay_start_0:
0x88: {  	s2 =	sld [smem:$0x3FD9]  }
0x89: {  	s3 =	sld [smem:$0x3FFE];
	_ =	sdelay $0x1  }
0x8a: {  	s1 =	srdreg.scid  }
0x8b: {  	s0 =	sand.u32 $0x1, s1  }
0x8c: {  	s17 =	sshll.u32 s0, $0xA;
	s2 =	sadd.s32 s3, s2  }
0x8d: {  	s2 =	sadd.s32 s2, s17  }
0x8e: {  	[smem:$0x3FC0] =	sst s2  }
0x8f: {  	_ = 	snop  }
0x90: {  	s2 =	sld [smem:$0x3FD0];
	(tm) =	ssettm $0x1  }
0x91: {  	s18 =	sld [smem:$0x3FFB];
	_ =	sdelay $0x3  }
0x92: {  	_ =	strace s18  }
0x93: {  	s3 =	sld [smem:$0x3FFC];
	_ =	sdelay $0x3  }
0x94: {  	_ =	strace s3  }
0x95: {  	s3 =	sld [smem:$0x3FFD];
	_ =	sdelay $0x3  }
0x96: {  	_ =	strace s3  }
0x97: {  	_ =	strace $0x8FFFFFFF  }
0x98: {  	s19 =	sld [smem:$0x3FDB];
	_ =	sdelay $0x1  }
0x99: {  	s4 =	simm.s32 $_scs_section_size  }
0x9a: {  	s5 =	simm.s32 $_size__tile_overlayer_lowered;
	s6 =	simm.s32 $_tile_overlayer_lowered  }
0x9b: {  	s22 =	simm.s32 $0x1BFF;
	s21 =	sshll.u32 s6, $0x1;
	s3 =	sadd.s32 s4, s19  }
0x9c: {  	s7 =	simm.s32 $0x0;
	s20 =	sshll.u32 s5, $0x1;
	s5 =	sadd.s32 s21, s3  }
0x9d: {  	[timem:s7], [sflag:s22] =	dma.local [hbm:s5], s20  }
0x9e: {  	_ =	swait.ge [sflag:s22], s20  }
0x9f: {  	s4 =	ssub.s32 $0x0, s20;
	[sflag:s22] =	ssyncset.done $0x0  }
0xa0: {  	[sflag:s22] =	ssyncadd.s32 s4;
	_ =	sdelay $0x1  }
0xa1: {  	s23 =	simm.s32 $0x1B8B  }
0xa2: {  	_ =	swait.ge [sflag:s23], $0x1  }
0xa3: {  	[sflag:s23] =	ssyncset.done $0x0  }
0xa4: {  	s25 =	simm.s32 $0x1B8E;
	s24 =	sld [smem:$0x3FFE];
	[sflag:s23] =	ssyncadd.s32 $0xFFFFFFFF  }
0xa5: {  	s26 =	simm.s32 $execute0_lowered;
	[smem:$0x3FD2] =	sst s25  }
0xa6: {  	s5 =	sshll.u32 s26, $0x1;
	_ =	strace $0x80000049;
	[dreg:$0x1] =	wrdreg $0xFFFFFFFF  }
0xa7: {  	s28 =	simm.s32 $_size_execute0_lowered;
	s3 =	sadd.s32 s3, s5;
	[dreg:$0x0] =	wrdreg $0x0  }
0xa8: {  	s5 =	sshll.u32 s28, $0x1;
	[dreg:$0x2] =	wrdreg s3  }
0xa9: {  	[dreg:$0x3] =	wrdreg s5  }
0xaa: {  	[dreg:$0x4] =	wrdreg $0xC0  }
0xab: {  	_ =	task [dreg:s7], $0x5FFFF  }
0xac: {  	[dreg:$0x1] =	wrdreg $0xFFFFFFFF  }
0xad: {  	[dreg:$0x0] =	wrdreg $0x60  }
0xae: {  	[dreg:$0x2] =	wrdreg s24  }
0xaf: {  	[dreg:$0x3] =	wrdreg s2  }
0xb0: {  	[dreg:$0x4] =	wrdreg $0xA0000  }
0xb1: {  	[dreg:$0x5] =	wrdreg $0x9  }
0xb2: {  	_ =	task.clear_ibuf [dreg:s7], $0x6FFFF;
	_ =	strace $0x90000049  }
0xb3: {  	s29 =	simm.s32 $0x9;
	_ =	strace $0x8000004B  }
0xb4: {  	_ =	swait.ge [sflag:s29], $0x1  }
0xb5: {  	[sflag:s29] =	ssyncadd.s32 $0xFFFFFFFF  }
0xb6: {  	_ =	strace $0x9000004B  }
0xb7: {  	_ =	sfence  }
0xb8: {  	s30 =	sld [smem:$0x0];
	_ =	sdelay $0x2  }
0xb9: {  	s31 =	sshll.u32 s1, $0xD;
	s1 =	sshrl.u32 s1, $0x2  }
0xba: {  	s3 =	sand.u32 $0x4000, s31;
	s1 =	sadd.s32 s1, s30  }
0xbb: {  	s0 =	sor.u32 s3, s0;
	s1 =	sshll.u32 s1, $0x11  }
0xbc: {  	s0 =	sor.u32 s1, s0  }
0xbd: {  	s0 =	sadd.s32 $0x8F2B, s0  }
0xbe: {  	[sflag:s0] =	ssyncadd.remote.s32 $0x1  }
0xbf: {  	_ =	sfence.sel $0xFFFF  }
0xc0: {  	[dreg:$0x0] =	wrdreg $0xFFFFFFFF;
	(pc) =	sbr.abs _section_cstart, $3  }
0xc1: {  	[dreg:$0x1] =	wrdreg $0xFFFFFFFF  }
0xc2: {  	_ =	task.clear_ibuf [dreg:s7], $0x2FFFF;
	_ =	strace $0x9FFFFFFF  }
0xc3: {  	(tm) =	ssettm $0x7FFFFFFF  }
tec
execute0_lowered:
.L_overlay_start_1:
0x0: {  	(tag) =	ssettag $0x1  }
0x1: {  	s0 =	rddreg [dreg:$0x0]  }
0x2: {  	s1 =	rddreg [dreg:$0x1];
	s3 =	srdreg.scid  }
0x3: {  	s10 =	stileid.u32;
	s2 =	rddreg [dreg:$0x2]  }
0x4: {  	s4 =	simm.s32 $0x0;
	s7 =	sand.u32 $0x1, s3;
	s15 =	sshll.u32 s10, $0x1  }
0x5: {  	[smem:$0x7FF] =	sst s4;
	s16 =	smul.u32 $0x14000, s10;
	s3 =	sor.u32 s7, s15  }
0x6: {  	s5 =	sadd.s32 $0x2200, s0;
	s6 =	sadd.s32 $0x34400, s0;
	s3 =	smul.u32 $0x2800, s3  }
0x7: {  	s24 =	smul.u32 $0x50000, s10;
	s11 =	sshll.u32 s10, $0x6;
	[dreg:$0x12] =	wrdreg s7  }
0x8: {  	_ =	strace $0x8000004A;
	[dreg:$0x4] =	wrdreg s6;
	s3 =	sshrl.u32 s3, $0x3  }
0x9: {  	s7 =	smul.u32 $0x140000, s7;
	s12 =	rddreg [dreg:$0x4];
	s8 =	sadd.s32 s1, s3  }
0xa: {  	s17 =	sadd.s32 s5, s3;
	s9 =	sadd.s32 $0x100, s3;
	[dreg:$0x5] =	wrdreg s8  }
0xb: {  	s28 =	sshrl.u32 s24, $0x2;
	[dreg:$0x6] =	wrdreg s17;
	s18 =	sadd.s32 s1, s9  }
0xc: {  	s20 =	sadd.s32 $0x200, s3;
	s19 =	sadd.s32 s5, s9;
	[dreg:$0x7] =	wrdreg s18  }
0xd: {  	s6 =	sadd.s32 s16, s7;
	s21 =	sadd.s32 s1, s20;
	[dreg:$0x8] =	wrdreg s19  }
0xe: {  	s23 =	sadd.s32 $0x300, s3;
	s22 =	sadd.s32 s5, s20;
	[dreg:$0x9] =	wrdreg s21  }
0xf: {  	s6 =	sshrl.u32 s6, $0x3;
	s25 =	sadd.s32 s1, s23;
	[dreg:$0xa] =	wrdreg s22  }
0x10: {  	s3 =	sadd.s32 $0x400, s3;
	s26 =	sadd.s32 s5, s23;
	[dreg:$0xb] =	wrdreg s25  }
0x11: {  	s6 =	sadd.s32 s6, s0;
	s1 =	sadd.s32 s1, s3;
	[dreg:$0xc] =	wrdreg s26  }
0x12: {  	s9 =	sadd.s32 s28, s2;
	s5 =	sadd.s32 s5, s3;
	[dreg:$0xd] =	wrdreg s1  }
0x13: {  	s13 =	sadd.s32 $0x36C00, s6;
	s26 =	sor.u32 $0x1C05, s11;
	[dreg:$0xe] =	wrdreg s5  }
0x14: {  	[dreg:$0xf] =	wrdreg s13;
	s9 =	sshrl.u32 s9, $0x3;
	s5 =	simm.s32 $0x5  }
0x15: {  	[spmem:s9], [sflag:s26] =	dma.local [hbm:s12], $0x2800  }
0x16: {  	_ =	swait.ge [sflag:s5], $0x2800  }
0x17: {  	[sflag:s5] =	ssyncset.done $0x0  }
0x18: {  	[sflag:s5] =	ssyncadd.s32 $0xFFFFD800  }
0x19: {  	[bflag:$0x0] =	sbarrier.arrive $0xFFFF  }
0x1a: {  	s14 =	rddreg [dreg:$0x5]  }
0x1b: {  	[tilespmem:s4], [sflag:$0x5] =	stream.linear.gather [hbm4b:s14+s4], $0x800, $0x38;
	[tilespmem:$0x1E000] =	vst v63  }
0x1c: {  	_ =	swait.ge [sflag:s5], $0x800  }
0x1d: {  	[sflag:s5] =	ssyncset.done $0x0  }
0x1e: {  	s6 =	simm.s32 $0x800;
	s15 =	rddreg [dreg:$0x6];
	[sflag:s5] =	ssyncadd.s32 $0xFFFFF800  }
0x1f: {  	[tilespmem:s6], [sflag:$0x5] =	stream.linear.gather [hbm4b:s15+s4], $0x800, $0x38;
	[tilespmem:$0x1E000] =	vst v63  }
0x20: {  	_ =	swait.ge [sflag:s5], $0x800  }
0x21: {  	[sflag:s5] =	ssyncset.done $0x0  }
0x22: {  	s17 =	simm.s32 $0x1000;
	s16 =	rddreg [dreg:$0x7];
	[sflag:s5] =	ssyncadd.s32 $0xFFFFF800  }
0x23: {  	[tilespmem:s17], [sflag:$0x3] =	stream.linear.gather [hbm4b:s16+s4], $0x800, $0x38;
	[tilespmem:$0x1E000] =	vst v63  }
0x24: {  	s19 =	simm.s32 $0x1800;
	s18 =	rddreg [dreg:$0x8]  }
0x25: {  	[tilespmem:s19], [sflag:$0x4] =	stream.linear.gather [hbm4b:s18+s4], $0x800, $0x38;
	[tilespmem:$0x1E000] =	vst v63  }
0x26: {  	s10 =	sadd.s32 $0xC200, s0;
	s11 =	simm.s32 $0x80;
	s12 =	simm.s32 $0x2000  }
0x27: {  	[tilespmem:s12], [sflag:$0x1] =	stream.indirect.gather [hbm4b:s10+s11], $0x80, s4, s11, $0xb8;
	[tilespmem:$0x1E000] =	vst v63  }
0x28: {  	s13 =	simm.s32 $0x6000;
	s14 =	simm.s32 $0x1  }
0x29: {  	[tilespmem:s13], [sflag:$0x2] =	stream.indirect.gather [hbm4b:s10+s11], $0x80, s11, s11, $0xb8;
	[tilespmem:$0x1E000] =	vst v63  }
0x2a: {  	_ =	swait.ge [sflag:s14], $0x4000  }
0x2b: {  	[sflag:s14] =	ssyncset.done $0x0  }
0x2c: {  	[sflag:s14] =	ssyncadd.s32 $0xFFFFC000  }
0x2d: {  	[spmem:s2] =	stream.indirect.scatter.add.f32 [tilespmem:s12], [sflag:$0x5], $0x80, s6, s11, $0xb8;
	[tilespmem:$0x1E000] =	vst v63  }
0x2e: {  	_ =	swait.ge [sflag:s5], $0x4000  }
0x2f: {  	[sflag:s5] =	ssyncset.done $0x0  }
0x30: {  	s20 =	simm.s32 $0x100;
	s16 =	simm.s32 $0x2;
	[sflag:s5] =	ssyncadd.s32 $0xFFFFC000  }
0x31: {  	[tilespmem:s12], [sflag:$0x1] =	stream.indirect.gather [hbm4b:s10+s11], $0x80, s20, s11, $0xb8;
	[tilespmem:$0x1E000] =	vst v63  }
0x32: {  	_ =	swait.ge [sflag:s16], $0x4000  }
0x33: {  	[sflag:s16] =	ssyncset.done $0x0  }
0x34: {  	s21 =	simm.s32 $0x880;
	[sflag:s16] =	ssyncadd.s32 $0xFFFFC000  }
0x35: {  	[spmem:s2] =	stream.indirect.scatter.add.f32 [tilespmem:s13], [sflag:$0x5], $0x80, s21, s11, $0xb8;
	[tilespmem:$0x1E000] =	vst v63  }
0x36: {  	_ =	swait.ge [sflag:s5], $0x4000  }
0x37: {  	[sflag:s5] =	ssyncset.done $0x0  }
0x38: {  	s22 =	simm.s32 $0x180;
	[sflag:s5] =	ssyncadd.s32 $0xFFFFC000  }
0x39: {  	[tilespmem:s13], [sflag:$0x2] =	stream.indirect.gather [hbm4b:s10+s11], $0x80, s22, s11, $0xb8;
	[tilespmem:$0x1E000] =	vst v63  }
0x3a: {  	_ =	swait.ge [sflag:s14], $0x4000  }
0x3b: {  	[sflag:s14] =	ssyncset.done $0x0  }
0x3c: {  	s23 =	simm.s32 $0x900;
	[sflag:s14] =	ssyncadd.s32 $0xFFFFC000  }
0x3d: {  	[spmem:s2] =	stream.indirect.scatter.add.f32 [tilespmem:s12], [sflag:$0x5], $0x80, s23, s11, $0xb8;
	[tilespmem:$0x1E000] =	vst v63  }
0x3e: {  	_ =	swait.ge [sflag:s5], $0x4000  }
0x3f: {  	[sflag:s5] =	ssyncset.done $0x0  }
0x40: {  	s24 =	simm.s32 $0x200;
	[sflag:s5] =	ssyncadd.s32 $0xFFFFC000  }
0x41: {  	[tilespmem:s12], [sflag:$0x1] =	stream.indirect.gather [hbm4b:s10+s11], $0x80, s24, s11, $0xb8;
	[tilespmem:$0x1E000] =	vst v63  }
0x42: {  	_ =	swait.ge [sflag:s16], $0x4000  }
0x43: {  	[sflag:s16] =	ssyncset.done $0x0  }
0x44: {  	s25 =	simm.s32 $0x980;
	[sflag:s16] =	ssyncadd.s32 $0xFFFFC000  }
0x45: {  	[spmem:s2] =	stream.indirect.scatter.add.f32 [tilespmem:s13], [sflag:$0x5], $0x80, s25, s11, $0xb8;
	[tilespmem:$0x1E000] =	vst v63  }
0x46: {  	_ =	swait.ge [sflag:s5], $0x4000  }
0x47: {  	[sflag:s5] =	ssyncset.done $0x0  }
0x48: {  	s28 =	simm.s32 $0x280;
	[sflag:s5] =	ssyncadd.s32 $0xFFFFC000  }
0x49: {  	[tilespmem:s13], [sflag:$0x2] =	stream.indirect.gather [hbm4b:s10+s11], $0x80, s28, s11, $0xb8;
	[tilespmem:$0x1E000] =	vst v63  }
0x4a: {  	_ =	swait.ge [sflag:s14], $0x4000  }
0x4b: {  	[sflag:s14] =	ssyncset.done $0x0  }
0x4c: {  	s1 =	simm.s32 $0xA00;
	[sflag:s14] =	ssyncadd.s32 $0xFFFFC000  }
0x4d: {  	[spmem:s2] =	stream.indirect.scatter.add.f32 [tilespmem:s12], [sflag:$0x5], $0x80, s1, s11, $0xb8;
	[tilespmem:$0x1E000] =	vst v63  }
0x4e: {  	_ =	swait.ge [sflag:s5], $0x4000  }
0x4f: {  	[sflag:s5] =	ssyncset.done $0x0  }
0x50: {  	s3 =	simm.s32 $0x300;
	[sflag:s5] =	ssyncadd.s32 $0xFFFFC000  }
0x51: {  	[tilespmem:s12], [sflag:$0x1] =	stream.indirect.gather [hbm4b:s10+s11], $0x80, s3, s11, $0xb8;
	[tilespmem:$0x1E000] =	vst v63  }
0x52: {  	_ =	swait.ge [sflag:s16], $0x4000  }
0x53: {  	[sflag:s16] =	ssyncset.done $0x0  }
0x54: {  	s7 =	simm.s32 $0xA80;
	[sflag:s16] =	ssyncadd.s32 $0xFFFFC000  }
0x55: {  	[spmem:s2] =	stream.indirect.scatter.add.f32 [tilespmem:s13], [sflag:$0x5], $0x80, s7, s11, $0xb8;
	[tilespmem:$0x1E000] =	vst v63  }
0x56: {  	_ =	swait.ge [sflag:s5], $0x4000  }
0x57: {  	[sflag:s5] =	ssyncset.done $0x0  }
0x58: {  	s8 =	simm.s32 $0x380;
	[sflag:s5] =	ssyncadd.s32 $0xFFFFC000  }
0x59: {  	[tilespmem:s13], [sflag:$0x2] =	stream.indirect.gather [hbm4b:s10+s11], $0x80, s8, s11, $0xb8;
	[tilespmem:$0x1E000] =	vst v63  }
0x5a: {  	_ =	swait.ge [sflag:s14], $0x4000  }
0x5b: {  	[sflag:s14] =	ssyncset.done $0x0  }
0x5c: {  	s15 =	simm.s32 $0xB00;
	[sflag:s14] =	ssyncadd.s32 $0xFFFFC000  }
0x5d: {  	[spmem:s2] =	stream.indirect.scatter.add.f32 [tilespmem:s12], [sflag:$0x5], $0x80, s15, s11, $0xb8;
	[tilespmem:$0x1E000] =	vst v63  }
0x5e: {  	_ =	swait.ge [sflag:s5], $0x4000  }
0x5f: {  	[sflag:s5] =	ssyncset.done $0x0  }
0x60: {  	s17 =	simm.s32 $0x400;
	[sflag:s5] =	ssyncadd.s32 $0xFFFFC000  }
0x61: {  	[tilespmem:s12], [sflag:$0x1] =	stream.indirect.gather [hbm4b:s10+s11], $0x80, s17, s11, $0xb8;
	[tilespmem:$0x1E000] =	vst v63  }
0x62: {  	_ =	swait.ge [sflag:s16], $0x4000  }
0x63: {  	[sflag:s16] =	ssyncset.done $0x0  }
0x64: {  	s18 =	simm.s32 $0xB80;
	[sflag:s16] =	ssyncadd.s32 $0xFFFFC000  }
0x65: {  	[spmem:s2] =	stream.indirect.scatter.add.f32 [tilespmem:s13], [sflag:$0x5], $0x80, s18, s11, $0xb8;
	[tilespmem:$0x1E000] =	vst v63  }
0x66: {  	_ =	swait.ge [sflag:s5], $0x4000  }
0x67: {  	[sflag:s5] =	ssyncset.done $0x0  }
0x68: {  	s19 =	simm.s32 $0x480;
	[sflag:s5] =	ssyncadd.s32 $0xFFFFC000  }
0x69: {  	[tilespmem:s13], [sflag:$0x2] =	stream.indirect.gather [hbm4b:s10+s11], $0x80, s19, s11, $0xb8;
	[tilespmem:$0x1E000] =	vst v63  }
0x6a: {  	_ =	swait.ge [sflag:s14], $0x4000  }
0x6b: {  	[sflag:s14] =	ssyncset.done $0x0  }
0x6c: {  	s20 =	simm.s32 $0xC00;
	[sflag:s14] =	ssyncadd.s32 $0xFFFFC000  }
0x6d: {  	[spmem:s2] =	stream.indirect.scatter.add.f32 [tilespmem:s12], [sflag:$0x5], $0x80, s20, s11, $0xb8;
	[tilespmem:$0x1E000] =	vst v63  }
0x6e: {  	_ =	swait.ge [sflag:s5], $0x4000  }
0x6f: {  	[sflag:s5] =	ssyncset.done $0x0  }
0x70: {  	s21 =	simm.s32 $0x500;
	[sflag:s5] =	ssyncadd.s32 $0xFFFFC000  }
0x71: {  	[tilespmem:s12], [sflag:$0x1] =	stream.indirect.gather [hbm4b:s10+s11], $0x80, s21, s11, $0xb8;
	[tilespmem:$0x1E000] =	vst v63  }
0x72: {  	_ =	swait.ge [sflag:s16], $0x4000  }
0x73: {  	[sflag:s16] =	ssyncset.done $0x0  }
0x74: {  	s22 =	simm.s32 $0xC80;
	[sflag:s16] =	ssyncadd.s32 $0xFFFFC000  }
0x75: {  	[spmem:s2] =	stream.indirect.scatter.add.f32 [tilespmem:s13], [sflag:$0x5], $0x80, s22, s11, $0xb8;
	[tilespmem:$0x1E000] =	vst v63  }
0x76: {  	_ =	swait.ge [sflag:s5], $0x4000  }
0x77: {  	[sflag:s5] =	ssyncset.done $0x0  }
0x78: {  	s23 =	simm.s32 $0x580;
	[sflag:s5] =	ssyncadd.s32 $0xFFFFC000  }
0x79: {  	[tilespmem:s13], [sflag:$0x2] =	stream.indirect.gather [hbm4b:s10+s11], $0x80, s23, s11, $0xb8;
	[tilespmem:$0x1E000] =	vst v63  }
0x7a: {  	_ =	swait.ge [sflag:s14], $0x4000  }
0x7b: {  	[sflag:s14] =	ssyncset.done $0x0  }
0x7c: {  	s24 =	simm.s32 $0xD00;
	[sflag:s14] =	ssyncadd.s32 $0xFFFFC000  }
0x7d: {  	[spmem:s2] =	stream.indirect.scatter.add.f32 [tilespmem:s12], [sflag:$0x5], $0x80, s24, s11, $0xb8;
	[tilespmem:$0x1E000] =	vst v63  }
0x7e: {  	_ =	swait.ge [sflag:s5], $0x4000  }
0x7f: {  	[sflag:s5] =	ssyncset.done $0x0  }
0x80: {  	s25 =	simm.s32 $0x600;
	[sflag:s5] =	ssyncadd.s32 $0xFFFFC000  }
0x81: {  	[tilespmem:s12], [sflag:$0x1] =	stream.indirect.gather [hbm4b:s10+s11], $0x80, s25, s11, $0xb8;
	[tilespmem:$0x1E000] =	vst v63  }
0x82: {  	_ =	swait.ge [sflag:s16], $0x4000  }
0x83: {  	[sflag:s16] =	ssyncset.done $0x0  }
0x84: {  	s28 =	simm.s32 $0xD80;
	[sflag:s16] =	ssyncadd.s32 $0xFFFFC000  }
0x85: {  	[spmem:s2] =	stream.indirect.scatter.add.f32 [tilespmem:s13], [sflag:$0x5], $0x80, s28, s11, $0xb8;
	[tilespmem:$0x1E000] =	vst v63  }
0x86: {  	_ =	swait.ge [sflag:s5], $0x4000  }
0x87: {  	[sflag:s5] =	ssyncset.done $0x0  }
0x88: {  	s1 =	simm.s32 $0x680;
	[sflag:s5] =	ssyncadd.s32 $0xFFFFC000  }
0x89: {  	[tilespmem:s13], [sflag:$0x2] =	stream.indirect.gather [hbm4b:s10+s11], $0x80, s1, s11, $0xb8;
	[tilespmem:$0x1E000] =	vst v63  }
0x8a: {  	_ =	swait.ge [sflag:s14], $0x4000  }
0x8b: {  	[sflag:s14] =	ssyncset.done $0x0  }
0x8c: {  	s3 =	simm.s32 $0xE00;
	[sflag:s14] =	ssyncadd.s32 $0xFFFFC000  }
0x8d: {  	[spmem:s2] =	stream.indirect.scatter.add.f32 [tilespmem:s12], [sflag:$0x5], $0x80, s3, s11, $0xb8;
	[tilespmem:$0x1E000] =	vst v63  }
0x8e: {  	_ =	swait.ge [sflag:s5], $0x4000  }
0x8f: {  	[sflag:s5] =	ssyncset.done $0x0  }
0x90: {  	s7 =	simm.s32 $0x700;
	[sflag:s5] =	ssyncadd.s32 $0xFFFFC000  }
0x91: {  	[tilespmem:s12], [sflag:$0x1] =	stream.indirect.gather [hbm4b:s10+s11], $0x80, s7, s11, $0xb8;
	[tilespmem:$0x1E000] =	vst v63  }
0x92: {  	_ =	swait.ge [sflag:s16], $0x4000  }
0x93: {  	[sflag:s16] =	ssyncset.done $0x0  }
0x94: {  	s8 =	simm.s32 $0xE80;
	[sflag:s16] =	ssyncadd.s32 $0xFFFFC000  }
0x95: {  	[spmem:s2] =	stream.indirect.scatter.add.f32 [tilespmem:s13], [sflag:$0x5], $0x80, s8, s11, $0xb8;
	[tilespmem:$0x1E000] =	vst v63  }
0x96: {  	_ =	swait.ge [sflag:s5], $0x4000  }
0x97: {  	[sflag:s5] =	ssyncset.done $0x0  }
0x98: {  	s15 =	simm.s32 $0x780;
	[sflag:s5] =	ssyncadd.s32 $0xFFFFC000  }
0x99: {  	[tilespmem:s13], [sflag:$0x2] =	stream.indirect.gather [hbm4b:s10+s11], $0x80, s15, s11, $0xb8;
	[tilespmem:$0x1E000] =	vst v63  }
0x9a: {  	_ =	swait.ge [sflag:s14], $0x4000  }
0x9b: {  	[sflag:s14] =	ssyncset.done $0x0  }
0x9c: {  	s17 =	simm.s32 $0xF00;
	[sflag:s14] =	ssyncadd.s32 $0xFFFFC000  }
0x9d: {  	[spmem:s2] =	stream.indirect.scatter.add.f32 [tilespmem:s12], [sflag:$0x5], $0x80, s17, s11, $0xb8;
	[tilespmem:$0x1E000] =	vst v63  }
0x9e: {  	_ =	swait.ge [sflag:s5], $0x4000  }
0x9f: {  	[sflag:s5] =	ssyncset.done $0x0  }
0xa0: {  	[sflag:s5] =	ssyncadd.s32 $0xFFFFC000  }
0xa1: {  	_ =	swait.ge [sflag:s16], $0x4000  }
0xa2: {  	[sflag:s16] =	ssyncset.done $0x0  }
0xa3: {  	s18 =	simm.s32 $0xF80;
	[sflag:s16] =	ssyncadd.s32 $0xFFFFC000  }
0xa4: {  	[spmem:s2] =	stream.indirect.scatter.add.f32 [tilespmem:s13], [sflag:$0x5], $0x80, s18, s11, $0xb8;
	[tilespmem:$0x1E000] =	vst v63  }
0xa5: {  	_ =	swait.ge [sflag:s5], $0x4000  }
0xa6: {  	[sflag:s5] =	ssyncset.done $0x0  }
0xa7: {  	s29 =	simm.s32 $0x3;
	[sflag:s5] =	ssyncadd.s32 $0xFFFFC000  }
0xa8: {  	_ =	swait.ge [sflag:s29], $0x800  }
0xa9: {  	[sflag:s29] =	ssyncset.done $0x0  }
0xaa: {  	s30 =	simm.s32 $0x4;
	[sflag:s29] =	ssyncadd.s32 $0xFFFFF800  }
0xab: {  	_ =	swait.ge [sflag:s30], $0x800  }
0xac: {  	[sflag:s30] =	ssyncset.done $0x0  }
0xad: {  	s19 =	rddreg [dreg:$0x9];
	[sflag:s30] =	ssyncadd.s32 $0xFFFFF800  }
0xae: {  	[tilespmem:s4], [sflag:$0x3] =	stream.linear.gather [hbm4b:s19+s4], $0x800, $0x38;
	[tilespmem:$0x1E000] =	vst v63  }
0xaf: {  	s31 =	rddreg [dreg:$0xa]  }
0xb0: {  	[tilespmem:s6], [sflag:$0x4] =	stream.linear.gather [hbm4b:s31+s4], $0x800, $0x38;
	[tilespmem:$0x1E000] =	vst v63  }
0xb1: {  	s1 =	simm.s32 $0x1000  }
0xb2: {  	[tilespmem:s12], [sflag:$0x1] =	stream.indirect.gather [hbm4b:s10+s11], $0x80, s1, s11, $0xb8;
	[tilespmem:$0x1E000] =	vst v63  }
0xb3: {  	s20 =	simm.s32 $0x1080  }
0xb4: {  	[tilespmem:s13], [sflag:$0x2] =	stream.indirect.gather [hbm4b:s10+s11], $0x80, s20, s11, $0xb8;
	[tilespmem:$0x1E000] =	vst v63  }
0xb5: {  	_ =	swait.ge [sflag:s14], $0x4000  }
0xb6: {  	[sflag:s14] =	ssyncset.done $0x0  }
0xb7: {  	s0 =	simm.s32 $0x1800;
	[sflag:s14] =	ssyncadd.s32 $0xFFFFC000  }
0xb8: {  	[spmem:s2] =	stream.indirect.scatter.add.f32 [tilespmem:s12], [sflag:$0x5], $0x80, s0, s11, $0xb8;
	[tilespmem:$0x1E000] =	vst v63  }
0xb9: {  	_ =	swait.ge [sflag:s5], $0x4000  }
0xba: {  	[sflag:s5] =	ssyncset.done $0x0  }
0xbb: {  	s21 =	simm.s32 $0x1100;
	[sflag:s5] =	ssyncadd.s32 $0xFFFFC000  }
0xbc: {  	[tilespmem:s12], [sflag:$0x1] =	stream.indirect.gather [hbm4b:s10+s11], $0x80, s21, s11, $0xb8;
	[tilespmem:$0x1E000] =	vst v63  }
0xbd: {  	_ =	swait.ge [sflag:s16], $0x4000  }
0xbe: {  	[sflag:s16] =	ssyncset.done $0x0  }
0xbf: {  	s22 =	simm.s32 $0x1880;
	[sflag:s16] =	ssyncadd.s32 $0xFFFFC000  }
0xc0: {  	[spmem:s2] =	stream.indirect.scatter.add.f32 [tilespmem:s13], [sflag:$0x5], $0x80, s22, s11, $0xb8;
	[tilespmem:$0x1E000] =	vst v63  }
0xc1: {  	_ =	swait.ge [sflag:s5], $0x4000  }
0xc2: {  	[sflag:s5] =	ssyncset.done $0x0  }
0xc3: {  	s23 =	simm.s32 $0x1180;
	[sflag:s5] =	ssyncadd.s32 $0xFFFFC000  }
0xc4: {  	[tilespmem:s13], [sflag:$0x2] =	stream.indirect.gather [hbm4b:s10+s11], $0x80, s23, s11, $0xb8;
	[tilespmem:$0x1E000] =	vst v63  }
0xc5: {  	_ =	swait.ge [sflag:s14], $0x4000  }
0xc6: {  	[sflag:s14] =	ssyncset.done $0x0  }
0xc7: {  	s24 =	simm.s32 $0x1900;
	[sflag:s14] =	ssyncadd.s32 $0xFFFFC000  }
0xc8: {  	[spmem:s2] =	stream.indirect.scatter.add.f32 [tilespmem:s12], [sflag:$0x5], $0x80, s24, s11, $0xb8;
	[tilespmem:$0x1E000] =	vst v63  }
0xc9: {  	_ =	swait.ge [sflag:s5], $0x4000  }
0xca: {  	[sflag:s5] =	ssyncset.done $0x0  }
0xcb: {  	s25 =	simm.s32 $0x1200;
	[sflag:s5] =	ssyncadd.s32 $0xFFFFC000  }
0xcc: {  	[tilespmem:s12], [sflag:$0x1] =	stream.indirect.gather [hbm4b:s10+s11], $0x80, s25, s11, $0xb8;
	[tilespmem:$0x1E000] =	vst v63  }
0xcd: {  	_ =	swait.ge [sflag:s16], $0x4000  }
0xce: {  	[sflag:s16] =	ssyncset.done $0x0  }
0xcf: {  	s28 =	simm.s32 $0x1980;
	[sflag:s16] =	ssyncadd.s32 $0xFFFFC000  }
0xd0: {  	[spmem:s2] =	stream.indirect.scatter.add.f32 [tilespmem:s13], [sflag:$0x5], $0x80, s28, s11, $0xb8;
	[tilespmem:$0x1E000] =	vst v63  }
0xd1: {  	_ =	swait.ge [sflag:s5], $0x4000  }
0xd2: {  	[sflag:s5] =	ssyncset.done $0x0  }
0xd3: {  	s7 =	simm.s32 $0x1280;
	[sflag:s5] =	ssyncadd.s32 $0xFFFFC000  }
0xd4: {  	[tilespmem:s13], [sflag:$0x2] =	stream.indirect.gather [hbm4b:s10+s11], $0x80, s7, s11, $0xb8;
	[tilespmem:$0x1E000] =	vst v63  }
0xd5: {  	_ =	swait.ge [sflag:s14], $0x4000  }
0xd6: {  	[sflag:s14] =	ssyncset.done $0x0  }
0xd7: {  	s8 =	simm.s32 $0x1A00;
	[sflag:s14] =	ssyncadd.s32 $0xFFFFC000  }
0xd8: {  	[spmem:s2] =	stream.indirect.scatter.add.f32 [tilespmem:s12], [sflag:$0x5], $0x80, s8, s11, $0xb8;
	[tilespmem:$0x1E000] =	vst v63  }
0xd9: {  	_ =	swait.ge [sflag:s5], $0x4000  }
0xda: {  	[sflag:s5] =	ssyncset.done $0x0  }
0xdb: {  	s15 =	simm.s32 $0x1300;
	[sflag:s5] =	ssyncadd.s32 $0xFFFFC000  }
0xdc: {  	[tilespmem:s12], [sflag:$0x1] =	stream.indirect.gather [hbm4b:s10+s11], $0x80, s15, s11, $0xb8;
	[tilespmem:$0x1E000] =	vst v63  }
0xdd: {  	_ =	swait.ge [sflag:s16], $0x4000  }
0xde: {  	[sflag:s16] =	ssyncset.done $0x0  }
0xdf: {  	s17 =	simm.s32 $0x1A80;
	[sflag:s16] =	ssyncadd.s32 $0xFFFFC000  }
0xe0: {  	[spmem:s2] =	stream.indirect.scatter.add.f32 [tilespmem:s13], [sflag:$0x5], $0x80, s17, s11, $0xb8;
	[tilespmem:$0x1E000] =	vst v63  }
0xe1: {  	_ =	swait.ge [sflag:s5], $0x4000  }
0xe2: {  	[sflag:s5] =	ssyncset.done $0x0  }
0xe3: {  	s18 =	simm.s32 $0x1380;
	[sflag:s5] =	ssyncadd.s32 $0xFFFFC000  }
0xe4: {  	[tilespmem:s13], [sflag:$0x2] =	stream.indirect.gather [hbm4b:s10+s11], $0x80, s18, s11, $0xb8;
	[tilespmem:$0x1E000] =	vst v63  }
0xe5: {  	_ =	swait.ge [sflag:s14], $0x4000  }
0xe6: {  	[sflag:s14] =	ssyncset.done $0x0  }
0xe7: {  	s19 =	simm.s32 $0x1B00;
	[sflag:s14] =	ssyncadd.s32 $0xFFFFC000  }
0xe8: {  	[spmem:s2] =	stream.indirect.scatter.add.f32 [tilespmem:s12], [sflag:$0x5], $0x80, s19, s11, $0xb8;
	[tilespmem:$0x1E000] =	vst v63  }
0xe9: {  	_ =	swait.ge [sflag:s5], $0x4000  }
0xea: {  	[sflag:s5] =	ssyncset.done $0x0  }
0xeb: {  	s20 =	simm.s32 $0x1400;
	[sflag:s5] =	ssyncadd.s32 $0xFFFFC000  }
0xec: {  	[tilespmem:s12], [sflag:$0x1] =	stream.indirect.gather [hbm4b:s10+s11], $0x80, s20, s11, $0xb8;
	[tilespmem:$0x1E000] =	vst v63  }
0xed: {  	_ =	swait.ge [sflag:s16], $0x4000  }
0xee: {  	[sflag:s16] =	ssyncset.done $0x0  }
0xef: {  	s21 =	simm.s32 $0x1B80;
	[sflag:s16] =	ssyncadd.s32 $0xFFFFC000  }
0xf0: {  	[spmem:s2] =	stream.indirect.scatter.add.f32 [tilespmem:s13], [sflag:$0x5], $0x80, s21, s11, $0xb8;
	[tilespmem:$0x1E000] =	vst v63  }
0xf1: {  	_ =	swait.ge [sflag:s5], $0x4000  }
0xf2: {  	[sflag:s5] =	ssyncset.done $0x0  }
0xf3: {  	s22 =	simm.s32 $0x1480;
	[sflag:s5] =	ssyncadd.s32 $0xFFFFC000  }
0xf4: {  	[tilespmem:s13], [sflag:$0x2] =	stream.indirect.gather [hbm4b:s10+s11], $0x80, s22, s11, $0xb8;
	[tilespmem:$0x1E000] =	vst v63  }
0xf5: {  	_ =	swait.ge [sflag:s14], $0x4000  }
0xf6: {  	[sflag:s14] =	ssyncset.done $0x0  }
0xf7: {  	s23 =	simm.s32 $0x1C00;
	[sflag:s14] =	ssyncadd.s32 $0xFFFFC000  }
0xf8: {  	[spmem:s2] =	stream.indirect.scatter.add.f32 [tilespmem:s12], [sflag:$0x5], $0x80, s23, s11, $0xb8;
	[tilespmem:$0x1E000] =	vst v63  }
0xf9: {  	_ =	swait.ge [sflag:s5], $0x4000  }
0xfa: {  	[sflag:s5] =	ssyncset.done $0x0  }
0xfb: {  	s24 =	simm.s32 $0x1500;
	[sflag:s5] =	ssyncadd.s32 $0xFFFFC000  }
0xfc: {  	[tilespmem:s12], [sflag:$0x1] =	stream.indirect.gather [hbm4b:s10+s11], $0x80, s24, s11, $0xb8;
	[tilespmem:$0x1E000] =	vst v63  }
0xfd: {  	_ =	swait.ge [sflag:s16], $0x4000  }
0xfe: {  	[sflag:s16] =	ssyncset.done $0x0  }
0xff: {  	s25 =	simm.s32 $0x1C80;
	[sflag:s16] =	ssyncadd.s32 $0xFFFFC000  }
0x100: {  	[spmem:s2] =	stream.indirect.scatter.add.f32 [tilespmem:s13], [sflag:$0x5], $0x80, s25, s11, $0xb8;
	[tilespmem:$0x1E000] =	vst v63  }
0x101: {  	_ =	swait.ge [sflag:s5], $0x4000  }
0x102: {  	[sflag:s5] =	ssyncset.done $0x0  }
0x103: {  	s28 =	simm.s32 $0x1580;
	[sflag:s5] =	ssyncadd.s32 $0xFFFFC000  }
0x104: {  	[tilespmem:s13], [sflag:$0x2] =	stream.indirect.gather [hbm4b:s10+s11], $0x80, s28, s11, $0xb8;
	[tilespmem:$0x1E000] =	vst v63  }
0x105: {  	_ =	swait.ge [sflag:s14], $0x4000  }
0x106: {  	[sflag:s14] =	ssyncset.done $0x0  }
0x107: {  	s7 =	simm.s32 $0x1D00;
	[sflag:s14] =	ssyncadd.s32 $0xFFFFC000  }
0x108: {  	[spmem:s2] =	stream.indirect.scatter.add.f32 [tilespmem:s12], [sflag:$0x5], $0x80, s7, s11, $0xb8;
	[tilespmem:$0x1E000] =	vst v63  }
0x109: {  	_ =	swait.ge [sflag:s5], $0x4000  }
0x10a: {  	[sflag:s5] =	ssyncset.done $0x0  }
0x10b: {  	s8 =	simm.s32 $0x1600;
	[sflag:s5] =	ssyncadd.s32 $0xFFFFC000  }
0x10c: {  	[tilespmem:s12], [sflag:$0x1] =	stream.indirect.gather [hbm4b:s10+s11], $0x80, s8, s11, $0xb8;
	[tilespmem:$0x1E000] =	vst v63  }
0x10d: {  	_ =	swait.ge [sflag:s16], $0x4000  }
0x10e: {  	[sflag:s16] =	ssyncset.done $0x0  }
0x10f: {  	s15 =	simm.s32 $0x1D80;
	[sflag:s16] =	ssyncadd.s32 $0xFFFFC000  }
0x110: {  	[spmem:s2] =	stream.indirect.scatter.add.f32 [tilespmem:s13], [sflag:$0x5], $0x80, s15, s11, $0xb8;
	[tilespmem:$0x1E000] =	vst v63  }
0x111: {  	_ =	swait.ge [sflag:s5], $0x4000  }
0x112: {  	[sflag:s5] =	ssyncset.done $0x0  }
0x113: {  	s17 =	simm.s32 $0x1680;
	[sflag:s5] =	ssyncadd.s32 $0xFFFFC000  }
0x114: {  	[tilespmem:s13], [sflag:$0x2] =	stream.indirect.gather [hbm4b:s10+s11], $0x80, s17, s11, $0xb8;
	[tilespmem:$0x1E000] =	vst v63  }
0x115: {  	_ =	swait.ge [sflag:s14], $0x4000  }
0x116: {  	[sflag:s14] =	ssyncset.done $0x0  }
0x117: {  	s18 =	simm.s32 $0x1E00;
	[sflag:s14] =	ssyncadd.s32 $0xFFFFC000  }
0x118: {  	[spmem:s2] =	stream.indirect.scatter.add.f32 [tilespmem:s12], [sflag:$0x5], $0x80, s18, s11, $0xb8;
	[tilespmem:$0x1E000] =	vst v63  }
0x119: {  	_ =	swait.ge [sflag:s5], $0x4000  }
0x11a: {  	[sflag:s5] =	ssyncset.done $0x0  }
0x11b: {  	s19 =	simm.s32 $0x1700;
	[sflag:s5] =	ssyncadd.s32 $0xFFFFC000  }
0x11c: {  	[tilespmem:s12], [sflag:$0x1] =	stream.indirect.gather [hbm4b:s10+s11], $0x80, s19, s11, $0xb8;
	[tilespmem:$0x1E000] =	vst v63  }
0x11d: {  	_ =	swait.ge [sflag:s16], $0x4000  }
0x11e: {  	[sflag:s16] =	ssyncset.done $0x0  }
0x11f: {  	s20 =	simm.s32 $0x1E80;
	[sflag:s16] =	ssyncadd.s32 $0xFFFFC000  }
0x120: {  	[spmem:s2] =	stream.indirect.scatter.add.f32 [tilespmem:s13], [sflag:$0x5], $0x80, s20, s11, $0xb8;
	[tilespmem:$0x1E000] =	vst v63  }
0x121: {  	_ =	swait.ge [sflag:s5], $0x4000  }
0x122: {  	[sflag:s5] =	ssyncset.done $0x0  }
0x123: {  	s21 =	simm.s32 $0x1780;
	[sflag:s5] =	ssyncadd.s32 $0xFFFFC000  }
0x124: {  	[tilespmem:s13], [sflag:$0x2] =	stream.indirect.gather [hbm4b:s10+s11], $0x80, s21, s11, $0xb8;
	[tilespmem:$0x1E000] =	vst v63  }
0x125: {  	_ =	swait.ge [sflag:s14], $0x4000  }
0x126: {  	[sflag:s14] =	ssyncset.done $0x0  }
0x127: {  	s22 =	simm.s32 $0x1F00;
	[sflag:s14] =	ssyncadd.s32 $0xFFFFC000  }
0x128: {  	[spmem:s2] =	stream.indirect.scatter.add.f32 [tilespmem:s12], [sflag:$0x5], $0x80, s22, s11, $0xb8;
	[tilespmem:$0x1E000] =	vst v63  }
0x129: {  	_ =	swait.ge [sflag:s5], $0x4000  }
0x12a: {  	[sflag:s5] =	ssyncset.done $0x0  }
0x12b: {  	[sflag:s5] =	ssyncadd.s32 $0xFFFFC000  }
0x12c: {  	_ =	swait.ge [sflag:s16], $0x4000  }
0x12d: {  	[sflag:s16] =	ssyncset.done $0x0  }
0x12e: {  	s23 =	simm.s32 $0x1F80;
	[sflag:s16] =	ssyncadd.s32 $0xFFFFC000  }
0x12f: {  	[spmem:s2] =	stream.indirect.scatter.add.f32 [tilespmem:s13], [sflag:$0x5], $0x80, s23, s11, $0xb8;
	[tilespmem:$0x1E000] =	vst v63  }
0x130: {  	_ =	swait.ge [sflag:s5], $0x4000  }
0x131: {  	[sflag:s5] =	ssyncset.done $0x0  }
0x132: {  	[sflag:s5] =	ssyncadd.s32 $0xFFFFC000  }
0x133: {  	_ =	swait.ge [sflag:s29], $0x800  }
0x134: {  	[sflag:s29] =	ssyncset.done $0x0  }
0x135: {  	[sflag:s29] =	ssyncadd.s32 $0xFFFFF800  }
0x136: {  	_ =	swait.ge [sflag:s30], $0x800  }
0x137: {  	[sflag:s30] =	ssyncset.done $0x0  }
0x138: {  	s24 =	rddreg [dreg:$0xb];
	[sflag:s30] =	ssyncadd.s32 $0xFFFFF800  }
0x139: {  	[tilespmem:s1], [sflag:$0x3] =	stream.linear.gather [hbm4b:s24+s4], $0x800, $0x38;
	[tilespmem:$0x1E000] =	vst v63  }
0x13a: {  	s31 =	rddreg [dreg:$0xc]  }
0x13b: {  	[tilespmem:s0], [sflag:$0x4] =	stream.linear.gather [hbm4b:s31+s4], $0x800, $0x38;
	[tilespmem:$0x1E000] =	vst v63  }
0x13c: {  	_ = 	snop  }
0x13d: {  	[tilespmem:s12], [sflag:$0x1] =	stream.indirect.gather [hbm4b:s10+s11], $0x80, s4, s11, $0xb8;
	[tilespmem:$0x1E000] =	vst v63  }
0x13e: {  	_ = 	snop  }
0x13f: {  	[tilespmem:s13], [sflag:$0x2] =	stream.indirect.gather [hbm4b:s10+s11], $0x80, s11, s11, $0xb8;
	[tilespmem:$0x1E000] =	vst v63  }
0x140: {  	_ =	swait.ge [sflag:s14], $0x4000  }
0x141: {  	[sflag:s14] =	ssyncset.done $0x0  }
0x142: {  	[sflag:s14] =	ssyncadd.s32 $0xFFFFC000  }
0x143: {  	[spmem:s2] =	stream.indirect.scatter.add.f32 [tilespmem:s12], [sflag:$0x5], $0x80, s6, s11, $0xb8;
	[tilespmem:$0x1E000] =	vst v63  }
0x144: {  	_ =	swait.ge [sflag:s5], $0x4000  }
0x145: {  	[sflag:s5] =	ssyncset.done $0x0  }
0x146: {  	s25 =	simm.s32 $0x100;
	[sflag:s5] =	ssyncadd.s32 $0xFFFFC000  }
0x147: {  	[tilespmem:s12], [sflag:$0x1] =	stream.indirect.gather [hbm4b:s10+s11], $0x80, s25, s11, $0xb8;
	[tilespmem:$0x1E000] =	vst v63  }
0x148: {  	_ =	swait.ge [sflag:s16], $0x4000  }
0x149: {  	[sflag:s16] =	ssyncset.done $0x0  }
0x14a: {  	s28 =	simm.s32 $0x880;
	[sflag:s16] =	ssyncadd.s32 $0xFFFFC000  }
0x14b: {  	[spmem:s2] =	stream.indirect.scatter.add.f32 [tilespmem:s13], [sflag:$0x5], $0x80, s28, s11, $0xb8;
	[tilespmem:$0x1E000] =	vst v63  }
0x14c: {  	_ =	swait.ge [sflag:s5], $0x4000  }
0x14d: {  	[sflag:s5] =	ssyncset.done $0x0  }
0x14e: {  	s7 =	simm.s32 $0x180;
	[sflag:s5] =	ssyncadd.s32 $0xFFFFC000  }
0x14f: {  	[tilespmem:s13], [sflag:$0x2] =	stream.indirect.gather [hbm4b:s10+s11], $0x80, s7, s11, $0xb8;
	[tilespmem:$0x1E000] =	vst v63  }
0x150: {  	_ =	swait.ge [sflag:s14], $0x4000  }
0x151: {  	[sflag:s14] =	ssyncset.done $0x0  }
0x152: {  	s8 =	simm.s32 $0x900;
	[sflag:s14] =	ssyncadd.s32 $0xFFFFC000  }
0x153: {  	[spmem:s2] =	stream.indirect.scatter.add.f32 [tilespmem:s12], [sflag:$0x5], $0x80, s8, s11, $0xb8;
	[tilespmem:$0x1E000] =	vst v63  }
0x154: {  	_ =	swait.ge [sflag:s5], $0x4000  }
0x155: {  	[sflag:s5] =	ssyncset.done $0x0  }
0x156: {  	s15 =	simm.s32 $0x200;
	[sflag:s5] =	ssyncadd.s32 $0xFFFFC000  }
0x157: {  	[tilespmem:s12], [sflag:$0x1] =	stream.indirect.gather [hbm4b:s10+s11], $0x80, s15, s11, $0xb8;
	[tilespmem:$0x1E000] =	vst v63  }
0x158: {  	_ =	swait.ge [sflag:s16], $0x4000  }
0x159: {  	[sflag:s16] =	ssyncset.done $0x0  }
0x15a: {  	s15 =	simm.s32 $0x980;
	[sflag:s16] =	ssyncadd.s32 $0xFFFFC000  }
0x15b: {  	[spmem:s2] =	stream.indirect.scatter.add.f32 [tilespmem:s13], [sflag:$0x5], $0x80, s15, s11, $0xb8;
	[tilespmem:$0x1E000] =	vst v63  }
0x15c: {  	_ =	swait.ge [sflag:s5], $0x4000  }
0x15d: {  	[sflag:s5] =	ssyncset.done $0x0  }
0x15e: {  	s17 =	simm.s32 $0x280;
	[sflag:s5] =	ssyncadd.s32 $0xFFFFC000  }
0x15f: {  	[tilespmem:s13], [sflag:$0x2] =	stream.indirect.gather [hbm4b:s10+s11], $0x80, s17, s11, $0xb8;
	[tilespmem:$0x1E000] =	vst v63  }
0x160: {  	_ =	swait.ge [sflag:s14], $0x4000  }
0x161: {  	[sflag:s14] =	ssyncset.done $0x0  }
0x162: {  	s18 =	simm.s32 $0xA00;
	[sflag:s14] =	ssyncadd.s32 $0xFFFFC000  }
0x163: {  	[spmem:s2] =	stream.indirect.scatter.add.f32 [tilespmem:s12], [sflag:$0x5], $0x80, s18, s11, $0xb8;
	[tilespmem:$0x1E000] =	vst v63  }
0x164: {  	_ =	swait.ge [sflag:s5], $0x4000  }
0x165: {  	[sflag:s5] =	ssyncset.done $0x0  }
0x166: {  	s19 =	simm.s32 $0x300;
	[sflag:s5] =	ssyncadd.s32 $0xFFFFC000  }
0x167: {  	[tilespmem:s12], [sflag:$0x1] =	stream.indirect.gather [hbm4b:s10+s11], $0x80, s19, s11, $0xb8;
	[tilespmem:$0x1E000] =	vst v63  }
0x168: {  	_ =	swait.ge [sflag:s16], $0x4000  }
0x169: {  	[sflag:s16] =	ssyncset.done $0x0  }
0x16a: {  	s20 =	simm.s32 $0xA80;
	[sflag:s16] =	ssyncadd.s32 $0xFFFFC000  }
0x16b: {  	[spmem:s2] =	stream.indirect.scatter.add.f32 [tilespmem:s13], [sflag:$0x5], $0x80, s20, s11, $0xb8;
	[tilespmem:$0x1E000] =	vst v63  }
0x16c: {  	_ =	swait.ge [sflag:s5], $0x4000  }
0x16d: {  	[sflag:s5] =	ssyncset.done $0x0  }
0x16e: {  	s21 =	simm.s32 $0x380;
	[sflag:s5] =	ssyncadd.s32 $0xFFFFC000  }
0x16f: {  	[tilespmem:s13], [sflag:$0x2] =	stream.indirect.gather [hbm4b:s10+s11], $0x80, s21, s11, $0xb8;
	[tilespmem:$0x1E000] =	vst v63  }
0x170: {  	_ =	swait.ge [sflag:s14], $0x4000  }
0x171: {  	[sflag:s14] =	ssyncset.done $0x0  }
0x172: {  	s22 =	simm.s32 $0xB00;
	[sflag:s14] =	ssyncadd.s32 $0xFFFFC000  }
0x173: {  	[spmem:s2] =	stream.indirect.scatter.add.f32 [tilespmem:s12], [sflag:$0x5], $0x80, s22, s11, $0xb8;
	[tilespmem:$0x1E000] =	vst v63  }
0x174: {  	_ =	swait.ge [sflag:s5], $0x4000  }
0x175: {  	[sflag:s5] =	ssyncset.done $0x0  }
0x176: {  	s23 =	simm.s32 $0x400;
	[sflag:s5] =	ssyncadd.s32 $0xFFFFC000  }
0x177: {  	[tilespmem:s12], [sflag:$0x1] =	stream.indirect.gather [hbm4b:s10+s11], $0x80, s23, s11, $0xb8;
	[tilespmem:$0x1E000] =	vst v63  }
0x178: {  	_ =	swait.ge [sflag:s16], $0x4000  }
0x179: {  	[sflag:s16] =	ssyncset.done $0x0  }
0x17a: {  	s24 =	simm.s32 $0xB80;
	[sflag:s16] =	ssyncadd.s32 $0xFFFFC000  }
0x17b: {  	[spmem:s2] =	stream.indirect.scatter.add.f32 [tilespmem:s13], [sflag:$0x5], $0x80, s24, s11, $0xb8;
	[tilespmem:$0x1E000] =	vst v63  }
0x17c: {  	_ =	swait.ge [sflag:s5], $0x4000  }
0x17d: {  	[sflag:s5] =	ssyncset.done $0x0  }
0x17e: {  	s25 =	simm.s32 $0x480;
	[sflag:s5] =	ssyncadd.s32 $0xFFFFC000  }
0x17f: {  	[tilespmem:s13], [sflag:$0x2] =	stream.indirect.gather [hbm4b:s10+s11], $0x80, s25, s11, $0xb8;
	[tilespmem:$0x1E000] =	vst v63  }
0x180: {  	_ =	swait.ge [sflag:s14], $0x4000  }
0x181: {  	[sflag:s14] =	ssyncset.done $0x0  }
0x182: {  	s28 =	simm.s32 $0xC00;
	[sflag:s14] =	ssyncadd.s32 $0xFFFFC000  }
0x183: {  	[spmem:s2] =	stream.indirect.scatter.add.f32 [tilespmem:s12], [sflag:$0x5], $0x80, s28, s11, $0xb8;
	[tilespmem:$0x1E000] =	vst v63  }
0x184: {  	_ =	swait.ge [sflag:s5], $0x4000  }
0x185: {  	[sflag:s5] =	ssyncset.done $0x0  }
0x186: {  	s31 =	simm.s32 $0x500;
	[sflag:s5] =	ssyncadd.s32 $0xFFFFC000  }
0x187: {  	[tilespmem:s12], [sflag:$0x1] =	stream.indirect.gather [hbm4b:s10+s11], $0x80, s31, s11, $0xb8;
	[tilespmem:$0x1E000] =	vst v63  }
0x188: {  	_ =	swait.ge [sflag:s16], $0x4000  }
0x189: {  	[sflag:s16] =	ssyncset.done $0x0  }
0x18a: {  	s31 =	simm.s32 $0xC80;
	[sflag:s16] =	ssyncadd.s32 $0xFFFFC000  }
0x18b: {  	[spmem:s2] =	stream.indirect.scatter.add.f32 [tilespmem:s13], [sflag:$0x5], $0x80, s31, s11, $0xb8;
	[tilespmem:$0x1E000] =	vst v63  }
0x18c: {  	_ =	swait.ge [sflag:s5], $0x4000  }
0x18d: {  	[sflag:s5] =	ssyncset.done $0x0  }
0x18e: {  	s31 =	simm.s32 $0x580;
	[sflag:s5] =	ssyncadd.s32 $0xFFFFC000  }
0x18f: {  	[tilespmem:s13], [sflag:$0x2] =	stream.indirect.gather [hbm4b:s10+s11], $0x80, s31, s11, $0xb8;
	[tilespmem:$0x1E000] =	vst v63  }
0x190: {  	_ =	swait.ge [sflag:s14], $0x4000  }
0x191: {  	[sflag:s14] =	ssyncset.done $0x0  }
0x192: {  	s31 =	simm.s32 $0xD00;
	[sflag:s14] =	ssyncadd.s32 $0xFFFFC000  }
0x193: {  	[spmem:s2] =	stream.indirect.scatter.add.f32 [tilespmem:s12], [sflag:$0x5], $0x80, s31, s11, $0xb8;
	[tilespmem:$0x1E000] =	vst v63  }
0x194: {  	_ =	swait.ge [sflag:s5], $0x4000  }
0x195: {  	[sflag:s5] =	ssyncset.done $0x0  }
0x196: {  	s31 =	simm.s32 $0x600;
	[sflag:s5] =	ssyncadd.s32 $0xFFFFC000  }
0x197: {  	[tilespmem:s12], [sflag:$0x1] =	stream.indirect.gather [hbm4b:s10+s11], $0x80, s31, s11, $0xb8;
	[tilespmem:$0x1E000] =	vst v63  }
0x198: {  	_ =	swait.ge [sflag:s16], $0x4000  }
0x199: {  	[sflag:s16] =	ssyncset.done $0x0  }
0x19a: {  	s31 =	simm.s32 $0xD80;
	[sflag:s16] =	ssyncadd.s32 $0xFFFFC000  }
0x19b: {  	[spmem:s2] =	stream.indirect.scatter.add.f32 [tilespmem:s13], [sflag:$0x5], $0x80, s31, s11, $0xb8;
	[tilespmem:$0x1E000] =	vst v63  }
0x19c: {  	_ =	swait.ge [sflag:s5], $0x4000  }
0x19d: {  	[sflag:s5] =	ssyncset.done $0x0  }
0x19e: {  	s31 =	simm.s32 $0x680;
	[sflag:s5] =	ssyncadd.s32 $0xFFFFC000  }
0x19f: {  	[tilespmem:s13], [sflag:$0x2] =	stream.indirect.gather [hbm4b:s10+s11], $0x80, s31, s11, $0xb8;
	[tilespmem:$0x1E000] =	vst v63  }
0x1a0: {  	_ =	swait.ge [sflag:s14], $0x4000  }
0x1a1: {  	[sflag:s14] =	ssyncset.done $0x0  }
0x1a2: {  	s31 =	simm.s32 $0xE00;
	[sflag:s14] =	ssyncadd.s32 $0xFFFFC000  }
0x1a3: {  	[spmem:s2] =	stream.indirect.scatter.add.f32 [tilespmem:s12], [sflag:$0x5], $0x80, s31, s11, $0xb8;
	[tilespmem:$0x1E000] =	vst v63  }
0x1a4: {  	_ =	swait.ge [sflag:s5], $0x4000  }
0x1a5: {  	[sflag:s5] =	ssyncset.done $0x0  }
0x1a6: {  	s31 =	simm.s32 $0x700;
	[sflag:s5] =	ssyncadd.s32 $0xFFFFC000  }
0x1a7: {  	[tilespmem:s12], [sflag:$0x1] =	stream.indirect.gather [hbm4b:s10+s11], $0x80, s31, s11, $0xb8;
	[tilespmem:$0x1E000] =	vst v63  }
0x1a8: {  	_ =	swait.ge [sflag:s16], $0x4000  }
0x1a9: {  	[sflag:s16] =	ssyncset.done $0x0  }
0x1aa: {  	s31 =	simm.s32 $0xE80;
	[sflag:s16] =	ssyncadd.s32 $0xFFFFC000  }
0x1ab: {  	[spmem:s2] =	stream.indirect.scatter.add.f32 [tilespmem:s13], [sflag:$0x5], $0x80, s31, s11, $0xb8;
	[tilespmem:$0x1E000] =	vst v63  }
0x1ac: {  	_ =	swait.ge [sflag:s5], $0x4000  }
0x1ad: {  	[sflag:s5] =	ssyncset.done $0x0  }
0x1ae: {  	s31 =	simm.s32 $0x780;
	[sflag:s5] =	ssyncadd.s32 $0xFFFFC000  }
0x1af: {  	[tilespmem:s13], [sflag:$0x2] =	stream.indirect.gather [hbm4b:s10+s11], $0x80, s31, s11, $0xb8;
	[tilespmem:$0x1E000] =	vst v63  }
0x1b0: {  	_ =	swait.ge [sflag:s14], $0x4000  }
0x1b1: {  	[sflag:s14] =	ssyncset.done $0x0  }
0x1b2: {  	s31 =	simm.s32 $0xF00;
	[sflag:s14] =	ssyncadd.s32 $0xFFFFC000  }
0x1b3: {  	[spmem:s2] =	stream.indirect.scatter.add.f32 [tilespmem:s12], [sflag:$0x5], $0x80, s31, s11, $0xb8;
	[tilespmem:$0x1E000] =	vst v63  }
0x1b4: {  	_ =	swait.ge [sflag:s5], $0x4000  }
0x1b5: {  	[sflag:s5] =	ssyncset.done $0x0  }
0x1b6: {  	[sflag:s5] =	ssyncadd.s32 $0xFFFFC000  }
0x1b7: {  	_ =	swait.ge [sflag:s16], $0x4000  }
0x1b8: {  	[sflag:s16] =	ssyncset.done $0x0  }
0x1b9: {  	s31 =	simm.s32 $0xF80;
	[sflag:s16] =	ssyncadd.s32 $0xFFFFC000  }
0x1ba: {  	[spmem:s2] =	stream.indirect.scatter.add.f32 [tilespmem:s13], [sflag:$0x5], $0x80, s31, s11, $0xb8;
	[tilespmem:$0x1E000] =	vst v63  }
0x1bb: {  	_ =	swait.ge [sflag:s5], $0x4000  }
0x1bc: {  	[sflag:s5] =	ssyncset.done $0x0  }
0x1bd: {  	[sflag:s5] =	ssyncadd.s32 $0xFFFFC000  }
0x1be: {  	_ =	swait.ge [sflag:s29], $0x800  }
0x1bf: {  	[sflag:s29] =	ssyncset.done $0x0  }
0x1c0: {  	[sflag:s29] =	ssyncadd.s32 $0xFFFFF800  }
0x1c1: {  	_ =	swait.ge [sflag:s30], $0x800  }
0x1c2: {  	s31 =	rddreg [dreg:$0xd]  }
0x1c3: {  	[sflag:s30] =	ssyncset.done $0x0;
	[dreg:$0x13] =	wrdreg s31  }
0x1c4: {  	[sflag:s30] =	ssyncadd.s32 $0xFFFFF800;
	s1 =	rddreg [dreg:$0x13]  }
0x1c5: {  	[tilespmem:s4], [sflag:$0x3] =	stream.linear.gather [hbm4b:s1+s4], $0x800, $0x38;
	[tilespmem:$0x1E000] =	vst v63  }
0x1c6: {  	s31 =	rddreg [dreg:$0xe]  }
0x1c7: {  	[tilespmem:s6], [sflag:$0x4] =	stream.linear.gather [hbm4b:s31+s4], $0x800, $0x38;
	[tilespmem:$0x1E000] =	vst v63  }
0x1c8: {  	s3 =	simm.s32 $0x1000  }
0x1c9: {  	[tilespmem:s12], [sflag:$0x1] =	stream.indirect.gather [hbm4b:s10+s11], $0x80, s3, s11, $0xb8;
	[tilespmem:$0x1E000] =	vst v63  }
0x1ca: {  	s1 =	simm.s32 $0x1080  }
0x1cb: {  	[tilespmem:s13], [sflag:$0x2] =	stream.indirect.gather [hbm4b:s10+s11], $0x80, s1, s11, $0xb8;
	[tilespmem:$0x1E000] =	vst v63  }
0x1cc: {  	_ =	swait.ge [sflag:s14], $0x4000  }
0x1cd: {  	[sflag:s14] =	ssyncset.done $0x0  }
0x1ce: {  	s0 =	simm.s32 $0x1800;
	[sflag:s14] =	ssyncadd.s32 $0xFFFFC000  }
0x1cf: {  	[spmem:s2] =	stream.indirect.scatter.add.f32 [tilespmem:s12], [sflag:$0x5], $0x80, s0, s11, $0xb8;
	[tilespmem:$0x1E000] =	vst v63  }
0x1d0: {  	_ =	swait.ge [sflag:s5], $0x4000  }
0x1d1: {  	[sflag:s5] =	ssyncset.done $0x0  }
0x1d2: {  	s1 =	simm.s32 $0x1100;
	[sflag:s5] =	ssyncadd.s32 $0xFFFFC000  }
0x1d3: {  	[tilespmem:s12], [sflag:$0x1] =	stream.indirect.gather [hbm4b:s10+s11], $0x80, s1, s11, $0xb8;
	[tilespmem:$0x1E000] =	vst v63  }
0x1d4: {  	_ =	swait.ge [sflag:s16], $0x4000  }
0x1d5: {  	[sflag:s16] =	ssyncset.done $0x0  }
0x1d6: {  	s3 =	simm.s32 $0x1880;
	[sflag:s16] =	ssyncadd.s32 $0xFFFFC000  }
0x1d7: {  	[spmem:s2] =	stream.indirect.scatter.add.f32 [tilespmem:s13], [sflag:$0x5], $0x80, s3, s11, $0xb8;
	[tilespmem:$0x1E000] =	vst v63  }
0x1d8: {  	_ =	swait.ge [sflag:s5], $0x4000  }
0x1d9: {  	[sflag:s5] =	ssyncset.done $0x0  }
0x1da: {  	s1 =	simm.s32 $0x1180;
	[sflag:s5] =	ssyncadd.s32 $0xFFFFC000  }
0x1db: {  	[tilespmem:s13], [sflag:$0x2] =	stream.indirect.gather [hbm4b:s10+s11], $0x80, s1, s11, $0xb8;
	[tilespmem:$0x1E000] =	vst v63  }
0x1dc: {  	_ =	swait.ge [sflag:s14], $0x4000  }
0x1dd: {  	[sflag:s14] =	ssyncset.done $0x0  }
0x1de: {  	s3 =	simm.s32 $0x1900;
	[sflag:s14] =	ssyncadd.s32 $0xFFFFC000  }
0x1df: {  	[spmem:s2] =	stream.indirect.scatter.add.f32 [tilespmem:s12], [sflag:$0x5], $0x80, s3, s11, $0xb8;
	[tilespmem:$0x1E000] =	vst v63  }
0x1e0: {  	_ =	swait.ge [sflag:s5], $0x4000  }
0x1e1: {  	[sflag:s5] =	ssyncset.done $0x0  }
0x1e2: {  	s1 =	simm.s32 $0x1200;
	[sflag:s5] =	ssyncadd.s32 $0xFFFFC000  }
0x1e3: {  	[tilespmem:s12], [sflag:$0x1] =	stream.indirect.gather [hbm4b:s10+s11], $0x80, s1, s11, $0xb8;
	[tilespmem:$0x1E000] =	vst v63  }
0x1e4: {  	_ =	swait.ge [sflag:s16], $0x4000  }
0x1e5: {  	[sflag:s16] =	ssyncset.done $0x0  }
0x1e6: {  	s3 =	simm.s32 $0x1980;
	[sflag:s16] =	ssyncadd.s32 $0xFFFFC000  }
0x1e7: {  	[spmem:s2] =	stream.indirect.scatter.add.f32 [tilespmem:s13], [sflag:$0x5], $0x80, s3, s11, $0xb8;
	[tilespmem:$0x1E000] =	vst v63  }
0x1e8: {  	_ =	swait.ge [sflag:s5], $0x4000  }
0x1e9: {  	[sflag:s5] =	ssyncset.done $0x0  }
0x1ea: {  	s1 =	simm.s32 $0x1280;
	[sflag:s5] =	ssyncadd.s32 $0xFFFFC000  }
0x1eb: {  	[tilespmem:s13], [sflag:$0x2] =	stream.indirect.gather [hbm4b:s10+s11], $0x80, s1, s11, $0xb8;
	[tilespmem:$0x1E000] =	vst v63  }
0x1ec: {  	_ =	swait.ge [sflag:s14], $0x4000  }
0x1ed: {  	[sflag:s14] =	ssyncset.done $0x0  }
0x1ee: {  	s3 =	simm.s32 $0x1A00;
	[sflag:s14] =	ssyncadd.s32 $0xFFFFC000  }
0x1ef: {  	[spmem:s2] =	stream.indirect.scatter.add.f32 [tilespmem:s12], [sflag:$0x5], $0x80, s3, s11, $0xb8;
	[tilespmem:$0x1E000] =	vst v63  }
0x1f0: {  	_ =	swait.ge [sflag:s5], $0x4000  }
0x1f1: {  	[sflag:s5] =	ssyncset.done $0x0  }
0x1f2: {  	s1 =	simm.s32 $0x1300;
	[sflag:s5] =	ssyncadd.s32 $0xFFFFC000  }
0x1f3: {  	[tilespmem:s12], [sflag:$0x1] =	stream.indirect.gather [hbm4b:s10+s11], $0x80, s1, s11, $0xb8;
	[tilespmem:$0x1E000] =	vst v63  }
0x1f4: {  	_ =	swait.ge [sflag:s16], $0x4000  }
0x1f5: {  	[sflag:s16] =	ssyncset.done $0x0  }
0x1f6: {  	s3 =	simm.s32 $0x1A80;
	[sflag:s16] =	ssyncadd.s32 $0xFFFFC000  }
0x1f7: {  	[spmem:s2] =	stream.indirect.scatter.add.f32 [tilespmem:s13], [sflag:$0x5], $0x80, s3, s11, $0xb8;
	[tilespmem:$0x1E000] =	vst v63  }
0x1f8: {  	_ =	swait.ge [sflag:s5], $0x4000  }
0x1f9: {  	[sflag:s5] =	ssyncset.done $0x0  }
0x1fa: {  	s1 =	simm.s32 $0x1380;
	[sflag:s5] =	ssyncadd.s32 $0xFFFFC000  }
0x1fb: {  	[tilespmem:s13], [sflag:$0x2] =	stream.indirect.gather [hbm4b:s10+s11], $0x80, s1, s11, $0xb8;
	[tilespmem:$0x1E000] =	vst v63  }
0x1fc: {  	_ =	swait.ge [sflag:s14], $0x4000  }
0x1fd: {  	[sflag:s14] =	ssyncset.done $0x0  }
0x1fe: {  	s3 =	simm.s32 $0x1B00;
	[sflag:s14] =	ssyncadd.s32 $0xFFFFC000  }
0x1ff: {  	[spmem:s2] =	stream.indirect.scatter.add.f32 [tilespmem:s12], [sflag:$0x5], $0x80, s3, s11, $0xb8;
	[tilespmem:$0x1E000] =	vst v63  }
0x200: {  	_ =	swait.ge [sflag:s5], $0x4000  }
0x201: {  	[sflag:s5] =	ssyncset.done $0x0  }
0x202: {  	s1 =	simm.s32 $0x1400;
	[sflag:s5] =	ssyncadd.s32 $0xFFFFC000  }
0x203: {  	[tilespmem:s12], [sflag:$0x1] =	stream.indirect.gather [hbm4b:s10+s11], $0x80, s1, s11, $0xb8;
	[tilespmem:$0x1E000] =	vst v63  }
0x204: {  	_ =	swait.ge [sflag:s16], $0x4000  }
0x205: {  	[sflag:s16] =	ssyncset.done $0x0  }
0x206: {  	s3 =	simm.s32 $0x1B80;
	[sflag:s16] =	ssyncadd.s32 $0xFFFFC000  }
0x207: {  	[spmem:s2] =	stream.indirect.scatter.add.f32 [tilespmem:s13], [sflag:$0x5], $0x80, s3, s11, $0xb8;
	[tilespmem:$0x1E000] =	vst v63  }
0x208: {  	_ =	swait.ge [sflag:s5], $0x4000  }
0x209: {  	[sflag:s5] =	ssyncset.done $0x0  }
0x20a: {  	s1 =	simm.s32 $0x1480;
	[sflag:s5] =	ssyncadd.s32 $0xFFFFC000  }
0x20b: {  	[tilespmem:s13], [sflag:$0x2] =	stream.indirect.gather [hbm4b:s10+s11], $0x80, s1, s11, $0xb8;
	[tilespmem:$0x1E000] =	vst v63  }
0x20c: {  	_ =	swait.ge [sflag:s14], $0x4000  }
0x20d: {  	[sflag:s14] =	ssyncset.done $0x0  }
0x20e: {  	s3 =	simm.s32 $0x1C00;
	[sflag:s14] =	ssyncadd.s32 $0xFFFFC000  }
0x20f: {  	[spmem:s2] =	stream.indirect.scatter.add.f32 [tilespmem:s12], [sflag:$0x5], $0x80, s3, s11, $0xb8;
	[tilespmem:$0x1E000] =	vst v63  }
0x210: {  	_ =	swait.ge [sflag:s5], $0x4000  }
0x211: {  	[sflag:s5] =	ssyncset.done $0x0  }
0x212: {  	s1 =	simm.s32 $0x1500;
	[sflag:s5] =	ssyncadd.s32 $0xFFFFC000  }
0x213: {  	[tilespmem:s12], [sflag:$0x1] =	stream.indirect.gather [hbm4b:s10+s11], $0x80, s1, s11, $0xb8;
	[tilespmem:$0x1E000] =	vst v63  }
0x214: {  	_ =	swait.ge [sflag:s16], $0x4000  }
0x215: {  	[sflag:s16] =	ssyncset.done $0x0  }
0x216: {  	s3 =	simm.s32 $0x1C80;
	[sflag:s16] =	ssyncadd.s32 $0xFFFFC000  }
0x217: {  	[spmem:s2] =	stream.indirect.scatter.add.f32 [tilespmem:s13], [sflag:$0x5], $0x80, s3, s11, $0xb8;
	[tilespmem:$0x1E000] =	vst v63  }
0x218: {  	_ =	swait.ge [sflag:s5], $0x4000  }
0x219: {  	[sflag:s5] =	ssyncset.done $0x0  }
0x21a: {  	s1 =	simm.s32 $0x1580;
	[sflag:s5] =	ssyncadd.s32 $0xFFFFC000  }
0x21b: {  	[tilespmem:s13], [sflag:$0x2] =	stream.indirect.gather [hbm4b:s10+s11], $0x80, s1, s11, $0xb8;
	[tilespmem:$0x1E000] =	vst v63  }
0x21c: {  	_ =	swait.ge [sflag:s14], $0x4000  }
0x21d: {  	[sflag:s14] =	ssyncset.done $0x0  }
0x21e: {  	s3 =	simm.s32 $0x1D00;
	[sflag:s14] =	ssyncadd.s32 $0xFFFFC000  }
0x21f: {  	[spmem:s2] =	stream.indirect.scatter.add.f32 [tilespmem:s12], [sflag:$0x5], $0x80, s3, s11, $0xb8;
	[tilespmem:$0x1E000] =	vst v63  }
0x220: {  	_ =	swait.ge [sflag:s5], $0x4000  }
0x221: {  	[sflag:s5] =	ssyncset.done $0x0  }
0x222: {  	s1 =	simm.s32 $0x1600;
	[sflag:s5] =	ssyncadd.s32 $0xFFFFC000  }
0x223: {  	[tilespmem:s12], [sflag:$0x1] =	stream.indirect.gather [hbm4b:s10+s11], $0x80, s1, s11, $0xb8;
	[tilespmem:$0x1E000] =	vst v63  }
0x224: {  	_ =	swait.ge [sflag:s16], $0x4000  }
0x225: {  	[sflag:s16] =	ssyncset.done $0x0  }
0x226: {  	s3 =	simm.s32 $0x1D80;
	[sflag:s16] =	ssyncadd.s32 $0xFFFFC000  }
0x227: {  	[spmem:s2] =	stream.indirect.scatter.add.f32 [tilespmem:s13], [sflag:$0x5], $0x80, s3, s11, $0xb8;
	[tilespmem:$0x1E000] =	vst v63  }
0x228: {  	_ =	swait.ge [sflag:s5], $0x4000  }
0x229: {  	[sflag:s5] =	ssyncset.done $0x0  }
0x22a: {  	s1 =	simm.s32 $0x1680;
	[sflag:s5] =	ssyncadd.s32 $0xFFFFC000  }
0x22b: {  	[tilespmem:s13], [sflag:$0x2] =	stream.indirect.gather [hbm4b:s10+s11], $0x80, s1, s11, $0xb8;
	[tilespmem:$0x1E000] =	vst v63  }
0x22c: {  	_ =	swait.ge [sflag:s14], $0x4000  }
0x22d: {  	[sflag:s14] =	ssyncset.done $0x0  }
0x22e: {  	s3 =	simm.s32 $0x1E00;
	[sflag:s14] =	ssyncadd.s32 $0xFFFFC000  }
0x22f: {  	[spmem:s2] =	stream.indirect.scatter.add.f32 [tilespmem:s12], [sflag:$0x5], $0x80, s3, s11, $0xb8;
	[tilespmem:$0x1E000] =	vst v63  }
0x230: {  	_ =	swait.ge [sflag:s5], $0x4000  }
0x231: {  	[sflag:s5] =	ssyncset.done $0x0  }
0x232: {  	s1 =	simm.s32 $0x1700;
	[sflag:s5] =	ssyncadd.s32 $0xFFFFC000  }
0x233: {  	[tilespmem:s12], [sflag:$0x1] =	stream.indirect.gather [hbm4b:s10+s11], $0x80, s1, s11, $0xb8;
	[tilespmem:$0x1E000] =	vst v63  }
0x234: {  	_ =	swait.ge [sflag:s16], $0x4000  }
0x235: {  	[sflag:s16] =	ssyncset.done $0x0  }
0x236: {  	s3 =	simm.s32 $0x1E80;
	[sflag:s16] =	ssyncadd.s32 $0xFFFFC000  }
0x237: {  	[spmem:s2] =	stream.indirect.scatter.add.f32 [tilespmem:s13], [sflag:$0x5], $0x80, s3, s11, $0xb8;
	[tilespmem:$0x1E000] =	vst v63  }
0x238: {  	_ =	swait.ge [sflag:s5], $0x4000  }
0x239: {  	[sflag:s5] =	ssyncset.done $0x0  }
0x23a: {  	s1 =	simm.s32 $0x1780;
	[sflag:s5] =	ssyncadd.s32 $0xFFFFC000  }
0x23b: {  	[tilespmem:s13], [sflag:$0x2] =	stream.indirect.gather [hbm4b:s10+s11], $0x80, s1, s11, $0xb8;
	[tilespmem:$0x1E000] =	vst v63  }
0x23c: {  	_ =	swait.ge [sflag:s14], $0x4000  }
0x23d: {  	[sflag:s14] =	ssyncset.done $0x0  }
0x23e: {  	s3 =	simm.s32 $0x1F00;
	[sflag:s14] =	ssyncadd.s32 $0xFFFFC000  }
0x23f: {  	[spmem:s2] =	stream.indirect.scatter.add.f32 [tilespmem:s12], [sflag:$0x5], $0x80, s3, s11, $0xb8;
	[tilespmem:$0x1E000] =	vst v63  }
0x240: {  	_ =	swait.ge [sflag:s5], $0x4000  }
0x241: {  	[sflag:s5] =	ssyncset.done $0x0  }
0x242: {  	[sflag:s5] =	ssyncadd.s32 $0xFFFFC000  }
0x243: {  	_ =	swait.ge [sflag:s16], $0x4000  }
0x244: {  	[sflag:s16] =	ssyncset.done $0x0  }
0x245: {  	s1 =	simm.s32 $0x1F80;
	[sflag:s16] =	ssyncadd.s32 $0xFFFFC000  }
0x246: {  	[spmem:s2] =	stream.indirect.scatter.add.f32 [tilespmem:s13], [sflag:$0x5], $0x80, s1, s11, $0xb8;
	[tilespmem:$0x1E000] =	vst v63  }
0x247: {  	_ =	swait.ge [sflag:s5], $0x4000  }
0x248: {  	[sflag:s5] =	ssyncset.done $0x0  }
0x249: {  	[sflag:s5] =	ssyncadd.s32 $0xFFFFC000  }
0x24a: {  	_ =	swait.ge [sflag:s29], $0x800  }
0x24b: {  	[sflag:s29] =	ssyncset.done $0x0  }
0x24c: {  	[sflag:s29] =	ssyncadd.s32 $0xFFFFF800  }
0x24d: {  	_ =	swait.ge [sflag:s30], $0x800  }
0x24e: {  	[sflag:s30] =	ssyncset.done $0x0  }
0x24f: {  	[sflag:s30] =	ssyncadd.s32 $0xFFFFF800  }
0x250: {  	[tilespmem:s12], [sflag:$0x1] =	stream.indirect.gather [hbm4b:s10+s11], $0x80, s4, s11, $0xb8;
	[tilespmem:$0x1E000] =	vst v63  }
0x251: {  	_ = 	snop  }
0x252: {  	[tilespmem:s13], [sflag:$0x2] =	stream.indirect.gather [hbm4b:s10+s11], $0x80, s11, s11, $0xb8;
	[tilespmem:$0x1E000] =	vst v63  }
0x253: {  	_ =	swait.ge [sflag:s14], $0x4000  }
0x254: {  	[sflag:s14] =	ssyncset.done $0x0  }
0x255: {  	[sflag:s14] =	ssyncadd.s32 $0xFFFFC000  }
0x256: {  	[spmem:s2] =	stream.indirect.scatter.add.f32 [tilespmem:s12], [sflag:$0x5], $0x80, s6, s11, $0xb8;
	[tilespmem:$0x1E000] =	vst v63  }
0x257: {  	_ =	swait.ge [sflag:s5], $0x4000  }
0x258: {  	[sflag:s5] =	ssyncset.done $0x0  }
0x259: {  	s3 =	simm.s32 $0x100;
	[sflag:s5] =	ssyncadd.s32 $0xFFFFC000  }
0x25a: {  	[tilespmem:s12], [sflag:$0x1] =	stream.indirect.gather [hbm4b:s10+s11], $0x80, s3, s11, $0xb8;
	[tilespmem:$0x1E000] =	vst v63  }
0x25b: {  	_ =	swait.ge [sflag:s16], $0x4000  }
0x25c: {  	[sflag:s16] =	ssyncset.done $0x0  }
0x25d: {  	s6 =	simm.s32 $0x880;
	[sflag:s16] =	ssyncadd.s32 $0xFFFFC000  }
0x25e: {  	[spmem:s2] =	stream.indirect.scatter.add.f32 [tilespmem:s13], [sflag:$0x5], $0x80, s6, s11, $0xb8;
	[tilespmem:$0x1E000] =	vst v63  }
0x25f: {  	_ =	swait.ge [sflag:s5], $0x4000  }
0x260: {  	[sflag:s5] =	ssyncset.done $0x0  }
0x261: {  	[sflag:s5] =	ssyncadd.s32 $0xFFFFC000  }
0x262: {  	[tilespmem:s13], [sflag:$0x2] =	stream.indirect.gather [hbm4b:s10+s11], $0x80, s7, s11, $0xb8;
	[tilespmem:$0x1E000] =	vst v63  }
0x263: {  	_ =	swait.ge [sflag:s14], $0x4000  }
0x264: {  	[sflag:s14] =	ssyncset.done $0x0  }
0x265: {  	[sflag:s14] =	ssyncadd.s32 $0xFFFFC000  }
0x266: {  	[spmem:s2] =	stream.indirect.scatter.add.f32 [tilespmem:s12], [sflag:$0x5], $0x80, s8, s11, $0xb8;
	[tilespmem:$0x1E000] =	vst v63  }
0x267: {  	_ =	swait.ge [sflag:s5], $0x4000  }
0x268: {  	[sflag:s5] =	ssyncset.done $0x0  }
0x269: {  	s1 =	simm.s32 $0x200;
	[sflag:s5] =	ssyncadd.s32 $0xFFFFC000  }
0x26a: {  	[tilespmem:s12], [sflag:$0x1] =	stream.indirect.gather [hbm4b:s10+s11], $0x80, s1, s11, $0xb8;
	[tilespmem:$0x1E000] =	vst v63  }
0x26b: {  	_ =	swait.ge [sflag:s16], $0x4000  }
0x26c: {  	[sflag:s16] =	ssyncset.done $0x0  }
0x26d: {  	[sflag:s16] =	ssyncadd.s32 $0xFFFFC000  }
0x26e: {  	[spmem:s2] =	stream.indirect.scatter.add.f32 [tilespmem:s13], [sflag:$0x5], $0x80, s15, s11, $0xb8;
	[tilespmem:$0x1E000] =	vst v63  }
0x26f: {  	_ =	swait.ge [sflag:s5], $0x4000  }
0x270: {  	[sflag:s5] =	ssyncset.done $0x0  }
0x271: {  	[sflag:s5] =	ssyncadd.s32 $0xFFFFC000  }
0x272: {  	[tilespmem:s13], [sflag:$0x2] =	stream.indirect.gather [hbm4b:s10+s11], $0x80, s17, s11, $0xb8;
	[tilespmem:$0x1E000] =	vst v63  }
0x273: {  	_ =	swait.ge [sflag:s14], $0x4000  }
0x274: {  	[sflag:s14] =	ssyncset.done $0x0  }
0x275: {  	[sflag:s14] =	ssyncadd.s32 $0xFFFFC000  }
0x276: {  	[spmem:s2] =	stream.indirect.scatter.add.f32 [tilespmem:s12], [sflag:$0x5], $0x80, s18, s11, $0xb8;
	[tilespmem:$0x1E000] =	vst v63  }
0x277: {  	_ =	swait.ge [sflag:s5], $0x4000  }
0x278: {  	[sflag:s5] =	ssyncset.done $0x0  }
0x279: {  	[sflag:s5] =	ssyncadd.s32 $0xFFFFC000  }
0x27a: {  	[tilespmem:s12], [sflag:$0x1] =	stream.indirect.gather [hbm4b:s10+s11], $0x80, s19, s11, $0xb8;
	[tilespmem:$0x1E000] =	vst v63  }
0x27b: {  	_ =	swait.ge [sflag:s16], $0x4000  }
0x27c: {  	[sflag:s16] =	ssyncset.done $0x0  }
0x27d: {  	[sflag:s16] =	ssyncadd.s32 $0xFFFFC000  }
0x27e: {  	[spmem:s2] =	stream.indirect.scatter.add.f32 [tilespmem:s13], [sflag:$0x5], $0x80, s20, s11, $0xb8;
	[tilespmem:$0x1E000] =	vst v63  }
0x27f: {  	_ =	swait.ge [sflag:s5], $0x4000  }
0x280: {  	[sflag:s5] =	ssyncset.done $0x0  }
0x281: {  	[sflag:s5] =	ssyncadd.s32 $0xFFFFC000  }
0x282: {  	[tilespmem:s13], [sflag:$0x2] =	stream.indirect.gather [hbm4b:s10+s11], $0x80, s21, s11, $0xb8;
	[tilespmem:$0x1E000] =	vst v63  }
0x283: {  	_ =	swait.ge [sflag:s14], $0x4000  }
0x284: {  	[sflag:s14] =	ssyncset.done $0x0  }
0x285: {  	[sflag:s14] =	ssyncadd.s32 $0xFFFFC000  }
0x286: {  	[spmem:s2] =	stream.indirect.scatter.add.f32 [tilespmem:s12], [sflag:$0x5], $0x80, s22, s11, $0xb8;
	[tilespmem:$0x1E000] =	vst v63  }
0x287: {  	_ =	swait.ge [sflag:s5], $0x4000  }
0x288: {  	[sflag:s5] =	ssyncset.done $0x0  }
0x289: {  	[sflag:s5] =	ssyncadd.s32 $0xFFFFC000  }
0x28a: {  	[tilespmem:s12], [sflag:$0x1] =	stream.indirect.gather [hbm4b:s10+s11], $0x80, s23, s11, $0xb8;
	[tilespmem:$0x1E000] =	vst v63  }
0x28b: {  	_ =	swait.ge [sflag:s16], $0x4000  }
0x28c: {  	[sflag:s16] =	ssyncset.done $0x0  }
0x28d: {  	[sflag:s16] =	ssyncadd.s32 $0xFFFFC000  }
0x28e: {  	[spmem:s2] =	stream.indirect.scatter.add.f32 [tilespmem:s13], [sflag:$0x5], $0x80, s24, s11, $0xb8;
	[tilespmem:$0x1E000] =	vst v63  }
0x28f: {  	_ =	swait.ge [sflag:s5], $0x4000  }
0x290: {  	[sflag:s5] =	ssyncset.done $0x0  }
0x291: {  	[sflag:s5] =	ssyncadd.s32 $0xFFFFC000  }
0x292: {  	[tilespmem:s13], [sflag:$0x2] =	stream.indirect.gather [hbm4b:s10+s11], $0x80, s25, s11, $0xb8;
	[tilespmem:$0x1E000] =	vst v63  }
0x293: {  	_ =	swait.ge [sflag:s14], $0x4000  }
0x294: {  	[sflag:s14] =	ssyncset.done $0x0  }
0x295: {  	[sflag:s14] =	ssyncadd.s32 $0xFFFFC000  }
0x296: {  	[spmem:s2] =	stream.indirect.scatter.add.f32 [tilespmem:s12], [sflag:$0x5], $0x80, s28, s11, $0xb8;
	[tilespmem:$0x1E000] =	vst v63  }
0x297: {  	_ =	swait.ge [sflag:s5], $0x4000  }
0x298: {  	[sflag:s5] =	ssyncset.done $0x0  }
0x299: {  	s3 =	simm.s32 $0x500;
	[sflag:s5] =	ssyncadd.s32 $0xFFFFC000  }
0x29a: {  	[tilespmem:s12], [sflag:$0x1] =	stream.indirect.gather [hbm4b:s10+s11], $0x80, s3, s11, $0xb8;
	[tilespmem:$0x1E000] =	vst v63  }
0x29b: {  	_ =	swait.ge [sflag:s16], $0x4000  }
0x29c: {  	[sflag:s16] =	ssyncset.done $0x0  }
0x29d: {  	s6 =	simm.s32 $0xC80;
	[sflag:s16] =	ssyncadd.s32 $0xFFFFC000  }
0x29e: {  	[spmem:s2] =	stream.indirect.scatter.add.f32 [tilespmem:s13], [sflag:$0x5], $0x80, s6, s11, $0xb8;
	[tilespmem:$0x1E000] =	vst v63  }
0x29f: {  	_ =	swait.ge [sflag:s5], $0x4000  }
0x2a0: {  	[sflag:s5] =	ssyncset.done $0x0  }
0x2a1: {  	s7 =	simm.s32 $0x580;
	[sflag:s5] =	ssyncadd.s32 $0xFFFFC000  }
0x2a2: {  	[tilespmem:s13], [sflag:$0x2] =	stream.indirect.gather [hbm4b:s10+s11], $0x80, s7, s11, $0xb8;
	[tilespmem:$0x1E000] =	vst v63  }
0x2a3: {  	_ =	swait.ge [sflag:s14], $0x4000  }
0x2a4: {  	[sflag:s14] =	ssyncset.done $0x0  }
0x2a5: {  	s8 =	simm.s32 $0xD00;
	[sflag:s14] =	ssyncadd.s32 $0xFFFFC000  }
0x2a6: {  	[spmem:s2] =	stream.indirect.scatter.add.f32 [tilespmem:s12], [sflag:$0x5], $0x80, s8, s11, $0xb8;
	[tilespmem:$0x1E000] =	vst v63  }
0x2a7: {  	_ =	swait.ge [sflag:s5], $0x4000  }
0x2a8: {  	[sflag:s5] =	ssyncset.done $0x0  }
0x2a9: {  	s15 =	simm.s32 $0x600;
	[sflag:s5] =	ssyncadd.s32 $0xFFFFC000  }
0x2aa: {  	[tilespmem:s12], [sflag:$0x1] =	stream.indirect.gather [hbm4b:s10+s11], $0x80, s15, s11, $0xb8;
	[tilespmem:$0x1E000] =	vst v63  }
0x2ab: {  	_ =	swait.ge [sflag:s16], $0x4000  }
0x2ac: {  	[sflag:s16] =	ssyncset.done $0x0  }
0x2ad: {  	s17 =	simm.s32 $0xD80;
	[sflag:s16] =	ssyncadd.s32 $0xFFFFC000  }
0x2ae: {  	[spmem:s2] =	stream.indirect.scatter.add.f32 [tilespmem:s13], [sflag:$0x5], $0x80, s17, s11, $0xb8;
	[tilespmem:$0x1E000] =	vst v63  }
0x2af: {  	_ =	swait.ge [sflag:s5], $0x4000  }
0x2b0: {  	[sflag:s5] =	ssyncset.done $0x0  }
0x2b1: {  	s18 =	simm.s32 $0x680;
	[sflag:s5] =	ssyncadd.s32 $0xFFFFC000  }
0x2b2: {  	[tilespmem:s13], [sflag:$0x2] =	stream.indirect.gather [hbm4b:s10+s11], $0x80, s18, s11, $0xb8;
	[tilespmem:$0x1E000] =	vst v63  }
0x2b3: {  	_ =	swait.ge [sflag:s14], $0x4000  }
0x2b4: {  	[sflag:s14] =	ssyncset.done $0x0  }
0x2b5: {  	s19 =	simm.s32 $0xE00;
	[sflag:s14] =	ssyncadd.s32 $0xFFFFC000  }
0x2b6: {  	[spmem:s2] =	stream.indirect.scatter.add.f32 [tilespmem:s12], [sflag:$0x5], $0x80, s19, s11, $0xb8;
	[tilespmem:$0x1E000] =	vst v63  }
0x2b7: {  	_ =	swait.ge [sflag:s5], $0x4000  }
0x2b8: {  	[sflag:s5] =	ssyncset.done $0x0  }
0x2b9: {  	s20 =	simm.s32 $0x700;
	[sflag:s5] =	ssyncadd.s32 $0xFFFFC000  }
0x2ba: {  	[tilespmem:s12], [sflag:$0x1] =	stream.indirect.gather [hbm4b:s10+s11], $0x80, s20, s11, $0xb8;
	[tilespmem:$0x1E000] =	vst v63  }
0x2bb: {  	_ =	swait.ge [sflag:s16], $0x4000  }
0x2bc: {  	[sflag:s16] =	ssyncset.done $0x0  }
0x2bd: {  	s21 =	simm.s32 $0xE80;
	[sflag:s16] =	ssyncadd.s32 $0xFFFFC000  }
0x2be: {  	[spmem:s2] =	stream.indirect.scatter.add.f32 [tilespmem:s13], [sflag:$0x5], $0x80, s21, s11, $0xb8;
	[tilespmem:$0x1E000] =	vst v63  }
0x2bf: {  	_ =	swait.ge [sflag:s5], $0x4000  }
0x2c0: {  	[sflag:s5] =	ssyncset.done $0x0  }
0x2c1: {  	s22 =	simm.s32 $0x780;
	[sflag:s5] =	ssyncadd.s32 $0xFFFFC000  }
0x2c2: {  	[tilespmem:s13], [sflag:$0x2] =	stream.indirect.gather [hbm4b:s10+s11], $0x80, s22, s11, $0xb8;
	[tilespmem:$0x1E000] =	vst v63  }
0x2c3: {  	_ =	swait.ge [sflag:s14], $0x4000  }
0x2c4: {  	[sflag:s14] =	ssyncset.done $0x0  }
0x2c5: {  	s23 =	simm.s32 $0xF00;
	[sflag:s14] =	ssyncadd.s32 $0xFFFFC000  }
0x2c6: {  	[spmem:s2] =	stream.indirect.scatter.add.f32 [tilespmem:s12], [sflag:$0x5], $0x80, s23, s11, $0xb8;
	[tilespmem:$0x1E000] =	vst v63  }
0x2c7: {  	_ =	swait.ge [sflag:s5], $0x4000  }
0x2c8: {  	[sflag:s5] =	ssyncset.done $0x0  }
0x2c9: {  	[sflag:s5] =	ssyncadd.s32 $0xFFFFC000  }
0x2ca: {  	_ =	swait.ge [sflag:s16], $0x4000  }
0x2cb: {  	[sflag:s16] =	ssyncset.done $0x0  }
0x2cc: {  	s24 =	simm.s32 $0xF80;
	[sflag:s16] =	ssyncadd.s32 $0xFFFFC000  }
0x2cd: {  	[spmem:s2] =	stream.indirect.scatter.add.f32 [tilespmem:s13], [sflag:$0x5], $0x80, s24, s11, $0xb8;
	[tilespmem:$0x1E000] =	vst v63  }
0x2ce: {  	_ =	swait.ge [sflag:s5], $0x4000  }
0x2cf: {  	[sflag:s5] =	ssyncset.done $0x0  }
0x2d0: {  	[sflag:s5] =	ssyncadd.s32 $0xFFFFC000  }
0x2d1: {  	[bflag:$0x0] =	sbarrier.arrive $0xFFFF  }
0x2d2: {  	s25 =	rddreg [dreg:$0x12]  }
0x2d3: {  	s0 =	ssub.s32 $0x2, s25  }
0x2d4: {  	s31 =	sshrl.u32 s0, $0x1  }
0x2d5: {  	s31 =	ssub.s32 s0, s31  }
0x2d6: {  	s31 =	smax.u32 s31, $0x1  }
0x2d7: {  	p0 =	sne.s32 s31, $0x1  }
.Ltmp0:
0x2d8: {  	s28 =	rddreg [dreg:$0xf];
	(pc) =	sbr.rel @!p0 .LBB2_3-.Ltmp0, $4  }
0x2d9: {  	[dreg:$0x10] =	wrdreg s26  }
0x2da: {  	[dreg:$0x11] =	wrdreg s9  }
0x2db: {  	[hbm:s28], [sflag:s26] =	dma.local [spmem:s9], $0x2800  }
0x2dc: {  	_ =	swait.ge [sflag:s5], $0x2800;
	s31 =	sadd.s32 $0xFFFFFFFF, s31  }
0x2dd: {  	s9 =	simm.s32 $0x1000  }
0x2de: {  	s7 =	simm.s32 $0x1800;
	s6 =	simm.s32 $0x1080;
	s8 =	simm.s32 $0x1100  }
0x2df: {  	s15 =	simm.s32 $0x1880;
	s17 =	simm.s32 $0x1180;
	s18 =	simm.s32 $0x1900  }
0x2e0: {  	s19 =	simm.s32 $0x1200;
	s20 =	simm.s32 $0x1980;
	s21 =	simm.s32 $0x1280  }
0x2e1: {  	s22 =	simm.s32 $0x1A00;
	s23 =	simm.s32 $0x1300;
	s24 =	simm.s32 $0x1A80  }
0x2e2: {  	s25 =	simm.s32 $0x1380;
	s26 =	simm.s32 $0x1B00;
	s28 =	simm.s32 $0x1400  }
.LBB2_2:
0x2e3: {  	s1 =	rddreg [dreg:$0x4]  }
0x2e4: {  	[sflag:s5] =	ssyncset.done $0x0;
	s0 =	rddreg [dreg:$0x10]  }
0x2e5: {  	s3 =	rddreg [dreg:$0x11];
	[sflag:s5] =	ssyncadd.s32 $0xFFFFD800  }
0x2e6: {  	[spmem:s3], [sflag:s0] =	dma.local [hbm:s1], $0x2800  }
0x2e7: {  	_ =	swait.ge [sflag:s5], $0x2800  }
0x2e8: {  	[sflag:s5] =	ssyncset.done $0x0  }
0x2e9: {  	[sflag:s5] =	ssyncadd.s32 $0xFFFFD800  }
0x2ea: {  	[bflag:$0x0] =	sbarrier.arrive $0xFFFF  }
0x2eb: {  	s3 =	rddreg [dreg:$0x5]  }
0x2ec: {  	[tilespmem:s4], [sflag:$0x5] =	stream.linear.gather [hbm4b:s3+s4], $0x800, $0x38;
	[tilespmem:$0x1E000] =	vst v63  }
0x2ed: {  	_ =	swait.ge [sflag:s5], $0x800  }
0x2ee: {  	[sflag:s5] =	ssyncset.done $0x0  }
0x2ef: {  	s3 =	simm.s32 $0x800;
	s0 =	rddreg [dreg:$0x6];
	[sflag:s5] =	ssyncadd.s32 $0xFFFFF800  }
0x2f0: {  	[tilespmem:s3], [sflag:$0x5] =	stream.linear.gather [hbm4b:s0+s4], $0x800, $0x38;
	[tilespmem:$0x1E000] =	vst v63  }
0x2f1: {  	_ =	swait.ge [sflag:s5], $0x800  }
0x2f2: {  	[sflag:s5] =	ssyncset.done $0x0  }
0x2f3: {  	s1 =	rddreg [dreg:$0x7];
	[sflag:s5] =	ssyncadd.s32 $0xFFFFF800  }
0x2f4: {  	[tilespmem:s9], [sflag:$0x3] =	stream.linear.gather [hbm4b:s1+s4], $0x800, $0x38;
	[tilespmem:$0x1E000] =	vst v63  }
0x2f5: {  	s0 =	rddreg [dreg:$0x8]  }
0x2f6: {  	[tilespmem:s7], [sflag:$0x4] =	stream.linear.gather [hbm4b:s0+s4], $0x800, $0x38;
	[tilespmem:$0x1E000] =	vst v63  }
0x2f7: {  	_ = 	snop  }
0x2f8: {  	[tilespmem:s12], [sflag:$0x1] =	stream.indirect.gather [hbm4b:s10+s11], $0x80, s4, s11, $0xb8;
	[tilespmem:$0x1E000] =	vst v63  }
0x2f9: {  	_ = 	snop  }
0x2fa: {  	[tilespmem:s13], [sflag:$0x2] =	stream.indirect.gather [hbm4b:s10+s11], $0x80, s11, s11, $0xb8;
	[tilespmem:$0x1E000] =	vst v63  }
0x2fb: {  	_ =	swait.ge [sflag:s14], $0x4000  }
0x2fc: {  	[sflag:s14] =	ssyncset.done $0x0  }
0x2fd: {  	[sflag:s14] =	ssyncadd.s32 $0xFFFFC000  }
0x2fe: {  	[spmem:s2] =	stream.indirect.scatter.add.f32 [tilespmem:s12], [sflag:$0x5], $0x80, s3, s11, $0xb8;
	[tilespmem:$0x1E000] =	vst v63  }
0x2ff: {  	_ =	swait.ge [sflag:s5], $0x4000  }
0x300: {  	[sflag:s5] =	ssyncset.done $0x0  }
0x301: {  	s1 =	simm.s32 $0x100;
	[sflag:s5] =	ssyncadd.s32 $0xFFFFC000  }
0x302: {  	[tilespmem:s12], [sflag:$0x1] =	stream.indirect.gather [hbm4b:s10+s11], $0x80, s1, s11, $0xb8;
	[tilespmem:$0x1E000] =	vst v63  }
0x303: {  	_ =	swait.ge [sflag:s16], $0x4000  }
0x304: {  	[sflag:s16] =	ssyncset.done $0x0  }
0x305: {  	s1 =	simm.s32 $0x880;
	[sflag:s16] =	ssyncadd.s32 $0xFFFFC000  }
0x306: {  	[spmem:s2] =	stream.indirect.scatter.add.f32 [tilespmem:s13], [sflag:$0x5], $0x80, s1, s11, $0xb8;
	[tilespmem:$0x1E000] =	vst v63  }
0x307: {  	_ =	swait.ge [sflag:s5], $0x4000  }
0x308: {  	[sflag:s5] =	ssyncset.done $0x0  }
0x309: {  	s1 =	simm.s32 $0x180;
	[sflag:s5] =	ssyncadd.s32 $0xFFFFC000  }
0x30a: {  	[tilespmem:s13], [sflag:$0x2] =	stream.indirect.gather [hbm4b:s10+s11], $0x80, s1, s11, $0xb8;
	[tilespmem:$0x1E000] =	vst v63  }
0x30b: {  	_ =	swait.ge [sflag:s14], $0x4000  }
0x30c: {  	[sflag:s14] =	ssyncset.done $0x0  }
0x30d: {  	s1 =	simm.s32 $0x900;
	[sflag:s14] =	ssyncadd.s32 $0xFFFFC000  }
0x30e: {  	[spmem:s2] =	stream.indirect.scatter.add.f32 [tilespmem:s12], [sflag:$0x5], $0x80, s1, s11, $0xb8;
	[tilespmem:$0x1E000] =	vst v63  }
0x30f: {  	_ =	swait.ge [sflag:s5], $0x4000  }
0x310: {  	[sflag:s5] =	ssyncset.done $0x0  }
0x311: {  	s1 =	simm.s32 $0x200;
	[sflag:s5] =	ssyncadd.s32 $0xFFFFC000  }
0x312: {  	[tilespmem:s12], [sflag:$0x1] =	stream.indirect.gather [hbm4b:s10+s11], $0x80, s1, s11, $0xb8;
	[tilespmem:$0x1E000] =	vst v63  }
0x313: {  	_ =	swait.ge [sflag:s16], $0x4000  }
0x314: {  	[sflag:s16] =	ssyncset.done $0x0  }
0x315: {  	s1 =	simm.s32 $0x980;
	[sflag:s16] =	ssyncadd.s32 $0xFFFFC000  }
0x316: {  	[spmem:s2] =	stream.indirect.scatter.add.f32 [tilespmem:s13], [sflag:$0x5], $0x80, s1, s11, $0xb8;
	[tilespmem:$0x1E000] =	vst v63  }
0x317: {  	_ =	swait.ge [sflag:s5], $0x4000  }
0x318: {  	[sflag:s5] =	ssyncset.done $0x0  }
0x319: {  	s1 =	simm.s32 $0x280;
	[sflag:s5] =	ssyncadd.s32 $0xFFFFC000  }
0x31a: {  	[tilespmem:s13], [sflag:$0x2] =	stream.indirect.gather [hbm4b:s10+s11], $0x80, s1, s11, $0xb8;
	[tilespmem:$0x1E000] =	vst v63  }
0x31b: {  	_ =	swait.ge [sflag:s14], $0x4000  }
0x31c: {  	[sflag:s14] =	ssyncset.done $0x0  }
0x31d: {  	s1 =	simm.s32 $0xA00;
	[sflag:s14] =	ssyncadd.s32 $0xFFFFC000  }
0x31e: {  	[spmem:s2] =	stream.indirect.scatter.add.f32 [tilespmem:s12], [sflag:$0x5], $0x80, s1, s11, $0xb8;
	[tilespmem:$0x1E000] =	vst v63  }
0x31f: {  	_ =	swait.ge [sflag:s5], $0x4000  }
0x320: {  	[sflag:s5] =	ssyncset.done $0x0  }
0x321: {  	s1 =	simm.s32 $0x300;
	[sflag:s5] =	ssyncadd.s32 $0xFFFFC000  }
0x322: {  	[tilespmem:s12], [sflag:$0x1] =	stream.indirect.gather [hbm4b:s10+s11], $0x80, s1, s11, $0xb8;
	[tilespmem:$0x1E000] =	vst v63  }
0x323: {  	_ =	swait.ge [sflag:s16], $0x4000  }
0x324: {  	[sflag:s16] =	ssyncset.done $0x0  }
0x325: {  	s1 =	simm.s32 $0xA80;
	[sflag:s16] =	ssyncadd.s32 $0xFFFFC000  }
0x326: {  	[spmem:s2] =	stream.indirect.scatter.add.f32 [tilespmem:s13], [sflag:$0x5], $0x80, s1, s11, $0xb8;
	[tilespmem:$0x1E000] =	vst v63  }
0x327: {  	_ =	swait.ge [sflag:s5], $0x4000  }
0x328: {  	[sflag:s5] =	ssyncset.done $0x0  }
0x329: {  	s1 =	simm.s32 $0x380;
	[sflag:s5] =	ssyncadd.s32 $0xFFFFC000  }
0x32a: {  	[tilespmem:s13], [sflag:$0x2] =	stream.indirect.gather [hbm4b:s10+s11], $0x80, s1, s11, $0xb8;
	[tilespmem:$0x1E000] =	vst v63  }
0x32b: {  	_ =	swait.ge [sflag:s14], $0x4000  }
0x32c: {  	[sflag:s14] =	ssyncset.done $0x0  }
0x32d: {  	s1 =	simm.s32 $0xB00;
	[sflag:s14] =	ssyncadd.s32 $0xFFFFC000  }
0x32e: {  	[spmem:s2] =	stream.indirect.scatter.add.f32 [tilespmem:s12], [sflag:$0x5], $0x80, s1, s11, $0xb8;
	[tilespmem:$0x1E000] =	vst v63  }
0x32f: {  	_ =	swait.ge [sflag:s5], $0x4000  }
0x330: {  	[sflag:s5] =	ssyncset.done $0x0  }
0x331: {  	s1 =	simm.s32 $0x400;
	[sflag:s5] =	ssyncadd.s32 $0xFFFFC000  }
0x332: {  	[tilespmem:s12], [sflag:$0x1] =	stream.indirect.gather [hbm4b:s10+s11], $0x80, s1, s11, $0xb8;
	[tilespmem:$0x1E000] =	vst v63  }
0x333: {  	_ =	swait.ge [sflag:s16], $0x4000  }
0x334: {  	[sflag:s16] =	ssyncset.done $0x0  }
0x335: {  	s1 =	simm.s32 $0xB80;
	[sflag:s16] =	ssyncadd.s32 $0xFFFFC000  }
0x336: {  	[spmem:s2] =	stream.indirect.scatter.add.f32 [tilespmem:s13], [sflag:$0x5], $0x80, s1, s11, $0xb8;
	[tilespmem:$0x1E000] =	vst v63  }
0x337: {  	_ =	swait.ge [sflag:s5], $0x4000  }
0x338: {  	[sflag:s5] =	ssyncset.done $0x0  }
0x339: {  	s1 =	simm.s32 $0x480;
	[sflag:s5] =	ssyncadd.s32 $0xFFFFC000  }
0x33a: {  	[tilespmem:s13], [sflag:$0x2] =	stream.indirect.gather [hbm4b:s10+s11], $0x80, s1, s11, $0xb8;
	[tilespmem:$0x1E000] =	vst v63  }
0x33b: {  	_ =	swait.ge [sflag:s14], $0x4000  }
0x33c: {  	[sflag:s14] =	ssyncset.done $0x0  }
0x33d: {  	s1 =	simm.s32 $0xC00;
	[sflag:s14] =	ssyncadd.s32 $0xFFFFC000  }
0x33e: {  	[spmem:s2] =	stream.indirect.scatter.add.f32 [tilespmem:s12], [sflag:$0x5], $0x80, s1, s11, $0xb8;
	[tilespmem:$0x1E000] =	vst v63  }
0x33f: {  	_ =	swait.ge [sflag:s5], $0x4000  }
0x340: {  	[sflag:s5] =	ssyncset.done $0x0  }
0x341: {  	s1 =	simm.s32 $0x500;
	[sflag:s5] =	ssyncadd.s32 $0xFFFFC000  }
0x342: {  	[tilespmem:s12], [sflag:$0x1] =	stream.indirect.gather [hbm4b:s10+s11], $0x80, s1, s11, $0xb8;
	[tilespmem:$0x1E000] =	vst v63  }
0x343: {  	_ =	swait.ge [sflag:s16], $0x4000  }
0x344: {  	[sflag:s16] =	ssyncset.done $0x0  }
0x345: {  	s1 =	simm.s32 $0xC80;
	[sflag:s16] =	ssyncadd.s32 $0xFFFFC000  }
0x346: {  	[spmem:s2] =	stream.indirect.scatter.add.f32 [tilespmem:s13], [sflag:$0x5], $0x80, s1, s11, $0xb8;
	[tilespmem:$0x1E000] =	vst v63  }
0x347: {  	_ =	swait.ge [sflag:s5], $0x4000  }
0x348: {  	[sflag:s5] =	ssyncset.done $0x0  }
0x349: {  	s1 =	simm.s32 $0x580;
	[sflag:s5] =	ssyncadd.s32 $0xFFFFC000  }
0x34a: {  	[tilespmem:s13], [sflag:$0x2] =	stream.indirect.gather [hbm4b:s10+s11], $0x80, s1, s11, $0xb8;
	[tilespmem:$0x1E000] =	vst v63  }
0x34b: {  	_ =	swait.ge [sflag:s14], $0x4000  }
0x34c: {  	[sflag:s14] =	ssyncset.done $0x0  }
0x34d: {  	s1 =	simm.s32 $0xD00;
	[sflag:s14] =	ssyncadd.s32 $0xFFFFC000  }
0x34e: {  	[spmem:s2] =	stream.indirect.scatter.add.f32 [tilespmem:s12], [sflag:$0x5], $0x80, s1, s11, $0xb8;
	[tilespmem:$0x1E000] =	vst v63  }
0x34f: {  	_ =	swait.ge [sflag:s5], $0x4000  }
0x350: {  	[sflag:s5] =	ssyncset.done $0x0  }
0x351: {  	s1 =	simm.s32 $0x600;
	[sflag:s5] =	ssyncadd.s32 $0xFFFFC000  }
0x352: {  	[tilespmem:s12], [sflag:$0x1] =	stream.indirect.gather [hbm4b:s10+s11], $0x80, s1, s11, $0xb8;
	[tilespmem:$0x1E000] =	vst v63  }
0x353: {  	_ =	swait.ge [sflag:s16], $0x4000  }
0x354: {  	[sflag:s16] =	ssyncset.done $0x0  }
0x355: {  	s1 =	simm.s32 $0xD80;
	[sflag:s16] =	ssyncadd.s32 $0xFFFFC000  }
0x356: {  	[spmem:s2] =	stream.indirect.scatter.add.f32 [tilespmem:s13], [sflag:$0x5], $0x80, s1, s11, $0xb8;
	[tilespmem:$0x1E000] =	vst v63  }
0x357: {  	_ =	swait.ge [sflag:s5], $0x4000  }
0x358: {  	[sflag:s5] =	ssyncset.done $0x0  }
0x359: {  	s1 =	simm.s32 $0x680;
	[sflag:s5] =	ssyncadd.s32 $0xFFFFC000  }
0x35a: {  	[tilespmem:s13], [sflag:$0x2] =	stream.indirect.gather [hbm4b:s10+s11], $0x80, s1, s11, $0xb8;
	[tilespmem:$0x1E000] =	vst v63  }
0x35b: {  	_ =	swait.ge [sflag:s14], $0x4000  }
0x35c: {  	[sflag:s14] =	ssyncset.done $0x0  }
0x35d: {  	s1 =	simm.s32 $0xE00;
	[sflag:s14] =	ssyncadd.s32 $0xFFFFC000  }
0x35e: {  	[spmem:s2] =	stream.indirect.scatter.add.f32 [tilespmem:s12], [sflag:$0x5], $0x80, s1, s11, $0xb8;
	[tilespmem:$0x1E000] =	vst v63  }
0x35f: {  	_ =	swait.ge [sflag:s5], $0x4000  }
0x360: {  	[sflag:s5] =	ssyncset.done $0x0  }
0x361: {  	s1 =	simm.s32 $0x700;
	[sflag:s5] =	ssyncadd.s32 $0xFFFFC000  }
0x362: {  	[tilespmem:s12], [sflag:$0x1] =	stream.indirect.gather [hbm4b:s10+s11], $0x80, s1, s11, $0xb8;
	[tilespmem:$0x1E000] =	vst v63  }
0x363: {  	_ =	swait.ge [sflag:s16], $0x4000  }
0x364: {  	[sflag:s16] =	ssyncset.done $0x0  }
0x365: {  	s1 =	simm.s32 $0xE80;
	[sflag:s16] =	ssyncadd.s32 $0xFFFFC000  }
0x366: {  	[spmem:s2] =	stream.indirect.scatter.add.f32 [tilespmem:s13], [sflag:$0x5], $0x80, s1, s11, $0xb8;
	[tilespmem:$0x1E000] =	vst v63  }
0x367: {  	_ =	swait.ge [sflag:s5], $0x4000  }
0x368: {  	[sflag:s5] =	ssyncset.done $0x0  }
0x369: {  	s1 =	simm.s32 $0x780;
	[sflag:s5] =	ssyncadd.s32 $0xFFFFC000  }
0x36a: {  	[tilespmem:s13], [sflag:$0x2] =	stream.indirect.gather [hbm4b:s10+s11], $0x80, s1, s11, $0xb8;
	[tilespmem:$0x1E000] =	vst v63  }
0x36b: {  	_ =	swait.ge [sflag:s14], $0x4000  }
0x36c: {  	[sflag:s14] =	ssyncset.done $0x0  }
0x36d: {  	s1 =	simm.s32 $0xF00;
	[sflag:s14] =	ssyncadd.s32 $0xFFFFC000  }
0x36e: {  	[spmem:s2] =	stream.indirect.scatter.add.f32 [tilespmem:s12], [sflag:$0x5], $0x80, s1, s11, $0xb8;
	[tilespmem:$0x1E000] =	vst v63  }
0x36f: {  	_ =	swait.ge [sflag:s5], $0x4000  }
0x370: {  	[sflag:s5] =	ssyncset.done $0x0  }
0x371: {  	[sflag:s5] =	ssyncadd.s32 $0xFFFFC000  }
0x372: {  	_ =	swait.ge [sflag:s16], $0x4000  }
0x373: {  	[sflag:s16] =	ssyncset.done $0x0  }
0x374: {  	s1 =	simm.s32 $0xF80;
	[sflag:s16] =	ssyncadd.s32 $0xFFFFC000  }
0x375: {  	[spmem:s2] =	stream.indirect.scatter.add.f32 [tilespmem:s13], [sflag:$0x5], $0x80, s1, s11, $0xb8;
	[tilespmem:$0x1E000] =	vst v63  }
0x376: {  	_ =	swait.ge [sflag:s5], $0x4000  }
0x377: {  	[sflag:s5] =	ssyncset.done $0x0  }
0x378: {  	[sflag:s5] =	ssyncadd.s32 $0xFFFFC000  }
0x379: {  	_ =	swait.ge [sflag:s29], $0x800  }
0x37a: {  	[sflag:s29] =	ssyncset.done $0x0  }
0x37b: {  	[sflag:s29] =	ssyncadd.s32 $0xFFFFF800  }
0x37c: {  	_ =	swait.ge [sflag:s30], $0x800  }
0x37d: {  	[sflag:s30] =	ssyncset.done $0x0  }
0x37e: {  	s0 =	rddreg [dreg:$0x9];
	[sflag:s30] =	ssyncadd.s32 $0xFFFFF800  }
0x37f: {  	[tilespmem:s4], [sflag:$0x3] =	stream.linear.gather [hbm4b:s0+s4], $0x800, $0x38;
	[tilespmem:$0x1E000] =	vst v63  }
0x380: {  	s1 =	rddreg [dreg:$0xa]  }
0x381: {  	[tilespmem:s3], [sflag:$0x4] =	stream.linear.gather [hbm4b:s1+s4], $0x800, $0x38;
	[tilespmem:$0x1E000] =	vst v63  }
0x382: {  	_ = 	snop  }
0x383: {  	[tilespmem:s12], [sflag:$0x1] =	stream.indirect.gather [hbm4b:s10+s11], $0x80, s9, s11, $0xb8;
	[tilespmem:$0x1E000] =	vst v63  }
0x384: {  	_ = 	snop  }
0x385: {  	[tilespmem:s13], [sflag:$0x2] =	stream.indirect.gather [hbm4b:s10+s11], $0x80, s6, s11, $0xb8;
	[tilespmem:$0x1E000] =	vst v63  }
0x386: {  	_ =	swait.ge [sflag:s14], $0x4000  }
0x387: {  	[sflag:s14] =	ssyncset.done $0x0  }
0x388: {  	[sflag:s14] =	ssyncadd.s32 $0xFFFFC000  }
0x389: {  	[spmem:s2] =	stream.indirect.scatter.add.f32 [tilespmem:s12], [sflag:$0x5], $0x80, s7, s11, $0xb8;
	[tilespmem:$0x1E000] =	vst v63  }
0x38a: {  	_ =	swait.ge [sflag:s5], $0x4000  }
0x38b: {  	[sflag:s5] =	ssyncset.done $0x0  }
0x38c: {  	[sflag:s5] =	ssyncadd.s32 $0xFFFFC000  }
0x38d: {  	[tilespmem:s12], [sflag:$0x1] =	stream.indirect.gather [hbm4b:s10+s11], $0x80, s8, s11, $0xb8;
	[tilespmem:$0x1E000] =	vst v63  }
0x38e: {  	_ =	swait.ge [sflag:s16], $0x4000  }
0x38f: {  	[sflag:s16] =	ssyncset.done $0x0  }
0x390: {  	[sflag:s16] =	ssyncadd.s32 $0xFFFFC000  }
0x391: {  	[spmem:s2] =	stream.indirect.scatter.add.f32 [tilespmem:s13], [sflag:$0x5], $0x80, s15, s11, $0xb8;
	[tilespmem:$0x1E000] =	vst v63  }
0x392: {  	_ =	swait.ge [sflag:s5], $0x4000  }
0x393: {  	[sflag:s5] =	ssyncset.done $0x0  }
0x394: {  	[sflag:s5] =	ssyncadd.s32 $0xFFFFC000  }
0x395: {  	[tilespmem:s13], [sflag:$0x2] =	stream.indirect.gather [hbm4b:s10+s11], $0x80, s17, s11, $0xb8;
	[tilespmem:$0x1E000] =	vst v63  }
0x396: {  	_ =	swait.ge [sflag:s14], $0x4000  }
0x397: {  	[sflag:s14] =	ssyncset.done $0x0  }
0x398: {  	[sflag:s14] =	ssyncadd.s32 $0xFFFFC000  }
0x399: {  	[spmem:s2] =	stream.indirect.scatter.add.f32 [tilespmem:s12], [sflag:$0x5], $0x80, s18, s11, $0xb8;
	[tilespmem:$0x1E000] =	vst v63  }
0x39a: {  	_ =	swait.ge [sflag:s5], $0x4000  }
0x39b: {  	[sflag:s5] =	ssyncset.done $0x0  }
0x39c: {  	[sflag:s5] =	ssyncadd.s32 $0xFFFFC000  }
0x39d: {  	[tilespmem:s12], [sflag:$0x1] =	stream.indirect.gather [hbm4b:s10+s11], $0x80, s19, s11, $0xb8;
	[tilespmem:$0x1E000] =	vst v63  }
0x39e: {  	_ =	swait.ge [sflag:s16], $0x4000  }
0x39f: {  	[sflag:s16] =	ssyncset.done $0x0  }
0x3a0: {  	[sflag:s16] =	ssyncadd.s32 $0xFFFFC000  }
0x3a1: {  	[spmem:s2] =	stream.indirect.scatter.add.f32 [tilespmem:s13], [sflag:$0x5], $0x80, s20, s11, $0xb8;
	[tilespmem:$0x1E000] =	vst v63  }
0x3a2: {  	_ =	swait.ge [sflag:s5], $0x4000  }
0x3a3: {  	[sflag:s5] =	ssyncset.done $0x0  }
0x3a4: {  	[sflag:s5] =	ssyncadd.s32 $0xFFFFC000  }
0x3a5: {  	[tilespmem:s13], [sflag:$0x2] =	stream.indirect.gather [hbm4b:s10+s11], $0x80, s21, s11, $0xb8;
	[tilespmem:$0x1E000] =	vst v63  }
0x3a6: {  	_ =	swait.ge [sflag:s14], $0x4000  }
0x3a7: {  	[sflag:s14] =	ssyncset.done $0x0  }
0x3a8: {  	[sflag:s14] =	ssyncadd.s32 $0xFFFFC000  }
0x3a9: {  	[spmem:s2] =	stream.indirect.scatter.add.f32 [tilespmem:s12], [sflag:$0x5], $0x80, s22, s11, $0xb8;
	[tilespmem:$0x1E000] =	vst v63  }
0x3aa: {  	_ =	swait.ge [sflag:s5], $0x4000  }
0x3ab: {  	[sflag:s5] =	ssyncset.done $0x0  }
0x3ac: {  	[sflag:s5] =	ssyncadd.s32 $0xFFFFC000  }
0x3ad: {  	[tilespmem:s12], [sflag:$0x1] =	stream.indirect.gather [hbm4b:s10+s11], $0x80, s23, s11, $0xb8;
	[tilespmem:$0x1E000] =	vst v63  }
0x3ae: {  	_ =	swait.ge [sflag:s16], $0x4000  }
0x3af: {  	[sflag:s16] =	ssyncset.done $0x0  }
0x3b0: {  	[sflag:s16] =	ssyncadd.s32 $0xFFFFC000  }
0x3b1: {  	[spmem:s2] =	stream.indirect.scatter.add.f32 [tilespmem:s13], [sflag:$0x5], $0x80, s24, s11, $0xb8;
	[tilespmem:$0x1E000] =	vst v63  }
0x3b2: {  	_ =	swait.ge [sflag:s5], $0x4000  }
0x3b3: {  	[sflag:s5] =	ssyncset.done $0x0  }
0x3b4: {  	[sflag:s5] =	ssyncadd.s32 $0xFFFFC000  }
0x3b5: {  	[tilespmem:s13], [sflag:$0x2] =	stream.indirect.gather [hbm4b:s10+s11], $0x80, s25, s11, $0xb8;
	[tilespmem:$0x1E000] =	vst v63  }
0x3b6: {  	_ =	swait.ge [sflag:s14], $0x4000  }
0x3b7: {  	[sflag:s14] =	ssyncset.done $0x0  }
0x3b8: {  	[sflag:s14] =	ssyncadd.s32 $0xFFFFC000  }
0x3b9: {  	[spmem:s2] =	stream.indirect.scatter.add.f32 [tilespmem:s12], [sflag:$0x5], $0x80, s26, s11, $0xb8;
	[tilespmem:$0x1E000] =	vst v63  }
0x3ba: {  	_ =	swait.ge [sflag:s5], $0x4000  }
0x3bb: {  	[sflag:s5] =	ssyncset.done $0x0  }
0x3bc: {  	[sflag:s5] =	ssyncadd.s32 $0xFFFFC000  }
0x3bd: {  	[tilespmem:s12], [sflag:$0x1] =	stream.indirect.gather [hbm4b:s10+s11], $0x80, s28, s11, $0xb8;
	[tilespmem:$0x1E000] =	vst v63  }
0x3be: {  	_ =	swait.ge [sflag:s16], $0x4000  }
0x3bf: {  	[sflag:s16] =	ssyncset.done $0x0  }
0x3c0: {  	s1 =	simm.s32 $0x1B80;
	[sflag:s16] =	ssyncadd.s32 $0xFFFFC000  }
0x3c1: {  	[spmem:s2] =	stream.indirect.scatter.add.f32 [tilespmem:s13], [sflag:$0x5], $0x80, s1, s11, $0xb8;
	[tilespmem:$0x1E000] =	vst v63  }
0x3c2: {  	_ =	swait.ge [sflag:s5], $0x4000  }
0x3c3: {  	[sflag:s5] =	ssyncset.done $0x0  }
0x3c4: {  	s1 =	simm.s32 $0x1480;
	[sflag:s5] =	ssyncadd.s32 $0xFFFFC000  }
0x3c5: {  	[tilespmem:s13], [sflag:$0x2] =	stream.indirect.gather [hbm4b:s10+s11], $0x80, s1, s11, $0xb8;
	[tilespmem:$0x1E000] =	vst v63  }
0x3c6: {  	_ =	swait.ge [sflag:s14], $0x4000  }
0x3c7: {  	[sflag:s14] =	ssyncset.done $0x0  }
0x3c8: {  	s1 =	simm.s32 $0x1C00;
	[sflag:s14] =	ssyncadd.s32 $0xFFFFC000  }
0x3c9: {  	[spmem:s2] =	stream.indirect.scatter.add.f32 [tilespmem:s12], [sflag:$0x5], $0x80, s1, s11, $0xb8;
	[tilespmem:$0x1E000] =	vst v63  }
0x3ca: {  	_ =	swait.ge [sflag:s5], $0x4000  }
0x3cb: {  	[sflag:s5] =	ssyncset.done $0x0  }
0x3cc: {  	s1 =	simm.s32 $0x1500;
	[sflag:s5] =	ssyncadd.s32 $0xFFFFC000  }
0x3cd: {  	[tilespmem:s12], [sflag:$0x1] =	stream.indirect.gather [hbm4b:s10+s11], $0x80, s1, s11, $0xb8;
	[tilespmem:$0x1E000] =	vst v63  }
0x3ce: {  	_ =	swait.ge [sflag:s16], $0x4000  }
0x3cf: {  	[sflag:s16] =	ssyncset.done $0x0  }
0x3d0: {  	s1 =	simm.s32 $0x1C80;
	[sflag:s16] =	ssyncadd.s32 $0xFFFFC000  }
0x3d1: {  	[spmem:s2] =	stream.indirect.scatter.add.f32 [tilespmem:s13], [sflag:$0x5], $0x80, s1, s11, $0xb8;
	[tilespmem:$0x1E000] =	vst v63  }
0x3d2: {  	_ =	swait.ge [sflag:s5], $0x4000  }
0x3d3: {  	[sflag:s5] =	ssyncset.done $0x0  }
0x3d4: {  	s1 =	simm.s32 $0x1580;
	[sflag:s5] =	ssyncadd.s32 $0xFFFFC000  }
0x3d5: {  	[tilespmem:s13], [sflag:$0x2] =	stream.indirect.gather [hbm4b:s10+s11], $0x80, s1, s11, $0xb8;
	[tilespmem:$0x1E000] =	vst v63  }
0x3d6: {  	_ =	swait.ge [sflag:s14], $0x4000  }
0x3d7: {  	[sflag:s14] =	ssyncset.done $0x0  }
0x3d8: {  	s1 =	simm.s32 $0x1D00;
	[sflag:s14] =	ssyncadd.s32 $0xFFFFC000  }
0x3d9: {  	[spmem:s2] =	stream.indirect.scatter.add.f32 [tilespmem:s12], [sflag:$0x5], $0x80, s1, s11, $0xb8;
	[tilespmem:$0x1E000] =	vst v63  }
0x3da: {  	_ =	swait.ge [sflag:s5], $0x4000  }
0x3db: {  	[sflag:s5] =	ssyncset.done $0x0  }
0x3dc: {  	s1 =	simm.s32 $0x1600;
	[sflag:s5] =	ssyncadd.s32 $0xFFFFC000  }
0x3dd: {  	[tilespmem:s12], [sflag:$0x1] =	stream.indirect.gather [hbm4b:s10+s11], $0x80, s1, s11, $0xb8;
	[tilespmem:$0x1E000] =	vst v63  }
0x3de: {  	_ =	swait.ge [sflag:s16], $0x4000  }
0x3df: {  	[sflag:s16] =	ssyncset.done $0x0  }
0x3e0: {  	s1 =	simm.s32 $0x1D80;
	[sflag:s16] =	ssyncadd.s32 $0xFFFFC000  }
0x3e1: {  	[spmem:s2] =	stream.indirect.scatter.add.f32 [tilespmem:s13], [sflag:$0x5], $0x80, s1, s11, $0xb8;
	[tilespmem:$0x1E000] =	vst v63  }
0x3e2: {  	_ =	swait.ge [sflag:s5], $0x4000  }
0x3e3: {  	[sflag:s5] =	ssyncset.done $0x0  }
0x3e4: {  	s1 =	simm.s32 $0x1680;
	[sflag:s5] =	ssyncadd.s32 $0xFFFFC000  }
0x3e5: {  	[tilespmem:s13], [sflag:$0x2] =	stream.indirect.gather [hbm4b:s10+s11], $0x80, s1, s11, $0xb8;
	[tilespmem:$0x1E000] =	vst v63  }
0x3e6: {  	_ =	swait.ge [sflag:s14], $0x4000  }
0x3e7: {  	[sflag:s14] =	ssyncset.done $0x0  }
0x3e8: {  	s1 =	simm.s32 $0x1E00;
	[sflag:s14] =	ssyncadd.s32 $0xFFFFC000  }
0x3e9: {  	[spmem:s2] =	stream.indirect.scatter.add.f32 [tilespmem:s12], [sflag:$0x5], $0x80, s1, s11, $0xb8;
	[tilespmem:$0x1E000] =	vst v63  }
0x3ea: {  	_ =	swait.ge [sflag:s5], $0x4000  }
0x3eb: {  	[sflag:s5] =	ssyncset.done $0x0  }
0x3ec: {  	s1 =	simm.s32 $0x1700;
	[sflag:s5] =	ssyncadd.s32 $0xFFFFC000  }
0x3ed: {  	[tilespmem:s12], [sflag:$0x1] =	stream.indirect.gather [hbm4b:s10+s11], $0x80, s1, s11, $0xb8;
	[tilespmem:$0x1E000] =	vst v63  }
0x3ee: {  	_ =	swait.ge [sflag:s16], $0x4000  }
0x3ef: {  	[sflag:s16] =	ssyncset.done $0x0  }
0x3f0: {  	s1 =	simm.s32 $0x1E80;
	[sflag:s16] =	ssyncadd.s32 $0xFFFFC000  }
0x3f1: {  	[spmem:s2] =	stream.indirect.scatter.add.f32 [tilespmem:s13], [sflag:$0x5], $0x80, s1, s11, $0xb8;
	[tilespmem:$0x1E000] =	vst v63  }
0x3f2: {  	_ =	swait.ge [sflag:s5], $0x4000  }
0x3f3: {  	[sflag:s5] =	ssyncset.done $0x0  }
0x3f4: {  	s1 =	simm.s32 $0x1780;
	[sflag:s5] =	ssyncadd.s32 $0xFFFFC000  }
0x3f5: {  	[tilespmem:s13], [sflag:$0x2] =	stream.indirect.gather [hbm4b:s10+s11], $0x80, s1, s11, $0xb8;
	[tilespmem:$0x1E000] =	vst v63  }
0x3f6: {  	_ =	swait.ge [sflag:s14], $0x4000  }
0x3f7: {  	[sflag:s14] =	ssyncset.done $0x0  }
0x3f8: {  	s1 =	simm.s32 $0x1F00;
	[sflag:s14] =	ssyncadd.s32 $0xFFFFC000  }
0x3f9: {  	[spmem:s2] =	stream.indirect.scatter.add.f32 [tilespmem:s12], [sflag:$0x5], $0x80, s1, s11, $0xb8;
	[tilespmem:$0x1E000] =	vst v63  }
0x3fa: {  	_ =	swait.ge [sflag:s5], $0x4000  }
0x3fb: {  	[sflag:s5] =	ssyncset.done $0x0  }
0x3fc: {  	[sflag:s5] =	ssyncadd.s32 $0xFFFFC000  }
0x3fd: {  	_ =	swait.ge [sflag:s16], $0x4000  }
0x3fe: {  	[sflag:s16] =	ssyncset.done $0x0  }
0x3ff: {  	s1 =	simm.s32 $0x1F80;
	[sflag:s16] =	ssyncadd.s32 $0xFFFFC000  }
0x400: {  	[spmem:s2] =	stream.indirect.scatter.add.f32 [tilespmem:s13], [sflag:$0x5], $0x80, s1, s11, $0xb8;
	[tilespmem:$0x1E000] =	vst v63  }
0x401: {  	_ =	swait.ge [sflag:s5], $0x4000  }
0x402: {  	[sflag:s5] =	ssyncset.done $0x0  }
0x403: {  	[sflag:s5] =	ssyncadd.s32 $0xFFFFC000  }
0x404: {  	_ =	swait.ge [sflag:s29], $0x800  }
0x405: {  	[sflag:s29] =	ssyncset.done $0x0  }
0x406: {  	[sflag:s29] =	ssyncadd.s32 $0xFFFFF800  }
0x407: {  	_ =	swait.ge [sflag:s30], $0x800  }
0x408: {  	[sflag:s30] =	ssyncset.done $0x0  }
0x409: {  	s0 =	rddreg [dreg:$0xb];
	[sflag:s30] =	ssyncadd.s32 $0xFFFFF800  }
0x40a: {  	[tilespmem:s9], [sflag:$0x3] =	stream.linear.gather [hbm4b:s0+s4], $0x800, $0x38;
	[tilespmem:$0x1E000] =	vst v63  }
0x40b: {  	s1 =	rddreg [dreg:$0xc]  }
0x40c: {  	[tilespmem:s7], [sflag:$0x4] =	stream.linear.gather [hbm4b:s1+s4], $0x800, $0x38;
	[tilespmem:$0x1E000] =	vst v63  }
0x40d: {  	_ = 	snop  }
0x40e: {  	[tilespmem:s12], [sflag:$0x1] =	stream.indirect.gather [hbm4b:s10+s11], $0x80, s4, s11, $0xb8;
	[tilespmem:$0x1E000] =	vst v63  }
0x40f: {  	_ = 	snop  }
0x410: {  	[tilespmem:s13], [sflag:$0x2] =	stream.indirect.gather [hbm4b:s10+s11], $0x80, s11, s11, $0xb8;
	[tilespmem:$0x1E000] =	vst v63  }
0x411: {  	_ =	swait.ge [sflag:s14], $0x4000  }
0x412: {  	[sflag:s14] =	ssyncset.done $0x0  }
0x413: {  	[sflag:s14] =	ssyncadd.s32 $0xFFFFC000  }
0x414: {  	[spmem:s2] =	stream.indirect.scatter.add.f32 [tilespmem:s12], [sflag:$0x5], $0x80, s3, s11, $0xb8;
	[tilespmem:$0x1E000] =	vst v63  }
0x415: {  	_ =	swait.ge [sflag:s5], $0x4000  }
0x416: {  	[sflag:s5] =	ssyncset.done $0x0  }
0x417: {  	s1 =	simm.s32 $0x100;
	[sflag:s5] =	ssyncadd.s32 $0xFFFFC000  }
0x418: {  	[tilespmem:s12], [sflag:$0x1] =	stream.indirect.gather [hbm4b:s10+s11], $0x80, s1, s11, $0xb8;
	[tilespmem:$0x1E000] =	vst v63  }
0x419: {  	_ =	swait.ge [sflag:s16], $0x4000  }
0x41a: {  	[sflag:s16] =	ssyncset.done $0x0  }
0x41b: {  	s1 =	simm.s32 $0x880;
	[sflag:s16] =	ssyncadd.s32 $0xFFFFC000  }
0x41c: {  	[spmem:s2] =	stream.indirect.scatter.add.f32 [tilespmem:s13], [sflag:$0x5], $0x80, s1, s11, $0xb8;
	[tilespmem:$0x1E000] =	vst v63  }
0x41d: {  	_ =	swait.ge [sflag:s5], $0x4000  }
0x41e: {  	[sflag:s5] =	ssyncset.done $0x0  }
0x41f: {  	s1 =	simm.s32 $0x180;
	[sflag:s5] =	ssyncadd.s32 $0xFFFFC000  }
0x420: {  	[tilespmem:s13], [sflag:$0x2] =	stream.indirect.gather [hbm4b:s10+s11], $0x80, s1, s11, $0xb8;
	[tilespmem:$0x1E000] =	vst v63  }
0x421: {  	_ =	swait.ge [sflag:s14], $0x4000  }
0x422: {  	[sflag:s14] =	ssyncset.done $0x0  }
0x423: {  	s1 =	simm.s32 $0x900;
	[sflag:s14] =	ssyncadd.s32 $0xFFFFC000  }
0x424: {  	[spmem:s2] =	stream.indirect.scatter.add.f32 [tilespmem:s12], [sflag:$0x5], $0x80, s1, s11, $0xb8;
	[tilespmem:$0x1E000] =	vst v63  }
0x425: {  	_ =	swait.ge [sflag:s5], $0x4000  }
0x426: {  	[sflag:s5] =	ssyncset.done $0x0  }
0x427: {  	s1 =	simm.s32 $0x200;
	[sflag:s5] =	ssyncadd.s32 $0xFFFFC000  }
0x428: {  	[tilespmem:s12], [sflag:$0x1] =	stream.indirect.gather [hbm4b:s10+s11], $0x80, s1, s11, $0xb8;
	[tilespmem:$0x1E000] =	vst v63  }
0x429: {  	_ =	swait.ge [sflag:s16], $0x4000  }
0x42a: {  	[sflag:s16] =	ssyncset.done $0x0  }
0x42b: {  	s1 =	simm.s32 $0x980;
	[sflag:s16] =	ssyncadd.s32 $0xFFFFC000  }
0x42c: {  	[spmem:s2] =	stream.indirect.scatter.add.f32 [tilespmem:s13], [sflag:$0x5], $0x80, s1, s11, $0xb8;
	[tilespmem:$0x1E000] =	vst v63  }
0x42d: {  	_ =	swait.ge [sflag:s5], $0x4000  }
0x42e: {  	[sflag:s5] =	ssyncset.done $0x0  }
0x42f: {  	s1 =	simm.s32 $0x280;
	[sflag:s5] =	ssyncadd.s32 $0xFFFFC000  }
0x430: {  	[tilespmem:s13], [sflag:$0x2] =	stream.indirect.gather [hbm4b:s10+s11], $0x80, s1, s11, $0xb8;
	[tilespmem:$0x1E000] =	vst v63  }
0x431: {  	_ =	swait.ge [sflag:s14], $0x4000  }
0x432: {  	[sflag:s14] =	ssyncset.done $0x0  }
0x433: {  	s1 =	simm.s32 $0xA00;
	[sflag:s14] =	ssyncadd.s32 $0xFFFFC000  }
0x434: {  	[spmem:s2] =	stream.indirect.scatter.add.f32 [tilespmem:s12], [sflag:$0x5], $0x80, s1, s11, $0xb8;
	[tilespmem:$0x1E000] =	vst v63  }
0x435: {  	_ =	swait.ge [sflag:s5], $0x4000  }
0x436: {  	[sflag:s5] =	ssyncset.done $0x0  }
0x437: {  	s1 =	simm.s32 $0x300;
	[sflag:s5] =	ssyncadd.s32 $0xFFFFC000  }
0x438: {  	[tilespmem:s12], [sflag:$0x1] =	stream.indirect.gather [hbm4b:s10+s11], $0x80, s1, s11, $0xb8;
	[tilespmem:$0x1E000] =	vst v63  }
0x439: {  	_ =	swait.ge [sflag:s16], $0x4000  }
0x43a: {  	[sflag:s16] =	ssyncset.done $0x0  }
0x43b: {  	s1 =	simm.s32 $0xA80;
	[sflag:s16] =	ssyncadd.s32 $0xFFFFC000  }
0x43c: {  	[spmem:s2] =	stream.indirect.scatter.add.f32 [tilespmem:s13], [sflag:$0x5], $0x80, s1, s11, $0xb8;
	[tilespmem:$0x1E000] =	vst v63  }
0x43d: {  	_ =	swait.ge [sflag:s5], $0x4000  }
0x43e: {  	[sflag:s5] =	ssyncset.done $0x0  }
0x43f: {  	s1 =	simm.s32 $0x380;
	[sflag:s5] =	ssyncadd.s32 $0xFFFFC000  }
0x440: {  	[tilespmem:s13], [sflag:$0x2] =	stream.indirect.gather [hbm4b:s10+s11], $0x80, s1, s11, $0xb8;
	[tilespmem:$0x1E000] =	vst v63  }
0x441: {  	_ =	swait.ge [sflag:s14], $0x4000  }
0x442: {  	[sflag:s14] =	ssyncset.done $0x0  }
0x443: {  	s1 =	simm.s32 $0xB00;
	[sflag:s14] =	ssyncadd.s32 $0xFFFFC000  }
0x444: {  	[spmem:s2] =	stream.indirect.scatter.add.f32 [tilespmem:s12], [sflag:$0x5], $0x80, s1, s11, $0xb8;
	[tilespmem:$0x1E000] =	vst v63  }
0x445: {  	_ =	swait.ge [sflag:s5], $0x4000  }
0x446: {  	[sflag:s5] =	ssyncset.done $0x0  }
0x447: {  	s1 =	simm.s32 $0x400;
	[sflag:s5] =	ssyncadd.s32 $0xFFFFC000  }
0x448: {  	[tilespmem:s12], [sflag:$0x1] =	stream.indirect.gather [hbm4b:s10+s11], $0x80, s1, s11, $0xb8;
	[tilespmem:$0x1E000] =	vst v63  }
0x449: {  	_ =	swait.ge [sflag:s16], $0x4000  }
0x44a: {  	[sflag:s16] =	ssyncset.done $0x0  }
0x44b: {  	s1 =	simm.s32 $0xB80;
	[sflag:s16] =	ssyncadd.s32 $0xFFFFC000  }
0x44c: {  	[spmem:s2] =	stream.indirect.scatter.add.f32 [tilespmem:s13], [sflag:$0x5], $0x80, s1, s11, $0xb8;
	[tilespmem:$0x1E000] =	vst v63  }
0x44d: {  	_ =	swait.ge [sflag:s5], $0x4000  }
0x44e: {  	[sflag:s5] =	ssyncset.done $0x0  }
0x44f: {  	s1 =	simm.s32 $0x480;
	[sflag:s5] =	ssyncadd.s32 $0xFFFFC000  }
0x450: {  	[tilespmem:s13], [sflag:$0x2] =	stream.indirect.gather [hbm4b:s10+s11], $0x80, s1, s11, $0xb8;
	[tilespmem:$0x1E000] =	vst v63  }
0x451: {  	_ =	swait.ge [sflag:s14], $0x4000  }
0x452: {  	[sflag:s14] =	ssyncset.done $0x0  }
0x453: {  	s1 =	simm.s32 $0xC00;
	[sflag:s14] =	ssyncadd.s32 $0xFFFFC000  }
0x454: {  	[spmem:s2] =	stream.indirect.scatter.add.f32 [tilespmem:s12], [sflag:$0x5], $0x80, s1, s11, $0xb8;
	[tilespmem:$0x1E000] =	vst v63  }
0x455: {  	_ =	swait.ge [sflag:s5], $0x4000  }
0x456: {  	[sflag:s5] =	ssyncset.done $0x0  }
0x457: {  	s1 =	simm.s32 $0x500;
	[sflag:s5] =	ssyncadd.s32 $0xFFFFC000  }
0x458: {  	[tilespmem:s12], [sflag:$0x1] =	stream.indirect.gather [hbm4b:s10+s11], $0x80, s1, s11, $0xb8;
	[tilespmem:$0x1E000] =	vst v63  }
0x459: {  	_ =	swait.ge [sflag:s16], $0x4000  }
0x45a: {  	[sflag:s16] =	ssyncset.done $0x0  }
0x45b: {  	s1 =	simm.s32 $0xC80;
	[sflag:s16] =	ssyncadd.s32 $0xFFFFC000  }
0x45c: {  	[spmem:s2] =	stream.indirect.scatter.add.f32 [tilespmem:s13], [sflag:$0x5], $0x80, s1, s11, $0xb8;
	[tilespmem:$0x1E000] =	vst v63  }
0x45d: {  	_ =	swait.ge [sflag:s5], $0x4000  }
0x45e: {  	[sflag:s5] =	ssyncset.done $0x0  }
0x45f: {  	s1 =	simm.s32 $0x580;
	[sflag:s5] =	ssyncadd.s32 $0xFFFFC000  }
0x460: {  	[tilespmem:s13], [sflag:$0x2] =	stream.indirect.gather [hbm4b:s10+s11], $0x80, s1, s11, $0xb8;
	[tilespmem:$0x1E000] =	vst v63  }
0x461: {  	_ =	swait.ge [sflag:s14], $0x4000  }
0x462: {  	[sflag:s14] =	ssyncset.done $0x0  }
0x463: {  	s1 =	simm.s32 $0xD00;
	[sflag:s14] =	ssyncadd.s32 $0xFFFFC000  }
0x464: {  	[spmem:s2] =	stream.indirect.scatter.add.f32 [tilespmem:s12], [sflag:$0x5], $0x80, s1, s11, $0xb8;
	[tilespmem:$0x1E000] =	vst v63  }
0x465: {  	_ =	swait.ge [sflag:s5], $0x4000  }
0x466: {  	[sflag:s5] =	ssyncset.done $0x0  }
0x467: {  	s1 =	simm.s32 $0x600;
	[sflag:s5] =	ssyncadd.s32 $0xFFFFC000  }
0x468: {  	[tilespmem:s12], [sflag:$0x1] =	stream.indirect.gather [hbm4b:s10+s11], $0x80, s1, s11, $0xb8;
	[tilespmem:$0x1E000] =	vst v63  }
0x469: {  	_ =	swait.ge [sflag:s16], $0x4000  }
0x46a: {  	[sflag:s16] =	ssyncset.done $0x0  }
0x46b: {  	s1 =	simm.s32 $0xD80;
	[sflag:s16] =	ssyncadd.s32 $0xFFFFC000  }
0x46c: {  	[spmem:s2] =	stream.indirect.scatter.add.f32 [tilespmem:s13], [sflag:$0x5], $0x80, s1, s11, $0xb8;
	[tilespmem:$0x1E000] =	vst v63  }
0x46d: {  	_ =	swait.ge [sflag:s5], $0x4000  }
0x46e: {  	[sflag:s5] =	ssyncset.done $0x0  }
0x46f: {  	s1 =	simm.s32 $0x680;
	[sflag:s5] =	ssyncadd.s32 $0xFFFFC000  }
0x470: {  	[tilespmem:s13], [sflag:$0x2] =	stream.indirect.gather [hbm4b:s10+s11], $0x80, s1, s11, $0xb8;
	[tilespmem:$0x1E000] =	vst v63  }
0x471: {  	_ =	swait.ge [sflag:s14], $0x4000  }
0x472: {  	[sflag:s14] =	ssyncset.done $0x0  }
0x473: {  	s1 =	simm.s32 $0xE00;
	[sflag:s14] =	ssyncadd.s32 $0xFFFFC000  }
0x474: {  	[spmem:s2] =	stream.indirect.scatter.add.f32 [tilespmem:s12], [sflag:$0x5], $0x80, s1, s11, $0xb8;
	[tilespmem:$0x1E000] =	vst v63  }
0x475: {  	_ =	swait.ge [sflag:s5], $0x4000  }
0x476: {  	[sflag:s5] =	ssyncset.done $0x0  }
0x477: {  	s1 =	simm.s32 $0x700;
	[sflag:s5] =	ssyncadd.s32 $0xFFFFC000  }
0x478: {  	[tilespmem:s12], [sflag:$0x1] =	stream.indirect.gather [hbm4b:s10+s11], $0x80, s1, s11, $0xb8;
	[tilespmem:$0x1E000] =	vst v63  }
0x479: {  	_ =	swait.ge [sflag:s16], $0x4000  }
0x47a: {  	[sflag:s16] =	ssyncset.done $0x0  }
0x47b: {  	s1 =	simm.s32 $0xE80;
	[sflag:s16] =	ssyncadd.s32 $0xFFFFC000  }
0x47c: {  	[spmem:s2] =	stream.indirect.scatter.add.f32 [tilespmem:s13], [sflag:$0x5], $0x80, s1, s11, $0xb8;
	[tilespmem:$0x1E000] =	vst v63  }
0x47d: {  	_ =	swait.ge [sflag:s5], $0x4000  }
0x47e: {  	[sflag:s5] =	ssyncset.done $0x0  }
0x47f: {  	s1 =	simm.s32 $0x780;
	[sflag:s5] =	ssyncadd.s32 $0xFFFFC000  }
0x480: {  	[tilespmem:s13], [sflag:$0x2] =	stream.indirect.gather [hbm4b:s10+s11], $0x80, s1, s11, $0xb8;
	[tilespmem:$0x1E000] =	vst v63  }
0x481: {  	_ =	swait.ge [sflag:s14], $0x4000  }
0x482: {  	[sflag:s14] =	ssyncset.done $0x0  }
0x483: {  	s1 =	simm.s32 $0xF00;
	[sflag:s14] =	ssyncadd.s32 $0xFFFFC000  }
0x484: {  	[spmem:s2] =	stream.indirect.scatter.add.f32 [tilespmem:s12], [sflag:$0x5], $0x80, s1, s11, $0xb8;
	[tilespmem:$0x1E000] =	vst v63  }
0x485: {  	_ =	swait.ge [sflag:s5], $0x4000  }
0x486: {  	[sflag:s5] =	ssyncset.done $0x0  }
0x487: {  	[sflag:s5] =	ssyncadd.s32 $0xFFFFC000  }
0x488: {  	_ =	swait.ge [sflag:s16], $0x4000  }
0x489: {  	[sflag:s16] =	ssyncset.done $0x0  }
0x48a: {  	s1 =	simm.s32 $0xF80;
	[sflag:s16] =	ssyncadd.s32 $0xFFFFC000  }
0x48b: {  	[spmem:s2] =	stream.indirect.scatter.add.f32 [tilespmem:s13], [sflag:$0x5], $0x80, s1, s11, $0xb8;
	[tilespmem:$0x1E000] =	vst v63  }
0x48c: {  	_ =	swait.ge [sflag:s5], $0x4000  }
0x48d: {  	[sflag:s5] =	ssyncset.done $0x0  }
0x48e: {  	[sflag:s5] =	ssyncadd.s32 $0xFFFFC000  }
0x48f: {  	_ =	swait.ge [sflag:s29], $0x800  }
0x490: {  	[sflag:s29] =	ssyncset.done $0x0  }
0x491: {  	[sflag:s29] =	ssyncadd.s32 $0xFFFFF800  }
0x492: {  	_ =	swait.ge [sflag:s30], $0x800  }
0x493: {  	[sflag:s30] =	ssyncset.done $0x0  }
0x494: {  	s0 =	rddreg [dreg:$0xd];
	[sflag:s30] =	ssyncadd.s32 $0xFFFFF800  }
0x495: {  	[tilespmem:s4], [sflag:$0x3] =	stream.linear.gather [hbm4b:s0+s4], $0x800, $0x38;
	[tilespmem:$0x1E000] =	vst v63  }
0x496: {  	s1 =	rddreg [dreg:$0xe]  }
0x497: {  	[tilespmem:s3], [sflag:$0x4] =	stream.linear.gather [hbm4b:s1+s4], $0x800, $0x38;
	[tilespmem:$0x1E000] =	vst v63  }
0x498: {  	_ = 	snop  }
0x499: {  	[tilespmem:s12], [sflag:$0x1] =	stream.indirect.gather [hbm4b:s10+s11], $0x80, s9, s11, $0xb8;
	[tilespmem:$0x1E000] =	vst v63  }
0x49a: {  	_ = 	snop  }
0x49b: {  	[tilespmem:s13], [sflag:$0x2] =	stream.indirect.gather [hbm4b:s10+s11], $0x80, s6, s11, $0xb8;
	[tilespmem:$0x1E000] =	vst v63  }
0x49c: {  	_ =	swait.ge [sflag:s14], $0x4000  }
0x49d: {  	[sflag:s14] =	ssyncset.done $0x0  }
0x49e: {  	[sflag:s14] =	ssyncadd.s32 $0xFFFFC000  }
0x49f: {  	[spmem:s2] =	stream.indirect.scatter.add.f32 [tilespmem:s12], [sflag:$0x5], $0x80, s7, s11, $0xb8;
	[tilespmem:$0x1E000] =	vst v63  }
0x4a0: {  	_ =	swait.ge [sflag:s5], $0x4000  }
0x4a1: {  	[sflag:s5] =	ssyncset.done $0x0  }
0x4a2: {  	[sflag:s5] =	ssyncadd.s32 $0xFFFFC000  }
0x4a3: {  	[tilespmem:s12], [sflag:$0x1] =	stream.indirect.gather [hbm4b:s10+s11], $0x80, s8, s11, $0xb8;
	[tilespmem:$0x1E000] =	vst v63  }
0x4a4: {  	_ =	swait.ge [sflag:s16], $0x4000  }
0x4a5: {  	[sflag:s16] =	ssyncset.done $0x0  }
0x4a6: {  	[sflag:s16] =	ssyncadd.s32 $0xFFFFC000  }
0x4a7: {  	[spmem:s2] =	stream.indirect.scatter.add.f32 [tilespmem:s13], [sflag:$0x5], $0x80, s15, s11, $0xb8;
	[tilespmem:$0x1E000] =	vst v63  }
0x4a8: {  	_ =	swait.ge [sflag:s5], $0x4000  }
0x4a9: {  	[sflag:s5] =	ssyncset.done $0x0  }
0x4aa: {  	[sflag:s5] =	ssyncadd.s32 $0xFFFFC000  }
0x4ab: {  	[tilespmem:s13], [sflag:$0x2] =	stream.indirect.gather [hbm4b:s10+s11], $0x80, s17, s11, $0xb8;
	[tilespmem:$0x1E000] =	vst v63  }
0x4ac: {  	_ =	swait.ge [sflag:s14], $0x4000  }
0x4ad: {  	[sflag:s14] =	ssyncset.done $0x0  }
0x4ae: {  	[sflag:s14] =	ssyncadd.s32 $0xFFFFC000  }
0x4af: {  	[spmem:s2] =	stream.indirect.scatter.add.f32 [tilespmem:s12], [sflag:$0x5], $0x80, s18, s11, $0xb8;
	[tilespmem:$0x1E000] =	vst v63  }
0x4b0: {  	_ =	swait.ge [sflag:s5], $0x4000  }
0x4b1: {  	[sflag:s5] =	ssyncset.done $0x0  }
0x4b2: {  	[sflag:s5] =	ssyncadd.s32 $0xFFFFC000  }
0x4b3: {  	[tilespmem:s12], [sflag:$0x1] =	stream.indirect.gather [hbm4b:s10+s11], $0x80, s19, s11, $0xb8;
	[tilespmem:$0x1E000] =	vst v63  }
0x4b4: {  	_ =	swait.ge [sflag:s16], $0x4000  }
0x4b5: {  	[sflag:s16] =	ssyncset.done $0x0  }
0x4b6: {  	[sflag:s16] =	ssyncadd.s32 $0xFFFFC000  }
0x4b7: {  	[spmem:s2] =	stream.indirect.scatter.add.f32 [tilespmem:s13], [sflag:$0x5], $0x80, s20, s11, $0xb8;
	[tilespmem:$0x1E000] =	vst v63  }
0x4b8: {  	_ =	swait.ge [sflag:s5], $0x4000  }
0x4b9: {  	[sflag:s5] =	ssyncset.done $0x0  }
0x4ba: {  	[sflag:s5] =	ssyncadd.s32 $0xFFFFC000  }
0x4bb: {  	[tilespmem:s13], [sflag:$0x2] =	stream.indirect.gather [hbm4b:s10+s11], $0x80, s21, s11, $0xb8;
	[tilespmem:$0x1E000] =	vst v63  }
0x4bc: {  	_ =	swait.ge [sflag:s14], $0x4000  }
0x4bd: {  	[sflag:s14] =	ssyncset.done $0x0  }
0x4be: {  	[sflag:s14] =	ssyncadd.s32 $0xFFFFC000  }
0x4bf: {  	[spmem:s2] =	stream.indirect.scatter.add.f32 [tilespmem:s12], [sflag:$0x5], $0x80, s22, s11, $0xb8;
	[tilespmem:$0x1E000] =	vst v63  }
0x4c0: {  	_ =	swait.ge [sflag:s5], $0x4000  }
0x4c1: {  	[sflag:s5] =	ssyncset.done $0x0  }
0x4c2: {  	[sflag:s5] =	ssyncadd.s32 $0xFFFFC000  }
0x4c3: {  	[tilespmem:s12], [sflag:$0x1] =	stream.indirect.gather [hbm4b:s10+s11], $0x80, s23, s11, $0xb8;
	[tilespmem:$0x1E000] =	vst v63  }
0x4c4: {  	_ =	swait.ge [sflag:s16], $0x4000  }
0x4c5: {  	[sflag:s16] =	ssyncset.done $0x0  }
0x4c6: {  	[sflag:s16] =	ssyncadd.s32 $0xFFFFC000  }
0x4c7: {  	[spmem:s2] =	stream.indirect.scatter.add.f32 [tilespmem:s13], [sflag:$0x5], $0x80, s24, s11, $0xb8;
	[tilespmem:$0x1E000] =	vst v63  }
0x4c8: {  	_ =	swait.ge [sflag:s5], $0x4000  }
0x4c9: {  	[sflag:s5] =	ssyncset.done $0x0  }
0x4ca: {  	[sflag:s5] =	ssyncadd.s32 $0xFFFFC000  }
0x4cb: {  	[tilespmem:s13], [sflag:$0x2] =	stream.indirect.gather [hbm4b:s10+s11], $0x80, s25, s11, $0xb8;
	[tilespmem:$0x1E000] =	vst v63  }
0x4cc: {  	_ =	swait.ge [sflag:s14], $0x4000  }
0x4cd: {  	[sflag:s14] =	ssyncset.done $0x0  }
0x4ce: {  	[sflag:s14] =	ssyncadd.s32 $0xFFFFC000  }
0x4cf: {  	[spmem:s2] =	stream.indirect.scatter.add.f32 [tilespmem:s12], [sflag:$0x5], $0x80, s26, s11, $0xb8;
	[tilespmem:$0x1E000] =	vst v63  }
0x4d0: {  	_ =	swait.ge [sflag:s5], $0x4000  }
0x4d1: {  	[sflag:s5] =	ssyncset.done $0x0  }
0x4d2: {  	[sflag:s5] =	ssyncadd.s32 $0xFFFFC000  }
0x4d3: {  	[tilespmem:s12], [sflag:$0x1] =	stream.indirect.gather [hbm4b:s10+s11], $0x80, s28, s11, $0xb8;
	[tilespmem:$0x1E000] =	vst v63  }
0x4d4: {  	_ =	swait.ge [sflag:s16], $0x4000  }
0x4d5: {  	[sflag:s16] =	ssyncset.done $0x0  }
0x4d6: {  	s1 =	simm.s32 $0x1B80;
	[sflag:s16] =	ssyncadd.s32 $0xFFFFC000  }
0x4d7: {  	[spmem:s2] =	stream.indirect.scatter.add.f32 [tilespmem:s13], [sflag:$0x5], $0x80, s1, s11, $0xb8;
	[tilespmem:$0x1E000] =	vst v63  }
0x4d8: {  	_ =	swait.ge [sflag:s5], $0x4000  }
0x4d9: {  	[sflag:s5] =	ssyncset.done $0x0  }
0x4da: {  	s1 =	simm.s32 $0x1480;
	[sflag:s5] =	ssyncadd.s32 $0xFFFFC000  }
0x4db: {  	[tilespmem:s13], [sflag:$0x2] =	stream.indirect.gather [hbm4b:s10+s11], $0x80, s1, s11, $0xb8;
	[tilespmem:$0x1E000] =	vst v63  }
0x4dc: {  	_ =	swait.ge [sflag:s14], $0x4000  }
0x4dd: {  	[sflag:s14] =	ssyncset.done $0x0  }
0x4de: {  	s1 =	simm.s32 $0x1C00;
	[sflag:s14] =	ssyncadd.s32 $0xFFFFC000  }
0x4df: {  	[spmem:s2] =	stream.indirect.scatter.add.f32 [tilespmem:s12], [sflag:$0x5], $0x80, s1, s11, $0xb8;
	[tilespmem:$0x1E000] =	vst v63  }
0x4e0: {  	_ =	swait.ge [sflag:s5], $0x4000  }
0x4e1: {  	[sflag:s5] =	ssyncset.done $0x0  }
0x4e2: {  	s1 =	simm.s32 $0x1500;
	[sflag:s5] =	ssyncadd.s32 $0xFFFFC000  }
0x4e3: {  	[tilespmem:s12], [sflag:$0x1] =	stream.indirect.gather [hbm4b:s10+s11], $0x80, s1, s11, $0xb8;
	[tilespmem:$0x1E000] =	vst v63  }
0x4e4: {  	_ =	swait.ge [sflag:s16], $0x4000  }
0x4e5: {  	[sflag:s16] =	ssyncset.done $0x0  }
0x4e6: {  	s1 =	simm.s32 $0x1C80;
	[sflag:s16] =	ssyncadd.s32 $0xFFFFC000  }
0x4e7: {  	[spmem:s2] =	stream.indirect.scatter.add.f32 [tilespmem:s13], [sflag:$0x5], $0x80, s1, s11, $0xb8;
	[tilespmem:$0x1E000] =	vst v63  }
0x4e8: {  	_ =	swait.ge [sflag:s5], $0x4000  }
0x4e9: {  	[sflag:s5] =	ssyncset.done $0x0  }
0x4ea: {  	s1 =	simm.s32 $0x1580;
	[sflag:s5] =	ssyncadd.s32 $0xFFFFC000  }
0x4eb: {  	[tilespmem:s13], [sflag:$0x2] =	stream.indirect.gather [hbm4b:s10+s11], $0x80, s1, s11, $0xb8;
	[tilespmem:$0x1E000] =	vst v63  }
0x4ec: {  	_ =	swait.ge [sflag:s14], $0x4000  }
0x4ed: {  	[sflag:s14] =	ssyncset.done $0x0  }
0x4ee: {  	s1 =	simm.s32 $0x1D00;
	[sflag:s14] =	ssyncadd.s32 $0xFFFFC000  }
0x4ef: {  	[spmem:s2] =	stream.indirect.scatter.add.f32 [tilespmem:s12], [sflag:$0x5], $0x80, s1, s11, $0xb8;
	[tilespmem:$0x1E000] =	vst v63  }
0x4f0: {  	_ =	swait.ge [sflag:s5], $0x4000  }
0x4f1: {  	[sflag:s5] =	ssyncset.done $0x0  }
0x4f2: {  	s1 =	simm.s32 $0x1600;
	[sflag:s5] =	ssyncadd.s32 $0xFFFFC000  }
0x4f3: {  	[tilespmem:s12], [sflag:$0x1] =	stream.indirect.gather [hbm4b:s10+s11], $0x80, s1, s11, $0xb8;
	[tilespmem:$0x1E000] =	vst v63  }
0x4f4: {  	_ =	swait.ge [sflag:s16], $0x4000  }
0x4f5: {  	[sflag:s16] =	ssyncset.done $0x0  }
0x4f6: {  	s1 =	simm.s32 $0x1D80;
	[sflag:s16] =	ssyncadd.s32 $0xFFFFC000  }
0x4f7: {  	[spmem:s2] =	stream.indirect.scatter.add.f32 [tilespmem:s13], [sflag:$0x5], $0x80, s1, s11, $0xb8;
	[tilespmem:$0x1E000] =	vst v63  }
0x4f8: {  	_ =	swait.ge [sflag:s5], $0x4000  }
0x4f9: {  	[sflag:s5] =	ssyncset.done $0x0  }
0x4fa: {  	s1 =	simm.s32 $0x1680;
	[sflag:s5] =	ssyncadd.s32 $0xFFFFC000  }
0x4fb: {  	[tilespmem:s13], [sflag:$0x2] =	stream.indirect.gather [hbm4b:s10+s11], $0x80, s1, s11, $0xb8;
	[tilespmem:$0x1E000] =	vst v63  }
0x4fc: {  	_ =	swait.ge [sflag:s14], $0x4000  }
0x4fd: {  	[sflag:s14] =	ssyncset.done $0x0  }
0x4fe: {  	s1 =	simm.s32 $0x1E00;
	[sflag:s14] =	ssyncadd.s32 $0xFFFFC000  }
0x4ff: {  	[spmem:s2] =	stream.indirect.scatter.add.f32 [tilespmem:s12], [sflag:$0x5], $0x80, s1, s11, $0xb8;
	[tilespmem:$0x1E000] =	vst v63  }
0x500: {  	_ =	swait.ge [sflag:s5], $0x4000  }
0x501: {  	[sflag:s5] =	ssyncset.done $0x0  }
0x502: {  	s1 =	simm.s32 $0x1700;
	[sflag:s5] =	ssyncadd.s32 $0xFFFFC000  }
0x503: {  	[tilespmem:s12], [sflag:$0x1] =	stream.indirect.gather [hbm4b:s10+s11], $0x80, s1, s11, $0xb8;
	[tilespmem:$0x1E000] =	vst v63  }
0x504: {  	_ =	swait.ge [sflag:s16], $0x4000  }
0x505: {  	[sflag:s16] =	ssyncset.done $0x0  }
0x506: {  	s1 =	simm.s32 $0x1E80;
	[sflag:s16] =	ssyncadd.s32 $0xFFFFC000  }
0x507: {  	[spmem:s2] =	stream.indirect.scatter.add.f32 [tilespmem:s13], [sflag:$0x5], $0x80, s1, s11, $0xb8;
	[tilespmem:$0x1E000] =	vst v63  }
0x508: {  	_ =	swait.ge [sflag:s5], $0x4000  }
0x509: {  	[sflag:s5] =	ssyncset.done $0x0  }
0x50a: {  	s1 =	simm.s32 $0x1780;
	[sflag:s5] =	ssyncadd.s32 $0xFFFFC000  }
0x50b: {  	[tilespmem:s13], [sflag:$0x2] =	stream.indirect.gather [hbm4b:s10+s11], $0x80, s1, s11, $0xb8;
	[tilespmem:$0x1E000] =	vst v63  }
0x50c: {  	_ =	swait.ge [sflag:s14], $0x4000  }
0x50d: {  	[sflag:s14] =	ssyncset.done $0x0  }
0x50e: {  	s1 =	simm.s32 $0x1F00;
	[sflag:s14] =	ssyncadd.s32 $0xFFFFC000  }
0x50f: {  	[spmem:s2] =	stream.indirect.scatter.add.f32 [tilespmem:s12], [sflag:$0x5], $0x80, s1, s11, $0xb8;
	[tilespmem:$0x1E000] =	vst v63  }
0x510: {  	_ =	swait.ge [sflag:s5], $0x4000  }
0x511: {  	[sflag:s5] =	ssyncset.done $0x0  }
0x512: {  	[sflag:s5] =	ssyncadd.s32 $0xFFFFC000  }
0x513: {  	_ =	swait.ge [sflag:s16], $0x4000  }
0x514: {  	[sflag:s16] =	ssyncset.done $0x0  }
0x515: {  	s1 =	simm.s32 $0x1F80;
	[sflag:s16] =	ssyncadd.s32 $0xFFFFC000  }
0x516: {  	[spmem:s2] =	stream.indirect.scatter.add.f32 [tilespmem:s13], [sflag:$0x5], $0x80, s1, s11, $0xb8;
	[tilespmem:$0x1E000] =	vst v63  }
0x517: {  	_ =	swait.ge [sflag:s5], $0x4000  }
0x518: {  	[sflag:s5] =	ssyncset.done $0x0  }
0x519: {  	[sflag:s5] =	ssyncadd.s32 $0xFFFFC000  }
0x51a: {  	_ =	swait.ge [sflag:s29], $0x800  }
0x51b: {  	[sflag:s29] =	ssyncset.done $0x0  }
0x51c: {  	[sflag:s29] =	ssyncadd.s32 $0xFFFFF800  }
0x51d: {  	_ =	swait.ge [sflag:s30], $0x800  }
0x51e: {  	[sflag:s30] =	ssyncset.done $0x0  }
0x51f: {  	[sflag:s30] =	ssyncadd.s32 $0xFFFFF800  }
0x520: {  	[tilespmem:s12], [sflag:$0x1] =	stream.indirect.gather [hbm4b:s10+s11], $0x80, s4, s11, $0xb8;
	[tilespmem:$0x1E000] =	vst v63  }
0x521: {  	_ = 	snop  }
0x522: {  	[tilespmem:s13], [sflag:$0x2] =	stream.indirect.gather [hbm4b:s10+s11], $0x80, s11, s11, $0xb8;
	[tilespmem:$0x1E000] =	vst v63  }
0x523: {  	_ =	swait.ge [sflag:s14], $0x4000  }
0x524: {  	[sflag:s14] =	ssyncset.done $0x0  }
0x525: {  	[sflag:s14] =	ssyncadd.s32 $0xFFFFC000  }
0x526: {  	[spmem:s2] =	stream.indirect.scatter.add.f32 [tilespmem:s12], [sflag:$0x5], $0x80, s3, s11, $0xb8;
	[tilespmem:$0x1E000] =	vst v63  }
0x527: {  	_ =	swait.ge [sflag:s5], $0x4000  }
0x528: {  	[sflag:s5] =	ssyncset.done $0x0  }
0x529: {  	s3 =	simm.s32 $0x100;
	[sflag:s5] =	ssyncadd.s32 $0xFFFFC000  }
0x52a: {  	[tilespmem:s12], [sflag:$0x1] =	stream.indirect.gather [hbm4b:s10+s11], $0x80, s3, s11, $0xb8;
	[tilespmem:$0x1E000] =	vst v63  }
0x52b: {  	_ =	swait.ge [sflag:s16], $0x4000  }
0x52c: {  	[sflag:s16] =	ssyncset.done $0x0  }
0x52d: {  	s1 =	simm.s32 $0x880;
	[sflag:s16] =	ssyncadd.s32 $0xFFFFC000  }
0x52e: {  	[spmem:s2] =	stream.indirect.scatter.add.f32 [tilespmem:s13], [sflag:$0x5], $0x80, s1, s11, $0xb8;
	[tilespmem:$0x1E000] =	vst v63  }
0x52f: {  	_ =	swait.ge [sflag:s5], $0x4000  }
0x530: {  	[sflag:s5] =	ssyncset.done $0x0  }
0x531: {  	s3 =	simm.s32 $0x180;
	[sflag:s5] =	ssyncadd.s32 $0xFFFFC000  }
0x532: {  	[tilespmem:s13], [sflag:$0x2] =	stream.indirect.gather [hbm4b:s10+s11], $0x80, s3, s11, $0xb8;
	[tilespmem:$0x1E000] =	vst v63  }
0x533: {  	_ =	swait.ge [sflag:s14], $0x4000  }
0x534: {  	[sflag:s14] =	ssyncset.done $0x0  }
0x535: {  	s1 =	simm.s32 $0x900;
	[sflag:s14] =	ssyncadd.s32 $0xFFFFC000  }
0x536: {  	[spmem:s2] =	stream.indirect.scatter.add.f32 [tilespmem:s12], [sflag:$0x5], $0x80, s1, s11, $0xb8;
	[tilespmem:$0x1E000] =	vst v63  }
0x537: {  	_ =	swait.ge [sflag:s5], $0x4000  }
0x538: {  	[sflag:s5] =	ssyncset.done $0x0  }
0x539: {  	s3 =	simm.s32 $0x200;
	[sflag:s5] =	ssyncadd.s32 $0xFFFFC000  }
0x53a: {  	[tilespmem:s12], [sflag:$0x1] =	stream.indirect.gather [hbm4b:s10+s11], $0x80, s3, s11, $0xb8;
	[tilespmem:$0x1E000] =	vst v63  }
0x53b: {  	_ =	swait.ge [sflag:s16], $0x4000  }
0x53c: {  	[sflag:s16] =	ssyncset.done $0x0  }
0x53d: {  	s1 =	simm.s32 $0x980;
	[sflag:s16] =	ssyncadd.s32 $0xFFFFC000  }
0x53e: {  	[spmem:s2] =	stream.indirect.scatter.add.f32 [tilespmem:s13], [sflag:$0x5], $0x80, s1, s11, $0xb8;
	[tilespmem:$0x1E000] =	vst v63  }
0x53f: {  	_ =	swait.ge [sflag:s5], $0x4000  }
0x540: {  	[sflag:s5] =	ssyncset.done $0x0  }
0x541: {  	s3 =	simm.s32 $0x280;
	[sflag:s5] =	ssyncadd.s32 $0xFFFFC000  }
0x542: {  	[tilespmem:s13], [sflag:$0x2] =	stream.indirect.gather [hbm4b:s10+s11], $0x80, s3, s11, $0xb8;
	[tilespmem:$0x1E000] =	vst v63  }
0x543: {  	_ =	swait.ge [sflag:s14], $0x4000  }
0x544: {  	[sflag:s14] =	ssyncset.done $0x0  }
0x545: {  	s1 =	simm.s32 $0xA00;
	[sflag:s14] =	ssyncadd.s32 $0xFFFFC000  }
0x546: {  	[spmem:s2] =	stream.indirect.scatter.add.f32 [tilespmem:s12], [sflag:$0x5], $0x80, s1, s11, $0xb8;
	[tilespmem:$0x1E000] =	vst v63  }
0x547: {  	_ =	swait.ge [sflag:s5], $0x4000  }
0x548: {  	[sflag:s5] =	ssyncset.done $0x0  }
0x549: {  	s3 =	simm.s32 $0x300;
	[sflag:s5] =	ssyncadd.s32 $0xFFFFC000  }
0x54a: {  	[tilespmem:s12], [sflag:$0x1] =	stream.indirect.gather [hbm4b:s10+s11], $0x80, s3, s11, $0xb8;
	[tilespmem:$0x1E000] =	vst v63  }
0x54b: {  	_ =	swait.ge [sflag:s16], $0x4000  }
0x54c: {  	[sflag:s16] =	ssyncset.done $0x0  }
0x54d: {  	s1 =	simm.s32 $0xA80;
	[sflag:s16] =	ssyncadd.s32 $0xFFFFC000  }
0x54e: {  	[spmem:s2] =	stream.indirect.scatter.add.f32 [tilespmem:s13], [sflag:$0x5], $0x80, s1, s11, $0xb8;
	[tilespmem:$0x1E000] =	vst v63  }
0x54f: {  	_ =	swait.ge [sflag:s5], $0x4000  }
0x550: {  	[sflag:s5] =	ssyncset.done $0x0  }
0x551: {  	s3 =	simm.s32 $0x380;
	[sflag:s5] =	ssyncadd.s32 $0xFFFFC000  }
0x552: {  	[tilespmem:s13], [sflag:$0x2] =	stream.indirect.gather [hbm4b:s10+s11], $0x80, s3, s11, $0xb8;
	[tilespmem:$0x1E000] =	vst v63  }
0x553: {  	_ =	swait.ge [sflag:s14], $0x4000  }
0x554: {  	[sflag:s14] =	ssyncset.done $0x0  }
0x555: {  	s1 =	simm.s32 $0xB00;
	[sflag:s14] =	ssyncadd.s32 $0xFFFFC000  }
0x556: {  	[spmem:s2] =	stream.indirect.scatter.add.f32 [tilespmem:s12], [sflag:$0x5], $0x80, s1, s11, $0xb8;
	[tilespmem:$0x1E000] =	vst v63  }
0x557: {  	_ =	swait.ge [sflag:s5], $0x4000  }
0x558: {  	[sflag:s5] =	ssyncset.done $0x0  }
0x559: {  	s3 =	simm.s32 $0x400;
	[sflag:s5] =	ssyncadd.s32 $0xFFFFC000  }
0x55a: {  	[tilespmem:s12], [sflag:$0x1] =	stream.indirect.gather [hbm4b:s10+s11], $0x80, s3, s11, $0xb8;
	[tilespmem:$0x1E000] =	vst v63  }
0x55b: {  	_ =	swait.ge [sflag:s16], $0x4000  }
0x55c: {  	[sflag:s16] =	ssyncset.done $0x0  }
0x55d: {  	s1 =	simm.s32 $0xB80;
	[sflag:s16] =	ssyncadd.s32 $0xFFFFC000  }
0x55e: {  	[spmem:s2] =	stream.indirect.scatter.add.f32 [tilespmem:s13], [sflag:$0x5], $0x80, s1, s11, $0xb8;
	[tilespmem:$0x1E000] =	vst v63  }
0x55f: {  	_ =	swait.ge [sflag:s5], $0x4000  }
0x560: {  	[sflag:s5] =	ssyncset.done $0x0  }
0x561: {  	s3 =	simm.s32 $0x480;
	[sflag:s5] =	ssyncadd.s32 $0xFFFFC000  }
0x562: {  	[tilespmem:s13], [sflag:$0x2] =	stream.indirect.gather [hbm4b:s10+s11], $0x80, s3, s11, $0xb8;
	[tilespmem:$0x1E000] =	vst v63  }
0x563: {  	_ =	swait.ge [sflag:s14], $0x4000  }
0x564: {  	[sflag:s14] =	ssyncset.done $0x0  }
0x565: {  	s1 =	simm.s32 $0xC00;
	[sflag:s14] =	ssyncadd.s32 $0xFFFFC000  }
0x566: {  	[spmem:s2] =	stream.indirect.scatter.add.f32 [tilespmem:s12], [sflag:$0x5], $0x80, s1, s11, $0xb8;
	[tilespmem:$0x1E000] =	vst v63  }
0x567: {  	_ =	swait.ge [sflag:s5], $0x4000  }
0x568: {  	[sflag:s5] =	ssyncset.done $0x0  }
0x569: {  	s3 =	simm.s32 $0x500;
	[sflag:s5] =	ssyncadd.s32 $0xFFFFC000  }
0x56a: {  	[tilespmem:s12], [sflag:$0x1] =	stream.indirect.gather [hbm4b:s10+s11], $0x80, s3, s11, $0xb8;
	[tilespmem:$0x1E000] =	vst v63  }
0x56b: {  	_ =	swait.ge [sflag:s16], $0x4000  }
0x56c: {  	[sflag:s16] =	ssyncset.done $0x0  }
0x56d: {  	s1 =	simm.s32 $0xC80;
	[sflag:s16] =	ssyncadd.s32 $0xFFFFC000  }
0x56e: {  	[spmem:s2] =	stream.indirect.scatter.add.f32 [tilespmem:s13], [sflag:$0x5], $0x80, s1, s11, $0xb8;
	[tilespmem:$0x1E000] =	vst v63  }
0x56f: {  	_ =	swait.ge [sflag:s5], $0x4000  }
0x570: {  	[sflag:s5] =	ssyncset.done $0x0  }
0x571: {  	s3 =	simm.s32 $0x580;
	[sflag:s5] =	ssyncadd.s32 $0xFFFFC000  }
0x572: {  	[tilespmem:s13], [sflag:$0x2] =	stream.indirect.gather [hbm4b:s10+s11], $0x80, s3, s11, $0xb8;
	[tilespmem:$0x1E000] =	vst v63  }
0x573: {  	_ =	swait.ge [sflag:s14], $0x4000  }
0x574: {  	[sflag:s14] =	ssyncset.done $0x0  }
0x575: {  	s1 =	simm.s32 $0xD00;
	[sflag:s14] =	ssyncadd.s32 $0xFFFFC000  }
0x576: {  	[spmem:s2] =	stream.indirect.scatter.add.f32 [tilespmem:s12], [sflag:$0x5], $0x80, s1, s11, $0xb8;
	[tilespmem:$0x1E000] =	vst v63  }
0x577: {  	_ =	swait.ge [sflag:s5], $0x4000  }
0x578: {  	[sflag:s5] =	ssyncset.done $0x0  }
0x579: {  	s3 =	simm.s32 $0x600;
	[sflag:s5] =	ssyncadd.s32 $0xFFFFC000  }
0x57a: {  	[tilespmem:s12], [sflag:$0x1] =	stream.indirect.gather [hbm4b:s10+s11], $0x80, s3, s11, $0xb8;
	[tilespmem:$0x1E000] =	vst v63  }
0x57b: {  	_ =	swait.ge [sflag:s16], $0x4000  }
0x57c: {  	[sflag:s16] =	ssyncset.done $0x0  }
0x57d: {  	s1 =	simm.s32 $0xD80;
	[sflag:s16] =	ssyncadd.s32 $0xFFFFC000  }
0x57e: {  	[spmem:s2] =	stream.indirect.scatter.add.f32 [tilespmem:s13], [sflag:$0x5], $0x80, s1, s11, $0xb8;
	[tilespmem:$0x1E000] =	vst v63  }
0x57f: {  	_ =	swait.ge [sflag:s5], $0x4000  }
0x580: {  	[sflag:s5] =	ssyncset.done $0x0  }
0x581: {  	s3 =	simm.s32 $0x680;
	[sflag:s5] =	ssyncadd.s32 $0xFFFFC000  }
0x582: {  	[tilespmem:s13], [sflag:$0x2] =	stream.indirect.gather [hbm4b:s10+s11], $0x80, s3, s11, $0xb8;
	[tilespmem:$0x1E000] =	vst v63  }
0x583: {  	_ =	swait.ge [sflag:s14], $0x4000  }
0x584: {  	[sflag:s14] =	ssyncset.done $0x0  }
0x585: {  	s1 =	simm.s32 $0xE00;
	[sflag:s14] =	ssyncadd.s32 $0xFFFFC000  }
0x586: {  	[spmem:s2] =	stream.indirect.scatter.add.f32 [tilespmem:s12], [sflag:$0x5], $0x80, s1, s11, $0xb8;
	[tilespmem:$0x1E000] =	vst v63  }
0x587: {  	_ =	swait.ge [sflag:s5], $0x4000  }
0x588: {  	[sflag:s5] =	ssyncset.done $0x0  }
0x589: {  	s3 =	simm.s32 $0x700;
	[sflag:s5] =	ssyncadd.s32 $0xFFFFC000  }
0x58a: {  	[tilespmem:s12], [sflag:$0x1] =	stream.indirect.gather [hbm4b:s10+s11], $0x80, s3, s11, $0xb8;
	[tilespmem:$0x1E000] =	vst v63  }
0x58b: {  	_ =	swait.ge [sflag:s16], $0x4000  }
0x58c: {  	[sflag:s16] =	ssyncset.done $0x0  }
0x58d: {  	s1 =	simm.s32 $0xE80;
	[sflag:s16] =	ssyncadd.s32 $0xFFFFC000  }
0x58e: {  	[spmem:s2] =	stream.indirect.scatter.add.f32 [tilespmem:s13], [sflag:$0x5], $0x80, s1, s11, $0xb8;
	[tilespmem:$0x1E000] =	vst v63  }
0x58f: {  	_ =	swait.ge [sflag:s5], $0x4000  }
0x590: {  	[sflag:s5] =	ssyncset.done $0x0  }
0x591: {  	s3 =	simm.s32 $0x780;
	[sflag:s5] =	ssyncadd.s32 $0xFFFFC000  }
0x592: {  	[tilespmem:s13], [sflag:$0x2] =	stream.indirect.gather [hbm4b:s10+s11], $0x80, s3, s11, $0xb8;
	[tilespmem:$0x1E000] =	vst v63  }
0x593: {  	_ =	swait.ge [sflag:s14], $0x4000  }
0x594: {  	[sflag:s14] =	ssyncset.done $0x0  }
0x595: {  	s1 =	simm.s32 $0xF00;
	[sflag:s14] =	ssyncadd.s32 $0xFFFFC000  }
0x596: {  	[spmem:s2] =	stream.indirect.scatter.add.f32 [tilespmem:s12], [sflag:$0x5], $0x80, s1, s11, $0xb8;
	[tilespmem:$0x1E000] =	vst v63  }
0x597: {  	_ =	swait.ge [sflag:s5], $0x4000  }
0x598: {  	[sflag:s5] =	ssyncset.done $0x0  }
0x599: {  	[sflag:s5] =	ssyncadd.s32 $0xFFFFC000  }
0x59a: {  	_ =	swait.ge [sflag:s16], $0x4000  }
0x59b: {  	[sflag:s16] =	ssyncset.done $0x0  }
0x59c: {  	s3 =	simm.s32 $0xF80;
	[sflag:s16] =	ssyncadd.s32 $0xFFFFC000  }
0x59d: {  	[spmem:s2] =	stream.indirect.scatter.add.f32 [tilespmem:s13], [sflag:$0x5], $0x80, s3, s11, $0xb8;
	[tilespmem:$0x1E000] =	vst v63  }
0x59e: {  	_ =	swait.ge [sflag:s5], $0x4000  }
0x59f: {  	[sflag:s5] =	ssyncset.done $0x0  }
0x5a0: {  	[sflag:s5] =	ssyncadd.s32 $0xFFFFC000  }
0x5a1: {  	p0 =	sne.s32 s31, $0x1;
	[bflag:$0x0] =	sbarrier.arrive $0xFFFF  }
.Ltmp1:
0x5a2: {  	s0 =	rddreg [dreg:$0xf];
	(pc) =	sbr.rel @p0 .LBB2_2-.Ltmp1, $4  }
0x5a3: {  	s1 =	rddreg [dreg:$0x11]  }
0x5a4: {  	s3 =	rddreg [dreg:$0x10]  }
0x5a5: {  	[hbm:s0], [sflag:s3] =	dma.local [spmem:s1], $0x2800  }
0x5a6: {  	s31 =	sadd.s32 $0xFFFFFFFF, s31;
	_ =	swait.ge [sflag:s5], $0x2800  }
.LBB2_3:
0x5a7: {  	[sflag:s5] =	ssyncset.done $0x0  }
0x5a8: {  	[sflag:s5] =	ssyncadd.s32 $0xFFFFD800  }
0x5a9: {  	_ =	sfence.sel $0x180000  }
0x5aa: {  	[bflag:$0x0] =	sbarrier.arrive $0xFFFF  }
0x5ab: {  	_ =	strace $0x9000004A  }
0x5ac: {  	s0 =	stileid.u32;
	[bflag:$0x2] =	sbarrier.arrive $0xFFFF  }
0x5ad: {  	p0 =	sne.s32 s0, $0x0;
	s0 =	rddreg [dreg:$0x3]  }
0x5ae: {  	s0 =	sadd.s32 @!p0 $0x100000, s0  }
0x5af: {  	[sflag:s0] =	ssyncadd.tile.s32 @!p0 $0x1;
	_ =	shalt  }
.Lfunc_end2:
_tile_overlayer_lowered:
.L_overlay_start_2:
0x5b0: {  	(tag) =	ssettag $0x2  }
0x5b1: {  	s0 =	rddreg [dreg:$0x0];
	s2 =	stileid.u32  }
0x5b2: {  	s1 =	rddreg [dreg:$0x1];
	p0 =	sne.s32 s2, $0x0  }
0x5b3: {  	s3 =	rddreg [dreg:$0x2];
	[bflag:$0x3] =	sbarrier.arrive $0xFFFF;
	s2 =	simm.s32 @!p0 $0x1C05  }
0x5b4: {  	[timem:s3], [sflag:s2] =	dma.local @!p0 [hbm:s0], s1  }
0x5b5: {  	s0 =	simm.s32 @!p0 $0x5  }
0x5b6: {  	_ =	swait.ge @!p0 [sflag:s0], s1  }
0x5b7: {  	s1 =	ssub.s32 @!p0 $0x0, s1;
	[sflag:s0] =	ssyncset.done @!p0 $0x0  }
0x5b8: {  	[sflag:s0] =	ssyncadd.s32 @!p0 s1  }
0x5b9: {  	[bflag:$0x3] =	sbarrier.arrive $0xFFFF  }
0x5ba: {  	_ =	shalt  }

</sc_bundles>
